<compile_context>
chip_gen: v7x
topology: tpu7x:2x2x1
jax: 0.10.2.dev20260603
libtpu: 0.0.44.dev20260713+nightly
codegen_flags: <defaults>
</compile_context>

<pallas_src>
import functools
import math

import jax
import jax.numpy as jnp
from jax import lax
from jax.experimental import pallas as pl
from jax.experimental.pallas import tpu as pltpu
from jax.experimental.pallas import tpu_sc as plsc

_NC = 2
_NS = 16
_K = 128
_MBLK = 2048


def _deg_kernel(NP, nb):
    NW = _NC * _NS
    SN = NP // _NS
    mesh = plsc.VectorSubcoreMesh(core_axis_name="c", subcore_axis_name="s")

    @functools.partial(
        pl.kernel,
        out_type=jax.ShapeDtypeStruct((_NC, NP), jnp.float32),
        mesh=mesh,
        scratch_types=[
            pltpu.VMEM((nb, _K), jnp.int32),
            pltpu.VMEM((_K,), jnp.float32),
            pltpu.VMEM((SN,), jnp.float32),
            pltpu.VMEM_SHARED((NP,), jnp.float32),
            pltpu.SemaphoreType.DMA,
        ],
    )
    def k(dst_hbm, out_hbm, didx, ones, zbuf, acc, sd):
        c = lax.axis_index("c")
        s = lax.axis_index("s")
        wid = c * _NS + s
        pltpu.sync_copy(dst_hbm.at[wid], didx)
        for j in range(_K // 16):
            ones[pl.ds(j * 16, 16)] = jnp.ones((16,), jnp.float32)

        def zb(i, t):
            zbuf[pl.ds(i * 16, 16)] = jnp.zeros((16,), jnp.float32)
            return t

        lax.fori_loop(0, SN // 16, zb, 0)
        pltpu.sync_copy(zbuf, acc.at[pl.ds(s * SN, SN)])
        plsc.subcore_barrier()

        def body(o, t):
            for q in range(8):
                pltpu.async_copy(ones, acc.at[didx.at[o * 8 + q]], sd,
                                 add=True)
            for q in range(8):
                pltpu.make_async_copy(out_hbm.at[0, pl.ds(0, _K)], ones,
                                      sd).wait()
            return t

        lax.fori_loop(0, nb // 8, body, 0)
        plsc.subcore_barrier()
        pltpu.sync_copy(acc.at[pl.ds(s * SN, SN)], out_hbm.at[c, pl.ds(s * SN, SN)])

    return k


def _agg_kernel(NP, D, noct, nbr):
    NW = _NC * _NS
    SN = NP // _NS
    mesh = plsc.VectorSubcoreMesh(core_axis_name="c", subcore_axis_name="s")

    @functools.partial(
        pl.kernel,
        out_type=jax.ShapeDtypeStruct((_NC, NP, D), jnp.float32),
        mesh=mesh,
        scratch_types=[
            pltpu.VMEM((2, 8, _K), jnp.int32),
            pltpu.VMEM((2, 8, _K), jnp.int32),
            pltpu.VMEM((_K,), jnp.int32),
            pltpu.VMEM((2, _K, D), jnp.float32),
            pltpu.VMEM_SHARED((NP, D), jnp.float32),
            pltpu.SemaphoreType.DMA,
            pltpu.SemaphoreType.DMA,
            pltpu.SemaphoreType.DMA,
            pltpu.SemaphoreType.DMA,
        ],
    )
    def k(u_hbm, src_hbm, dst_hbm, out_hbm, sidx8, didx8, dtail, rows, acc,
          sg0, sg1, ss, si):
        c = lax.axis_index("c")
        s = lax.axis_index("s")
        wid = c * _NS + s

        gsem = (sg0, sg1)

        def i_start(o, p):
            pltpu.async_copy(src_hbm.at[wid, pl.ds(o * 8, 8)], sidx8.at[p], si)
            pltpu.async_copy(dst_hbm.at[wid, pl.ds(o * 8, 8)], didx8.at[p], si)

        def i_wait():
            for _ in range(2):
                pltpu.make_async_copy(src_hbm.at[wid, pl.ds(0, 8)],
                                      sidx8.at[0], si).wait()

        def g_start(p, q, j):
            pltpu.async_copy(u_hbm.at[sidx8.at[p, q]], rows.at[j], gsem[j])

        def g_wait(j):
            pltpu.make_async_copy(u_hbm.at[pl.ds(0, _K)], rows.at[j],
                                  gsem[j]).wait()

        def s_wait():
            pltpu.make_async_copy(u_hbm.at[pl.ds(0, _K)], rows.at[1], ss).wait()

        i_start(0, 0)

        def zr(i, t):
            for j in range(D // 16):
                rows[0, i, pl.ds(j * 16, 16)] = jnp.zeros((16,), jnp.float32)
            return t

        lax.fori_loop(0, _K, zr, 0)
        for t in range(SN // _K):
            pltpu.sync_copy(rows.at[0], acc.at[pl.ds(s * SN + t * _K, _K)])
        plsc.subcore_barrier()

        i_wait()
        g_start(0, 0, 0)

        def body(o, t):
            po = o % 2
            o1 = jnp.minimum(o + 1, noct - 1)
            i_start(o1, 1 - po)
            for q in range(8):
                j = q % 2
                live = o * 8 + q < nbr
                if q + 1 < 8:
                    if q == 0:
                        @pl.when(o > 0)
                        def _():
                            s_wait()
                    if 0 < q + 1 < 7:
                        @pl.when(o * 8 + q + 1 < nbr)
                        def _():
                            g_start(po, q + 1, 1 - j)
                    else:
                        g_start(po, q + 1, 1 - j)
                if q == 0 or q == 7:
                    g_wait(j)
                    if q == 0:
                        pltpu.sync_copy(rows.at[j], acc.at[didx8.at[po, q]],
                                        add=True)
                elif True:
                    @pl.when(live)
                    def _():
                        g_wait(j)
                        pltpu.sync_copy(rows.at[j], acc.at[didx8.at[po, q]],
                                        add=True)
                if q == 7:
                    for v in range(_K // 16):
                        dtail[pl.ds(v * 16, 16)] = didx8[po, q,
                                                         pl.ds(v * 16, 16)]
                    pltpu.async_copy(rows.at[j], acc.at[dtail], ss, add=True)
            i_wait()
            g_start(1 - po, 0, 0)
            return t

        lax.fori_loop(0, noct, body, 0)
        s_wait()
        g_wait(0)
        plsc.subcore_barrier()
        for t in range(SN // _K):
            pltpu.sync_copy(
                acc.at[pl.ds(s * SN + t * _K, _K)],
                out_hbm.at[c, pl.ds(s * SN + t * _K, _K)],
            )

    return k


def _dinv(degp_ref):
    deg = degp_ref[0, :] + degp_ref[1, :]
    return jnp.where(deg > 0, lax.rsqrt(deg), 0.0)


def _mm1_body(degp_ref, x_ref, w_ref, u_ref):
    dinv = _dinv(degp_ref)
    xw = jnp.dot(x_ref[...], w_ref[...], preferred_element_type=jnp.float32)
    u_ref[...] = xw * dinv[:, None]


def _mid_body(degp_ref, p_ref, b_ref, w_ref, u_ref):
    dinv = _dinv(degp_ref)
    ssum = p_ref[0] + p_ref[1]
    h = jnp.maximum(ssum * dinv[:, None] + b_ref[...], 0.0)
    hw = jnp.dot(h, w_ref[...], preferred_element_type=jnp.float32)
    u_ref[...] = hw * dinv[:, None]


def _fin_body(degp_ref, q_ref, bmu_ref, blv_ref, mu_ref, lv_ref):
    dinv = _dinv(degp_ref)
    qsum = q_ref[0] + q_ref[1]
    half = qsum.shape[1] // 2
    mu_ref[...] = qsum[:, :half] * dinv[:, None] + bmu_ref[...]
    lv_ref[...] = qsum[:, half:] * dinv[:, None] + blv_ref[...]


def _mm1(NP, N, DIN, DH):
    return pl.pallas_call(
        _mm1_body,
        grid=(NP // _MBLK,),
        in_specs=[
            pl.BlockSpec((_NC, _MBLK), lambda i: (0, i)),
            pl.BlockSpec((_MBLK, DIN), lambda i: (i, 0)),
            pl.BlockSpec((DIN, DH), lambda i: (0, 0)),
        ],
        out_specs=pl.BlockSpec((_MBLK, DH), lambda i: (i, 0)),
        out_shape=jax.ShapeDtypeStruct((NP, DH), jnp.float32),
    )


def _mid(NP, DH, D2):
    return pl.pallas_call(
        _mid_body,
        grid=(NP // _MBLK,),
        in_specs=[
            pl.BlockSpec((_NC, _MBLK), lambda i: (0, i)),
            pl.BlockSpec((_NC, _MBLK, DH), lambda i: (0, i, 0)),
            pl.BlockSpec((1, DH), lambda i: (0, 0)),
            pl.BlockSpec((DH, D2), lambda i: (0, 0)),
        ],
        out_specs=pl.BlockSpec((_MBLK, D2), lambda i: (i, 0)),
        out_shape=jax.ShapeDtypeStruct((NP, D2), jnp.float32),
    )


def _fin(NP, N, D2):
    DOUT = D2 // 2
    return pl.pallas_call(
        _fin_body,
        grid=(NP // _MBLK,),
        in_specs=[
            pl.BlockSpec((_NC, _MBLK), lambda i: (0, i)),
            pl.BlockSpec((_NC, _MBLK, D2), lambda i: (0, i, 0)),
            pl.BlockSpec((1, DOUT), lambda i: (0, 0)),
            pl.BlockSpec((1, DOUT), lambda i: (0, 0)),
        ],
        out_specs=[
            pl.BlockSpec((_MBLK, DOUT), lambda i: (i, 0)),
            pl.BlockSpec((_MBLK, DOUT), lambda i: (i, 0)),
        ],
        out_shape=[
            jax.ShapeDtypeStruct((N, DOUT), jnp.float32),
            jax.ShapeDtypeStruct((N, DOUT), jnp.float32),
        ],
    )


def _impl(x, edge_index, W1, b1, Wmu, bmu, Wlv, blv):
    N, DIN = x.shape
    DH = W1.shape[1]
    DOUT = Wmu.shape[1]
    D2 = 2 * DOUT
    E = edge_index.shape[1]
    NW = _NC * _NS

    NP = math.ceil((N + 1) / (_NS * _K)) * (_NS * _K)
    NP = math.ceil(NP / _MBLK) * _MBLK
    Etot = E + N
    C = math.ceil(Etot / NW)
    nbr = math.ceil(C / _K)
    nb8 = math.ceil(nbr / 8) * 8
    SLAB = nb8 * _K
    noct = nb8 // 8

    def dump(n, off):
        return (N + (off + jnp.arange(n, dtype=jnp.int32)) % (NP - N)).astype(
            jnp.int32)

    def slabify(flat):
        a = jnp.concatenate([flat, dump(NW * C - Etot, 0)]).reshape(NW, C)
        b = dump(NW * (SLAB - C), 7).reshape(NW, SLAB - C)
        return jnp.concatenate([a, b], axis=1).reshape(NW, nb8, _K)

    sl = jnp.arange(N, dtype=jnp.int32)
    src2 = slabify(jnp.concatenate([edge_index[0], sl]))
    dst2 = slabify(jnp.concatenate([edge_index[1], sl]))

    degp = _deg_kernel(NP, nb8)(dst2)
    u1 = _mm1(NP, N, DIN, DH)(degp, x, W1)
    P = _agg_kernel(NP, DH, noct, nbr)(u1, src2, dst2)
    Wcat = jnp.concatenate([Wmu, Wlv], axis=1)
    u2 = _mid(NP, DH, D2)(degp, P, b1.reshape(1, DH), Wcat)
    Q = _agg_kernel(NP, D2, noct, nbr)(u2, src2, dst2)
    mu, lv = _fin(NP, N, D2)(degp, Q, bmu.reshape(1, DOUT), blv.reshape(1, DOUT))
    return mu, lv


_jimpl = jax.jit(_impl)


def kernel(x, edge_index, W1, b1, Wmu, bmu, Wlv, blv):
    return _jimpl(x, edge_index, W1, b1, Wmu, bmu, Wlv, blv)

# --- scband reference (transcript-rebuilt; emitter-appended) ---
"""Pipeline reference for scband-gcnencoder-11862699671809 (READ-ONLY COPY).

The authoritative reference and input builder live on the scoring server;
editing this copy changes nothing except your own understanding.
"""

import jax, jax.numpy as jnp
import numpy as np

N = 10000
E = 320000
DIN = 128
DH = 128
DOUT = 64


def gcn_conv(x, src, dst, W, b, n):
    # GCNConv with symmetric normalization and self-loops (self-loops already appended to src/dst)
    h = x @ W
    deg = jnp.zeros((n,), dtype=x.dtype).at[dst].add(1.0)
    dinv = jnp.where(deg > 0, deg ** -0.5, 0.0)
    norm = dinv[src] * dinv[dst]
    msg = h[src] * norm[:, None]
    out = jnp.zeros((n, h.shape[1]), dtype=x.dtype).at[dst].add(msg)
    return out + b


def setup_inputs(seed: int = 0) -> dict:
    key = jax.random.key(seed)
    ks = jax.random.split(key, 8)
    x = jax.random.normal(ks[0], (N, DIN), dtype=jnp.float32)
    edge_index = jax.random.randint(ks[1], (2, E), 0, N, dtype=jnp.int32)
    g1 = float(np.sqrt(2.0 / (DIN + DH)))
    g2 = float(np.sqrt(2.0 / (DH + DOUT)))
    W1 = jax.random.normal(ks[2], (DIN, DH), dtype=jnp.float32) * g1
    b1 = jnp.zeros((DH,), dtype=jnp.float32)
    Wmu = jax.random.normal(ks[3], (DH, DOUT), dtype=jnp.float32) * g2
    bmu = jnp.zeros((DOUT,), dtype=jnp.float32)
    Wlv = jax.random.normal(ks[4], (DH, DOUT), dtype=jnp.float32) * g2
    blv = jnp.zeros((DOUT,), dtype=jnp.float32)
    return {"x": x, "edge_index": edge_index, "W1": W1, "b1": b1, "Wmu": Wmu, "bmu": bmu, "Wlv": Wlv, "blv": blv}


def reference(x, edge_index, W1, b1, Wmu, bmu, Wlv, blv):
    sl = jnp.arange(N, dtype=edge_index.dtype)
    src = jnp.concatenate([edge_index[0], sl])
    dst = jnp.concatenate([edge_index[1], sl])
    h = jax.nn.relu(gcn_conv(x, src, dst, W1, b1, N))
    # dropout=0.0 -> no-op
    mu = gcn_conv(h, src, dst, Wmu, bmu, N)
    logvar = gcn_conv(h, src, dst, Wlv, blv, N)
    return (mu, logvar)

if __name__ == "__main__":
    import jax
    _d = setup_inputs()
    print(jax.jit(kernel)(*tuple(_d.values())))

</pallas_src>

<mosaic_0001>
#map = affine_map<(d0, d1) -> (0, 0, 0)>
#map1 = affine_map<(d0, d1) -> (0, 0)>
module attributes {stable_mosaic.version = 14 : i64} {
  func.func @k(%arg0: i32, %arg1: i32, %arg2: memref<32x88x128xi32, #tpu.memory_space<hbm>>, %arg3: memref<2x10240xf32, #tpu.memory_space<hbm>>, %arg4: memref<88x128xi32, #tpu.memory_space<vmem>>, %arg5: memref<128xf32, #tpu.memory_space<vmem>>, %arg6: memref<640xf32, #tpu.memory_space<vmem>>, %arg7: memref<10240xf32, #tpu.memory_space<vmem_shared>>, %arg8: memref<!tpu.dma_semaphore, #tpu.memory_space<semaphore_mem>>) attributes {dimension_semantics = [#tpu.dimension_semantics<core_parallel>, #tpu.dimension_semantics<subcore_parallel>], iteration_bounds = array<i64: 2, 16>, scalar_prefetch = 0 : i64, scratch_operands = 5 : i64, tpu.core_type = #tpu.core_type<sc_vector_subcore>, window_params = [{transform_indices = #map}, {transform_indices = #map1}]} {
    %mul3A = arith.constant 16 : i32
    %mul3A_0 = arith.muli %arg0, %mul3A : i32
    %add3A = arith.addi %mul3A_0, %arg1 : i32
    "tpu.region"() ({
      %run_scoped3A = tpu.sem_alloc : memref<!tpu.dma_semaphore, #tpu.memory_space<semaphore_mem>>
      %dma_start3A = arith.constant 0 : i32
      %dma_start3A_65 = arith.constant 0 : i32
      %dma_start3A_66 = tpu.memref_slice %arg2[%add3A, %dma_start3A, %dma_start3A_65] : memref<32x88x128xi32, #tpu.memory_space<hbm>> -> memref<1x88x128xi32, #tpu.memory_space<hbm>>
      %dma_start3A_67 = tpu.memref_squeeze %dma_start3A_66 : memref<1x88x128xi32, #tpu.memory_space<hbm>> -> memref<88x128xi32, #tpu.memory_space<hbm>>
      %dma_start3A_68 = arith.constant 0 : i32
      %dma_start3A_69 = arith.constant 0 : i32
      %dma_start3A_70 = tpu.memref_slice %arg2[%add3A, %dma_start3A_68, %dma_start3A_69] : memref<32x88x128xi32, #tpu.memory_space<hbm>> -> memref<1x88x128xi32, #tpu.memory_space<hbm>>
      %dma_start3A_71 = tpu.memref_squeeze %dma_start3A_70 : memref<1x88x128xi32, #tpu.memory_space<hbm>> -> memref<88x128xi32, #tpu.memory_space<hbm>>
      tpu.enqueue_dma source(%dma_start3A_71 : memref<88x128xi32, #tpu.memory_space<hbm>>) target(%arg4 : memref<88x128xi32, #tpu.memory_space<vmem>>) target_semaphore(%run_scoped3A : memref<!tpu.dma_semaphore, #tpu.memory_space<semaphore_mem>>)
      %dma_wait3A = arith.constant 0 : i32
      %dma_wait3A_72 = arith.constant 0 : i32
      %dma_wait3A_73 = tpu.memref_slice %arg2[%add3A, %dma_wait3A, %dma_wait3A_72] : memref<32x88x128xi32, #tpu.memory_space<hbm>> -> memref<1x88x128xi32, #tpu.memory_space<hbm>>
      %dma_wait3A_74 = tpu.memref_squeeze %dma_wait3A_73 : memref<1x88x128xi32, #tpu.memory_space<hbm>> -> memref<88x128xi32, #tpu.memory_space<hbm>>
      %dma_wait3A_75 = arith.constant 0 : i32
      %dma_wait3A_76 = arith.constant 0 : i32
      %dma_wait3A_77 = tpu.memref_slice %arg2[%add3A, %dma_wait3A_75, %dma_wait3A_76] : memref<32x88x128xi32, #tpu.memory_space<hbm>> -> memref<1x88x128xi32, #tpu.memory_space<hbm>>
      %dma_wait3A_78 = tpu.memref_squeeze %dma_wait3A_77 : memref<1x88x128xi32, #tpu.memory_space<hbm>> -> memref<88x128xi32, #tpu.memory_space<hbm>>
      tpu.wait_dma2 semaphore(%run_scoped3A : memref<!tpu.dma_semaphore, #tpu.memory_space<semaphore_mem>>) src(%dma_wait3A_78 : memref<88x128xi32, #tpu.memory_space<hbm>>) dst(%arg4 : memref<88x128xi32, #tpu.memory_space<vmem>>)
      tpu.yield
    }) : () -> ()
    %broadcast_in_dim3A = arith.constant 1.000000e+00 : f32
    %broadcast_in_dim3A_1 = vector.broadcast %broadcast_in_dim3A : f32 to vector<16xf32>
    %swap3A = arith.constant 0 : index
    %swap3A_2 = tpu.vector_load %arg5[%swap3A] {strides = array<i32>} : memref<128xf32, #tpu.memory_space<vmem>>, vector<16xf32>,
    %swap3A_3 = vector.shape_cast %swap3A_2 : vector<16xf32> to vector<16xf32>
    %swap3A_4 = vector.shape_cast %broadcast_in_dim3A_1 : vector<16xf32> to vector<16xf32>
    tpu.vector_store %arg5[%swap3A], %swap3A_4 {strides = array<i32>} : memref<128xf32, #tpu.memory_space<vmem>>, vector<16xf32>,
    %broadcast_in_dim3A_5 = arith.constant 1.000000e+00 : f32
    %broadcast_in_dim3A_6 = vector.broadcast %broadcast_in_dim3A_5 : f32 to vector<16xf32>
    %swap3A_7 = arith.constant 16 : index
    %swap3A_8 = tpu.vector_load %arg5[%swap3A_7] {strides = array<i32>} : memref<128xf32, #tpu.memory_space<vmem>>, vector<16xf32>,
    %swap3A_9 = vector.shape_cast %swap3A_8 : vector<16xf32> to vector<16xf32>
    %swap3A_10 = vector.shape_cast %broadcast_in_dim3A_6 : vector<16xf32> to vector<16xf32>
    tpu.vector_store %arg5[%swap3A_7], %swap3A_10 {strides = array<i32>} : memref<128xf32, #tpu.memory_space<vmem>>, vector<16xf32>,
    %broadcast_in_dim3A_11 = arith.constant 1.000000e+00 : f32
    %broadcast_in_dim3A_12 = vector.broadcast %broadcast_in_dim3A_11 : f32 to vector<16xf32>
    %swap3A_13 = arith.constant 32 : index
    %swap3A_14 = tpu.vector_load %arg5[%swap3A_13] {strides = array<i32>} : memref<128xf32, #tpu.memory_space<vmem>>, vector<16xf32>,
    %swap3A_15 = vector.shape_cast %swap3A_14 : vector<16xf32> to vector<16xf32>
    %swap3A_16 = vector.shape_cast %broadcast_in_dim3A_12 : vector<16xf32> to vector<16xf32>
    tpu.vector_store %arg5[%swap3A_13], %swap3A_16 {strides = array<i32>} : memref<128xf32, #tpu.memory_space<vmem>>, vector<16xf32>,
    %broadcast_in_dim3A_17 = arith.constant 1.000000e+00 : f32
    %broadcast_in_dim3A_18 = vector.broadcast %broadcast_in_dim3A_17 : f32 to vector<16xf32>
    %swap3A_19 = arith.constant 48 : index
    %swap3A_20 = tpu.vector_load %arg5[%swap3A_19] {strides = array<i32>} : memref<128xf32, #tpu.memory_space<vmem>>, vector<16xf32>,
    %swap3A_21 = vector.shape_cast %swap3A_20 : vector<16xf32> to vector<16xf32>
    %swap3A_22 = vector.shape_cast %broadcast_in_dim3A_18 : vector<16xf32> to vector<16xf32>
    tpu.vector_store %arg5[%swap3A_19], %swap3A_22 {strides = array<i32>} : memref<128xf32, #tpu.memory_space<vmem>>, vector<16xf32>,
    %broadcast_in_dim3A_23 = arith.constant 1.000000e+00 : f32
    %broadcast_in_dim3A_24 = vector.broadcast %broadcast_in_dim3A_23 : f32 to vector<16xf32>
    %swap3A_25 = arith.constant 64 : index
    %swap3A_26 = tpu.vector_load %arg5[%swap3A_25] {strides = array<i32>} : memref<128xf32, #tpu.memory_space<vmem>>, vector<16xf32>,
    %swap3A_27 = vector.shape_cast %swap3A_26 : vector<16xf32> to vector<16xf32>
    %swap3A_28 = vector.shape_cast %broadcast_in_dim3A_24 : vector<16xf32> to vector<16xf32>
    tpu.vector_store %arg5[%swap3A_25], %swap3A_28 {strides = array<i32>} : memref<128xf32, #tpu.memory_space<vmem>>, vector<16xf32>,
    %broadcast_in_dim3A_29 = arith.constant 1.000000e+00 : f32
    %broadcast_in_dim3A_30 = vector.broadcast %broadcast_in_dim3A_29 : f32 to vector<16xf32>
    %swap3A_31 = arith.constant 80 : index
    %swap3A_32 = tpu.vector_load %arg5[%swap3A_31] {strides = array<i32>} : memref<128xf32, #tpu.memory_space<vmem>>, vector<16xf32>,
    %swap3A_33 = vector.shape_cast %swap3A_32 : vector<16xf32> to vector<16xf32>
    %swap3A_34 = vector.shape_cast %broadcast_in_dim3A_30 : vector<16xf32> to vector<16xf32>
    tpu.vector_store %arg5[%swap3A_31], %swap3A_34 {strides = array<i32>} : memref<128xf32, #tpu.memory_space<vmem>>, vector<16xf32>,
    %broadcast_in_dim3A_35 = arith.constant 1.000000e+00 : f32
    %broadcast_in_dim3A_36 = vector.broadcast %broadcast_in_dim3A_35 : f32 to vector<16xf32>
    %swap3A_37 = arith.constant 96 : index
    %swap3A_38 = tpu.vector_load %arg5[%swap3A_37] {strides = array<i32>} : memref<128xf32, #tpu.memory_space<vmem>>, vector<16xf32>,
    %swap3A_39 = vector.shape_cast %swap3A_38 : vector<16xf32> to vector<16xf32>
    %swap3A_40 = vector.shape_cast %broadcast_in_dim3A_36 : vector<16xf32> to vector<16xf32>
    tpu.vector_store %arg5[%swap3A_37], %swap3A_40 {strides = array<i32>} : memref<128xf32, #tpu.memory_space<vmem>>, vector<16xf32>,
    %broadcast_in_dim3A_41 = arith.constant 1.000000e+00 : f32
    %broadcast_in_dim3A_42 = vector.broadcast %broadcast_in_dim3A_41 : f32 to vector<16xf32>
    %swap3A_43 = arith.constant 112 : index
    %swap3A_44 = tpu.vector_load %arg5[%swap3A_43] {strides = array<i32>} : memref<128xf32, #tpu.memory_space<vmem>>, vector<16xf32>,
    %swap3A_45 = vector.shape_cast %swap3A_44 : vector<16xf32> to vector<16xf32>
    %swap3A_46 = vector.shape_cast %broadcast_in_dim3A_42 : vector<16xf32> to vector<16xf32>
    tpu.vector_store %arg5[%swap3A_43], %swap3A_46 {strides = array<i32>} : memref<128xf32, #tpu.memory_space<vmem>>, vector<16xf32>,
    %scan3A = arith.constant 0 : i32
    %scan3A_47 = arith.constant 0 : i32
    %scan3A_48 = arith.constant 40 : i32
    %scan3A_49 = arith.addi %scan3A_47, %scan3A_48 : i32
    %scan3A_50 = arith.constant 1 : i32
    scf.for %scan3A_65 = %scan3A_47 to %scan3A_49 step %scan3A_50  : i32 {
      %broadcast_in_dim3A_66 = arith.constant 0.000000e+00 : f32
      %broadcast_in_dim3A_67 = vector.broadcast %broadcast_in_dim3A_66 : f32 to vector<16xf32>
      %mul3A_68 = arith.constant 16 : i32
      %mul3A_69 = arith.muli %scan3A_65, %mul3A_68 : i32
      %swap3A_70 = arith.index_cast %mul3A_69 : i32 to index
      %swap3A_71 = tpu.vector_load %arg6[%swap3A_70] {strides = array<i32>} : memref<640xf32, #tpu.memory_space<vmem>>, vector<16xf32>,
      %swap3A_72 = vector.shape_cast %swap3A_71 : vector<16xf32> to vector<16xf32>
      %swap3A_73 = vector.shape_cast %broadcast_in_dim3A_67 : vector<16xf32> to vector<16xf32>
      tpu.vector_store %arg6[%swap3A_70], %swap3A_73 {strides = array<i32>} : memref<640xf32, #tpu.memory_space<vmem>>, vector<16xf32>,
    }
    %scan3A_51 = arith.constant 40 : i32
    %mul3A_52 = arith.constant 640 : i32
    %mul3A_53 = arith.muli %arg1, %mul3A_52 : i32
    "tpu.region"() ({
      %run_scoped3A = tpu.sem_alloc : memref<!tpu.dma_semaphore, #tpu.memory_space<semaphore_mem>>
      %dma_start3A = tpu.memref_slice %arg7[%mul3A_53] : memref<10240xf32, #tpu.memory_space<vmem_shared>> -> memref<640xf32, #tpu.memory_space<vmem_shared>>
      %dma_start3A_65 = tpu.memref_slice %arg7[%mul3A_53] : memref<10240xf32, #tpu.memory_space<vmem_shared>> -> memref<640xf32, #tpu.memory_space<vmem_shared>>
      tpu.enqueue_dma source(%arg6 : memref<640xf32, #tpu.memory_space<vmem>>) target(%dma_start3A_65 : memref<640xf32, #tpu.memory_space<vmem_shared>>) target_semaphore(%run_scoped3A : memref<!tpu.dma_semaphore, #tpu.memory_space<semaphore_mem>>)
      %dma_wait3A = tpu.memref_slice %arg7[%mul3A_53] : memref<10240xf32, #tpu.memory_space<vmem_shared>> -> memref<640xf32, #tpu.memory_space<vmem_shared>>
      %dma_wait3A_66 = tpu.memref_slice %arg7[%mul3A_53] : memref<10240xf32, #tpu.memory_space<vmem_shared>> -> memref<640xf32, #tpu.memory_space<vmem_shared>>
      tpu.wait_dma2 semaphore(%run_scoped3A : memref<!tpu.dma_semaphore, #tpu.memory_space<semaphore_mem>>) src(%arg6 : memref<640xf32, #tpu.memory_space<vmem>>) dst(%dma_wait3A_66 : memref<640xf32, #tpu.memory_space<vmem_shared>>)
      tpu.yield
    }) : () -> ()
    %barrier3A = arith.constant 0 : index
    tpu.barrier barrier_id(%barrier3A)
    %scan3A_54 = arith.constant 0 : i32
    %scan3A_55 = arith.constant 0 : i32
    %scan3A_56 = arith.constant 11 : i32
    %scan3A_57 = arith.addi %scan3A_55, %scan3A_56 : i32
    %scan3A_58 = arith.constant 1 : i32
    scf.for %scan3A_65 = %scan3A_55 to %scan3A_57 step %scan3A_58  : i32 {
      %mul3A_66 = arith.constant 8 : i32
      %mul3A_67 = arith.muli %scan3A_65, %mul3A_66 : i32
      %add3A_68 = arith.constant 0 : i32
      %add3A_69 = arith.addi %mul3A_67, %add3A_68 : i32
      %dma_start3A = arith.constant 0 : i32
      %dma_start3A_70 = tpu.memref_slice %arg4[%add3A_69, %dma_start3A] : memref<88x128xi32, #tpu.memory_space<vmem>> -> memref<1x128xi32, #tpu.memory_space<vmem>>
      %dma_start3A_71 = tpu.memref_squeeze %dma_start3A_70 : memref<1x128xi32, #tpu.memory_space<vmem>> -> memref<128xi32, #tpu.memory_space<vmem>>
      %dma_start3A_72 = arith.constant 0 : i32
      %dma_start3A_73 = tpu.memref_slice %arg7[%dma_start3A_72] : memref<10240xf32, #tpu.memory_space<vmem_shared>> -> memref<10240xf32, #tpu.memory_space<vmem_shared>>
      tpu.enqueue_indirect_dma source(%arg5 : memref<128xf32, #tpu.memory_space<vmem>>) target(%dma_start3A_73 : memref<10240xf32, #tpu.memory_space<vmem_shared>>) offsets(%dma_start3A_71 : memref<128xi32, #tpu.memory_space<vmem>>) semaphore(%arg8 : memref<!tpu.dma_semaphore, #tpu.memory_space<semaphore_mem>>) {add = true}
      %mul3A_74 = arith.constant 8 : i32
      %mul3A_75 = arith.muli %scan3A_65, %mul3A_74 : i32
      %add3A_76 = arith.constant 1 : i32
      %add3A_77 = arith.addi %mul3A_75, %add3A_76 : i32
      %dma_start3A_78 = arith.constant 0 : i32
      %dma_start3A_79 = tpu.memref_slice %arg4[%add3A_77, %dma_start3A_78] : memref<88x128xi32, #tpu.memory_space<vmem>> -> memref<1x128xi32, #tpu.memory_space<vmem>>
      %dma_start3A_80 = tpu.memref_squeeze %dma_start3A_79 : memref<1x128xi32, #tpu.memory_space<vmem>> -> memref<128xi32, #tpu.memory_space<vmem>>
      %dma_start3A_81 = arith.constant 0 : i32
      %dma_start3A_82 = tpu.memref_slice %arg7[%dma_start3A_81] : memref<10240xf32, #tpu.memory_space<vmem_shared>> -> memref<10240xf32, #tpu.memory_space<vmem_shared>>
      tpu.enqueue_indirect_dma source(%arg5 : memref<128xf32, #tpu.memory_space<vmem>>) target(%dma_start3A_82 : memref<10240xf32, #tpu.memory_space<vmem_shared>>) offsets(%dma_start3A_80 : memref<128xi32, #tpu.memory_space<vmem>>) semaphore(%arg8 : memref<!tpu.dma_semaphore, #tpu.memory_space<semaphore_mem>>) {add = true}
      %mul3A_83 = arith.constant 8 : i32
      %mul3A_84 = arith.muli %scan3A_65, %mul3A_83 : i32
      %add3A_85 = arith.constant 2 : i32
      %add3A_86 = arith.addi %mul3A_84, %add3A_85 : i32
      %dma_start3A_87 = arith.constant 0 : i32
      %dma_start3A_88 = tpu.memref_slice %arg4[%add3A_86, %dma_start3A_87] : memref<88x128xi32, #tpu.memory_space<vmem>> -> memref<1x128xi32, #tpu.memory_space<vmem>>
      %dma_start3A_89 = tpu.memref_squeeze %dma_start3A_88 : memref<1x128xi32, #tpu.memory_space<vmem>> -> memref<128xi32, #tpu.memory_space<vmem>>
      %dma_start3A_90 = arith.constant 0 : i32
      %dma_start3A_91 = tpu.memref_slice %arg7[%dma_start3A_90] : memref<10240xf32, #tpu.memory_space<vmem_shared>> -> memref<10240xf32, #tpu.memory_space<vmem_shared>>
      tpu.enqueue_indirect_dma source(%arg5 : memref<128xf32, #tpu.memory_space<vmem>>) target(%dma_start3A_91 : memref<10240xf32, #tpu.memory_space<vmem_shared>>) offsets(%dma_start3A_89 : memref<128xi32, #tpu.memory_space<vmem>>) semaphore(%arg8 : memref<!tpu.dma_semaphore, #tpu.memory_space<semaphore_mem>>) {add = true}
      %mul3A_92 = arith.constant 8 : i32
      %mul3A_93 = arith.muli %scan3A_65, %mul3A_92 : i32
      %add3A_94 = arith.constant 3 : i32
      %add3A_95 = arith.addi %mul3A_93, %add3A_94 : i32
      %dma_start3A_96 = arith.constant 0 : i32
      %dma_start3A_97 = tpu.memref_slice %arg4[%add3A_95, %dma_start3A_96] : memref<88x128xi32, #tpu.memory_space<vmem>> -> memref<1x128xi32, #tpu.memory_space<vmem>>
      %dma_start3A_98 = tpu.memref_squeeze %dma_start3A_97 : memref<1x128xi32, #tpu.memory_space<vmem>> -> memref<128xi32, #tpu.memory_space<vmem>>
      %dma_start3A_99 = arith.constant 0 : i32
      %dma_start3A_100 = tpu.memref_slice %arg7[%dma_start3A_99] : memref<10240xf32, #tpu.memory_space<vmem_shared>> -> memref<10240xf32, #tpu.memory_space<vmem_shared>>
      tpu.enqueue_indirect_dma source(%arg5 : memref<128xf32, #tpu.memory_space<vmem>>) target(%dma_start3A_100 : memref<10240xf32, #tpu.memory_space<vmem_shared>>) offsets(%dma_start3A_98 : memref<128xi32, #tpu.memory_space<vmem>>) semaphore(%arg8 : memref<!tpu.dma_semaphore, #tpu.memory_space<semaphore_mem>>) {add = true}
      %mul3A_101 = arith.constant 8 : i32
      %mul3A_102 = arith.muli %scan3A_65, %mul3A_101 : i32
      %add3A_103 = arith.constant 4 : i32
      %add3A_104 = arith.addi %mul3A_102, %add3A_103 : i32
      %dma_start3A_105 = arith.constant 0 : i32
      %dma_start3A_106 = tpu.memref_slice %arg4[%add3A_104, %dma_start3A_105] : memref<88x128xi32, #tpu.memory_space<vmem>> -> memref<1x128xi32, #tpu.memory_space<vmem>>
      %dma_start3A_107 = tpu.memref_squeeze %dma_start3A_106 : memref<1x128xi32, #tpu.memory_space<vmem>> -> memref<128xi32, #tpu.memory_space<vmem>>
      %dma_start3A_108 = arith.constant 0 : i32
      %dma_start3A_109 = tpu.memref_slice %arg7[%dma_start3A_108] : memref<10240xf32, #tpu.memory_space<vmem_shared>> -> memref<10240xf32, #tpu.memory_space<vmem_shared>>
      tpu.enqueue_indirect_dma source(%arg5 : memref<128xf32, #tpu.memory_space<vmem>>) target(%dma_start3A_109 : memref<10240xf32, #tpu.memory_space<vmem_shared>>) offsets(%dma_start3A_107 : memref<128xi32, #tpu.memory_space<vmem>>) semaphore(%arg8 : memref<!tpu.dma_semaphore, #tpu.memory_space<semaphore_mem>>) {add = true}
      %mul3A_110 = arith.constant 8 : i32
      %mul3A_111 = arith.muli %scan3A_65, %mul3A_110 : i32
      %add3A_112 = arith.constant 5 : i32
      %add3A_113 = arith.addi %mul3A_111, %add3A_112 : i32
      %dma_start3A_114 = arith.constant 0 : i32
      %dma_start3A_115 = tpu.memref_slice %arg4[%add3A_113, %dma_start3A_114] : memref<88x128xi32, #tpu.memory_space<vmem>> -> memref<1x128xi32, #tpu.memory_space<vmem>>
      %dma_start3A_116 = tpu.memref_squeeze %dma_start3A_115 : memref<1x128xi32, #tpu.memory_space<vmem>> -> memref<128xi32, #tpu.memory_space<vmem>>
      %dma_start3A_117 = arith.constant 0 : i32
      %dma_start3A_118 = tpu.memref_slice %arg7[%dma_start3A_117] : memref<10240xf32, #tpu.memory_space<vmem_shared>> -> memref<10240xf32, #tpu.memory_space<vmem_shared>>
      tpu.enqueue_indirect_dma source(%arg5 : memref<128xf32, #tpu.memory_space<vmem>>) target(%dma_start3A_118 : memref<10240xf32, #tpu.memory_space<vmem_shared>>) offsets(%dma_start3A_116 : memref<128xi32, #tpu.memory_space<vmem>>) semaphore(%arg8 : memref<!tpu.dma_semaphore, #tpu.memory_space<semaphore_mem>>) {add = true}
      %mul3A_119 = arith.constant 8 : i32
      %mul3A_120 = arith.muli %scan3A_65, %mul3A_119 : i32
      %add3A_121 = arith.constant 6 : i32
      %add3A_122 = arith.addi %mul3A_120, %add3A_121 : i32
      %dma_start3A_123 = arith.constant 0 : i32
      %dma_start3A_124 = tpu.memref_slice %arg4[%add3A_122, %dma_start3A_123] : memref<88x128xi32, #tpu.memory_space<vmem>> -> memref<1x128xi32, #tpu.memory_space<vmem>>
      %dma_start3A_125 = tpu.memref_squeeze %dma_start3A_124 : memref<1x128xi32, #tpu.memory_space<vmem>> -> memref<128xi32, #tpu.memory_space<vmem>>
      %dma_start3A_126 = arith.constant 0 : i32
      %dma_start3A_127 = tpu.memref_slice %arg7[%dma_start3A_126] : memref<10240xf32, #tpu.memory_space<vmem_shared>> -> memref<10240xf32, #tpu.memory_space<vmem_shared>>
      tpu.enqueue_indirect_dma source(%arg5 : memref<128xf32, #tpu.memory_space<vmem>>) target(%dma_start3A_127 : memref<10240xf32, #tpu.memory_space<vmem_shared>>) offsets(%dma_start3A_125 : memref<128xi32, #tpu.memory_space<vmem>>) semaphore(%arg8 : memref<!tpu.dma_semaphore, #tpu.memory_space<semaphore_mem>>) {add = true}
      %mul3A_128 = arith.constant 8 : i32
      %mul3A_129 = arith.muli %scan3A_65, %mul3A_128 : i32
      %add3A_130 = arith.constant 7 : i32
      %add3A_131 = arith.addi %mul3A_129, %add3A_130 : i32
      %dma_start3A_132 = arith.constant 0 : i32
      %dma_start3A_133 = tpu.memref_slice %arg4[%add3A_131, %dma_start3A_132] : memref<88x128xi32, #tpu.memory_space<vmem>> -> memref<1x128xi32, #tpu.memory_space<vmem>>
      %dma_start3A_134 = tpu.memref_squeeze %dma_start3A_133 : memref<1x128xi32, #tpu.memory_space<vmem>> -> memref<128xi32, #tpu.memory_space<vmem>>
      %dma_start3A_135 = arith.constant 0 : i32
      %dma_start3A_136 = tpu.memref_slice %arg7[%dma_start3A_135] : memref<10240xf32, #tpu.memory_space<vmem_shared>> -> memref<10240xf32, #tpu.memory_space<vmem_shared>>
      tpu.enqueue_indirect_dma source(%arg5 : memref<128xf32, #tpu.memory_space<vmem>>) target(%dma_start3A_136 : memref<10240xf32, #tpu.memory_space<vmem_shared>>) offsets(%dma_start3A_134 : memref<128xi32, #tpu.memory_space<vmem>>) semaphore(%arg8 : memref<!tpu.dma_semaphore, #tpu.memory_space<semaphore_mem>>) {add = true}
      %dma_wait3A = arith.constant 0 : i32
      %dma_wait3A_137 = arith.constant 0 : i32
      %dma_wait3A_138 = tpu.memref_slice %arg3[%dma_wait3A, %dma_wait3A_137] : memref<2x10240xf32, #tpu.memory_space<hbm>> -> memref<1x128xf32, #tpu.memory_space<hbm>>
      %dma_wait3A_139 = tpu.memref_squeeze %dma_wait3A_138 : memref<1x128xf32, #tpu.memory_space<hbm>> -> memref<128xf32, #tpu.memory_space<hbm>>
      %dma_wait3A_140 = arith.constant 0 : i32
      %dma_wait3A_141 = tpu.memref_slice %arg3[%dma_wait3A, %dma_wait3A_140] : memref<2x10240xf32, #tpu.memory_space<hbm>> -> memref<1x128xf32, #tpu.memory_space<hbm>>
      %dma_wait3A_142 = tpu.memref_squeeze %dma_wait3A_141 : memref<1x128xf32, #tpu.memory_space<hbm>> -> memref<128xf32, #tpu.memory_space<hbm>>
      tpu.wait_dma2 semaphore(%arg8 : memref<!tpu.dma_semaphore, #tpu.memory_space<semaphore_mem>>) src(%dma_wait3A_142 : memref<128xf32, #tpu.memory_space<hbm>>) dst(%arg5 : memref<128xf32, #tpu.memory_space<vmem>>)
      %dma_wait3A_143 = arith.constant 0 : i32
      %dma_wait3A_144 = arith.constant 0 : i32
      %dma_wait3A_145 = tpu.memref_slice %arg3[%dma_wait3A_143, %dma_wait3A_144] : memref<2x10240xf32, #tpu.memory_space<hbm>> -> memref<1x128xf32, #tpu.memory_space<hbm>>
      %dma_wait3A_146 = tpu.memref_squeeze %dma_wait3A_145 : memref<1x128xf32, #tpu.memory_space<hbm>> -> memref<128xf32, #tpu.memory_space<hbm>>
      %dma_wait3A_147 = arith.constant 0 : i32
      %dma_wait3A_148 = tpu.memref_slice %arg3[%dma_wait3A_143, %dma_wait3A_147] : memref<2x10240xf32, #tpu.memory_space<hbm>> -> memref<1x128xf32, #tpu.memory_space<hbm>>
      %dma_wait3A_149 = tpu.memref_squeeze %dma_wait3A_148 : memref<1x128xf32, #tpu.memory_space<hbm>> -> memref<128xf32, #tpu.memory_space<hbm>>
      tpu.wait_dma2 semaphore(%arg8 : memref<!tpu.dma_semaphore, #tpu.memory_space<semaphore_mem>>) src(%dma_wait3A_149 : memref<128xf32, #tpu.memory_space<hbm>>) dst(%arg5 : memref<128xf32, #tpu.memory_space<vmem>>)
      %dma_wait3A_150 = arith.constant 0 : i32
      %dma_wait3A_151 = arith.constant 0 : i32
      %dma_wait3A_152 = tpu.memref_slice %arg3[%dma_wait3A_150, %dma_wait3A_151] : memref<2x10240xf32, #tpu.memory_space<hbm>> -> memref<1x128xf32, #tpu.memory_space<hbm>>
      %dma_wait3A_153 = tpu.memref_squeeze %dma_wait3A_152 : memref<1x128xf32, #tpu.memory_space<hbm>> -> memref<128xf32, #tpu.memory_space<hbm>>
      %dma_wait3A_154 = arith.constant 0 : i32
      %dma_wait3A_155 = tpu.memref_slice %arg3[%dma_wait3A_150, %dma_wait3A_154] : memref<2x10240xf32, #tpu.memory_space<hbm>> -> memref<1x128xf32, #tpu.memory_space<hbm>>
      %dma_wait3A_156 = tpu.memref_squeeze %dma_wait3A_155 : memref<1x128xf32, #tpu.memory_space<hbm>> -> memref<128xf32, #tpu.memory_space<hbm>>
      tpu.wait_dma2 semaphore(%arg8 : memref<!tpu.dma_semaphore, #tpu.memory_space<semaphore_mem>>) src(%dma_wait3A_156 : memref<128xf32, #tpu.memory_space<hbm>>) dst(%arg5 : memref<128xf32, #tpu.memory_space<vmem>>)
      %dma_wait3A_157 = arith.constant 0 : i32
      %dma_wait3A_158 = arith.constant 0 : i32
      %dma_wait3A_159 = tpu.memref_slice %arg3[%dma_wait3A_157, %dma_wait3A_158] : memref<2x10240xf32, #tpu.memory_space<hbm>> -> memref<1x128xf32, #tpu.memory_space<hbm>>
      %dma_wait3A_160 = tpu.memref_squeeze %dma_wait3A_159 : memref<1x128xf32, #tpu.memory_space<hbm>> -> memref<128xf32, #tpu.memory_space<hbm>>
      %dma_wait3A_161 = arith.constant 0 : i32
      %dma_wait3A_162 = tpu.memref_slice %arg3[%dma_wait3A_157, %dma_wait3A_161] : memref<2x10240xf32, #tpu.memory_space<hbm>> -> memref<1x128xf32, #tpu.memory_space<hbm>>
      %dma_wait3A_163 = tpu.memref_squeeze %dma_wait3A_162 : memref<1x128xf32, #tpu.memory_space<hbm>> -> memref<128xf32, #tpu.memory_space<hbm>>
      tpu.wait_dma2 semaphore(%arg8 : memref<!tpu.dma_semaphore, #tpu.memory_space<semaphore_mem>>) src(%dma_wait3A_163 : memref<128xf32, #tpu.memory_space<hbm>>) dst(%arg5 : memref<128xf32, #tpu.memory_space<vmem>>)
      %dma_wait3A_164 = arith.constant 0 : i32
      %dma_wait3A_165 = arith.constant 0 : i32
      %dma_wait3A_166 = tpu.memref_slice %arg3[%dma_wait3A_164, %dma_wait3A_165] : memref<2x10240xf32, #tpu.memory_space<hbm>> -> memref<1x128xf32, #tpu.memory_space<hbm>>
      %dma_wait3A_167 = tpu.memref_squeeze %dma_wait3A_166 : memref<1x128xf32, #tpu.memory_space<hbm>> -> memref<128xf32, #tpu.memory_space<hbm>>
      %dma_wait3A_168 = arith.constant 0 : i32
      %dma_wait3A_169 = tpu.memref_slice %arg3[%dma_wait3A_164, %dma_wait3A_168] : memref<2x10240xf32, #tpu.memory_space<hbm>> -> memref<1x128xf32, #tpu.memory_space<hbm>>
      %dma_wait3A_170 = tpu.memref_squeeze %dma_wait3A_169 : memref<1x128xf32, #tpu.memory_space<hbm>> -> memref<128xf32, #tpu.memory_space<hbm>>
      tpu.wait_dma2 semaphore(%arg8 : memref<!tpu.dma_semaphore, #tpu.memory_space<semaphore_mem>>) src(%dma_wait3A_170 : memref<128xf32, #tpu.memory_space<hbm>>) dst(%arg5 : memref<128xf32, #tpu.memory_space<vmem>>)
      %dma_wait3A_171 = arith.constant 0 : i32
      %dma_wait3A_172 = arith.constant 0 : i32
      %dma_wait3A_173 = tpu.memref_slice %arg3[%dma_wait3A_171, %dma_wait3A_172] : memref<2x10240xf32, #tpu.memory_space<hbm>> -> memref<1x128xf32, #tpu.memory_space<hbm>>
      %dma_wait3A_174 = tpu.memref_squeeze %dma_wait3A_173 : memref<1x128xf32, #tpu.memory_space<hbm>> -> memref<128xf32, #tpu.memory_space<hbm>>
      %dma_wait3A_175 = arith.constant 0 : i32
      %dma_wait3A_176 = tpu.memref_slice %arg3[%dma_wait3A_171, %dma_wait3A_175] : memref<2x10240xf32, #tpu.memory_space<hbm>> -> memref<1x128xf32, #tpu.memory_space<hbm>>
      %dma_wait3A_177 = tpu.memref_squeeze %dma_wait3A_176 : memref<1x128xf32, #tpu.memory_space<hbm>> -> memref<128xf32, #tpu.memory_space<hbm>>
      tpu.wait_dma2 semaphore(%arg8 : memref<!tpu.dma_semaphore, #tpu.memory_space<semaphore_mem>>) src(%dma_wait3A_177 : memref<128xf32, #tpu.memory_space<hbm>>) dst(%arg5 : memref<128xf32, #tpu.memory_space<vmem>>)
      %dma_wait3A_178 = arith.constant 0 : i32
      %dma_wait3A_179 = arith.constant 0 : i32
      %dma_wait3A_180 = tpu.memref_slice %arg3[%dma_wait3A_178, %dma_wait3A_179] : memref<2x10240xf32, #tpu.memory_space<hbm>> -> memref<1x128xf32, #tpu.memory_space<hbm>>
      %dma_wait3A_181 = tpu.memref_squeeze %dma_wait3A_180 : memref<1x128xf32, #tpu.memory_space<hbm>> -> memref<128xf32, #tpu.memory_space<hbm>>
      %dma_wait3A_182 = arith.constant 0 : i32
      %dma_wait3A_183 = tpu.memref_slice %arg3[%dma_wait3A_178, %dma_wait3A_182] : memref<2x10240xf32, #tpu.memory_space<hbm>> -> memref<1x128xf32, #tpu.memory_space<hbm>>
      %dma_wait3A_184 = tpu.memref_squeeze %dma_wait3A_183 : memref<1x128xf32, #tpu.memory_space<hbm>> -> memref<128xf32, #tpu.memory_space<hbm>>
      tpu.wait_dma2 semaphore(%arg8 : memref<!tpu.dma_semaphore, #tpu.memory_space<semaphore_mem>>) src(%dma_wait3A_184 : memref<128xf32, #tpu.memory_space<hbm>>) dst(%arg5 : memref<128xf32, #tpu.memory_space<vmem>>)
      %dma_wait3A_185 = arith.constant 0 : i32
      %dma_wait3A_186 = arith.constant 0 : i32
      %dma_wait3A_187 = tpu.memref_slice %arg3[%dma_wait3A_185, %dma_wait3A_186] : memref<2x10240xf32, #tpu.memory_space<hbm>> -> memref<1x128xf32, #tpu.memory_space<hbm>>
      %dma_wait3A_188 = tpu.memref_squeeze %dma_wait3A_187 : memref<1x128xf32, #tpu.memory_space<hbm>> -> memref<128xf32, #tpu.memory_space<hbm>>
      %dma_wait3A_189 = arith.constant 0 : i32
      %dma_wait3A_190 = tpu.memref_slice %arg3[%dma_wait3A_185, %dma_wait3A_189] : memref<2x10240xf32, #tpu.memory_space<hbm>> -> memref<1x128xf32, #tpu.memory_space<hbm>>
      %dma_wait3A_191 = tpu.memref_squeeze %dma_wait3A_190 : memref<1x128xf32, #tpu.memory_space<hbm>> -> memref<128xf32, #tpu.memory_space<hbm>>
      tpu.wait_dma2 semaphore(%arg8 : memref<!tpu.dma_semaphore, #tpu.memory_space<semaphore_mem>>) src(%dma_wait3A_191 : memref<128xf32, #tpu.memory_space<hbm>>) dst(%arg5 : memref<128xf32, #tpu.memory_space<vmem>>)
    }
    %scan3A_59 = arith.constant 11 : i32
    %barrier3A_60 = arith.constant 0 : index
    tpu.barrier barrier_id(%barrier3A_60)
    %mul3A_61 = arith.constant 640 : i32
    %mul3A_62 = arith.muli %arg1, %mul3A_61 : i32
    %mul3A_63 = arith.constant 640 : i32
    %mul3A_64 = arith.muli %arg1, %mul3A_63 : i32
    "tpu.region"() ({
      %run_scoped3A = tpu.sem_alloc : memref<!tpu.dma_semaphore, #tpu.memory_space<semaphore_mem>>
      %dma_start3A = tpu.memref_slice %arg3[%arg0, %mul3A_64] : memref<2x10240xf32, #tpu.memory_space<hbm>> -> memref<1x640xf32, #tpu.memory_space<hbm>>
      %dma_start3A_65 = tpu.memref_squeeze %dma_start3A : memref<1x640xf32, #tpu.memory_space<hbm>> -> memref<640xf32, #tpu.memory_space<hbm>>
      %dma_start3A_66 = tpu.memref_slice %arg7[%mul3A_62] : memref<10240xf32, #tpu.memory_space<vmem_shared>> -> memref<640xf32, #tpu.memory_space<vmem_shared>>
      tpu.enqueue_dma source(%dma_start3A_66 : memref<640xf32, #tpu.memory_space<vmem_shared>>) target(%dma_start3A_65 : memref<640xf32, #tpu.memory_space<hbm>>) target_semaphore(%run_scoped3A : memref<!tpu.dma_semaphore, #tpu.memory_space<semaphore_mem>>)
      %dma_wait3A = tpu.memref_slice %arg3[%arg0, %mul3A_64] : memref<2x10240xf32, #tpu.memory_space<hbm>> -> memref<1x640xf32, #tpu.memory_space<hbm>>
      %dma_wait3A_67 = tpu.memref_squeeze %dma_wait3A : memref<1x640xf32, #tpu.memory_space<hbm>> -> memref<640xf32, #tpu.memory_space<hbm>>
      %dma_wait3A_68 = tpu.memref_slice %arg7[%mul3A_62] : memref<10240xf32, #tpu.memory_space<vmem_shared>> -> memref<640xf32, #tpu.memory_space<vmem_shared>>
      tpu.wait_dma2 semaphore(%run_scoped3A : memref<!tpu.dma_semaphore, #tpu.memory_space<semaphore_mem>>) src(%dma_wait3A_68 : memref<640xf32, #tpu.memory_space<vmem_shared>>) dst(%dma_wait3A_67 : memref<640xf32, #tpu.memory_space<hbm>>)
      tpu.yield
    }) : () -> ()
    return
  }
}

#map = affine_map<(d0, d1) -> (0, 0)>
#map1 = affine_map<(d0, d1) -> (0, 0, 0)>
module attributes {stable_mosaic.version = 14 : i64} {
  func.func @k(%arg0: i32, %arg1: i32, %arg2: memref<10240x128xf32, #tpu.memory_space<hbm>>, %arg3: memref<32x88x128xi32, #tpu.memory_space<hbm>>, %arg4: memref<32x88x128xi32, #tpu.memory_space<hbm>>, %arg5: memref<2x10240x128xf32, #tpu.memory_space<hbm>>, %arg6: memref<2x8x128xi32, #tpu.memory_space<vmem>>, %arg7: memref<2x8x128xi32, #tpu.memory_space<vmem>>, %arg8: memref<128xi32, #tpu.memory_space<vmem>>, %arg9: memref<2x128x128xf32, #tpu.memory_space<vmem>>, %arg10: memref<10240x128xf32, #tpu.memory_space<vmem_shared>>, %arg11: memref<!tpu.dma_semaphore, #tpu.memory_space<semaphore_mem>>, %arg12: memref<!tpu.dma_semaphore, #tpu.memory_space<semaphore_mem>>, %arg13: memref<!tpu.dma_semaphore, #tpu.memory_space<semaphore_mem>>, %arg14: memref<!tpu.dma_semaphore, #tpu.memory_space<semaphore_mem>>) attributes {dimension_semantics = [#tpu.dimension_semantics<core_parallel>, #tpu.dimension_semantics<subcore_parallel>], iteration_bounds = array<i64: 2, 16>, scalar_prefetch = 0 : i64, scratch_operands = 9 : i64, tpu.core_type = #tpu.core_type<sc_vector_subcore>, window_params = [{transform_indices = #map}, {transform_indices = #map1}, {transform_indices = #map1}, {transform_indices = #map1}]} {
    %mul3A = arith.constant 16 : i32
    %mul3A_0 = arith.muli %arg0, %mul3A : i32
    %add3A = arith.addi %mul3A_0, %arg1 : i32
    %dma_start3A = arith.constant 0 : i32
    %dma_start3A_1 = arith.constant 0 : i32
    %dma_start3A_2 = arith.constant 0 : i32
    %dma_start3A_3 = tpu.memref_slice %arg6[%dma_start3A, %dma_start3A_1, %dma_start3A_2] : memref<2x8x128xi32, #tpu.memory_space<vmem>> -> memref<1x8x128xi32, #tpu.memory_space<vmem>>
    %dma_start3A_4 = tpu.memref_squeeze %dma_start3A_3 : memref<1x8x128xi32, #tpu.memory_space<vmem>> -> memref<8x128xi32, #tpu.memory_space<vmem>>
    %dma_start3A_5 = arith.constant 0 : i32
    %dma_start3A_6 = arith.constant 0 : i32
    %dma_start3A_7 = tpu.memref_slice %arg3[%add3A, %dma_start3A_5, %dma_start3A_6] : memref<32x88x128xi32, #tpu.memory_space<hbm>> -> memref<1x8x128xi32, #tpu.memory_space<hbm>>
    %dma_start3A_8 = tpu.memref_squeeze %dma_start3A_7 : memref<1x8x128xi32, #tpu.memory_space<hbm>> -> memref<8x128xi32, #tpu.memory_space<hbm>>
    %dma_start3A_9 = arith.constant 0 : i32
    %dma_start3A_10 = arith.constant 0 : i32
    %dma_start3A_11 = tpu.memref_slice %arg6[%dma_start3A, %dma_start3A_9, %dma_start3A_10] : memref<2x8x128xi32, #tpu.memory_space<vmem>> -> memref<1x8x128xi32, #tpu.memory_space<vmem>>
    %dma_start3A_12 = tpu.memref_squeeze %dma_start3A_11 : memref<1x8x128xi32, #tpu.memory_space<vmem>> -> memref<8x128xi32, #tpu.memory_space<vmem>>
    %dma_start3A_13 = arith.constant 0 : i32
    %dma_start3A_14 = arith.constant 0 : i32
    %dma_start3A_15 = tpu.memref_slice %arg3[%add3A, %dma_start3A_13, %dma_start3A_14] : memref<32x88x128xi32, #tpu.memory_space<hbm>> -> memref<1x8x128xi32, #tpu.memory_space<hbm>>
    %dma_start3A_16 = tpu.memref_squeeze %dma_start3A_15 : memref<1x8x128xi32, #tpu.memory_space<hbm>> -> memref<8x128xi32, #tpu.memory_space<hbm>>
    tpu.enqueue_dma source(%dma_start3A_16 : memref<8x128xi32, #tpu.memory_space<hbm>>) target(%dma_start3A_12 : memref<8x128xi32, #tpu.memory_space<vmem>>) target_semaphore(%arg14 : memref<!tpu.dma_semaphore, #tpu.memory_space<semaphore_mem>>)
    %dma_start3A_17 = arith.constant 0 : i32
    %dma_start3A_18 = arith.constant 0 : i32
    %dma_start3A_19 = arith.constant 0 : i32
    %dma_start3A_20 = tpu.memref_slice %arg7[%dma_start3A_17, %dma_start3A_18, %dma_start3A_19] : memref<2x8x128xi32, #tpu.memory_space<vmem>> -> memref<1x8x128xi32, #tpu.memory_space<vmem>>
    %dma_start3A_21 = tpu.memref_squeeze %dma_start3A_20 : memref<1x8x128xi32, #tpu.memory_space<vmem>> -> memref<8x128xi32, #tpu.memory_space<vmem>>
    %dma_start3A_22 = arith.constant 0 : i32
    %dma_start3A_23 = arith.constant 0 : i32
    %dma_start3A_24 = tpu.memref_slice %arg4[%add3A, %dma_start3A_22, %dma_start3A_23] : memref<32x88x128xi32, #tpu.memory_space<hbm>> -> memref<1x8x128xi32, #tpu.memory_space<hbm>>
    %dma_start3A_25 = tpu.memref_squeeze %dma_start3A_24 : memref<1x8x128xi32, #tpu.memory_space<hbm>> -> memref<8x128xi32, #tpu.memory_space<hbm>>
    %dma_start3A_26 = arith.constant 0 : i32
    %dma_start3A_27 = arith.constant 0 : i32
    %dma_start3A_28 = tpu.memref_slice %arg7[%dma_start3A_17, %dma_start3A_26, %dma_start3A_27] : memref<2x8x128xi32, #tpu.memory_space<vmem>> -> memref<1x8x128xi32, #tpu.memory_space<vmem>>
    %dma_start3A_29 = tpu.memref_squeeze %dma_start3A_28 : memref<1x8x128xi32, #tpu.memory_space<vmem>> -> memref<8x128xi32, #tpu.memory_space<vmem>>
    %dma_start3A_30 = arith.constant 0 : i32
    %dma_start3A_31 = arith.constant 0 : i32
    %dma_start3A_32 = tpu.memref_slice %arg4[%add3A, %dma_start3A_30, %dma_start3A_31] : memref<32x88x128xi32, #tpu.memory_space<hbm>> -> memref<1x8x128xi32, #tpu.memory_space<hbm>>
    %dma_start3A_33 = tpu.memref_squeeze %dma_start3A_32 : memref<1x8x128xi32, #tpu.memory_space<hbm>> -> memref<8x128xi32, #tpu.memory_space<hbm>>
    tpu.enqueue_dma source(%dma_start3A_33 : memref<8x128xi32, #tpu.memory_space<hbm>>) target(%dma_start3A_29 : memref<8x128xi32, #tpu.memory_space<vmem>>) target_semaphore(%arg14 : memref<!tpu.dma_semaphore, #tpu.memory_space<semaphore_mem>>)
    %scan3A = arith.constant 0 : i32
    %scan3A_34 = arith.constant 0 : i32
    %scan3A_35 = arith.constant 128 : i32
    %scan3A_36 = arith.addi %scan3A_34, %scan3A_35 : i32
    %scan3A_37 = arith.constant 1 : i32
    scf.for %scan3A_186 = %scan3A_34 to %scan3A_36 step %scan3A_37  : i32 {
      %broadcast_in_dim3A = arith.constant 0.000000e+00 : f32
      %broadcast_in_dim3A_187 = vector.broadcast %broadcast_in_dim3A : f32 to vector<16xf32>
      %swap3A = arith.constant 0 : i32
      %swap3A_188 = arith.index_cast %swap3A : i32 to index
      %swap3A_189 = arith.index_cast %scan3A_186 : i32 to index
      %swap3A_190 = arith.constant 0 : index
      %swap3A_191 = tpu.vector_load %arg9[%swap3A_188, %swap3A_189, %swap3A_190] {strides = array<i32>} : memref<2x128x128xf32, #tpu.memory_space<vmem>>, vector<1x1x16xf32>,
      %swap3A_192 = vector.shape_cast %swap3A_191 : vector<1x1x16xf32> to vector<16xf32>
      %swap3A_193 = vector.shape_cast %broadcast_in_dim3A_187 : vector<16xf32> to vector<1x1x16xf32>
      tpu.vector_store %arg9[%swap3A_188, %swap3A_189, %swap3A_190], %swap3A_193 {strides = array<i32>} : memref<2x128x128xf32, #tpu.memory_space<vmem>>, vector<1x1x16xf32>,
      %broadcast_in_dim3A_194 = arith.constant 0.000000e+00 : f32
      %broadcast_in_dim3A_195 = vector.broadcast %broadcast_in_dim3A_194 : f32 to vector<16xf32>
      %swap3A_196 = arith.constant 0 : i32
      %swap3A_197 = arith.index_cast %swap3A_196 : i32 to index
      %swap3A_198 = arith.index_cast %scan3A_186 : i32 to index
      %swap3A_199 = arith.constant 16 : index
      %swap3A_200 = tpu.vector_load %arg9[%swap3A_197, %swap3A_198, %swap3A_199] {strides = array<i32>} : memref<2x128x128xf32, #tpu.memory_space<vmem>>, vector<1x1x16xf32>,
      %swap3A_201 = vector.shape_cast %swap3A_200 : vector<1x1x16xf32> to vector<16xf32>
      %swap3A_202 = vector.shape_cast %broadcast_in_dim3A_195 : vector<16xf32> to vector<1x1x16xf32>
      tpu.vector_store %arg9[%swap3A_197, %swap3A_198, %swap3A_199], %swap3A_202 {strides = array<i32>} : memref<2x128x128xf32, #tpu.memory_space<vmem>>, vector<1x1x16xf32>,
      %broadcast_in_dim3A_203 = arith.constant 0.000000e+00 : f32
      %broadcast_in_dim3A_204 = vector.broadcast %broadcast_in_dim3A_203 : f32 to vector<16xf32>
      %swap3A_205 = arith.constant 0 : i32
      %swap3A_206 = arith.index_cast %swap3A_205 : i32 to index
      %swap3A_207 = arith.index_cast %scan3A_186 : i32 to index
      %swap3A_208 = arith.constant 32 : index
      %swap3A_209 = tpu.vector_load %arg9[%swap3A_206, %swap3A_207, %swap3A_208] {strides = array<i32>} : memref<2x128x128xf32, #tpu.memory_space<vmem>>, vector<1x1x16xf32>,
      %swap3A_210 = vector.shape_cast %swap3A_209 : vector<1x1x16xf32> to vector<16xf32>
      %swap3A_211 = vector.shape_cast %broadcast_in_dim3A_204 : vector<16xf32> to vector<1x1x16xf32>
      tpu.vector_store %arg9[%swap3A_206, %swap3A_207, %swap3A_208], %swap3A_211 {strides = array<i32>} : memref<2x128x128xf32, #tpu.memory_space<vmem>>, vector<1x1x16xf32>,
      %broadcast_in_dim3A_212 = arith.constant 0.000000e+00 : f32
      %broadcast_in_dim3A_213 = vector.broadcast %broadcast_in_dim3A_212 : f32 to vector<16xf32>
      %swap3A_214 = arith.constant 0 : i32
      %swap3A_215 = arith.index_cast %swap3A_214 : i32 to index
      %swap3A_216 = arith.index_cast %scan3A_186 : i32 to index
      %swap3A_217 = arith.constant 48 : index
      %swap3A_218 = tpu.vector_load %arg9[%swap3A_215, %swap3A_216, %swap3A_217] {strides = array<i32>} : memref<2x128x128xf32, #tpu.memory_space<vmem>>, vector<1x1x16xf32>,
      %swap3A_219 = vector.shape_cast %swap3A_218 : vector<1x1x16xf32> to vector<16xf32>
      %swap3A_220 = vector.shape_cast %broadcast_in_dim3A_213 : vector<16xf32> to vector<1x1x16xf32>
      tpu.vector_store %arg9[%swap3A_215, %swap3A_216, %swap3A_217], %swap3A_220 {strides = array<i32>} : memref<2x128x128xf32, #tpu.memory_space<vmem>>, vector<1x1x16xf32>,
      %broadcast_in_dim3A_221 = arith.constant 0.000000e+00 : f32
      %broadcast_in_dim3A_222 = vector.broadcast %broadcast_in_dim3A_221 : f32 to vector<16xf32>
      %swap3A_223 = arith.constant 0 : i32
      %swap3A_224 = arith.index_cast %swap3A_223 : i32 to index
      %swap3A_225 = arith.index_cast %scan3A_186 : i32 to index
      %swap3A_226 = arith.constant 64 : index
      %swap3A_227 = tpu.vector_load %arg9[%swap3A_224, %swap3A_225, %swap3A_226] {strides = array<i32>} : memref<2x128x128xf32, #tpu.memory_space<vmem>>, vector<1x1x16xf32>,
      %swap3A_228 = vector.shape_cast %swap3A_227 : vector<1x1x16xf32> to vector<16xf32>
      %swap3A_229 = vector.shape_cast %broadcast_in_dim3A_222 : vector<16xf32> to vector<1x1x16xf32>
      tpu.vector_store %arg9[%swap3A_224, %swap3A_225, %swap3A_226], %swap3A_229 {strides = array<i32>} : memref<2x128x128xf32, #tpu.memory_space<vmem>>, vector<1x1x16xf32>,
      %broadcast_in_dim3A_230 = arith.constant 0.000000e+00 : f32
      %broadcast_in_dim3A_231 = vector.broadcast %broadcast_in_dim3A_230 : f32 to vector<16xf32>
      %swap3A_232 = arith.constant 0 : i32
      %swap3A_233 = arith.index_cast %swap3A_232 : i32 to index
      %swap3A_234 = arith.index_cast %scan3A_186 : i32 to index
      %swap3A_235 = arith.constant 80 : index
      %swap3A_236 = tpu.vector_load %arg9[%swap3A_233, %swap3A_234, %swap3A_235] {strides = array<i32>} : memref<2x128x128xf32, #tpu.memory_space<vmem>>, vector<1x1x16xf32>,
      %swap3A_237 = vector.shape_cast %swap3A_236 : vector<1x1x16xf32> to vector<16xf32>
      %swap3A_238 = vector.shape_cast %broadcast_in_dim3A_231 : vector<16xf32> to vector<1x1x16xf32>
      tpu.vector_store %arg9[%swap3A_233, %swap3A_234, %swap3A_235], %swap3A_238 {strides = array<i32>} : memref<2x128x128xf32, #tpu.memory_space<vmem>>, vector<1x1x16xf32>,
      %broadcast_in_dim3A_239 = arith.constant 0.000000e+00 : f32
      %broadcast_in_dim3A_240 = vector.broadcast %broadcast_in_dim3A_239 : f32 to vector<16xf32>
      %swap3A_241 = arith.constant 0 : i32
      %swap3A_242 = arith.index_cast %swap3A_241 : i32 to index
      %swap3A_243 = arith.index_cast %scan3A_186 : i32 to index
      %swap3A_244 = arith.constant 96 : index
      %swap3A_245 = tpu.vector_load %arg9[%swap3A_242, %swap3A_243, %swap3A_244] {strides = array<i32>} : memref<2x128x128xf32, #tpu.memory_space<vmem>>, vector<1x1x16xf32>,
      %swap3A_246 = vector.shape_cast %swap3A_245 : vector<1x1x16xf32> to vector<16xf32>
      %swap3A_247 = vector.shape_cast %broadcast_in_dim3A_240 : vector<16xf32> to vector<1x1x16xf32>
      tpu.vector_store %arg9[%swap3A_242, %swap3A_243, %swap3A_244], %swap3A_247 {strides = array<i32>} : memref<2x128x128xf32, #tpu.memory_space<vmem>>, vector<1x1x16xf32>,
      %broadcast_in_dim3A_248 = arith.constant 0.000000e+00 : f32
      %broadcast_in_dim3A_249 = vector.broadcast %broadcast_in_dim3A_248 : f32 to vector<16xf32>
      %swap3A_250 = arith.constant 0 : i32
      %swap3A_251 = arith.index_cast %swap3A_250 : i32 to index
      %swap3A_252 = arith.index_cast %scan3A_186 : i32 to index
      %swap3A_253 = arith.constant 112 : index
      %swap3A_254 = tpu.vector_load %arg9[%swap3A_251, %swap3A_252, %swap3A_253] {strides = array<i32>} : memref<2x128x128xf32, #tpu.memory_space<vmem>>, vector<1x1x16xf32>,
      %swap3A_255 = vector.shape_cast %swap3A_254 : vector<1x1x16xf32> to vector<16xf32>
      %swap3A_256 = vector.shape_cast %broadcast_in_dim3A_249 : vector<16xf32> to vector<1x1x16xf32>
      tpu.vector_store %arg9[%swap3A_251, %swap3A_252, %swap3A_253], %swap3A_256 {strides = array<i32>} : memref<2x128x128xf32, #tpu.memory_space<vmem>>, vector<1x1x16xf32>,
    }
    %scan3A_38 = arith.constant 128 : i32
    %mul3A_39 = arith.constant 640 : i32
    %mul3A_40 = arith.muli %arg1, %mul3A_39 : i32
    %add3A_41 = arith.constant 0 : i32
    %add3A_42 = arith.addi %mul3A_40, %add3A_41 : i32
    %run_scoped3A = arith.constant 0 : i32
    "tpu.region"() ({
      %run_scoped3A_186 = tpu.sem_alloc : memref<!tpu.dma_semaphore, #tpu.memory_space<semaphore_mem>>
      %dma_start3A_187 = arith.constant 0 : i32
      %dma_start3A_188 = arith.constant 0 : i32
      %dma_start3A_189 = tpu.memref_slice %arg9[%run_scoped3A, %dma_start3A_187, %dma_start3A_188] : memref<2x128x128xf32, #tpu.memory_space<vmem>> -> memref<1x128x128xf32, #tpu.memory_space<vmem>>
      %dma_start3A_190 = tpu.memref_squeeze %dma_start3A_189 : memref<1x128x128xf32, #tpu.memory_space<vmem>> -> memref<128x128xf32, #tpu.memory_space<vmem>>
      %dma_start3A_191 = arith.constant 0 : i32
      %dma_start3A_192 = tpu.memref_slice %arg10[%add3A_42, %dma_start3A_191] : memref<10240x128xf32, #tpu.memory_space<vmem_shared>> -> memref<128x128xf32, #tpu.memory_space<vmem_shared>>
      %dma_start3A_193 = arith.constant 0 : i32
      %dma_start3A_194 = tpu.memref_slice %arg10[%add3A_42, %dma_start3A_193] : memref<10240x128xf32, #tpu.memory_space<vmem_shared>> -> memref<128x128xf32, #tpu.memory_space<vmem_shared>>
      %dma_start3A_195 = arith.constant 0 : i32
      %dma_start3A_196 = arith.constant 0 : i32
      %dma_start3A_197 = tpu.memref_slice %arg9[%run_scoped3A, %dma_start3A_195, %dma_start3A_196] : memref<2x128x128xf32, #tpu.memory_space<vmem>> -> memref<1x128x128xf32, #tpu.memory_space<vmem>>
      %dma_start3A_198 = tpu.memref_squeeze %dma_start3A_197 : memref<1x128x128xf32, #tpu.memory_space<vmem>> -> memref<128x128xf32, #tpu.memory_space<vmem>>
      tpu.enqueue_dma source(%dma_start3A_198 : memref<128x128xf32, #tpu.memory_space<vmem>>) target(%dma_start3A_194 : memref<128x128xf32, #tpu.memory_space<vmem_shared>>) target_semaphore(%run_scoped3A_186 : memref<!tpu.dma_semaphore, #tpu.memory_space<semaphore_mem>>)
      %dma_wait3A_199 = arith.constant 0 : i32
      %dma_wait3A_200 = arith.constant 0 : i32
      %dma_wait3A_201 = tpu.memref_slice %arg9[%run_scoped3A, %dma_wait3A_199, %dma_wait3A_200] : memref<2x128x128xf32, #tpu.memory_space<vmem>> -> memref<1x128x128xf32, #tpu.memory_space<vmem>>
      %dma_wait3A_202 = tpu.memref_squeeze %dma_wait3A_201 : memref<1x128x128xf32, #tpu.memory_space<vmem>> -> memref<128x128xf32, #tpu.memory_space<vmem>>
      %dma_wait3A_203 = arith.constant 0 : i32
      %dma_wait3A_204 = tpu.memref_slice %arg10[%add3A_42, %dma_wait3A_203] : memref<10240x128xf32, #tpu.memory_space<vmem_shared>> -> memref<128x128xf32, #tpu.memory_space<vmem_shared>>
      %dma_wait3A_205 = arith.constant 0 : i32
      %dma_wait3A_206 = tpu.memref_slice %arg10[%add3A_42, %dma_wait3A_205] : memref<10240x128xf32, #tpu.memory_space<vmem_shared>> -> memref<128x128xf32, #tpu.memory_space<vmem_shared>>
      %dma_wait3A_207 = arith.constant 0 : i32
      %dma_wait3A_208 = arith.constant 0 : i32
      %dma_wait3A_209 = tpu.memref_slice %arg9[%run_scoped3A, %dma_wait3A_207, %dma_wait3A_208] : memref<2x128x128xf32, #tpu.memory_space<vmem>> -> memref<1x128x128xf32, #tpu.memory_space<vmem>>
      %dma_wait3A_210 = tpu.memref_squeeze %dma_wait3A_209 : memref<1x128x128xf32, #tpu.memory_space<vmem>> -> memref<128x128xf32, #tpu.memory_space<vmem>>
      tpu.wait_dma2 semaphore(%run_scoped3A_186 : memref<!tpu.dma_semaphore, #tpu.memory_space<semaphore_mem>>) src(%dma_wait3A_210 : memref<128x128xf32, #tpu.memory_space<vmem>>) dst(%dma_wait3A_206 : memref<128x128xf32, #tpu.memory_space<vmem_shared>>)
      tpu.yield
    }) : () -> ()
    %mul3A_43 = arith.constant 640 : i32
    %mul3A_44 = arith.muli %arg1, %mul3A_43 : i32
    %add3A_45 = arith.constant 128 : i32
    %add3A_46 = arith.addi %mul3A_44, %add3A_45 : i32
    %run_scoped3A_47 = arith.constant 0 : i32
    "tpu.region"() ({
      %run_scoped3A_186 = tpu.sem_alloc : memref<!tpu.dma_semaphore, #tpu.memory_space<semaphore_mem>>
      %dma_start3A_187 = arith.constant 0 : i32
      %dma_start3A_188 = arith.constant 0 : i32
      %dma_start3A_189 = tpu.memref_slice %arg9[%run_scoped3A_47, %dma_start3A_187, %dma_start3A_188] : memref<2x128x128xf32, #tpu.memory_space<vmem>> -> memref<1x128x128xf32, #tpu.memory_space<vmem>>
      %dma_start3A_190 = tpu.memref_squeeze %dma_start3A_189 : memref<1x128x128xf32, #tpu.memory_space<vmem>> -> memref<128x128xf32, #tpu.memory_space<vmem>>
      %dma_start3A_191 = arith.constant 0 : i32
      %dma_start3A_192 = tpu.memref_slice %arg10[%add3A_46, %dma_start3A_191] : memref<10240x128xf32, #tpu.memory_space<vmem_shared>> -> memref<128x128xf32, #tpu.memory_space<vmem_shared>>
      %dma_start3A_193 = arith.constant 0 : i32
      %dma_start3A_194 = tpu.memref_slice %arg10[%add3A_46, %dma_start3A_193] : memref<10240x128xf32, #tpu.memory_space<vmem_shared>> -> memref<128x128xf32, #tpu.memory_space<vmem_shared>>
      %dma_start3A_195 = arith.constant 0 : i32
      %dma_start3A_196 = arith.constant 0 : i32
      %dma_start3A_197 = tpu.memref_slice %arg9[%run_scoped3A_47, %dma_start3A_195, %dma_start3A_196] : memref<2x128x128xf32, #tpu.memory_space<vmem>> -> memref<1x128x128xf32, #tpu.memory_space<vmem>>
      %dma_start3A_198 = tpu.memref_squeeze %dma_start3A_197 : memref<1x128x128xf32, #tpu.memory_space<vmem>> -> memref<128x128xf32, #tpu.memory_space<vmem>>
      tpu.enqueue_dma source(%dma_start3A_198 : memref<128x128xf32, #tpu.memory_space<vmem>>) target(%dma_start3A_194 : memref<128x128xf32, #tpu.memory_space<vmem_shared>>) target_semaphore(%run_scoped3A_186 : memref<!tpu.dma_semaphore, #tpu.memory_space<semaphore_mem>>)
      %dma_wait3A_199 = arith.constant 0 : i32
      %dma_wait3A_200 = arith.constant 0 : i32
      %dma_wait3A_201 = tpu.memref_slice %arg9[%run_scoped3A_47, %dma_wait3A_199, %dma_wait3A_200] : memref<2x128x128xf32, #tpu.memory_space<vmem>> -> memref<1x128x128xf32, #tpu.memory_space<vmem>>
      %dma_wait3A_202 = tpu.memref_squeeze %dma_wait3A_201 : memref<1x128x128xf32, #tpu.memory_space<vmem>> -> memref<128x128xf32, #tpu.memory_space<vmem>>
      %dma_wait3A_203 = arith.constant 0 : i32
      %dma_wait3A_204 = tpu.memref_slice %arg10[%add3A_46, %dma_wait3A_203] : memref<10240x128xf32, #tpu.memory_space<vmem_shared>> -> memref<128x128xf32, #tpu.memory_space<vmem_shared>>
      %dma_wait3A_205 = arith.constant 0 : i32
      %dma_wait3A_206 = tpu.memref_slice %arg10[%add3A_46, %dma_wait3A_205] : memref<10240x128xf32, #tpu.memory_space<vmem_shared>> -> memref<128x128xf32, #tpu.memory_space<vmem_shared>>
      %dma_wait3A_207 = arith.constant 0 : i32
      %dma_wait3A_208 = arith.constant 0 : i32
      %dma_wait3A_209 = tpu.memref_slice %arg9[%run_scoped3A_47, %dma_wait3A_207, %dma_wait3A_208] : memref<2x128x128xf32, #tpu.memory_space<vmem>> -> memref<1x128x128xf32, #tpu.memory_space<vmem>>
      %dma_wait3A_210 = tpu.memref_squeeze %dma_wait3A_209 : memref<1x128x128xf32, #tpu.memory_space<vmem>> -> memref<128x128xf32, #tpu.memory_space<vmem>>
      tpu.wait_dma2 semaphore(%run_scoped3A_186 : memref<!tpu.dma_semaphore, #tpu.memory_space<semaphore_mem>>) src(%dma_wait3A_210 : memref<128x128xf32, #tpu.memory_space<vmem>>) dst(%dma_wait3A_206 : memref<128x128xf32, #tpu.memory_space<vmem_shared>>)
      tpu.yield
    }) : () -> ()
    %mul3A_48 = arith.constant 640 : i32
    %mul3A_49 = arith.muli %arg1, %mul3A_48 : i32
    %add3A_50 = arith.constant 256 : i32
    %add3A_51 = arith.addi %mul3A_49, %add3A_50 : i32
    %run_scoped3A_52 = arith.constant 0 : i32
    "tpu.region"() ({
      %run_scoped3A_186 = tpu.sem_alloc : memref<!tpu.dma_semaphore, #tpu.memory_space<semaphore_mem>>
      %dma_start3A_187 = arith.constant 0 : i32
      %dma_start3A_188 = arith.constant 0 : i32
      %dma_start3A_189 = tpu.memref_slice %arg9[%run_scoped3A_52, %dma_start3A_187, %dma_start3A_188] : memref<2x128x128xf32, #tpu.memory_space<vmem>> -> memref<1x128x128xf32, #tpu.memory_space<vmem>>
      %dma_start3A_190 = tpu.memref_squeeze %dma_start3A_189 : memref<1x128x128xf32, #tpu.memory_space<vmem>> -> memref<128x128xf32, #tpu.memory_space<vmem>>
      %dma_start3A_191 = arith.constant 0 : i32
      %dma_start3A_192 = tpu.memref_slice %arg10[%add3A_51, %dma_start3A_191] : memref<10240x128xf32, #tpu.memory_space<vmem_shared>> -> memref<128x128xf32, #tpu.memory_space<vmem_shared>>
      %dma_start3A_193 = arith.constant 0 : i32
      %dma_start3A_194 = tpu.memref_slice %arg10[%add3A_51, %dma_start3A_193] : memref<10240x128xf32, #tpu.memory_space<vmem_shared>> -> memref<128x128xf32, #tpu.memory_space<vmem_shared>>
      %dma_start3A_195 = arith.constant 0 : i32
      %dma_start3A_196 = arith.constant 0 : i32
      %dma_start3A_197 = tpu.memref_slice %arg9[%run_scoped3A_52, %dma_start3A_195, %dma_start3A_196] : memref<2x128x128xf32, #tpu.memory_space<vmem>> -> memref<1x128x128xf32, #tpu.memory_space<vmem>>
      %dma_start3A_198 = tpu.memref_squeeze %dma_start3A_197 : memref<1x128x128xf32, #tpu.memory_space<vmem>> -> memref<128x128xf32, #tpu.memory_space<vmem>>
      tpu.enqueue_dma source(%dma_start3A_198 : memref<128x128xf32, #tpu.memory_space<vmem>>) target(%dma_start3A_194 : memref<128x128xf32, #tpu.memory_space<vmem_shared>>) target_semaphore(%run_scoped3A_186 : memref<!tpu.dma_semaphore, #tpu.memory_space<semaphore_mem>>)
      %dma_wait3A_199 = arith.constant 0 : i32
      %dma_wait3A_200 = arith.constant 0 : i32
      %dma_wait3A_201 = tpu.memref_slice %arg9[%run_scoped3A_52, %dma_wait3A_199, %dma_wait3A_200] : memref<2x128x128xf32, #tpu.memory_space<vmem>> -> memref<1x128x128xf32, #tpu.memory_space<vmem>>
      %dma_wait3A_202 = tpu.memref_squeeze %dma_wait3A_201 : memref<1x128x128xf32, #tpu.memory_space<vmem>> -> memref<128x128xf32, #tpu.memory_space<vmem>>
      %dma_wait3A_203 = arith.constant 0 : i32
      %dma_wait3A_204 = tpu.memref_slice %arg10[%add3A_51, %dma_wait3A_203] : memref<10240x128xf32, #tpu.memory_space<vmem_shared>> -> memref<128x128xf32, #tpu.memory_space<vmem_shared>>
      %dma_wait3A_205 = arith.constant 0 : i32
      %dma_wait3A_206 = tpu.memref_slice %arg10[%add3A_51, %dma_wait3A_205] : memref<10240x128xf32, #tpu.memory_space<vmem_shared>> -> memref<128x128xf32, #tpu.memory_space<vmem_shared>>
      %dma_wait3A_207 = arith.constant 0 : i32
      %dma_wait3A_208 = arith.constant 0 : i32
      %dma_wait3A_209 = tpu.memref_slice %arg9[%run_scoped3A_52, %dma_wait3A_207, %dma_wait3A_208] : memref<2x128x128xf32, #tpu.memory_space<vmem>> -> memref<1x128x128xf32, #tpu.memory_space<vmem>>
      %dma_wait3A_210 = tpu.memref_squeeze %dma_wait3A_209 : memref<1x128x128xf32, #tpu.memory_space<vmem>> -> memref<128x128xf32, #tpu.memory_space<vmem>>
      tpu.wait_dma2 semaphore(%run_scoped3A_186 : memref<!tpu.dma_semaphore, #tpu.memory_space<semaphore_mem>>) src(%dma_wait3A_210 : memref<128x128xf32, #tpu.memory_space<vmem>>) dst(%dma_wait3A_206 : memref<128x128xf32, #tpu.memory_space<vmem_shared>>)
      tpu.yield
    }) : () -> ()
    %mul3A_53 = arith.constant 640 : i32
    %mul3A_54 = arith.muli %arg1, %mul3A_53 : i32
    %add3A_55 = arith.constant 384 : i32
    %add3A_56 = arith.addi %mul3A_54, %add3A_55 : i32
    %run_scoped3A_57 = arith.constant 0 : i32
    "tpu.region"() ({
      %run_scoped3A_186 = tpu.sem_alloc : memref<!tpu.dma_semaphore, #tpu.memory_space<semaphore_mem>>
      %dma_start3A_187 = arith.constant 0 : i32
      %dma_start3A_188 = arith.constant 0 : i32
      %dma_start3A_189 = tpu.memref_slice %arg9[%run_scoped3A_57, %dma_start3A_187, %dma_start3A_188] : memref<2x128x128xf32, #tpu.memory_space<vmem>> -> memref<1x128x128xf32, #tpu.memory_space<vmem>>
      %dma_start3A_190 = tpu.memref_squeeze %dma_start3A_189 : memref<1x128x128xf32, #tpu.memory_space<vmem>> -> memref<128x128xf32, #tpu.memory_space<vmem>>
      %dma_start3A_191 = arith.constant 0 : i32
      %dma_start3A_192 = tpu.memref_slice %arg10[%add3A_56, %dma_start3A_191] : memref<10240x128xf32, #tpu.memory_space<vmem_shared>> -> memref<128x128xf32, #tpu.memory_space<vmem_shared>>
      %dma_start3A_193 = arith.constant 0 : i32
      %dma_start3A_194 = tpu.memref_slice %arg10[%add3A_56, %dma_start3A_193] : memref<10240x128xf32, #tpu.memory_space<vmem_shared>> -> memref<128x128xf32, #tpu.memory_space<vmem_shared>>
      %dma_start3A_195 = arith.constant 0 : i32
      %dma_start3A_196 = arith.constant 0 : i32
      %dma_start3A_197 = tpu.memref_slice %arg9[%run_scoped3A_57, %dma_start3A_195, %dma_start3A_196] : memref<2x128x128xf32, #tpu.memory_space<vmem>> -> memref<1x128x128xf32, #tpu.memory_space<vmem>>
      %dma_start3A_198 = tpu.memref_squeeze %dma_start3A_197 : memref<1x128x128xf32, #tpu.memory_space<vmem>> -> memref<128x128xf32, #tpu.memory_space<vmem>>
      tpu.enqueue_dma source(%dma_start3A_198 : memref<128x128xf32, #tpu.memory_space<vmem>>) target(%dma_start3A_194 : memref<128x128xf32, #tpu.memory_space<vmem_shared>>) target_semaphore(%run_scoped3A_186 : memref<!tpu.dma_semaphore, #tpu.memory_space<semaphore_mem>>)
      %dma_wait3A_199 = arith.constant 0 : i32
      %dma_wait3A_200 = arith.constant 0 : i32
      %dma_wait3A_201 = tpu.memref_slice %arg9[%run_scoped3A_57, %dma_wait3A_199, %dma_wait3A_200] : memref<2x128x128xf32, #tpu.memory_space<vmem>> -> memref<1x128x128xf32, #tpu.memory_space<vmem>>
      %dma_wait3A_202 = tpu.memref_squeeze %dma_wait3A_201 : memref<1x128x128xf32, #tpu.memory_space<vmem>> -> memref<128x128xf32, #tpu.memory_space<vmem>>
      %dma_wait3A_203 = arith.constant 0 : i32
      %dma_wait3A_204 = tpu.memref_slice %arg10[%add3A_56, %dma_wait3A_203] : memref<10240x128xf32, #tpu.memory_space<vmem_shared>> -> memref<128x128xf32, #tpu.memory_space<vmem_shared>>
      %dma_wait3A_205 = arith.constant 0 : i32
      %dma_wait3A_206 = tpu.memref_slice %arg10[%add3A_56, %dma_wait3A_205] : memref<10240x128xf32, #tpu.memory_space<vmem_shared>> -> memref<128x128xf32, #tpu.memory_space<vmem_shared>>
      %dma_wait3A_207 = arith.constant 0 : i32
      %dma_wait3A_208 = arith.constant 0 : i32
      %dma_wait3A_209 = tpu.memref_slice %arg9[%run_scoped3A_57, %dma_wait3A_207, %dma_wait3A_208] : memref<2x128x128xf32, #tpu.memory_space<vmem>> -> memref<1x128x128xf32, #tpu.memory_space<vmem>>
      %dma_wait3A_210 = tpu.memref_squeeze %dma_wait3A_209 : memref<1x128x128xf32, #tpu.memory_space<vmem>> -> memref<128x128xf32, #tpu.memory_space<vmem>>
      tpu.wait_dma2 semaphore(%run_scoped3A_186 : memref<!tpu.dma_semaphore, #tpu.memory_space<semaphore_mem>>) src(%dma_wait3A_210 : memref<128x128xf32, #tpu.memory_space<vmem>>) dst(%dma_wait3A_206 : memref<128x128xf32, #tpu.memory_space<vmem_shared>>)
      tpu.yield
    }) : () -> ()
    %mul3A_58 = arith.constant 640 : i32
    %mul3A_59 = arith.muli %arg1, %mul3A_58 : i32
    %add3A_60 = arith.constant 512 : i32
    %add3A_61 = arith.addi %mul3A_59, %add3A_60 : i32
    %run_scoped3A_62 = arith.constant 0 : i32
    "tpu.region"() ({
      %run_scoped3A_186 = tpu.sem_alloc : memref<!tpu.dma_semaphore, #tpu.memory_space<semaphore_mem>>
      %dma_start3A_187 = arith.constant 0 : i32
      %dma_start3A_188 = arith.constant 0 : i32
      %dma_start3A_189 = tpu.memref_slice %arg9[%run_scoped3A_62, %dma_start3A_187, %dma_start3A_188] : memref<2x128x128xf32, #tpu.memory_space<vmem>> -> memref<1x128x128xf32, #tpu.memory_space<vmem>>
      %dma_start3A_190 = tpu.memref_squeeze %dma_start3A_189 : memref<1x128x128xf32, #tpu.memory_space<vmem>> -> memref<128x128xf32, #tpu.memory_space<vmem>>
      %dma_start3A_191 = arith.constant 0 : i32
      %dma_start3A_192 = tpu.memref_slice %arg10[%add3A_61, %dma_start3A_191] : memref<10240x128xf32, #tpu.memory_space<vmem_shared>> -> memref<128x128xf32, #tpu.memory_space<vmem_shared>>
      %dma_start3A_193 = arith.constant 0 : i32
      %dma_start3A_194 = tpu.memref_slice %arg10[%add3A_61, %dma_start3A_193] : memref<10240x128xf32, #tpu.memory_space<vmem_shared>> -> memref<128x128xf32, #tpu.memory_space<vmem_shared>>
      %dma_start3A_195 = arith.constant 0 : i32
      %dma_start3A_196 = arith.constant 0 : i32
      %dma_start3A_197 = tpu.memref_slice %arg9[%run_scoped3A_62, %dma_start3A_195, %dma_start3A_196] : memref<2x128x128xf32, #tpu.memory_space<vmem>> -> memref<1x128x128xf32, #tpu.memory_space<vmem>>
      %dma_start3A_198 = tpu.memref_squeeze %dma_start3A_197 : memref<1x128x128xf32, #tpu.memory_space<vmem>> -> memref<128x128xf32, #tpu.memory_space<vmem>>
      tpu.enqueue_dma source(%dma_start3A_198 : memref<128x128xf32, #tpu.memory_space<vmem>>) target(%dma_start3A_194 : memref<128x128xf32, #tpu.memory_space<vmem_shared>>) target_semaphore(%run_scoped3A_186 : memref<!tpu.dma_semaphore, #tpu.memory_space<semaphore_mem>>)
      %dma_wait3A_199 = arith.constant 0 : i32
      %dma_wait3A_200 = arith.constant 0 : i32
      %dma_wait3A_201 = tpu.memref_slice %arg9[%run_scoped3A_62, %dma_wait3A_199, %dma_wait3A_200] : memref<2x128x128xf32, #tpu.memory_space<vmem>> -> memref<1x128x128xf32, #tpu.memory_space<vmem>>
      %dma_wait3A_202 = tpu.memref_squeeze %dma_wait3A_201 : memref<1x128x128xf32, #tpu.memory_space<vmem>> -> memref<128x128xf32, #tpu.memory_space<vmem>>
      %dma_wait3A_203 = arith.constant 0 : i32
      %dma_wait3A_204 = tpu.memref_slice %arg10[%add3A_61, %dma_wait3A_203] : memref<10240x128xf32, #tpu.memory_space<vmem_shared>> -> memref<128x128xf32, #tpu.memory_space<vmem_shared>>
      %dma_wait3A_205 = arith.constant 0 : i32
      %dma_wait3A_206 = tpu.memref_slice %arg10[%add3A_61, %dma_wait3A_205] : memref<10240x128xf32, #tpu.memory_space<vmem_shared>> -> memref<128x128xf32, #tpu.memory_space<vmem_shared>>
      %dma_wait3A_207 = arith.constant 0 : i32
      %dma_wait3A_208 = arith.constant 0 : i32
      %dma_wait3A_209 = tpu.memref_slice %arg9[%run_scoped3A_62, %dma_wait3A_207, %dma_wait3A_208] : memref<2x128x128xf32, #tpu.memory_space<vmem>> -> memref<1x128x128xf32, #tpu.memory_space<vmem>>
      %dma_wait3A_210 = tpu.memref_squeeze %dma_wait3A_209 : memref<1x128x128xf32, #tpu.memory_space<vmem>> -> memref<128x128xf32, #tpu.memory_space<vmem>>
      tpu.wait_dma2 semaphore(%run_scoped3A_186 : memref<!tpu.dma_semaphore, #tpu.memory_space<semaphore_mem>>) src(%dma_wait3A_210 : memref<128x128xf32, #tpu.memory_space<vmem>>) dst(%dma_wait3A_206 : memref<128x128xf32, #tpu.memory_space<vmem_shared>>)
      tpu.yield
    }) : () -> ()
    %barrier3A = arith.constant 0 : index
    tpu.barrier barrier_id(%barrier3A)
    %dma_wait3A = arith.constant 0 : i32
    %dma_wait3A_63 = arith.constant 0 : i32
    %dma_wait3A_64 = arith.constant 0 : i32
    %dma_wait3A_65 = tpu.memref_slice %arg6[%dma_wait3A, %dma_wait3A_63, %dma_wait3A_64] : memref<2x8x128xi32, #tpu.memory_space<vmem>> -> memref<1x8x128xi32, #tpu.memory_space<vmem>>
    %dma_wait3A_66 = tpu.memref_squeeze %dma_wait3A_65 : memref<1x8x128xi32, #tpu.memory_space<vmem>> -> memref<8x128xi32, #tpu.memory_space<vmem>>
    %dma_wait3A_67 = arith.constant 0 : i32
    %dma_wait3A_68 = arith.constant 0 : i32
    %dma_wait3A_69 = tpu.memref_slice %arg3[%add3A, %dma_wait3A_67, %dma_wait3A_68] : memref<32x88x128xi32, #tpu.memory_space<hbm>> -> memref<1x8x128xi32, #tpu.memory_space<hbm>>
    %dma_wait3A_70 = tpu.memref_squeeze %dma_wait3A_69 : memref<1x8x128xi32, #tpu.memory_space<hbm>> -> memref<8x128xi32, #tpu.memory_space<hbm>>
    %dma_wait3A_71 = arith.constant 0 : i32
    %dma_wait3A_72 = arith.constant 0 : i32
    %dma_wait3A_73 = tpu.memref_slice %arg6[%dma_wait3A, %dma_wait3A_71, %dma_wait3A_72] : memref<2x8x128xi32, #tpu.memory_space<vmem>> -> memref<1x8x128xi32, #tpu.memory_space<vmem>>
    %dma_wait3A_74 = tpu.memref_squeeze %dma_wait3A_73 : memref<1x8x128xi32, #tpu.memory_space<vmem>> -> memref<8x128xi32, #tpu.memory_space<vmem>>
    %dma_wait3A_75 = arith.constant 0 : i32
    %dma_wait3A_76 = arith.constant 0 : i32
    %dma_wait3A_77 = tpu.memref_slice %arg3[%add3A, %dma_wait3A_75, %dma_wait3A_76] : memref<32x88x128xi32, #tpu.memory_space<hbm>> -> memref<1x8x128xi32, #tpu.memory_space<hbm>>
    %dma_wait3A_78 = tpu.memref_squeeze %dma_wait3A_77 : memref<1x8x128xi32, #tpu.memory_space<hbm>> -> memref<8x128xi32, #tpu.memory_space<hbm>>
    tpu.wait_dma2 semaphore(%arg14 : memref<!tpu.dma_semaphore, #tpu.memory_space<semaphore_mem>>) src(%dma_wait3A_78 : memref<8x128xi32, #tpu.memory_space<hbm>>) dst(%dma_wait3A_74 : memref<8x128xi32, #tpu.memory_space<vmem>>)
    %dma_wait3A_79 = arith.constant 0 : i32
    %dma_wait3A_80 = arith.constant 0 : i32
    %dma_wait3A_81 = arith.constant 0 : i32
    %dma_wait3A_82 = tpu.memref_slice %arg6[%dma_wait3A_79, %dma_wait3A_80, %dma_wait3A_81] : memref<2x8x128xi32, #tpu.memory_space<vmem>> -> memref<1x8x128xi32, #tpu.memory_space<vmem>>
    %dma_wait3A_83 = tpu.memref_squeeze %dma_wait3A_82 : memref<1x8x128xi32, #tpu.memory_space<vmem>> -> memref<8x128xi32, #tpu.memory_space<vmem>>
    %dma_wait3A_84 = arith.constant 0 : i32
    %dma_wait3A_85 = arith.constant 0 : i32
    %dma_wait3A_86 = tpu.memref_slice %arg3[%add3A, %dma_wait3A_84, %dma_wait3A_85] : memref<32x88x128xi32, #tpu.memory_space<hbm>> -> memref<1x8x128xi32, #tpu.memory_space<hbm>>
    %dma_wait3A_87 = tpu.memref_squeeze %dma_wait3A_86 : memref<1x8x128xi32, #tpu.memory_space<hbm>> -> memref<8x128xi32, #tpu.memory_space<hbm>>
    %dma_wait3A_88 = arith.constant 0 : i32
    %dma_wait3A_89 = arith.constant 0 : i32
    %dma_wait3A_90 = tpu.memref_slice %arg6[%dma_wait3A_79, %dma_wait3A_88, %dma_wait3A_89] : memref<2x8x128xi32, #tpu.memory_space<vmem>> -> memref<1x8x128xi32, #tpu.memory_space<vmem>>
    %dma_wait3A_91 = tpu.memref_squeeze %dma_wait3A_90 : memref<1x8x128xi32, #tpu.memory_space<vmem>> -> memref<8x128xi32, #tpu.memory_space<vmem>>
    %dma_wait3A_92 = arith.constant 0 : i32
    %dma_wait3A_93 = arith.constant 0 : i32
    %dma_wait3A_94 = tpu.memref_slice %arg3[%add3A, %dma_wait3A_92, %dma_wait3A_93] : memref<32x88x128xi32, #tpu.memory_space<hbm>> -> memref<1x8x128xi32, #tpu.memory_space<hbm>>
    %dma_wait3A_95 = tpu.memref_squeeze %dma_wait3A_94 : memref<1x8x128xi32, #tpu.memory_space<hbm>> -> memref<8x128xi32, #tpu.memory_space<hbm>>
    tpu.wait_dma2 semaphore(%arg14 : memref<!tpu.dma_semaphore, #tpu.memory_space<semaphore_mem>>) src(%dma_wait3A_95 : memref<8x128xi32, #tpu.memory_space<hbm>>) dst(%dma_wait3A_91 : memref<8x128xi32, #tpu.memory_space<vmem>>)
    %dma_start3A_96 = arith.constant 0 : i32
    %dma_start3A_97 = arith.constant 0 : i32
    %dma_start3A_98 = arith.constant 0 : i32
    %dma_start3A_99 = arith.constant 0 : i32
    %dma_start3A_100 = arith.constant 0 : i32
    %dma_start3A_101 = tpu.memref_slice %arg9[%dma_start3A_98, %dma_start3A_99, %dma_start3A_100] : memref<2x128x128xf32, #tpu.memory_space<vmem>> -> memref<1x128x128xf32, #tpu.memory_space<vmem>>
    %dma_start3A_102 = tpu.memref_squeeze %dma_start3A_101 : memref<1x128x128xf32, #tpu.memory_space<vmem>> -> memref<128x128xf32, #tpu.memory_space<vmem>>
    %dma_start3A_103 = arith.constant 0 : i32
    %dma_start3A_104 = tpu.memref_slice %arg6[%dma_start3A_96, %dma_start3A_97, %dma_start3A_103] : memref<2x8x128xi32, #tpu.memory_space<vmem>> -> memref<1x1x128xi32, #tpu.memory_space<vmem>>
    %dma_start3A_105 = tpu.memref_squeeze %dma_start3A_104 : memref<1x1x128xi32, #tpu.memory_space<vmem>> -> memref<128xi32, #tpu.memory_space<vmem>>
    %dma_start3A_106 = arith.constant 0 : i32
    %dma_start3A_107 = arith.constant 0 : i32
    %dma_start3A_108 = tpu.memref_slice %arg2[%dma_start3A_106, %dma_start3A_107] : memref<10240x128xf32, #tpu.memory_space<hbm>> -> memref<10240x128xf32, #tpu.memory_space<hbm>>
    tpu.enqueue_indirect_dma source(%dma_start3A_108 : memref<10240x128xf32, #tpu.memory_space<hbm>>) target(%dma_start3A_102 : memref<128x128xf32, #tpu.memory_space<vmem>>) offsets(%dma_start3A_105 : memref<128xi32, #tpu.memory_space<vmem>>) semaphore(%arg11 : memref<!tpu.dma_semaphore, #tpu.memory_space<semaphore_mem>>)
    %scan3A_109 = arith.constant 0 : i32
    %scan3A_110 = arith.constant 0 : i32
    %scan3A_111 = arith.constant 11 : i32
    %scan3A_112 = arith.addi %scan3A_110, %scan3A_111 : i32
    %scan3A_113 = arith.constant 1 : i32
    scf.for %scan3A_186 = %scan3A_110 to %scan3A_112 step %scan3A_113  : i32 {
      %jit3A = arith.constant 2 : i32
      %eq3A = arith.constant 0 : i32
      %eq3A_187 = arith.cmpi eq, %jit3A, %eq3A : i32
      %jit3A_188 = arith.constant 1 : i32
      %select_n3A = arith.select %eq3A_187, %jit3A_188, %jit3A : i32
      %rem3A = arith.remsi %scan3A_186, %select_n3A : i32
      %ne3A = arith.constant 0 : i32
      %ne3A_189 = arith.cmpi ne, %rem3A, %ne3A : i32
      %lt3A = arith.constant 0 : i32
      %lt3A_190 = arith.cmpi slt, %rem3A, %lt3A : i32
      %lt3A_191 = arith.constant 0 : i32
      %lt3A_192 = arith.cmpi slt, %select_n3A, %lt3A_191 : i32
      %ne3A_193 = arith.xori %lt3A_190, %lt3A_192 : i1
      %and3A = arith.andi %ne3A_193, %ne3A_189 : i1
      %add3A_194 = arith.addi %rem3A, %select_n3A : i32
      %select_n3A_195 = arith.select %and3A, %add3A_194, %rem3A : i32
      %add3A_196 = arith.constant 1 : i32
      %add3A_197 = arith.addi %scan3A_186, %add3A_196 : i32
      %min3A = arith.constant 10 : i32
      %min3A_198 = arith.minsi %add3A_197, %min3A : i32
      %sub3A = arith.constant 1 : i32
      %sub3A_199 = arith.subi %sub3A, %select_n3A_195 : i32
      %mul3A_200 = arith.constant 8 : i32
      %mul3A_201 = arith.muli %min3A_198, %mul3A_200 : i32
      %dma_start3A_202 = arith.constant 0 : i32
      %dma_start3A_203 = arith.constant 0 : i32
      %dma_start3A_204 = tpu.memref_slice %arg6[%sub3A_199, %dma_start3A_202, %dma_start3A_203] : memref<2x8x128xi32, #tpu.memory_space<vmem>> -> memref<1x8x128xi32, #tpu.memory_space<vmem>>
      %dma_start3A_205 = tpu.memref_squeeze %dma_start3A_204 : memref<1x8x128xi32, #tpu.memory_space<vmem>> -> memref<8x128xi32, #tpu.memory_space<vmem>>
      %dma_start3A_206 = arith.constant 0 : i32
      %dma_start3A_207 = tpu.memref_slice %arg3[%add3A, %mul3A_201, %dma_start3A_206] : memref<32x88x128xi32, #tpu.memory_space<hbm>> -> memref<1x8x128xi32, #tpu.memory_space<hbm>>
      %dma_start3A_208 = tpu.memref_squeeze %dma_start3A_207 : memref<1x8x128xi32, #tpu.memory_space<hbm>> -> memref<8x128xi32, #tpu.memory_space<hbm>>
      %dma_start3A_209 = arith.constant 0 : i32
      %dma_start3A_210 = arith.constant 0 : i32
      %dma_start3A_211 = tpu.memref_slice %arg6[%sub3A_199, %dma_start3A_209, %dma_start3A_210] : memref<2x8x128xi32, #tpu.memory_space<vmem>> -> memref<1x8x128xi32, #tpu.memory_space<vmem>>
      %dma_start3A_212 = tpu.memref_squeeze %dma_start3A_211 : memref<1x8x128xi32, #tpu.memory_space<vmem>> -> memref<8x128xi32, #tpu.memory_space<vmem>>
      %dma_start3A_213 = arith.constant 0 : i32
      %dma_start3A_214 = tpu.memref_slice %arg3[%add3A, %mul3A_201, %dma_start3A_213] : memref<32x88x128xi32, #tpu.memory_space<hbm>> -> memref<1x8x128xi32, #tpu.memory_space<hbm>>
      %dma_start3A_215 = tpu.memref_squeeze %dma_start3A_214 : memref<1x8x128xi32, #tpu.memory_space<hbm>> -> memref<8x128xi32, #tpu.memory_space<hbm>>
      tpu.enqueue_dma source(%dma_start3A_215 : memref<8x128xi32, #tpu.memory_space<hbm>>) target(%dma_start3A_212 : memref<8x128xi32, #tpu.memory_space<vmem>>) target_semaphore(%arg14 : memref<!tpu.dma_semaphore, #tpu.memory_space<semaphore_mem>>)
      %mul3A_216 = arith.constant 8 : i32
      %mul3A_217 = arith.muli %min3A_198, %mul3A_216 : i32
      %dma_start3A_218 = arith.constant 0 : i32
      %dma_start3A_219 = arith.constant 0 : i32
      %dma_start3A_220 = tpu.memref_slice %arg7[%sub3A_199, %dma_start3A_218, %dma_start3A_219] : memref<2x8x128xi32, #tpu.memory_space<vmem>> -> memref<1x8x128xi32, #tpu.memory_space<vmem>>
      %dma_start3A_221 = tpu.memref_squeeze %dma_start3A_220 : memref<1x8x128xi32, #tpu.memory_space<vmem>> -> memref<8x128xi32, #tpu.memory_space<vmem>>
      %dma_start3A_222 = arith.constant 0 : i32
      %dma_start3A_223 = tpu.memref_slice %arg4[%add3A, %mul3A_217, %dma_start3A_222] : memref<32x88x128xi32, #tpu.memory_space<hbm>> -> memref<1x8x128xi32, #tpu.memory_space<hbm>>
      %dma_start3A_224 = tpu.memref_squeeze %dma_start3A_223 : memref<1x8x128xi32, #tpu.memory_space<hbm>> -> memref<8x128xi32, #tpu.memory_space<hbm>>
      %dma_start3A_225 = arith.constant 0 : i32
      %dma_start3A_226 = arith.constant 0 : i32
      %dma_start3A_227 = tpu.memref_slice %arg7[%sub3A_199, %dma_start3A_225, %dma_start3A_226] : memref<2x8x128xi32, #tpu.memory_space<vmem>> -> memref<1x8x128xi32, #tpu.memory_space<vmem>>
      %dma_start3A_228 = tpu.memref_squeeze %dma_start3A_227 : memref<1x8x128xi32, #tpu.memory_space<vmem>> -> memref<8x128xi32, #tpu.memory_space<vmem>>
      %dma_start3A_229 = arith.constant 0 : i32
      %dma_start3A_230 = tpu.memref_slice %arg4[%add3A, %mul3A_217, %dma_start3A_229] : memref<32x88x128xi32, #tpu.memory_space<hbm>> -> memref<1x8x128xi32, #tpu.memory_space<hbm>>
      %dma_start3A_231 = tpu.memref_squeeze %dma_start3A_230 : memref<1x8x128xi32, #tpu.memory_space<hbm>> -> memref<8x128xi32, #tpu.memory_space<hbm>>
      tpu.enqueue_dma source(%dma_start3A_231 : memref<8x128xi32, #tpu.memory_space<hbm>>) target(%dma_start3A_228 : memref<8x128xi32, #tpu.memory_space<vmem>>) target_semaphore(%arg14 : memref<!tpu.dma_semaphore, #tpu.memory_space<semaphore_mem>>)
      %mul3A_232 = arith.constant 8 : i32
      %mul3A_233 = arith.muli %scan3A_186, %mul3A_232 : i32
      %add3A_234 = arith.constant 0 : i32
      %add3A_235 = arith.addi %mul3A_233, %add3A_234 : i32
      %lt3A_236 = arith.constant 81 : i32
      %lt3A_237 = arith.cmpi slt, %add3A_235, %lt3A_236 : i32
      %gt3A = arith.constant 0 : i32
      %gt3A_238 = arith.cmpi sgt, %scan3A_186, %gt3A : i32
      %convert_element_type3A = arith.extui %gt3A_238 : i1 to i32
      %cond3A = arith.constant 0 : i32
      %cond3A_239 = arith.cmpi ne, %convert_element_type3A, %cond3A : i32
      scf.if %cond3A_239 {
        %dma_wait3A_544 = arith.constant 1 : i32
        %dma_wait3A_545 = arith.constant 0 : i32
        %dma_wait3A_546 = arith.constant 0 : i32
        %dma_wait3A_547 = tpu.memref_slice %arg9[%dma_wait3A_544, %dma_wait3A_545, %dma_wait3A_546] : memref<2x128x128xf32, #tpu.memory_space<vmem>> -> memref<1x128x128xf32, #tpu.memory_space<vmem>>
        %dma_wait3A_548 = tpu.memref_squeeze %dma_wait3A_547 : memref<1x128x128xf32, #tpu.memory_space<vmem>> -> memref<128x128xf32, #tpu.memory_space<vmem>>
        %dma_wait3A_549 = arith.constant 0 : i32
        %dma_wait3A_550 = arith.constant 0 : i32
        %dma_wait3A_551 = tpu.memref_slice %arg2[%dma_wait3A_549, %dma_wait3A_550] : memref<10240x128xf32, #tpu.memory_space<hbm>> -> memref<128x128xf32, #tpu.memory_space<hbm>>
        %dma_wait3A_552 = arith.constant 0 : i32
        %dma_wait3A_553 = arith.constant 0 : i32
        %dma_wait3A_554 = tpu.memref_slice %arg9[%dma_wait3A_544, %dma_wait3A_552, %dma_wait3A_553] : memref<2x128x128xf32, #tpu.memory_space<vmem>> -> memref<1x128x128xf32, #tpu.memory_space<vmem>>
        %dma_wait3A_555 = tpu.memref_squeeze %dma_wait3A_554 : memref<1x128x128xf32, #tpu.memory_space<vmem>> -> memref<128x128xf32, #tpu.memory_space<vmem>>
        %dma_wait3A_556 = arith.constant 0 : i32
        %dma_wait3A_557 = arith.constant 0 : i32
        %dma_wait3A_558 = tpu.memref_slice %arg2[%dma_wait3A_556, %dma_wait3A_557] : memref<10240x128xf32, #tpu.memory_space<hbm>> -> memref<128x128xf32, #tpu.memory_space<hbm>>
        tpu.wait_dma2 semaphore(%arg13 : memref<!tpu.dma_semaphore, #tpu.memory_space<semaphore_mem>>) src(%dma_wait3A_558 : memref<128x128xf32, #tpu.memory_space<hbm>>) dst(%dma_wait3A_555 : memref<128x128xf32, #tpu.memory_space<vmem>>)
      } else {
      }
      %mul3A_240 = arith.constant 8 : i32
      %mul3A_241 = arith.muli %scan3A_186, %mul3A_240 : i32
      %add3A_242 = arith.constant 0 : i32
      %add3A_243 = arith.addi %mul3A_241, %add3A_242 : i32
      %add3A_244 = arith.constant 1 : i32
      %add3A_245 = arith.addi %add3A_243, %add3A_244 : i32
      %lt3A_246 = arith.constant 81 : i32
      %lt3A_247 = arith.cmpi slt, %add3A_245, %lt3A_246 : i32
      %convert_element_type3A_248 = arith.extui %lt3A_247 : i1 to i32
      %cond3A_249 = arith.constant 0 : i32
      %cond3A_250 = arith.cmpi ne, %convert_element_type3A_248, %cond3A_249 : i32
      scf.if %cond3A_250 {
        %dma_start3A_544 = arith.constant 1 : i32
        %dma_start3A_545 = arith.constant 1 : i32
        %dma_start3A_546 = arith.constant 0 : i32
        %dma_start3A_547 = arith.constant 0 : i32
        %dma_start3A_548 = tpu.memref_slice %arg9[%dma_start3A_545, %dma_start3A_546, %dma_start3A_547] : memref<2x128x128xf32, #tpu.memory_space<vmem>> -> memref<1x128x128xf32, #tpu.memory_space<vmem>>
        %dma_start3A_549 = tpu.memref_squeeze %dma_start3A_548 : memref<1x128x128xf32, #tpu.memory_space<vmem>> -> memref<128x128xf32, #tpu.memory_space<vmem>>
        %dma_start3A_550 = arith.constant 0 : i32
        %dma_start3A_551 = tpu.memref_slice %arg6[%select_n3A_195, %dma_start3A_544, %dma_start3A_550] : memref<2x8x128xi32, #tpu.memory_space<vmem>> -> memref<1x1x128xi32, #tpu.memory_space<vmem>>
        %dma_start3A_552 = tpu.memref_squeeze %dma_start3A_551 : memref<1x1x128xi32, #tpu.memory_space<vmem>> -> memref<128xi32, #tpu.memory_space<vmem>>
        %dma_start3A_553 = arith.constant 0 : i32
        %dma_start3A_554 = arith.constant 0 : i32
        %dma_start3A_555 = tpu.memref_slice %arg2[%dma_start3A_553, %dma_start3A_554] : memref<10240x128xf32, #tpu.memory_space<hbm>> -> memref<10240x128xf32, #tpu.memory_space<hbm>>
        tpu.enqueue_indirect_dma source(%dma_start3A_555 : memref<10240x128xf32, #tpu.memory_space<hbm>>) target(%dma_start3A_549 : memref<128x128xf32, #tpu.memory_space<vmem>>) offsets(%dma_start3A_552 : memref<128xi32, #tpu.memory_space<vmem>>) semaphore(%arg12 : memref<!tpu.dma_semaphore, #tpu.memory_space<semaphore_mem>>)
      } else {
      }
      %dma_wait3A_251 = arith.constant 0 : i32
      %dma_wait3A_252 = arith.constant 0 : i32
      %dma_wait3A_253 = arith.constant 0 : i32
      %dma_wait3A_254 = tpu.memref_slice %arg9[%dma_wait3A_251, %dma_wait3A_252, %dma_wait3A_253] : memref<2x128x128xf32, #tpu.memory_space<vmem>> -> memref<1x128x128xf32, #tpu.memory_space<vmem>>
      %dma_wait3A_255 = tpu.memref_squeeze %dma_wait3A_254 : memref<1x128x128xf32, #tpu.memory_space<vmem>> -> memref<128x128xf32, #tpu.memory_space<vmem>>
      %dma_wait3A_256 = arith.constant 0 : i32
      %dma_wait3A_257 = arith.constant 0 : i32
      %dma_wait3A_258 = tpu.memref_slice %arg2[%dma_wait3A_256, %dma_wait3A_257] : memref<10240x128xf32, #tpu.memory_space<hbm>> -> memref<128x128xf32, #tpu.memory_space<hbm>>
      %dma_wait3A_259 = arith.constant 0 : i32
      %dma_wait3A_260 = arith.constant 0 : i32
      %dma_wait3A_261 = tpu.memref_slice %arg9[%dma_wait3A_251, %dma_wait3A_259, %dma_wait3A_260] : memref<2x128x128xf32, #tpu.memory_space<vmem>> -> memref<1x128x128xf32, #tpu.memory_space<vmem>>
      %dma_wait3A_262 = tpu.memref_squeeze %dma_wait3A_261 : memref<1x128x128xf32, #tpu.memory_space<vmem>> -> memref<128x128xf32, #tpu.memory_space<vmem>>
      %dma_wait3A_263 = arith.constant 0 : i32
      %dma_wait3A_264 = arith.constant 0 : i32
      %dma_wait3A_265 = tpu.memref_slice %arg2[%dma_wait3A_263, %dma_wait3A_264] : memref<10240x128xf32, #tpu.memory_space<hbm>> -> memref<128x128xf32, #tpu.memory_space<hbm>>
      tpu.wait_dma2 semaphore(%arg11 : memref<!tpu.dma_semaphore, #tpu.memory_space<semaphore_mem>>) src(%dma_wait3A_265 : memref<128x128xf32, #tpu.memory_space<hbm>>) dst(%dma_wait3A_262 : memref<128x128xf32, #tpu.memory_space<vmem>>)
      %run_scoped3A_266 = arith.constant 0 : i32
      %run_scoped3A_267 = arith.constant 0 : i32
      "tpu.region"() ({
        %run_scoped3A_544 = tpu.sem_alloc : memref<!tpu.dma_semaphore, #tpu.memory_space<semaphore_mem>>
        %dma_start3A_545 = arith.constant 0 : i32
        %dma_start3A_546 = arith.constant 0 : i32
        %dma_start3A_547 = tpu.memref_slice %arg9[%run_scoped3A_266, %dma_start3A_545, %dma_start3A_546] : memref<2x128x128xf32, #tpu.memory_space<vmem>> -> memref<1x128x128xf32, #tpu.memory_space<vmem>>
        %dma_start3A_548 = tpu.memref_squeeze %dma_start3A_547 : memref<1x128x128xf32, #tpu.memory_space<vmem>> -> memref<128x128xf32, #tpu.memory_space<vmem>>
        %dma_start3A_549 = arith.constant 0 : i32
        %dma_start3A_550 = tpu.memref_slice %arg7[%select_n3A_195, %run_scoped3A_267, %dma_start3A_549] : memref<2x8x128xi32, #tpu.memory_space<vmem>> -> memref<1x1x128xi32, #tpu.memory_space<vmem>>
        %dma_start3A_551 = tpu.memref_squeeze %dma_start3A_550 : memref<1x1x128xi32, #tpu.memory_space<vmem>> -> memref<128xi32, #tpu.memory_space<vmem>>
        %dma_start3A_552 = arith.constant 0 : i32
        %dma_start3A_553 = arith.constant 0 : i32
        %dma_start3A_554 = tpu.memref_slice %arg10[%dma_start3A_552, %dma_start3A_553] : memref<10240x128xf32, #tpu.memory_space<vmem_shared>> -> memref<10240x128xf32, #tpu.memory_space<vmem_shared>>
        tpu.enqueue_indirect_dma source(%dma_start3A_548 : memref<128x128xf32, #tpu.memory_space<vmem>>) target(%dma_start3A_554 : memref<10240x128xf32, #tpu.memory_space<vmem_shared>>) offsets(%dma_start3A_551 : memref<128xi32, #tpu.memory_space<vmem>>) semaphore(%run_scoped3A_544 : memref<!tpu.dma_semaphore, #tpu.memory_space<semaphore_mem>>) {add = true}
        %dma_wait3A_555 = arith.constant 0 : i32
        %dma_wait3A_556 = arith.constant 0 : i32
        %dma_wait3A_557 = tpu.memref_slice %arg9[%run_scoped3A_266, %dma_wait3A_555, %dma_wait3A_556] : memref<2x128x128xf32, #tpu.memory_space<vmem>> -> memref<1x128x128xf32, #tpu.memory_space<vmem>>
        %dma_wait3A_558 = tpu.memref_squeeze %dma_wait3A_557 : memref<1x128x128xf32, #tpu.memory_space<vmem>> -> memref<128x128xf32, #tpu.memory_space<vmem>>
        %dma_wait3A_559 = arith.constant 0 : i32
        %dma_wait3A_560 = tpu.memref_slice %arg7[%select_n3A_195, %run_scoped3A_267, %dma_wait3A_559] : memref<2x8x128xi32, #tpu.memory_space<vmem>> -> memref<1x1x128xi32, #tpu.memory_space<vmem>>
        %dma_wait3A_561 = tpu.memref_squeeze %dma_wait3A_560 : memref<1x1x128xi32, #tpu.memory_space<vmem>> -> memref<128xi32, #tpu.memory_space<vmem>>
        %dma_wait3A_562 = arith.constant 0 : i32
        %dma_wait3A_563 = arith.constant 0 : i32
        %dma_wait3A_564 = tpu.memref_slice %arg10[%dma_wait3A_562, %dma_wait3A_563] : memref<10240x128xf32, #tpu.memory_space<vmem_shared>> -> memref<10240x128xf32, #tpu.memory_space<vmem_shared>>
        tpu.wait_indirect_dma semaphore(%run_scoped3A_544 : memref<!tpu.dma_semaphore, #tpu.memory_space<semaphore_mem>>) src(%dma_wait3A_558 : memref<128x128xf32, #tpu.memory_space<vmem>>) dst(%dma_wait3A_564 : memref<10240x128xf32, #tpu.memory_space<vmem_shared>>)
        tpu.yield
      }) : () -> ()
      %mul3A_268 = arith.constant 8 : i32
      %mul3A_269 = arith.muli %scan3A_186, %mul3A_268 : i32
      %add3A_270 = arith.constant 1 : i32
      %add3A_271 = arith.addi %mul3A_269, %add3A_270 : i32
      %lt3A_272 = arith.constant 81 : i32
      %lt3A_273 = arith.cmpi slt, %add3A_271, %lt3A_272 : i32
      %mul3A_274 = arith.constant 8 : i32
      %mul3A_275 = arith.muli %scan3A_186, %mul3A_274 : i32
      %add3A_276 = arith.constant 1 : i32
      %add3A_277 = arith.addi %mul3A_275, %add3A_276 : i32
      %add3A_278 = arith.constant 1 : i32
      %add3A_279 = arith.addi %add3A_277, %add3A_278 : i32
      %lt3A_280 = arith.constant 81 : i32
      %lt3A_281 = arith.cmpi slt, %add3A_279, %lt3A_280 : i32
      %convert_element_type3A_282 = arith.extui %lt3A_281 : i1 to i32
      %cond3A_283 = arith.constant 0 : i32
      %cond3A_284 = arith.cmpi ne, %convert_element_type3A_282, %cond3A_283 : i32
      scf.if %cond3A_284 {
        %dma_start3A_544 = arith.constant 2 : i32
        %dma_start3A_545 = arith.constant 0 : i32
        %dma_start3A_546 = arith.constant 0 : i32
        %dma_start3A_547 = arith.constant 0 : i32
        %dma_start3A_548 = tpu.memref_slice %arg9[%dma_start3A_545, %dma_start3A_546, %dma_start3A_547] : memref<2x128x128xf32, #tpu.memory_space<vmem>> -> memref<1x128x128xf32, #tpu.memory_space<vmem>>
        %dma_start3A_549 = tpu.memref_squeeze %dma_start3A_548 : memref<1x128x128xf32, #tpu.memory_space<vmem>> -> memref<128x128xf32, #tpu.memory_space<vmem>>
        %dma_start3A_550 = arith.constant 0 : i32
        %dma_start3A_551 = tpu.memref_slice %arg6[%select_n3A_195, %dma_start3A_544, %dma_start3A_550] : memref<2x8x128xi32, #tpu.memory_space<vmem>> -> memref<1x1x128xi32, #tpu.memory_space<vmem>>
        %dma_start3A_552 = tpu.memref_squeeze %dma_start3A_551 : memref<1x1x128xi32, #tpu.memory_space<vmem>> -> memref<128xi32, #tpu.memory_space<vmem>>
        %dma_start3A_553 = arith.constant 0 : i32
        %dma_start3A_554 = arith.constant 0 : i32
        %dma_start3A_555 = tpu.memref_slice %arg2[%dma_start3A_553, %dma_start3A_554] : memref<10240x128xf32, #tpu.memory_space<hbm>> -> memref<10240x128xf32, #tpu.memory_space<hbm>>
        tpu.enqueue_indirect_dma source(%dma_start3A_555 : memref<10240x128xf32, #tpu.memory_space<hbm>>) target(%dma_start3A_549 : memref<128x128xf32, #tpu.memory_space<vmem>>) offsets(%dma_start3A_552 : memref<128xi32, #tpu.memory_space<vmem>>) semaphore(%arg11 : memref<!tpu.dma_semaphore, #tpu.memory_space<semaphore_mem>>)
      } else {
      }
      %convert_element_type3A_285 = arith.extui %lt3A_273 : i1 to i32
      %cond3A_286 = arith.constant 0 : i32
      %cond3A_287 = arith.cmpi ne, %convert_element_type3A_285, %cond3A_286 : i32
      scf.if %cond3A_287 {
        %dma_wait3A_544 = arith.constant 1 : i32
        %dma_wait3A_545 = arith.constant 0 : i32
        %dma_wait3A_546 = arith.constant 0 : i32
        %dma_wait3A_547 = tpu.memref_slice %arg9[%dma_wait3A_544, %dma_wait3A_545, %dma_wait3A_546] : memref<2x128x128xf32, #tpu.memory_space<vmem>> -> memref<1x128x128xf32, #tpu.memory_space<vmem>>
        %dma_wait3A_548 = tpu.memref_squeeze %dma_wait3A_547 : memref<1x128x128xf32, #tpu.memory_space<vmem>> -> memref<128x128xf32, #tpu.memory_space<vmem>>
        %dma_wait3A_549 = arith.constant 0 : i32
        %dma_wait3A_550 = arith.constant 0 : i32
        %dma_wait3A_551 = tpu.memref_slice %arg2[%dma_wait3A_549, %dma_wait3A_550] : memref<10240x128xf32, #tpu.memory_space<hbm>> -> memref<128x128xf32, #tpu.memory_space<hbm>>
        %dma_wait3A_552 = arith.constant 0 : i32
        %dma_wait3A_553 = arith.constant 0 : i32
        %dma_wait3A_554 = tpu.memref_slice %arg9[%dma_wait3A_544, %dma_wait3A_552, %dma_wait3A_553] : memref<2x128x128xf32, #tpu.memory_space<vmem>> -> memref<1x128x128xf32, #tpu.memory_space<vmem>>
        %dma_wait3A_555 = tpu.memref_squeeze %dma_wait3A_554 : memref<1x128x128xf32, #tpu.memory_space<vmem>> -> memref<128x128xf32, #tpu.memory_space<vmem>>
        %dma_wait3A_556 = arith.constant 0 : i32
        %dma_wait3A_557 = arith.constant 0 : i32
        %dma_wait3A_558 = tpu.memref_slice %arg2[%dma_wait3A_556, %dma_wait3A_557] : memref<10240x128xf32, #tpu.memory_space<hbm>> -> memref<128x128xf32, #tpu.memory_space<hbm>>
        tpu.wait_dma2 semaphore(%arg12 : memref<!tpu.dma_semaphore, #tpu.memory_space<semaphore_mem>>) src(%dma_wait3A_558 : memref<128x128xf32, #tpu.memory_space<hbm>>) dst(%dma_wait3A_555 : memref<128x128xf32, #tpu.memory_space<vmem>>)
        %run_scoped3A_559 = arith.constant 1 : i32
        %run_scoped3A_560 = arith.constant 1 : i32
        "tpu.region"() ({
          %run_scoped3A_561 = tpu.sem_alloc : memref<!tpu.dma_semaphore, #tpu.memory_space<semaphore_mem>>
          %dma_start3A_562 = arith.constant 0 : i32
          %dma_start3A_563 = arith.constant 0 : i32
          %dma_start3A_564 = tpu.memref_slice %arg9[%run_scoped3A_559, %dma_start3A_562, %dma_start3A_563] : memref<2x128x128xf32, #tpu.memory_space<vmem>> -> memref<1x128x128xf32, #tpu.memory_space<vmem>>
          %dma_start3A_565 = tpu.memref_squeeze %dma_start3A_564 : memref<1x128x128xf32, #tpu.memory_space<vmem>> -> memref<128x128xf32, #tpu.memory_space<vmem>>
          %dma_start3A_566 = arith.constant 0 : i32
          %dma_start3A_567 = tpu.memref_slice %arg7[%select_n3A_195, %run_scoped3A_560, %dma_start3A_566] : memref<2x8x128xi32, #tpu.memory_space<vmem>> -> memref<1x1x128xi32, #tpu.memory_space<vmem>>
          %dma_start3A_568 = tpu.memref_squeeze %dma_start3A_567 : memref<1x1x128xi32, #tpu.memory_space<vmem>> -> memref<128xi32, #tpu.memory_space<vmem>>
          %dma_start3A_569 = arith.constant 0 : i32
          %dma_start3A_570 = arith.constant 0 : i32
          %dma_start3A_571 = tpu.memref_slice %arg10[%dma_start3A_569, %dma_start3A_570] : memref<10240x128xf32, #tpu.memory_space<vmem_shared>> -> memref<10240x128xf32, #tpu.memory_space<vmem_shared>>
          tpu.enqueue_indirect_dma source(%dma_start3A_565 : memref<128x128xf32, #tpu.memory_space<vmem>>) target(%dma_start3A_571 : memref<10240x128xf32, #tpu.memory_space<vmem_shared>>) offsets(%dma_start3A_568 : memref<128xi32, #tpu.memory_space<vmem>>) semaphore(%run_scoped3A_561 : memref<!tpu.dma_semaphore, #tpu.memory_space<semaphore_mem>>) {add = true}
          %dma_wait3A_572 = arith.constant 0 : i32
          %dma_wait3A_573 = arith.constant 0 : i32
          %dma_wait3A_574 = tpu.memref_slice %arg9[%run_scoped3A_559, %dma_wait3A_572, %dma_wait3A_573] : memref<2x128x128xf32, #tpu.memory_space<vmem>> -> memref<1x128x128xf32, #tpu.memory_space<vmem>>
          %dma_wait3A_575 = tpu.memref_squeeze %dma_wait3A_574 : memref<1x128x128xf32, #tpu.memory_space<vmem>> -> memref<128x128xf32, #tpu.memory_space<vmem>>
          %dma_wait3A_576 = arith.constant 0 : i32
          %dma_wait3A_577 = tpu.memref_slice %arg7[%select_n3A_195, %run_scoped3A_560, %dma_wait3A_576] : memref<2x8x128xi32, #tpu.memory_space<vmem>> -> memref<1x1x128xi32, #tpu.memory_space<vmem>>
          %dma_wait3A_578 = tpu.memref_squeeze %dma_wait3A_577 : memref<1x1x128xi32, #tpu.memory_space<vmem>> -> memref<128xi32, #tpu.memory_space<vmem>>
          %dma_wait3A_579 = arith.constant 0 : i32
          %dma_wait3A_580 = arith.constant 0 : i32
          %dma_wait3A_581 = tpu.memref_slice %arg10[%dma_wait3A_579, %dma_wait3A_580] : memref<10240x128xf32, #tpu.memory_space<vmem_shared>> -> memref<10240x128xf32, #tpu.memory_space<vmem_shared>>
          tpu.wait_indirect_dma semaphore(%run_scoped3A_561 : memref<!tpu.dma_semaphore, #tpu.memory_space<semaphore_mem>>) src(%dma_wait3A_575 : memref<128x128xf32, #tpu.memory_space<vmem>>) dst(%dma_wait3A_581 : memref<10240x128xf32, #tpu.memory_space<vmem_shared>>)
          tpu.yield
        }) : () -> ()
      } else {
      }
      %mul3A_288 = arith.constant 8 : i32
      %mul3A_289 = arith.muli %scan3A_186, %mul3A_288 : i32
      %add3A_290 = arith.constant 2 : i32
      %add3A_291 = arith.addi %mul3A_289, %add3A_290 : i32
      %lt3A_292 = arith.constant 81 : i32
      %lt3A_293 = arith.cmpi slt, %add3A_291, %lt3A_292 : i32
      %mul3A_294 = arith.constant 8 : i32
      %mul3A_295 = arith.muli %scan3A_186, %mul3A_294 : i32
      %add3A_296 = arith.constant 2 : i32
      %add3A_297 = arith.addi %mul3A_295, %add3A_296 : i32
      %add3A_298 = arith.constant 1 : i32
      %add3A_299 = arith.addi %add3A_297, %add3A_298 : i32
      %lt3A_300 = arith.constant 81 : i32
      %lt3A_301 = arith.cmpi slt, %add3A_299, %lt3A_300 : i32
      %convert_element_type3A_302 = arith.extui %lt3A_301 : i1 to i32
      %cond3A_303 = arith.constant 0 : i32
      %cond3A_304 = arith.cmpi ne, %convert_element_type3A_302, %cond3A_303 : i32
      scf.if %cond3A_304 {
        %dma_start3A_544 = arith.constant 3 : i32
        %dma_start3A_545 = arith.constant 1 : i32
        %dma_start3A_546 = arith.constant 0 : i32
        %dma_start3A_547 = arith.constant 0 : i32
        %dma_start3A_548 = tpu.memref_slice %arg9[%dma_start3A_545, %dma_start3A_546, %dma_start3A_547] : memref<2x128x128xf32, #tpu.memory_space<vmem>> -> memref<1x128x128xf32, #tpu.memory_space<vmem>>
        %dma_start3A_549 = tpu.memref_squeeze %dma_start3A_548 : memref<1x128x128xf32, #tpu.memory_space<vmem>> -> memref<128x128xf32, #tpu.memory_space<vmem>>
        %dma_start3A_550 = arith.constant 0 : i32
        %dma_start3A_551 = tpu.memref_slice %arg6[%select_n3A_195, %dma_start3A_544, %dma_start3A_550] : memref<2x8x128xi32, #tpu.memory_space<vmem>> -> memref<1x1x128xi32, #tpu.memory_space<vmem>>
        %dma_start3A_552 = tpu.memref_squeeze %dma_start3A_551 : memref<1x1x128xi32, #tpu.memory_space<vmem>> -> memref<128xi32, #tpu.memory_space<vmem>>
        %dma_start3A_553 = arith.constant 0 : i32
        %dma_start3A_554 = arith.constant 0 : i32
        %dma_start3A_555 = tpu.memref_slice %arg2[%dma_start3A_553, %dma_start3A_554] : memref<10240x128xf32, #tpu.memory_space<hbm>> -> memref<10240x128xf32, #tpu.memory_space<hbm>>
        tpu.enqueue_indirect_dma source(%dma_start3A_555 : memref<10240x128xf32, #tpu.memory_space<hbm>>) target(%dma_start3A_549 : memref<128x128xf32, #tpu.memory_space<vmem>>) offsets(%dma_start3A_552 : memref<128xi32, #tpu.memory_space<vmem>>) semaphore(%arg12 : memref<!tpu.dma_semaphore, #tpu.memory_space<semaphore_mem>>)
      } else {
      }
      %convert_element_type3A_305 = arith.extui %lt3A_293 : i1 to i32
      %cond3A_306 = arith.constant 0 : i32
      %cond3A_307 = arith.cmpi ne, %convert_element_type3A_305, %cond3A_306 : i32
      scf.if %cond3A_307 {
        %dma_wait3A_544 = arith.constant 0 : i32
        %dma_wait3A_545 = arith.constant 0 : i32
        %dma_wait3A_546 = arith.constant 0 : i32
        %dma_wait3A_547 = tpu.memref_slice %arg9[%dma_wait3A_544, %dma_wait3A_545, %dma_wait3A_546] : memref<2x128x128xf32, #tpu.memory_space<vmem>> -> memref<1x128x128xf32, #tpu.memory_space<vmem>>
        %dma_wait3A_548 = tpu.memref_squeeze %dma_wait3A_547 : memref<1x128x128xf32, #tpu.memory_space<vmem>> -> memref<128x128xf32, #tpu.memory_space<vmem>>
        %dma_wait3A_549 = arith.constant 0 : i32
        %dma_wait3A_550 = arith.constant 0 : i32
        %dma_wait3A_551 = tpu.memref_slice %arg2[%dma_wait3A_549, %dma_wait3A_550] : memref<10240x128xf32, #tpu.memory_space<hbm>> -> memref<128x128xf32, #tpu.memory_space<hbm>>
        %dma_wait3A_552 = arith.constant 0 : i32
        %dma_wait3A_553 = arith.constant 0 : i32
        %dma_wait3A_554 = tpu.memref_slice %arg9[%dma_wait3A_544, %dma_wait3A_552, %dma_wait3A_553] : memref<2x128x128xf32, #tpu.memory_space<vmem>> -> memref<1x128x128xf32, #tpu.memory_space<vmem>>
        %dma_wait3A_555 = tpu.memref_squeeze %dma_wait3A_554 : memref<1x128x128xf32, #tpu.memory_space<vmem>> -> memref<128x128xf32, #tpu.memory_space<vmem>>
        %dma_wait3A_556 = arith.constant 0 : i32
        %dma_wait3A_557 = arith.constant 0 : i32
        %dma_wait3A_558 = tpu.memref_slice %arg2[%dma_wait3A_556, %dma_wait3A_557] : memref<10240x128xf32, #tpu.memory_space<hbm>> -> memref<128x128xf32, #tpu.memory_space<hbm>>
        tpu.wait_dma2 semaphore(%arg11 : memref<!tpu.dma_semaphore, #tpu.memory_space<semaphore_mem>>) src(%dma_wait3A_558 : memref<128x128xf32, #tpu.memory_space<hbm>>) dst(%dma_wait3A_555 : memref<128x128xf32, #tpu.memory_space<vmem>>)
        %run_scoped3A_559 = arith.constant 0 : i32
        %run_scoped3A_560 = arith.constant 2 : i32
        "tpu.region"() ({
          %run_scoped3A_561 = tpu.sem_alloc : memref<!tpu.dma_semaphore, #tpu.memory_space<semaphore_mem>>
          %dma_start3A_562 = arith.constant 0 : i32
          %dma_start3A_563 = arith.constant 0 : i32
          %dma_start3A_564 = tpu.memref_slice %arg9[%run_scoped3A_559, %dma_start3A_562, %dma_start3A_563] : memref<2x128x128xf32, #tpu.memory_space<vmem>> -> memref<1x128x128xf32, #tpu.memory_space<vmem>>
          %dma_start3A_565 = tpu.memref_squeeze %dma_start3A_564 : memref<1x128x128xf32, #tpu.memory_space<vmem>> -> memref<128x128xf32, #tpu.memory_space<vmem>>
          %dma_start3A_566 = arith.constant 0 : i32
          %dma_start3A_567 = tpu.memref_slice %arg7[%select_n3A_195, %run_scoped3A_560, %dma_start3A_566] : memref<2x8x128xi32, #tpu.memory_space<vmem>> -> memref<1x1x128xi32, #tpu.memory_space<vmem>>
          %dma_start3A_568 = tpu.memref_squeeze %dma_start3A_567 : memref<1x1x128xi32, #tpu.memory_space<vmem>> -> memref<128xi32, #tpu.memory_space<vmem>>
          %dma_start3A_569 = arith.constant 0 : i32
          %dma_start3A_570 = arith.constant 0 : i32
          %dma_start3A_571 = tpu.memref_slice %arg10[%dma_start3A_569, %dma_start3A_570] : memref<10240x128xf32, #tpu.memory_space<vmem_shared>> -> memref<10240x128xf32, #tpu.memory_space<vmem_shared>>
          tpu.enqueue_indirect_dma source(%dma_start3A_565 : memref<128x128xf32, #tpu.memory_space<vmem>>) target(%dma_start3A_571 : memref<10240x128xf32, #tpu.memory_space<vmem_shared>>) offsets(%dma_start3A_568 : memref<128xi32, #tpu.memory_space<vmem>>) semaphore(%run_scoped3A_561 : memref<!tpu.dma_semaphore, #tpu.memory_space<semaphore_mem>>) {add = true}
          %dma_wait3A_572 = arith.constant 0 : i32
          %dma_wait3A_573 = arith.constant 0 : i32
          %dma_wait3A_574 = tpu.memref_slice %arg9[%run_scoped3A_559, %dma_wait3A_572, %dma_wait3A_573] : memref<2x128x128xf32, #tpu.memory_space<vmem>> -> memref<1x128x128xf32, #tpu.memory_space<vmem>>
          %dma_wait3A_575 = tpu.memref_squeeze %dma_wait3A_574 : memref<1x128x128xf32, #tpu.memory_space<vmem>> -> memref<128x128xf32, #tpu.memory_space<vmem>>
          %dma_wait3A_576 = arith.constant 0 : i32
          %dma_wait3A_577 = tpu.memref_slice %arg7[%select_n3A_195, %run_scoped3A_560, %dma_wait3A_576] : memref<2x8x128xi32, #tpu.memory_space<vmem>> -> memref<1x1x128xi32, #tpu.memory_space<vmem>>
          %dma_wait3A_578 = tpu.memref_squeeze %dma_wait3A_577 : memref<1x1x128xi32, #tpu.memory_space<vmem>> -> memref<128xi32, #tpu.memory_space<vmem>>
          %dma_wait3A_579 = arith.constant 0 : i32
          %dma_wait3A_580 = arith.constant 0 : i32
          %dma_wait3A_581 = tpu.memref_slice %arg10[%dma_wait3A_579, %dma_wait3A_580] : memref<10240x128xf32, #tpu.memory_space<vmem_shared>> -> memref<10240x128xf32, #tpu.memory_space<vmem_shared>>
          tpu.wait_indirect_dma semaphore(%run_scoped3A_561 : memref<!tpu.dma_semaphore, #tpu.memory_space<semaphore_mem>>) src(%dma_wait3A_575 : memref<128x128xf32, #tpu.memory_space<vmem>>) dst(%dma_wait3A_581 : memref<10240x128xf32, #tpu.memory_space<vmem_shared>>)
          tpu.yield
        }) : () -> ()
      } else {
      }
      %mul3A_308 = arith.constant 8 : i32
      %mul3A_309 = arith.muli %scan3A_186, %mul3A_308 : i32
      %add3A_310 = arith.constant 3 : i32
      %add3A_311 = arith.addi %mul3A_309, %add3A_310 : i32
      %lt3A_312 = arith.constant 81 : i32
      %lt3A_313 = arith.cmpi slt, %add3A_311, %lt3A_312 : i32
      %mul3A_314 = arith.constant 8 : i32
      %mul3A_315 = arith.muli %scan3A_186, %mul3A_314 : i32
      %add3A_316 = arith.constant 3 : i32
      %add3A_317 = arith.addi %mul3A_315, %add3A_316 : i32
      %add3A_318 = arith.constant 1 : i32
      %add3A_319 = arith.addi %add3A_317, %add3A_318 : i32
      %lt3A_320 = arith.constant 81 : i32
      %lt3A_321 = arith.cmpi slt, %add3A_319, %lt3A_320 : i32
      %convert_element_type3A_322 = arith.extui %lt3A_321 : i1 to i32
      %cond3A_323 = arith.constant 0 : i32
      %cond3A_324 = arith.cmpi ne, %convert_element_type3A_322, %cond3A_323 : i32
      scf.if %cond3A_324 {
        %dma_start3A_544 = arith.constant 4 : i32
        %dma_start3A_545 = arith.constant 0 : i32
        %dma_start3A_546 = arith.constant 0 : i32
        %dma_start3A_547 = arith.constant 0 : i32
        %dma_start3A_548 = tpu.memref_slice %arg9[%dma_start3A_545, %dma_start3A_546, %dma_start3A_547] : memref<2x128x128xf32, #tpu.memory_space<vmem>> -> memref<1x128x128xf32, #tpu.memory_space<vmem>>
        %dma_start3A_549 = tpu.memref_squeeze %dma_start3A_548 : memref<1x128x128xf32, #tpu.memory_space<vmem>> -> memref<128x128xf32, #tpu.memory_space<vmem>>
        %dma_start3A_550 = arith.constant 0 : i32
        %dma_start3A_551 = tpu.memref_slice %arg6[%select_n3A_195, %dma_start3A_544, %dma_start3A_550] : memref<2x8x128xi32, #tpu.memory_space<vmem>> -> memref<1x1x128xi32, #tpu.memory_space<vmem>>
        %dma_start3A_552 = tpu.memref_squeeze %dma_start3A_551 : memref<1x1x128xi32, #tpu.memory_space<vmem>> -> memref<128xi32, #tpu.memory_space<vmem>>
        %dma_start3A_553 = arith.constant 0 : i32
        %dma_start3A_554 = arith.constant 0 : i32
        %dma_start3A_555 = tpu.memref_slice %arg2[%dma_start3A_553, %dma_start3A_554] : memref<10240x128xf32, #tpu.memory_space<hbm>> -> memref<10240x128xf32, #tpu.memory_space<hbm>>
        tpu.enqueue_indirect_dma source(%dma_start3A_555 : memref<10240x128xf32, #tpu.memory_space<hbm>>) target(%dma_start3A_549 : memref<128x128xf32, #tpu.memory_space<vmem>>) offsets(%dma_start3A_552 : memref<128xi32, #tpu.memory_space<vmem>>) semaphore(%arg11 : memref<!tpu.dma_semaphore, #tpu.memory_space<semaphore_mem>>)
      } else {
      }
      %convert_element_type3A_325 = arith.extui %lt3A_313 : i1 to i32
      %cond3A_326 = arith.constant 0 : i32
      %cond3A_327 = arith.cmpi ne, %convert_element_type3A_325, %cond3A_326 : i32
      scf.if %cond3A_327 {
        %dma_wait3A_544 = arith.constant 1 : i32
        %dma_wait3A_545 = arith.constant 0 : i32
        %dma_wait3A_546 = arith.constant 0 : i32
        %dma_wait3A_547 = tpu.memref_slice %arg9[%dma_wait3A_544, %dma_wait3A_545, %dma_wait3A_546] : memref<2x128x128xf32, #tpu.memory_space<vmem>> -> memref<1x128x128xf32, #tpu.memory_space<vmem>>
        %dma_wait3A_548 = tpu.memref_squeeze %dma_wait3A_547 : memref<1x128x128xf32, #tpu.memory_space<vmem>> -> memref<128x128xf32, #tpu.memory_space<vmem>>
        %dma_wait3A_549 = arith.constant 0 : i32
        %dma_wait3A_550 = arith.constant 0 : i32
        %dma_wait3A_551 = tpu.memref_slice %arg2[%dma_wait3A_549, %dma_wait3A_550] : memref<10240x128xf32, #tpu.memory_space<hbm>> -> memref<128x128xf32, #tpu.memory_space<hbm>>
        %dma_wait3A_552 = arith.constant 0 : i32
        %dma_wait3A_553 = arith.constant 0 : i32
        %dma_wait3A_554 = tpu.memref_slice %arg9[%dma_wait3A_544, %dma_wait3A_552, %dma_wait3A_553] : memref<2x128x128xf32, #tpu.memory_space<vmem>> -> memref<1x128x128xf32, #tpu.memory_space<vmem>>
        %dma_wait3A_555 = tpu.memref_squeeze %dma_wait3A_554 : memref<1x128x128xf32, #tpu.memory_space<vmem>> -> memref<128x128xf32, #tpu.memory_space<vmem>>
        %dma_wait3A_556 = arith.constant 0 : i32
        %dma_wait3A_557 = arith.constant 0 : i32
        %dma_wait3A_558 = tpu.memref_slice %arg2[%dma_wait3A_556, %dma_wait3A_557] : memref<10240x128xf32, #tpu.memory_space<hbm>> -> memref<128x128xf32, #tpu.memory_space<hbm>>
        tpu.wait_dma2 semaphore(%arg12 : memref<!tpu.dma_semaphore, #tpu.memory_space<semaphore_mem>>) src(%dma_wait3A_558 : memref<128x128xf32, #tpu.memory_space<hbm>>) dst(%dma_wait3A_555 : memref<128x128xf32, #tpu.memory_space<vmem>>)
        %run_scoped3A_559 = arith.constant 1 : i32
        %run_scoped3A_560 = arith.constant 3 : i32
        "tpu.region"() ({
          %run_scoped3A_561 = tpu.sem_alloc : memref<!tpu.dma_semaphore, #tpu.memory_space<semaphore_mem>>
          %dma_start3A_562 = arith.constant 0 : i32
          %dma_start3A_563 = arith.constant 0 : i32
          %dma_start3A_564 = tpu.memref_slice %arg9[%run_scoped3A_559, %dma_start3A_562, %dma_start3A_563] : memref<2x128x128xf32, #tpu.memory_space<vmem>> -> memref<1x128x128xf32, #tpu.memory_space<vmem>>
          %dma_start3A_565 = tpu.memref_squeeze %dma_start3A_564 : memref<1x128x128xf32, #tpu.memory_space<vmem>> -> memref<128x128xf32, #tpu.memory_space<vmem>>
          %dma_start3A_566 = arith.constant 0 : i32
          %dma_start3A_567 = tpu.memref_slice %arg7[%select_n3A_195, %run_scoped3A_560, %dma_start3A_566] : memref<2x8x128xi32, #tpu.memory_space<vmem>> -> memref<1x1x128xi32, #tpu.memory_space<vmem>>
          %dma_start3A_568 = tpu.memref_squeeze %dma_start3A_567 : memref<1x1x128xi32, #tpu.memory_space<vmem>> -> memref<128xi32, #tpu.memory_space<vmem>>
          %dma_start3A_569 = arith.constant 0 : i32
          %dma_start3A_570 = arith.constant 0 : i32
          %dma_start3A_571 = tpu.memref_slice %arg10[%dma_start3A_569, %dma_start3A_570] : memref<10240x128xf32, #tpu.memory_space<vmem_shared>> -> memref<10240x128xf32, #tpu.memory_space<vmem_shared>>
          tpu.enqueue_indirect_dma source(%dma_start3A_565 : memref<128x128xf32, #tpu.memory_space<vmem>>) target(%dma_start3A_571 : memref<10240x128xf32, #tpu.memory_space<vmem_shared>>) offsets(%dma_start3A_568 : memref<128xi32, #tpu.memory_space<vmem>>) semaphore(%run_scoped3A_561 : memref<!tpu.dma_semaphore, #tpu.memory_space<semaphore_mem>>) {add = true}
          %dma_wait3A_572 = arith.constant 0 : i32
          %dma_wait3A_573 = arith.constant 0 : i32
          %dma_wait3A_574 = tpu.memref_slice %arg9[%run_scoped3A_559, %dma_wait3A_572, %dma_wait3A_573] : memref<2x128x128xf32, #tpu.memory_space<vmem>> -> memref<1x128x128xf32, #tpu.memory_space<vmem>>
          %dma_wait3A_575 = tpu.memref_squeeze %dma_wait3A_574 : memref<1x128x128xf32, #tpu.memory_space<vmem>> -> memref<128x128xf32, #tpu.memory_space<vmem>>
          %dma_wait3A_576 = arith.constant 0 : i32
          %dma_wait3A_577 = tpu.memref_slice %arg7[%select_n3A_195, %run_scoped3A_560, %dma_wait3A_576] : memref<2x8x128xi32, #tpu.memory_space<vmem>> -> memref<1x1x128xi32, #tpu.memory_space<vmem>>
          %dma_wait3A_578 = tpu.memref_squeeze %dma_wait3A_577 : memref<1x1x128xi32, #tpu.memory_space<vmem>> -> memref<128xi32, #tpu.memory_space<vmem>>
          %dma_wait3A_579 = arith.constant 0 : i32
          %dma_wait3A_580 = arith.constant 0 : i32
          %dma_wait3A_581 = tpu.memref_slice %arg10[%dma_wait3A_579, %dma_wait3A_580] : memref<10240x128xf32, #tpu.memory_space<vmem_shared>> -> memref<10240x128xf32, #tpu.memory_space<vmem_shared>>
          tpu.wait_indirect_dma semaphore(%run_scoped3A_561 : memref<!tpu.dma_semaphore, #tpu.memory_space<semaphore_mem>>) src(%dma_wait3A_575 : memref<128x128xf32, #tpu.memory_space<vmem>>) dst(%dma_wait3A_581 : memref<10240x128xf32, #tpu.memory_space<vmem_shared>>)
          tpu.yield
        }) : () -> ()
      } else {
      }
      %mul3A_328 = arith.constant 8 : i32
      %mul3A_329 = arith.muli %scan3A_186, %mul3A_328 : i32
      %add3A_330 = arith.constant 4 : i32
      %add3A_331 = arith.addi %mul3A_329, %add3A_330 : i32
      %lt3A_332 = arith.constant 81 : i32
      %lt3A_333 = arith.cmpi slt, %add3A_331, %lt3A_332 : i32
      %mul3A_334 = arith.constant 8 : i32
      %mul3A_335 = arith.muli %scan3A_186, %mul3A_334 : i32
      %add3A_336 = arith.constant 4 : i32
      %add3A_337 = arith.addi %mul3A_335, %add3A_336 : i32
      %add3A_338 = arith.constant 1 : i32
      %add3A_339 = arith.addi %add3A_337, %add3A_338 : i32
      %lt3A_340 = arith.constant 81 : i32
      %lt3A_341 = arith.cmpi slt, %add3A_339, %lt3A_340 : i32
      %convert_element_type3A_342 = arith.extui %lt3A_341 : i1 to i32
      %cond3A_343 = arith.constant 0 : i32
      %cond3A_344 = arith.cmpi ne, %convert_element_type3A_342, %cond3A_343 : i32
      scf.if %cond3A_344 {
        %dma_start3A_544 = arith.constant 5 : i32
        %dma_start3A_545 = arith.constant 1 : i32
        %dma_start3A_546 = arith.constant 0 : i32
        %dma_start3A_547 = arith.constant 0 : i32
        %dma_start3A_548 = tpu.memref_slice %arg9[%dma_start3A_545, %dma_start3A_546, %dma_start3A_547] : memref<2x128x128xf32, #tpu.memory_space<vmem>> -> memref<1x128x128xf32, #tpu.memory_space<vmem>>
        %dma_start3A_549 = tpu.memref_squeeze %dma_start3A_548 : memref<1x128x128xf32, #tpu.memory_space<vmem>> -> memref<128x128xf32, #tpu.memory_space<vmem>>
        %dma_start3A_550 = arith.constant 0 : i32
        %dma_start3A_551 = tpu.memref_slice %arg6[%select_n3A_195, %dma_start3A_544, %dma_start3A_550] : memref<2x8x128xi32, #tpu.memory_space<vmem>> -> memref<1x1x128xi32, #tpu.memory_space<vmem>>
        %dma_start3A_552 = tpu.memref_squeeze %dma_start3A_551 : memref<1x1x128xi32, #tpu.memory_space<vmem>> -> memref<128xi32, #tpu.memory_space<vmem>>
        %dma_start3A_553 = arith.constant 0 : i32
        %dma_start3A_554 = arith.constant 0 : i32
        %dma_start3A_555 = tpu.memref_slice %arg2[%dma_start3A_553, %dma_start3A_554] : memref<10240x128xf32, #tpu.memory_space<hbm>> -> memref<10240x128xf32, #tpu.memory_space<hbm>>
        tpu.enqueue_indirect_dma source(%dma_start3A_555 : memref<10240x128xf32, #tpu.memory_space<hbm>>) target(%dma_start3A_549 : memref<128x128xf32, #tpu.memory_space<vmem>>) offsets(%dma_start3A_552 : memref<128xi32, #tpu.memory_space<vmem>>) semaphore(%arg12 : memref<!tpu.dma_semaphore, #tpu.memory_space<semaphore_mem>>)
      } else {
      }
      %convert_element_type3A_345 = arith.extui %lt3A_333 : i1 to i32
      %cond3A_346 = arith.constant 0 : i32
      %cond3A_347 = arith.cmpi ne, %convert_element_type3A_345, %cond3A_346 : i32
      scf.if %cond3A_347 {
        %dma_wait3A_544 = arith.constant 0 : i32
        %dma_wait3A_545 = arith.constant 0 : i32
        %dma_wait3A_546 = arith.constant 0 : i32
        %dma_wait3A_547 = tpu.memref_slice %arg9[%dma_wait3A_544, %dma_wait3A_545, %dma_wait3A_546] : memref<2x128x128xf32, #tpu.memory_space<vmem>> -> memref<1x128x128xf32, #tpu.memory_space<vmem>>
        %dma_wait3A_548 = tpu.memref_squeeze %dma_wait3A_547 : memref<1x128x128xf32, #tpu.memory_space<vmem>> -> memref<128x128xf32, #tpu.memory_space<vmem>>
        %dma_wait3A_549 = arith.constant 0 : i32
        %dma_wait3A_550 = arith.constant 0 : i32
        %dma_wait3A_551 = tpu.memref_slice %arg2[%dma_wait3A_549, %dma_wait3A_550] : memref<10240x128xf32, #tpu.memory_space<hbm>> -> memref<128x128xf32, #tpu.memory_space<hbm>>
        %dma_wait3A_552 = arith.constant 0 : i32
        %dma_wait3A_553 = arith.constant 0 : i32
        %dma_wait3A_554 = tpu.memref_slice %arg9[%dma_wait3A_544, %dma_wait3A_552, %dma_wait3A_553] : memref<2x128x128xf32, #tpu.memory_space<vmem>> -> memref<1x128x128xf32, #tpu.memory_space<vmem>>
        %dma_wait3A_555 = tpu.memref_squeeze %dma_wait3A_554 : memref<1x128x128xf32, #tpu.memory_space<vmem>> -> memref<128x128xf32, #tpu.memory_space<vmem>>
        %dma_wait3A_556 = arith.constant 0 : i32
        %dma_wait3A_557 = arith.constant 0 : i32
        %dma_wait3A_558 = tpu.memref_slice %arg2[%dma_wait3A_556, %dma_wait3A_557] : memref<10240x128xf32, #tpu.memory_space<hbm>> -> memref<128x128xf32, #tpu.memory_space<hbm>>
        tpu.wait_dma2 semaphore(%arg11 : memref<!tpu.dma_semaphore, #tpu.memory_space<semaphore_mem>>) src(%dma_wait3A_558 : memref<128x128xf32, #tpu.memory_space<hbm>>) dst(%dma_wait3A_555 : memref<128x128xf32, #tpu.memory_space<vmem>>)
        %run_scoped3A_559 = arith.constant 0 : i32
        %run_scoped3A_560 = arith.constant 4 : i32
        "tpu.region"() ({
          %run_scoped3A_561 = tpu.sem_alloc : memref<!tpu.dma_semaphore, #tpu.memory_space<semaphore_mem>>
          %dma_start3A_562 = arith.constant 0 : i32
          %dma_start3A_563 = arith.constant 0 : i32
          %dma_start3A_564 = tpu.memref_slice %arg9[%run_scoped3A_559, %dma_start3A_562, %dma_start3A_563] : memref<2x128x128xf32, #tpu.memory_space<vmem>> -> memref<1x128x128xf32, #tpu.memory_space<vmem>>
          %dma_start3A_565 = tpu.memref_squeeze %dma_start3A_564 : memref<1x128x128xf32, #tpu.memory_space<vmem>> -> memref<128x128xf32, #tpu.memory_space<vmem>>
          %dma_start3A_566 = arith.constant 0 : i32
          %dma_start3A_567 = tpu.memref_slice %arg7[%select_n3A_195, %run_scoped3A_560, %dma_start3A_566] : memref<2x8x128xi32, #tpu.memory_space<vmem>> -> memref<1x1x128xi32, #tpu.memory_space<vmem>>
          %dma_start3A_568 = tpu.memref_squeeze %dma_start3A_567 : memref<1x1x128xi32, #tpu.memory_space<vmem>> -> memref<128xi32, #tpu.memory_space<vmem>>
          %dma_start3A_569 = arith.constant 0 : i32
          %dma_start3A_570 = arith.constant 0 : i32
          %dma_start3A_571 = tpu.memref_slice %arg10[%dma_start3A_569, %dma_start3A_570] : memref<10240x128xf32, #tpu.memory_space<vmem_shared>> -> memref<10240x128xf32, #tpu.memory_space<vmem_shared>>
          tpu.enqueue_indirect_dma source(%dma_start3A_565 : memref<128x128xf32, #tpu.memory_space<vmem>>) target(%dma_start3A_571 : memref<10240x128xf32, #tpu.memory_space<vmem_shared>>) offsets(%dma_start3A_568 : memref<128xi32, #tpu.memory_space<vmem>>) semaphore(%run_scoped3A_561 : memref<!tpu.dma_semaphore, #tpu.memory_space<semaphore_mem>>) {add = true}
          %dma_wait3A_572 = arith.constant 0 : i32
          %dma_wait3A_573 = arith.constant 0 : i32
          %dma_wait3A_574 = tpu.memref_slice %arg9[%run_scoped3A_559, %dma_wait3A_572, %dma_wait3A_573] : memref<2x128x128xf32, #tpu.memory_space<vmem>> -> memref<1x128x128xf32, #tpu.memory_space<vmem>>
          %dma_wait3A_575 = tpu.memref_squeeze %dma_wait3A_574 : memref<1x128x128xf32, #tpu.memory_space<vmem>> -> memref<128x128xf32, #tpu.memory_space<vmem>>
          %dma_wait3A_576 = arith.constant 0 : i32
          %dma_wait3A_577 = tpu.memref_slice %arg7[%select_n3A_195, %run_scoped3A_560, %dma_wait3A_576] : memref<2x8x128xi32, #tpu.memory_space<vmem>> -> memref<1x1x128xi32, #tpu.memory_space<vmem>>
          %dma_wait3A_578 = tpu.memref_squeeze %dma_wait3A_577 : memref<1x1x128xi32, #tpu.memory_space<vmem>> -> memref<128xi32, #tpu.memory_space<vmem>>
          %dma_wait3A_579 = arith.constant 0 : i32
          %dma_wait3A_580 = arith.constant 0 : i32
          %dma_wait3A_581 = tpu.memref_slice %arg10[%dma_wait3A_579, %dma_wait3A_580] : memref<10240x128xf32, #tpu.memory_space<vmem_shared>> -> memref<10240x128xf32, #tpu.memory_space<vmem_shared>>
          tpu.wait_indirect_dma semaphore(%run_scoped3A_561 : memref<!tpu.dma_semaphore, #tpu.memory_space<semaphore_mem>>) src(%dma_wait3A_575 : memref<128x128xf32, #tpu.memory_space<vmem>>) dst(%dma_wait3A_581 : memref<10240x128xf32, #tpu.memory_space<vmem_shared>>)
          tpu.yield
        }) : () -> ()
      } else {
      }
      %mul3A_348 = arith.constant 8 : i32
      %mul3A_349 = arith.muli %scan3A_186, %mul3A_348 : i32
      %add3A_350 = arith.constant 5 : i32
      %add3A_351 = arith.addi %mul3A_349, %add3A_350 : i32
      %lt3A_352 = arith.constant 81 : i32
      %lt3A_353 = arith.cmpi slt, %add3A_351, %lt3A_352 : i32
      %mul3A_354 = arith.constant 8 : i32
      %mul3A_355 = arith.muli %scan3A_186, %mul3A_354 : i32
      %add3A_356 = arith.constant 5 : i32
      %add3A_357 = arith.addi %mul3A_355, %add3A_356 : i32
      %add3A_358 = arith.constant 1 : i32
      %add3A_359 = arith.addi %add3A_357, %add3A_358 : i32
      %lt3A_360 = arith.constant 81 : i32
      %lt3A_361 = arith.cmpi slt, %add3A_359, %lt3A_360 : i32
      %convert_element_type3A_362 = arith.extui %lt3A_361 : i1 to i32
      %cond3A_363 = arith.constant 0 : i32
      %cond3A_364 = arith.cmpi ne, %convert_element_type3A_362, %cond3A_363 : i32
      scf.if %cond3A_364 {
        %dma_start3A_544 = arith.constant 6 : i32
        %dma_start3A_545 = arith.constant 0 : i32
        %dma_start3A_546 = arith.constant 0 : i32
        %dma_start3A_547 = arith.constant 0 : i32
        %dma_start3A_548 = tpu.memref_slice %arg9[%dma_start3A_545, %dma_start3A_546, %dma_start3A_547] : memref<2x128x128xf32, #tpu.memory_space<vmem>> -> memref<1x128x128xf32, #tpu.memory_space<vmem>>
        %dma_start3A_549 = tpu.memref_squeeze %dma_start3A_548 : memref<1x128x128xf32, #tpu.memory_space<vmem>> -> memref<128x128xf32, #tpu.memory_space<vmem>>
        %dma_start3A_550 = arith.constant 0 : i32
        %dma_start3A_551 = tpu.memref_slice %arg6[%select_n3A_195, %dma_start3A_544, %dma_start3A_550] : memref<2x8x128xi32, #tpu.memory_space<vmem>> -> memref<1x1x128xi32, #tpu.memory_space<vmem>>
        %dma_start3A_552 = tpu.memref_squeeze %dma_start3A_551 : memref<1x1x128xi32, #tpu.memory_space<vmem>> -> memref<128xi32, #tpu.memory_space<vmem>>
        %dma_start3A_553 = arith.constant 0 : i32
        %dma_start3A_554 = arith.constant 0 : i32
        %dma_start3A_555 = tpu.memref_slice %arg2[%dma_start3A_553, %dma_start3A_554] : memref<10240x128xf32, #tpu.memory_space<hbm>> -> memref<10240x128xf32, #tpu.memory_space<hbm>>
        tpu.enqueue_indirect_dma source(%dma_start3A_555 : memref<10240x128xf32, #tpu.memory_space<hbm>>) target(%dma_start3A_549 : memref<128x128xf32, #tpu.memory_space<vmem>>) offsets(%dma_start3A_552 : memref<128xi32, #tpu.memory_space<vmem>>) semaphore(%arg11 : memref<!tpu.dma_semaphore, #tpu.memory_space<semaphore_mem>>)
      } else {
      }
      %convert_element_type3A_365 = arith.extui %lt3A_353 : i1 to i32
      %cond3A_366 = arith.constant 0 : i32
      %cond3A_367 = arith.cmpi ne, %convert_element_type3A_365, %cond3A_366 : i32
      scf.if %cond3A_367 {
        %dma_wait3A_544 = arith.constant 1 : i32
        %dma_wait3A_545 = arith.constant 0 : i32
        %dma_wait3A_546 = arith.constant 0 : i32
        %dma_wait3A_547 = tpu.memref_slice %arg9[%dma_wait3A_544, %dma_wait3A_545, %dma_wait3A_546] : memref<2x128x128xf32, #tpu.memory_space<vmem>> -> memref<1x128x128xf32, #tpu.memory_space<vmem>>
        %dma_wait3A_548 = tpu.memref_squeeze %dma_wait3A_547 : memref<1x128x128xf32, #tpu.memory_space<vmem>> -> memref<128x128xf32, #tpu.memory_space<vmem>>
        %dma_wait3A_549 = arith.constant 0 : i32
        %dma_wait3A_550 = arith.constant 0 : i32
        %dma_wait3A_551 = tpu.memref_slice %arg2[%dma_wait3A_549, %dma_wait3A_550] : memref<10240x128xf32, #tpu.memory_space<hbm>> -> memref<128x128xf32, #tpu.memory_space<hbm>>
        %dma_wait3A_552 = arith.constant 0 : i32
        %dma_wait3A_553 = arith.constant 0 : i32
        %dma_wait3A_554 = tpu.memref_slice %arg9[%dma_wait3A_544, %dma_wait3A_552, %dma_wait3A_553] : memref<2x128x128xf32, #tpu.memory_space<vmem>> -> memref<1x128x128xf32, #tpu.memory_space<vmem>>
        %dma_wait3A_555 = tpu.memref_squeeze %dma_wait3A_554 : memref<1x128x128xf32, #tpu.memory_space<vmem>> -> memref<128x128xf32, #tpu.memory_space<vmem>>
        %dma_wait3A_556 = arith.constant 0 : i32
        %dma_wait3A_557 = arith.constant 0 : i32
        %dma_wait3A_558 = tpu.memref_slice %arg2[%dma_wait3A_556, %dma_wait3A_557] : memref<10240x128xf32, #tpu.memory_space<hbm>> -> memref<128x128xf32, #tpu.memory_space<hbm>>
        tpu.wait_dma2 semaphore(%arg12 : memref<!tpu.dma_semaphore, #tpu.memory_space<semaphore_mem>>) src(%dma_wait3A_558 : memref<128x128xf32, #tpu.memory_space<hbm>>) dst(%dma_wait3A_555 : memref<128x128xf32, #tpu.memory_space<vmem>>)
        %run_scoped3A_559 = arith.constant 1 : i32
        %run_scoped3A_560 = arith.constant 5 : i32
        "tpu.region"() ({
          %run_scoped3A_561 = tpu.sem_alloc : memref<!tpu.dma_semaphore, #tpu.memory_space<semaphore_mem>>
          %dma_start3A_562 = arith.constant 0 : i32
          %dma_start3A_563 = arith.constant 0 : i32
          %dma_start3A_564 = tpu.memref_slice %arg9[%run_scoped3A_559, %dma_start3A_562, %dma_start3A_563] : memref<2x128x128xf32, #tpu.memory_space<vmem>> -> memref<1x128x128xf32, #tpu.memory_space<vmem>>
          %dma_start3A_565 = tpu.memref_squeeze %dma_start3A_564 : memref<1x128x128xf32, #tpu.memory_space<vmem>> -> memref<128x128xf32, #tpu.memory_space<vmem>>
          %dma_start3A_566 = arith.constant 0 : i32
          %dma_start3A_567 = tpu.memref_slice %arg7[%select_n3A_195, %run_scoped3A_560, %dma_start3A_566] : memref<2x8x128xi32, #tpu.memory_space<vmem>> -> memref<1x1x128xi32, #tpu.memory_space<vmem>>
          %dma_start3A_568 = tpu.memref_squeeze %dma_start3A_567 : memref<1x1x128xi32, #tpu.memory_space<vmem>> -> memref<128xi32, #tpu.memory_space<vmem>>
          %dma_start3A_569 = arith.constant 0 : i32
          %dma_start3A_570 = arith.constant 0 : i32
          %dma_start3A_571 = tpu.memref_slice %arg10[%dma_start3A_569, %dma_start3A_570] : memref<10240x128xf32, #tpu.memory_space<vmem_shared>> -> memref<10240x128xf32, #tpu.memory_space<vmem_shared>>
          tpu.enqueue_indirect_dma source(%dma_start3A_565 : memref<128x128xf32, #tpu.memory_space<vmem>>) target(%dma_start3A_571 : memref<10240x128xf32, #tpu.memory_space<vmem_shared>>) offsets(%dma_start3A_568 : memref<128xi32, #tpu.memory_space<vmem>>) semaphore(%run_scoped3A_561 : memref<!tpu.dma_semaphore, #tpu.memory_space<semaphore_mem>>) {add = true}
          %dma_wait3A_572 = arith.constant 0 : i32
          %dma_wait3A_573 = arith.constant 0 : i32
          %dma_wait3A_574 = tpu.memref_slice %arg9[%run_scoped3A_559, %dma_wait3A_572, %dma_wait3A_573] : memref<2x128x128xf32, #tpu.memory_space<vmem>> -> memref<1x128x128xf32, #tpu.memory_space<vmem>>
          %dma_wait3A_575 = tpu.memref_squeeze %dma_wait3A_574 : memref<1x128x128xf32, #tpu.memory_space<vmem>> -> memref<128x128xf32, #tpu.memory_space<vmem>>
          %dma_wait3A_576 = arith.constant 0 : i32
          %dma_wait3A_577 = tpu.memref_slice %arg7[%select_n3A_195, %run_scoped3A_560, %dma_wait3A_576] : memref<2x8x128xi32, #tpu.memory_space<vmem>> -> memref<1x1x128xi32, #tpu.memory_space<vmem>>
          %dma_wait3A_578 = tpu.memref_squeeze %dma_wait3A_577 : memref<1x1x128xi32, #tpu.memory_space<vmem>> -> memref<128xi32, #tpu.memory_space<vmem>>
          %dma_wait3A_579 = arith.constant 0 : i32
          %dma_wait3A_580 = arith.constant 0 : i32
          %dma_wait3A_581 = tpu.memref_slice %arg10[%dma_wait3A_579, %dma_wait3A_580] : memref<10240x128xf32, #tpu.memory_space<vmem_shared>> -> memref<10240x128xf32, #tpu.memory_space<vmem_shared>>
          tpu.wait_indirect_dma semaphore(%run_scoped3A_561 : memref<!tpu.dma_semaphore, #tpu.memory_space<semaphore_mem>>) src(%dma_wait3A_575 : memref<128x128xf32, #tpu.memory_space<vmem>>) dst(%dma_wait3A_581 : memref<10240x128xf32, #tpu.memory_space<vmem_shared>>)
          tpu.yield
        }) : () -> ()
      } else {
      }
      %mul3A_368 = arith.constant 8 : i32
      %mul3A_369 = arith.muli %scan3A_186, %mul3A_368 : i32
      %add3A_370 = arith.constant 6 : i32
      %add3A_371 = arith.addi %mul3A_369, %add3A_370 : i32
      %lt3A_372 = arith.constant 81 : i32
      %lt3A_373 = arith.cmpi slt, %add3A_371, %lt3A_372 : i32
      %dma_start3A_374 = arith.constant 7 : i32
      %dma_start3A_375 = arith.constant 1 : i32
      %dma_start3A_376 = arith.constant 0 : i32
      %dma_start3A_377 = arith.constant 0 : i32
      %dma_start3A_378 = tpu.memref_slice %arg9[%dma_start3A_375, %dma_start3A_376, %dma_start3A_377] : memref<2x128x128xf32, #tpu.memory_space<vmem>> -> memref<1x128x128xf32, #tpu.memory_space<vmem>>
      %dma_start3A_379 = tpu.memref_squeeze %dma_start3A_378 : memref<1x128x128xf32, #tpu.memory_space<vmem>> -> memref<128x128xf32, #tpu.memory_space<vmem>>
      %dma_start3A_380 = arith.constant 0 : i32
      %dma_start3A_381 = tpu.memref_slice %arg6[%select_n3A_195, %dma_start3A_374, %dma_start3A_380] : memref<2x8x128xi32, #tpu.memory_space<vmem>> -> memref<1x1x128xi32, #tpu.memory_space<vmem>>
      %dma_start3A_382 = tpu.memref_squeeze %dma_start3A_381 : memref<1x1x128xi32, #tpu.memory_space<vmem>> -> memref<128xi32, #tpu.memory_space<vmem>>
      %dma_start3A_383 = arith.constant 0 : i32
      %dma_start3A_384 = arith.constant 0 : i32
      %dma_start3A_385 = tpu.memref_slice %arg2[%dma_start3A_383, %dma_start3A_384] : memref<10240x128xf32, #tpu.memory_space<hbm>> -> memref<10240x128xf32, #tpu.memory_space<hbm>>
      tpu.enqueue_indirect_dma source(%dma_start3A_385 : memref<10240x128xf32, #tpu.memory_space<hbm>>) target(%dma_start3A_379 : memref<128x128xf32, #tpu.memory_space<vmem>>) offsets(%dma_start3A_382 : memref<128xi32, #tpu.memory_space<vmem>>) semaphore(%arg12 : memref<!tpu.dma_semaphore, #tpu.memory_space<semaphore_mem>>)
      %convert_element_type3A_386 = arith.extui %lt3A_373 : i1 to i32
      %cond3A_387 = arith.constant 0 : i32
      %cond3A_388 = arith.cmpi ne, %convert_element_type3A_386, %cond3A_387 : i32
      scf.if %cond3A_388 {
        %dma_wait3A_544 = arith.constant 0 : i32
        %dma_wait3A_545 = arith.constant 0 : i32
        %dma_wait3A_546 = arith.constant 0 : i32
        %dma_wait3A_547 = tpu.memref_slice %arg9[%dma_wait3A_544, %dma_wait3A_545, %dma_wait3A_546] : memref<2x128x128xf32, #tpu.memory_space<vmem>> -> memref<1x128x128xf32, #tpu.memory_space<vmem>>
        %dma_wait3A_548 = tpu.memref_squeeze %dma_wait3A_547 : memref<1x128x128xf32, #tpu.memory_space<vmem>> -> memref<128x128xf32, #tpu.memory_space<vmem>>
        %dma_wait3A_549 = arith.constant 0 : i32
        %dma_wait3A_550 = arith.constant 0 : i32
        %dma_wait3A_551 = tpu.memref_slice %arg2[%dma_wait3A_549, %dma_wait3A_550] : memref<10240x128xf32, #tpu.memory_space<hbm>> -> memref<128x128xf32, #tpu.memory_space<hbm>>
        %dma_wait3A_552 = arith.constant 0 : i32
        %dma_wait3A_553 = arith.constant 0 : i32
        %dma_wait3A_554 = tpu.memref_slice %arg9[%dma_wait3A_544, %dma_wait3A_552, %dma_wait3A_553] : memref<2x128x128xf32, #tpu.memory_space<vmem>> -> memref<1x128x128xf32, #tpu.memory_space<vmem>>
        %dma_wait3A_555 = tpu.memref_squeeze %dma_wait3A_554 : memref<1x128x128xf32, #tpu.memory_space<vmem>> -> memref<128x128xf32, #tpu.memory_space<vmem>>
        %dma_wait3A_556 = arith.constant 0 : i32
        %dma_wait3A_557 = arith.constant 0 : i32
        %dma_wait3A_558 = tpu.memref_slice %arg2[%dma_wait3A_556, %dma_wait3A_557] : memref<10240x128xf32, #tpu.memory_space<hbm>> -> memref<128x128xf32, #tpu.memory_space<hbm>>
        tpu.wait_dma2 semaphore(%arg11 : memref<!tpu.dma_semaphore, #tpu.memory_space<semaphore_mem>>) src(%dma_wait3A_558 : memref<128x128xf32, #tpu.memory_space<hbm>>) dst(%dma_wait3A_555 : memref<128x128xf32, #tpu.memory_space<vmem>>)
        %run_scoped3A_559 = arith.constant 0 : i32
        %run_scoped3A_560 = arith.constant 6 : i32
        "tpu.region"() ({
          %run_scoped3A_561 = tpu.sem_alloc : memref<!tpu.dma_semaphore, #tpu.memory_space<semaphore_mem>>
          %dma_start3A_562 = arith.constant 0 : i32
          %dma_start3A_563 = arith.constant 0 : i32
          %dma_start3A_564 = tpu.memref_slice %arg9[%run_scoped3A_559, %dma_start3A_562, %dma_start3A_563] : memref<2x128x128xf32, #tpu.memory_space<vmem>> -> memref<1x128x128xf32, #tpu.memory_space<vmem>>
          %dma_start3A_565 = tpu.memref_squeeze %dma_start3A_564 : memref<1x128x128xf32, #tpu.memory_space<vmem>> -> memref<128x128xf32, #tpu.memory_space<vmem>>
          %dma_start3A_566 = arith.constant 0 : i32
          %dma_start3A_567 = tpu.memref_slice %arg7[%select_n3A_195, %run_scoped3A_560, %dma_start3A_566] : memref<2x8x128xi32, #tpu.memory_space<vmem>> -> memref<1x1x128xi32, #tpu.memory_space<vmem>>
          %dma_start3A_568 = tpu.memref_squeeze %dma_start3A_567 : memref<1x1x128xi32, #tpu.memory_space<vmem>> -> memref<128xi32, #tpu.memory_space<vmem>>
          %dma_start3A_569 = arith.constant 0 : i32
          %dma_start3A_570 = arith.constant 0 : i32
          %dma_start3A_571 = tpu.memref_slice %arg10[%dma_start3A_569, %dma_start3A_570] : memref<10240x128xf32, #tpu.memory_space<vmem_shared>> -> memref<10240x128xf32, #tpu.memory_space<vmem_shared>>
          tpu.enqueue_indirect_dma source(%dma_start3A_565 : memref<128x128xf32, #tpu.memory_space<vmem>>) target(%dma_start3A_571 : memref<10240x128xf32, #tpu.memory_space<vmem_shared>>) offsets(%dma_start3A_568 : memref<128xi32, #tpu.memory_space<vmem>>) semaphore(%run_scoped3A_561 : memref<!tpu.dma_semaphore, #tpu.memory_space<semaphore_mem>>) {add = true}
          %dma_wait3A_572 = arith.constant 0 : i32
          %dma_wait3A_573 = arith.constant 0 : i32
          %dma_wait3A_574 = tpu.memref_slice %arg9[%run_scoped3A_559, %dma_wait3A_572, %dma_wait3A_573] : memref<2x128x128xf32, #tpu.memory_space<vmem>> -> memref<1x128x128xf32, #tpu.memory_space<vmem>>
          %dma_wait3A_575 = tpu.memref_squeeze %dma_wait3A_574 : memref<1x128x128xf32, #tpu.memory_space<vmem>> -> memref<128x128xf32, #tpu.memory_space<vmem>>
          %dma_wait3A_576 = arith.constant 0 : i32
          %dma_wait3A_577 = tpu.memref_slice %arg7[%select_n3A_195, %run_scoped3A_560, %dma_wait3A_576] : memref<2x8x128xi32, #tpu.memory_space<vmem>> -> memref<1x1x128xi32, #tpu.memory_space<vmem>>
          %dma_wait3A_578 = tpu.memref_squeeze %dma_wait3A_577 : memref<1x1x128xi32, #tpu.memory_space<vmem>> -> memref<128xi32, #tpu.memory_space<vmem>>
          %dma_wait3A_579 = arith.constant 0 : i32
          %dma_wait3A_580 = arith.constant 0 : i32
          %dma_wait3A_581 = tpu.memref_slice %arg10[%dma_wait3A_579, %dma_wait3A_580] : memref<10240x128xf32, #tpu.memory_space<vmem_shared>> -> memref<10240x128xf32, #tpu.memory_space<vmem_shared>>
          tpu.wait_indirect_dma semaphore(%run_scoped3A_561 : memref<!tpu.dma_semaphore, #tpu.memory_space<semaphore_mem>>) src(%dma_wait3A_575 : memref<128x128xf32, #tpu.memory_space<vmem>>) dst(%dma_wait3A_581 : memref<10240x128xf32, #tpu.memory_space<vmem_shared>>)
          tpu.yield
        }) : () -> ()
      } else {
      }
      %mul3A_389 = arith.constant 8 : i32
      %mul3A_390 = arith.muli %scan3A_186, %mul3A_389 : i32
      %add3A_391 = arith.constant 7 : i32
      %add3A_392 = arith.addi %mul3A_390, %add3A_391 : i32
      %lt3A_393 = arith.constant 81 : i32
      %lt3A_394 = arith.cmpi slt, %add3A_392, %lt3A_393 : i32
      %dma_wait3A_395 = arith.constant 1 : i32
      %dma_wait3A_396 = arith.constant 0 : i32
      %dma_wait3A_397 = arith.constant 0 : i32
      %dma_wait3A_398 = tpu.memref_slice %arg9[%dma_wait3A_395, %dma_wait3A_396, %dma_wait3A_397] : memref<2x128x128xf32, #tpu.memory_space<vmem>> -> memref<1x128x128xf32, #tpu.memory_space<vmem>>
      %dma_wait3A_399 = tpu.memref_squeeze %dma_wait3A_398 : memref<1x128x128xf32, #tpu.memory_space<vmem>> -> memref<128x128xf32, #tpu.memory_space<vmem>>
      %dma_wait3A_400 = arith.constant 0 : i32
      %dma_wait3A_401 = arith.constant 0 : i32
      %dma_wait3A_402 = tpu.memref_slice %arg2[%dma_wait3A_400, %dma_wait3A_401] : memref<10240x128xf32, #tpu.memory_space<hbm>> -> memref<128x128xf32, #tpu.memory_space<hbm>>
      %dma_wait3A_403 = arith.constant 0 : i32
      %dma_wait3A_404 = arith.constant 0 : i32
      %dma_wait3A_405 = tpu.memref_slice %arg9[%dma_wait3A_395, %dma_wait3A_403, %dma_wait3A_404] : memref<2x128x128xf32, #tpu.memory_space<vmem>> -> memref<1x128x128xf32, #tpu.memory_space<vmem>>
      %dma_wait3A_406 = tpu.memref_squeeze %dma_wait3A_405 : memref<1x128x128xf32, #tpu.memory_space<vmem>> -> memref<128x128xf32, #tpu.memory_space<vmem>>
      %dma_wait3A_407 = arith.constant 0 : i32
      %dma_wait3A_408 = arith.constant 0 : i32
      %dma_wait3A_409 = tpu.memref_slice %arg2[%dma_wait3A_407, %dma_wait3A_408] : memref<10240x128xf32, #tpu.memory_space<hbm>> -> memref<128x128xf32, #tpu.memory_space<hbm>>
      tpu.wait_dma2 semaphore(%arg12 : memref<!tpu.dma_semaphore, #tpu.memory_space<semaphore_mem>>) src(%dma_wait3A_409 : memref<128x128xf32, #tpu.memory_space<hbm>>) dst(%dma_wait3A_406 : memref<128x128xf32, #tpu.memory_space<vmem>>)
      %get3A = arith.constant 7 : i32
      %get3A_410 = arith.index_cast %select_n3A_195 : i32 to index
      %get3A_411 = arith.index_cast %get3A : i32 to index
      %get3A_412 = arith.constant 0 : index
      %get3A_413 = tpu.vector_load %arg7[%get3A_410, %get3A_411, %get3A_412] {strides = array<i32>} : memref<2x8x128xi32, #tpu.memory_space<vmem>>, vector<1x1x16xi32>,
      %get3A_414 = vector.shape_cast %get3A_413 : vector<1x1x16xi32> to vector<16xi32>
      %swap3A = arith.constant 0 : index
      %swap3A_415 = tpu.vector_load %arg8[%swap3A] {strides = array<i32>} : memref<128xi32, #tpu.memory_space<vmem>>, vector<16xi32>,
      %swap3A_416 = vector.shape_cast %swap3A_415 : vector<16xi32> to vector<16xi32>
      %swap3A_417 = vector.shape_cast %get3A_414 : vector<16xi32> to vector<16xi32>
      tpu.vector_store %arg8[%swap3A], %swap3A_417 {strides = array<i32>} : memref<128xi32, #tpu.memory_space<vmem>>, vector<16xi32>,
      %get3A_418 = arith.constant 7 : i32
      %get3A_419 = arith.index_cast %select_n3A_195 : i32 to index
      %get3A_420 = arith.index_cast %get3A_418 : i32 to index
      %get3A_421 = arith.constant 16 : index
      %get3A_422 = tpu.vector_load %arg7[%get3A_419, %get3A_420, %get3A_421] {strides = array<i32>} : memref<2x8x128xi32, #tpu.memory_space<vmem>>, vector<1x1x16xi32>,
      %get3A_423 = vector.shape_cast %get3A_422 : vector<1x1x16xi32> to vector<16xi32>
      %swap3A_424 = arith.constant 16 : index
      %swap3A_425 = tpu.vector_load %arg8[%swap3A_424] {strides = array<i32>} : memref<128xi32, #tpu.memory_space<vmem>>, vector<16xi32>,
      %swap3A_426 = vector.shape_cast %swap3A_425 : vector<16xi32> to vector<16xi32>
      %swap3A_427 = vector.shape_cast %get3A_423 : vector<16xi32> to vector<16xi32>
      tpu.vector_store %arg8[%swap3A_424], %swap3A_427 {strides = array<i32>} : memref<128xi32, #tpu.memory_space<vmem>>, vector<16xi32>,
      %get3A_428 = arith.constant 7 : i32
      %get3A_429 = arith.index_cast %select_n3A_195 : i32 to index
      %get3A_430 = arith.index_cast %get3A_428 : i32 to index
      %get3A_431 = arith.constant 32 : index
      %get3A_432 = tpu.vector_load %arg7[%get3A_429, %get3A_430, %get3A_431] {strides = array<i32>} : memref<2x8x128xi32, #tpu.memory_space<vmem>>, vector<1x1x16xi32>,
      %get3A_433 = vector.shape_cast %get3A_432 : vector<1x1x16xi32> to vector<16xi32>
      %swap3A_434 = arith.constant 32 : index
      %swap3A_435 = tpu.vector_load %arg8[%swap3A_434] {strides = array<i32>} : memref<128xi32, #tpu.memory_space<vmem>>, vector<16xi32>,
      %swap3A_436 = vector.shape_cast %swap3A_435 : vector<16xi32> to vector<16xi32>
      %swap3A_437 = vector.shape_cast %get3A_433 : vector<16xi32> to vector<16xi32>
      tpu.vector_store %arg8[%swap3A_434], %swap3A_437 {strides = array<i32>} : memref<128xi32, #tpu.memory_space<vmem>>, vector<16xi32>,
      %get3A_438 = arith.constant 7 : i32
      %get3A_439 = arith.index_cast %select_n3A_195 : i32 to index
      %get3A_440 = arith.index_cast %get3A_438 : i32 to index
      %get3A_441 = arith.constant 48 : index
      %get3A_442 = tpu.vector_load %arg7[%get3A_439, %get3A_440, %get3A_441] {strides = array<i32>} : memref<2x8x128xi32, #tpu.memory_space<vmem>>, vector<1x1x16xi32>,
      %get3A_443 = vector.shape_cast %get3A_442 : vector<1x1x16xi32> to vector<16xi32>
      %swap3A_444 = arith.constant 48 : index
      %swap3A_445 = tpu.vector_load %arg8[%swap3A_444] {strides = array<i32>} : memref<128xi32, #tpu.memory_space<vmem>>, vector<16xi32>,
      %swap3A_446 = vector.shape_cast %swap3A_445 : vector<16xi32> to vector<16xi32>
      %swap3A_447 = vector.shape_cast %get3A_443 : vector<16xi32> to vector<16xi32>
      tpu.vector_store %arg8[%swap3A_444], %swap3A_447 {strides = array<i32>} : memref<128xi32, #tpu.memory_space<vmem>>, vector<16xi32>,
      %get3A_448 = arith.constant 7 : i32
      %get3A_449 = arith.index_cast %select_n3A_195 : i32 to index
      %get3A_450 = arith.index_cast %get3A_448 : i32 to index
      %get3A_451 = arith.constant 64 : index
      %get3A_452 = tpu.vector_load %arg7[%get3A_449, %get3A_450, %get3A_451] {strides = array<i32>} : memref<2x8x128xi32, #tpu.memory_space<vmem>>, vector<1x1x16xi32>,
      %get3A_453 = vector.shape_cast %get3A_452 : vector<1x1x16xi32> to vector<16xi32>
      %swap3A_454 = arith.constant 64 : index
      %swap3A_455 = tpu.vector_load %arg8[%swap3A_454] {strides = array<i32>} : memref<128xi32, #tpu.memory_space<vmem>>, vector<16xi32>,
      %swap3A_456 = vector.shape_cast %swap3A_455 : vector<16xi32> to vector<16xi32>
      %swap3A_457 = vector.shape_cast %get3A_453 : vector<16xi32> to vector<16xi32>
      tpu.vector_store %arg8[%swap3A_454], %swap3A_457 {strides = array<i32>} : memref<128xi32, #tpu.memory_space<vmem>>, vector<16xi32>,
      %get3A_458 = arith.constant 7 : i32
      %get3A_459 = arith.index_cast %select_n3A_195 : i32 to index
      %get3A_460 = arith.index_cast %get3A_458 : i32 to index
      %get3A_461 = arith.constant 80 : index
      %get3A_462 = tpu.vector_load %arg7[%get3A_459, %get3A_460, %get3A_461] {strides = array<i32>} : memref<2x8x128xi32, #tpu.memory_space<vmem>>, vector<1x1x16xi32>,
      %get3A_463 = vector.shape_cast %get3A_462 : vector<1x1x16xi32> to vector<16xi32>
      %swap3A_464 = arith.constant 80 : index
      %swap3A_465 = tpu.vector_load %arg8[%swap3A_464] {strides = array<i32>} : memref<128xi32, #tpu.memory_space<vmem>>, vector<16xi32>,
      %swap3A_466 = vector.shape_cast %swap3A_465 : vector<16xi32> to vector<16xi32>
      %swap3A_467 = vector.shape_cast %get3A_463 : vector<16xi32> to vector<16xi32>
      tpu.vector_store %arg8[%swap3A_464], %swap3A_467 {strides = array<i32>} : memref<128xi32, #tpu.memory_space<vmem>>, vector<16xi32>,
      %get3A_468 = arith.constant 7 : i32
      %get3A_469 = arith.index_cast %select_n3A_195 : i32 to index
      %get3A_470 = arith.index_cast %get3A_468 : i32 to index
      %get3A_471 = arith.constant 96 : index
      %get3A_472 = tpu.vector_load %arg7[%get3A_469, %get3A_470, %get3A_471] {strides = array<i32>} : memref<2x8x128xi32, #tpu.memory_space<vmem>>, vector<1x1x16xi32>,
      %get3A_473 = vector.shape_cast %get3A_472 : vector<1x1x16xi32> to vector<16xi32>
      %swap3A_474 = arith.constant 96 : index
      %swap3A_475 = tpu.vector_load %arg8[%swap3A_474] {strides = array<i32>} : memref<128xi32, #tpu.memory_space<vmem>>, vector<16xi32>,
      %swap3A_476 = vector.shape_cast %swap3A_475 : vector<16xi32> to vector<16xi32>
      %swap3A_477 = vector.shape_cast %get3A_473 : vector<16xi32> to vector<16xi32>
      tpu.vector_store %arg8[%swap3A_474], %swap3A_477 {strides = array<i32>} : memref<128xi32, #tpu.memory_space<vmem>>, vector<16xi32>,
      %get3A_478 = arith.constant 7 : i32
      %get3A_479 = arith.index_cast %select_n3A_195 : i32 to index
      %get3A_480 = arith.index_cast %get3A_478 : i32 to index
      %get3A_481 = arith.constant 112 : index
      %get3A_482 = tpu.vector_load %arg7[%get3A_479, %get3A_480, %get3A_481] {strides = array<i32>} : memref<2x8x128xi32, #tpu.memory_space<vmem>>, vector<1x1x16xi32>,
      %get3A_483 = vector.shape_cast %get3A_482 : vector<1x1x16xi32> to vector<16xi32>
      %swap3A_484 = arith.constant 112 : index
      %swap3A_485 = tpu.vector_load %arg8[%swap3A_484] {strides = array<i32>} : memref<128xi32, #tpu.memory_space<vmem>>, vector<16xi32>,
      %swap3A_486 = vector.shape_cast %swap3A_485 : vector<16xi32> to vector<16xi32>
      %swap3A_487 = vector.shape_cast %get3A_483 : vector<16xi32> to vector<16xi32>
      tpu.vector_store %arg8[%swap3A_484], %swap3A_487 {strides = array<i32>} : memref<128xi32, #tpu.memory_space<vmem>>, vector<16xi32>,
      %dma_start3A_488 = arith.constant 1 : i32
      %dma_start3A_489 = arith.constant 0 : i32
      %dma_start3A_490 = arith.constant 0 : i32
      %dma_start3A_491 = tpu.memref_slice %arg9[%dma_start3A_488, %dma_start3A_489, %dma_start3A_490] : memref<2x128x128xf32, #tpu.memory_space<vmem>> -> memref<1x128x128xf32, #tpu.memory_space<vmem>>
      %dma_start3A_492 = tpu.memref_squeeze %dma_start3A_491 : memref<1x128x128xf32, #tpu.memory_space<vmem>> -> memref<128x128xf32, #tpu.memory_space<vmem>>
      %dma_start3A_493 = arith.constant 0 : i32
      %dma_start3A_494 = arith.constant 0 : i32
      %dma_start3A_495 = tpu.memref_slice %arg10[%dma_start3A_493, %dma_start3A_494] : memref<10240x128xf32, #tpu.memory_space<vmem_shared>> -> memref<10240x128xf32, #tpu.memory_space<vmem_shared>>
      tpu.enqueue_indirect_dma source(%dma_start3A_492 : memref<128x128xf32, #tpu.memory_space<vmem>>) target(%dma_start3A_495 : memref<10240x128xf32, #tpu.memory_space<vmem_shared>>) offsets(%arg8 : memref<128xi32, #tpu.memory_space<vmem>>) semaphore(%arg13 : memref<!tpu.dma_semaphore, #tpu.memory_space<semaphore_mem>>) {add = true}
      %dma_wait3A_496 = arith.constant 0 : i32
      %dma_wait3A_497 = arith.constant 0 : i32
      %dma_wait3A_498 = arith.constant 0 : i32
      %dma_wait3A_499 = tpu.memref_slice %arg6[%dma_wait3A_496, %dma_wait3A_497, %dma_wait3A_498] : memref<2x8x128xi32, #tpu.memory_space<vmem>> -> memref<1x8x128xi32, #tpu.memory_space<vmem>>
      %dma_wait3A_500 = tpu.memref_squeeze %dma_wait3A_499 : memref<1x8x128xi32, #tpu.memory_space<vmem>> -> memref<8x128xi32, #tpu.memory_space<vmem>>
      %dma_wait3A_501 = arith.constant 0 : i32
      %dma_wait3A_502 = arith.constant 0 : i32
      %dma_wait3A_503 = tpu.memref_slice %arg3[%add3A, %dma_wait3A_501, %dma_wait3A_502] : memref<32x88x128xi32, #tpu.memory_space<hbm>> -> memref<1x8x128xi32, #tpu.memory_space<hbm>>
      %dma_wait3A_504 = tpu.memref_squeeze %dma_wait3A_503 : memref<1x8x128xi32, #tpu.memory_space<hbm>> -> memref<8x128xi32, #tpu.memory_space<hbm>>
      %dma_wait3A_505 = arith.constant 0 : i32
      %dma_wait3A_506 = arith.constant 0 : i32
      %dma_wait3A_507 = tpu.memref_slice %arg6[%dma_wait3A_496, %dma_wait3A_505, %dma_wait3A_506] : memref<2x8x128xi32, #tpu.memory_space<vmem>> -> memref<1x8x128xi32, #tpu.memory_space<vmem>>
      %dma_wait3A_508 = tpu.memref_squeeze %dma_wait3A_507 : memref<1x8x128xi32, #tpu.memory_space<vmem>> -> memref<8x128xi32, #tpu.memory_space<vmem>>
      %dma_wait3A_509 = arith.constant 0 : i32
      %dma_wait3A_510 = arith.constant 0 : i32
      %dma_wait3A_511 = tpu.memref_slice %arg3[%add3A, %dma_wait3A_509, %dma_wait3A_510] : memref<32x88x128xi32, #tpu.memory_space<hbm>> -> memref<1x8x128xi32, #tpu.memory_space<hbm>>
      %dma_wait3A_512 = tpu.memref_squeeze %dma_wait3A_511 : memref<1x8x128xi32, #tpu.memory_space<hbm>> -> memref<8x128xi32, #tpu.memory_space<hbm>>
      tpu.wait_dma2 semaphore(%arg14 : memref<!tpu.dma_semaphore, #tpu.memory_space<semaphore_mem>>) src(%dma_wait3A_512 : memref<8x128xi32, #tpu.memory_space<hbm>>) dst(%dma_wait3A_508 : memref<8x128xi32, #tpu.memory_space<vmem>>)
      %dma_wait3A_513 = arith.constant 0 : i32
      %dma_wait3A_514 = arith.constant 0 : i32
      %dma_wait3A_515 = arith.constant 0 : i32
      %dma_wait3A_516 = tpu.memref_slice %arg6[%dma_wait3A_513, %dma_wait3A_514, %dma_wait3A_515] : memref<2x8x128xi32, #tpu.memory_space<vmem>> -> memref<1x8x128xi32, #tpu.memory_space<vmem>>
      %dma_wait3A_517 = tpu.memref_squeeze %dma_wait3A_516 : memref<1x8x128xi32, #tpu.memory_space<vmem>> -> memref<8x128xi32, #tpu.memory_space<vmem>>
      %dma_wait3A_518 = arith.constant 0 : i32
      %dma_wait3A_519 = arith.constant 0 : i32
      %dma_wait3A_520 = tpu.memref_slice %arg3[%add3A, %dma_wait3A_518, %dma_wait3A_519] : memref<32x88x128xi32, #tpu.memory_space<hbm>> -> memref<1x8x128xi32, #tpu.memory_space<hbm>>
      %dma_wait3A_521 = tpu.memref_squeeze %dma_wait3A_520 : memref<1x8x128xi32, #tpu.memory_space<hbm>> -> memref<8x128xi32, #tpu.memory_space<hbm>>
      %dma_wait3A_522 = arith.constant 0 : i32
      %dma_wait3A_523 = arith.constant 0 : i32
      %dma_wait3A_524 = tpu.memref_slice %arg6[%dma_wait3A_513, %dma_wait3A_522, %dma_wait3A_523] : memref<2x8x128xi32, #tpu.memory_space<vmem>> -> memref<1x8x128xi32, #tpu.memory_space<vmem>>
      %dma_wait3A_525 = tpu.memref_squeeze %dma_wait3A_524 : memref<1x8x128xi32, #tpu.memory_space<vmem>> -> memref<8x128xi32, #tpu.memory_space<vmem>>
      %dma_wait3A_526 = arith.constant 0 : i32
      %dma_wait3A_527 = arith.constant 0 : i32
      %dma_wait3A_528 = tpu.memref_slice %arg3[%add3A, %dma_wait3A_526, %dma_wait3A_527] : memref<32x88x128xi32, #tpu.memory_space<hbm>> -> memref<1x8x128xi32, #tpu.memory_space<hbm>>
      %dma_wait3A_529 = tpu.memref_squeeze %dma_wait3A_528 : memref<1x8x128xi32, #tpu.memory_space<hbm>> -> memref<8x128xi32, #tpu.memory_space<hbm>>
      tpu.wait_dma2 semaphore(%arg14 : memref<!tpu.dma_semaphore, #tpu.memory_space<semaphore_mem>>) src(%dma_wait3A_529 : memref<8x128xi32, #tpu.memory_space<hbm>>) dst(%dma_wait3A_525 : memref<8x128xi32, #tpu.memory_space<vmem>>)
      %sub3A_530 = arith.constant 1 : i32
      %sub3A_531 = arith.subi %sub3A_530, %select_n3A_195 : i32
      %dma_start3A_532 = arith.constant 0 : i32
      %dma_start3A_533 = arith.constant 0 : i32
      %dma_start3A_534 = arith.constant 0 : i32
      %dma_start3A_535 = arith.constant 0 : i32
      %dma_start3A_536 = tpu.memref_slice %arg9[%dma_start3A_533, %dma_start3A_534, %dma_start3A_535] : memref<2x128x128xf32, #tpu.memory_space<vmem>> -> memref<1x128x128xf32, #tpu.memory_space<vmem>>
      %dma_start3A_537 = tpu.memref_squeeze %dma_start3A_536 : memref<1x128x128xf32, #tpu.memory_space<vmem>> -> memref<128x128xf32, #tpu.memory_space<vmem>>
      %dma_start3A_538 = arith.constant 0 : i32
      %dma_start3A_539 = tpu.memref_slice %arg6[%sub3A_531, %dma_start3A_532, %dma_start3A_538] : memref<2x8x128xi32, #tpu.memory_space<vmem>> -> memref<1x1x128xi32, #tpu.memory_space<vmem>>
      %dma_start3A_540 = tpu.memref_squeeze %dma_start3A_539 : memref<1x1x128xi32, #tpu.memory_space<vmem>> -> memref<128xi32, #tpu.memory_space<vmem>>
      %dma_start3A_541 = arith.constant 0 : i32
      %dma_start3A_542 = arith.constant 0 : i32
      %dma_start3A_543 = tpu.memref_slice %arg2[%dma_start3A_541, %dma_start3A_542] : memref<10240x128xf32, #tpu.memory_space<hbm>> -> memref<10240x128xf32, #tpu.memory_space<hbm>>
      tpu.enqueue_indirect_dma source(%dma_start3A_543 : memref<10240x128xf32, #tpu.memory_space<hbm>>) target(%dma_start3A_537 : memref<128x128xf32, #tpu.memory_space<vmem>>) offsets(%dma_start3A_540 : memref<128xi32, #tpu.memory_space<vmem>>) semaphore(%arg11 : memref<!tpu.dma_semaphore, #tpu.memory_space<semaphore_mem>>)
    }
    %scan3A_114 = arith.constant 11 : i32
    %dma_wait3A_115 = arith.constant 1 : i32
    %dma_wait3A_116 = arith.constant 0 : i32
    %dma_wait3A_117 = arith.constant 0 : i32
    %dma_wait3A_118 = tpu.memref_slice %arg9[%dma_wait3A_115, %dma_wait3A_116, %dma_wait3A_117] : memref<2x128x128xf32, #tpu.memory_space<vmem>> -> memref<1x128x128xf32, #tpu.memory_space<vmem>>
    %dma_wait3A_119 = tpu.memref_squeeze %dma_wait3A_118 : memref<1x128x128xf32, #tpu.memory_space<vmem>> -> memref<128x128xf32, #tpu.memory_space<vmem>>
    %dma_wait3A_120 = arith.constant 0 : i32
    %dma_wait3A_121 = arith.constant 0 : i32
    %dma_wait3A_122 = tpu.memref_slice %arg2[%dma_wait3A_120, %dma_wait3A_121] : memref<10240x128xf32, #tpu.memory_space<hbm>> -> memref<128x128xf32, #tpu.memory_space<hbm>>
    %dma_wait3A_123 = arith.constant 0 : i32
    %dma_wait3A_124 = arith.constant 0 : i32
    %dma_wait3A_125 = tpu.memref_slice %arg9[%dma_wait3A_115, %dma_wait3A_123, %dma_wait3A_124] : memref<2x128x128xf32, #tpu.memory_space<vmem>> -> memref<1x128x128xf32, #tpu.memory_space<vmem>>
    %dma_wait3A_126 = tpu.memref_squeeze %dma_wait3A_125 : memref<1x128x128xf32, #tpu.memory_space<vmem>> -> memref<128x128xf32, #tpu.memory_space<vmem>>
    %dma_wait3A_127 = arith.constant 0 : i32
    %dma_wait3A_128 = arith.constant 0 : i32
    %dma_wait3A_129 = tpu.memref_slice %arg2[%dma_wait3A_127, %dma_wait3A_128] : memref<10240x128xf32, #tpu.memory_space<hbm>> -> memref<128x128xf32, #tpu.memory_space<hbm>>
    tpu.wait_dma2 semaphore(%arg13 : memref<!tpu.dma_semaphore, #tpu.memory_space<semaphore_mem>>) src(%dma_wait3A_129 : memref<128x128xf32, #tpu.memory_space<hbm>>) dst(%dma_wait3A_126 : memref<128x128xf32, #tpu.memory_space<vmem>>)
    %dma_wait3A_130 = arith.constant 0 : i32
    %dma_wait3A_131 = arith.constant 0 : i32
    %dma_wait3A_132 = arith.constant 0 : i32
    %dma_wait3A_133 = tpu.memref_slice %arg9[%dma_wait3A_130, %dma_wait3A_131, %dma_wait3A_132] : memref<2x128x128xf32, #tpu.memory_space<vmem>> -> memref<1x128x128xf32, #tpu.memory_space<vmem>>
    %dma_wait3A_134 = tpu.memref_squeeze %dma_wait3A_133 : memref<1x128x128xf32, #tpu.memory_space<vmem>> -> memref<128x128xf32, #tpu.memory_space<vmem>>
    %dma_wait3A_135 = arith.constant 0 : i32
    %dma_wait3A_136 = arith.constant 0 : i32
    %dma_wait3A_137 = tpu.memref_slice %arg2[%dma_wait3A_135, %dma_wait3A_136] : memref<10240x128xf32, #tpu.memory_space<hbm>> -> memref<128x128xf32, #tpu.memory_space<hbm>>
    %dma_wait3A_138 = arith.constant 0 : i32
    %dma_wait3A_139 = arith.constant 0 : i32
    %dma_wait3A_140 = tpu.memref_slice %arg9[%dma_wait3A_130, %dma_wait3A_138, %dma_wait3A_139] : memref<2x128x128xf32, #tpu.memory_space<vmem>> -> memref<1x128x128xf32, #tpu.memory_space<vmem>>
    %dma_wait3A_141 = tpu.memref_squeeze %dma_wait3A_140 : memref<1x128x128xf32, #tpu.memory_space<vmem>> -> memref<128x128xf32, #tpu.memory_space<vmem>>
    %dma_wait3A_142 = arith.constant 0 : i32
    %dma_wait3A_143 = arith.constant 0 : i32
    %dma_wait3A_144 = tpu.memref_slice %arg2[%dma_wait3A_142, %dma_wait3A_143] : memref<10240x128xf32, #tpu.memory_space<hbm>> -> memref<128x128xf32, #tpu.memory_space<hbm>>
    tpu.wait_dma2 semaphore(%arg11 : memref<!tpu.dma_semaphore, #tpu.memory_space<semaphore_mem>>) src(%dma_wait3A_144 : memref<128x128xf32, #tpu.memory_space<hbm>>) dst(%dma_wait3A_141 : memref<128x128xf32, #tpu.memory_space<vmem>>)
    %barrier3A_145 = arith.constant 0 : index
    tpu.barrier barrier_id(%barrier3A_145)
    %mul3A_146 = arith.constant 640 : i32
    %mul3A_147 = arith.muli %arg1, %mul3A_146 : i32
    %add3A_148 = arith.constant 0 : i32
    %add3A_149 = arith.addi %mul3A_147, %add3A_148 : i32
    %mul3A_150 = arith.constant 640 : i32
    %mul3A_151 = arith.muli %arg1, %mul3A_150 : i32
    %add3A_152 = arith.constant 0 : i32
    %add3A_153 = arith.addi %mul3A_151, %add3A_152 : i32
    "tpu.region"() ({
      %run_scoped3A_186 = tpu.sem_alloc : memref<!tpu.dma_semaphore, #tpu.memory_space<semaphore_mem>>
      %dma_start3A_187 = arith.constant 0 : i32
      %dma_start3A_188 = tpu.memref_slice %arg5[%arg0, %add3A_153, %dma_start3A_187] : memref<2x10240x128xf32, #tpu.memory_space<hbm>> -> memref<1x128x128xf32, #tpu.memory_space<hbm>>
      %dma_start3A_189 = tpu.memref_squeeze %dma_start3A_188 : memref<1x128x128xf32, #tpu.memory_space<hbm>> -> memref<128x128xf32, #tpu.memory_space<hbm>>
      %dma_start3A_190 = arith.constant 0 : i32
      %dma_start3A_191 = tpu.memref_slice %arg10[%add3A_149, %dma_start3A_190] : memref<10240x128xf32, #tpu.memory_space<vmem_shared>> -> memref<128x128xf32, #tpu.memory_space<vmem_shared>>
      tpu.enqueue_dma source(%dma_start3A_191 : memref<128x128xf32, #tpu.memory_space<vmem_shared>>) target(%dma_start3A_189 : memref<128x128xf32, #tpu.memory_space<hbm>>) target_semaphore(%run_scoped3A_186 : memref<!tpu.dma_semaphore, #tpu.memory_space<semaphore_mem>>)
      %dma_wait3A_192 = arith.constant 0 : i32
      %dma_wait3A_193 = tpu.memref_slice %arg5[%arg0, %add3A_153, %dma_wait3A_192] : memref<2x10240x128xf32, #tpu.memory_space<hbm>> -> memref<1x128x128xf32, #tpu.memory_space<hbm>>
      %dma_wait3A_194 = tpu.memref_squeeze %dma_wait3A_193 : memref<1x128x128xf32, #tpu.memory_space<hbm>> -> memref<128x128xf32, #tpu.memory_space<hbm>>
      %dma_wait3A_195 = arith.constant 0 : i32
      %dma_wait3A_196 = tpu.memref_slice %arg10[%add3A_149, %dma_wait3A_195] : memref<10240x128xf32, #tpu.memory_space<vmem_shared>> -> memref<128x128xf32, #tpu.memory_space<vmem_shared>>
      tpu.wait_dma2 semaphore(%run_scoped3A_186 : memref<!tpu.dma_semaphore, #tpu.memory_space<semaphore_mem>>) src(%dma_wait3A_196 : memref<128x128xf32, #tpu.memory_space<vmem_shared>>) dst(%dma_wait3A_194 : memref<128x128xf32, #tpu.memory_space<hbm>>)
      tpu.yield
    }) : () -> ()
    %mul3A_154 = arith.constant 640 : i32
    %mul3A_155 = arith.muli %arg1, %mul3A_154 : i32
    %add3A_156 = arith.constant 128 : i32
    %add3A_157 = arith.addi %mul3A_155, %add3A_156 : i32
    %mul3A_158 = arith.constant 640 : i32
    %mul3A_159 = arith.muli %arg1, %mul3A_158 : i32
    %add3A_160 = arith.constant 128 : i32
    %add3A_161 = arith.addi %mul3A_159, %add3A_160 : i32
    "tpu.region"() ({
      %run_scoped3A_186 = tpu.sem_alloc : memref<!tpu.dma_semaphore, #tpu.memory_space<semaphore_mem>>
      %dma_start3A_187 = arith.constant 0 : i32
      %dma_start3A_188 = tpu.memref_slice %arg5[%arg0, %add3A_161, %dma_start3A_187] : memref<2x10240x128xf32, #tpu.memory_space<hbm>> -> memref<1x128x128xf32, #tpu.memory_space<hbm>>
      %dma_start3A_189 = tpu.memref_squeeze %dma_start3A_188 : memref<1x128x128xf32, #tpu.memory_space<hbm>> -> memref<128x128xf32, #tpu.memory_space<hbm>>
      %dma_start3A_190 = arith.constant 0 : i32
      %dma_start3A_191 = tpu.memref_slice %arg10[%add3A_157, %dma_start3A_190] : memref<10240x128xf32, #tpu.memory_space<vmem_shared>> -> memref<128x128xf32, #tpu.memory_space<vmem_shared>>
      tpu.enqueue_dma source(%dma_start3A_191 : memref<128x128xf32, #tpu.memory_space<vmem_shared>>) target(%dma_start3A_189 : memref<128x128xf32, #tpu.memory_space<hbm>>) target_semaphore(%run_scoped3A_186 : memref<!tpu.dma_semaphore, #tpu.memory_space<semaphore_mem>>)
      %dma_wait3A_192 = arith.constant 0 : i32
      %dma_wait3A_193 = tpu.memref_slice %arg5[%arg0, %add3A_161, %dma_wait3A_192] : memref<2x10240x128xf32, #tpu.memory_space<hbm>> -> memref<1x128x128xf32, #tpu.memory_space<hbm>>
      %dma_wait3A_194 = tpu.memref_squeeze %dma_wait3A_193 : memref<1x128x128xf32, #tpu.memory_space<hbm>> -> memref<128x128xf32, #tpu.memory_space<hbm>>
      %dma_wait3A_195 = arith.constant 0 : i32
      %dma_wait3A_196 = tpu.memref_slice %arg10[%add3A_157, %dma_wait3A_195] : memref<10240x128xf32, #tpu.memory_space<vmem_shared>> -> memref<128x128xf32, #tpu.memory_space<vmem_shared>>
      tpu.wait_dma2 semaphore(%run_scoped3A_186 : memref<!tpu.dma_semaphore, #tpu.memory_space<semaphore_mem>>) src(%dma_wait3A_196 : memref<128x128xf32, #tpu.memory_space<vmem_shared>>) dst(%dma_wait3A_194 : memref<128x128xf32, #tpu.memory_space<hbm>>)
      tpu.yield
    }) : () -> ()
    %mul3A_162 = arith.constant 640 : i32
    %mul3A_163 = arith.muli %arg1, %mul3A_162 : i32
    %add3A_164 = arith.constant 256 : i32
    %add3A_165 = arith.addi %mul3A_163, %add3A_164 : i32
    %mul3A_166 = arith.constant 640 : i32
    %mul3A_167 = arith.muli %arg1, %mul3A_166 : i32
    %add3A_168 = arith.constant 256 : i32
    %add3A_169 = arith.addi %mul3A_167, %add3A_168 : i32
    "tpu.region"() ({
      %run_scoped3A_186 = tpu.sem_alloc : memref<!tpu.dma_semaphore, #tpu.memory_space<semaphore_mem>>
      %dma_start3A_187 = arith.constant 0 : i32
      %dma_start3A_188 = tpu.memref_slice %arg5[%arg0, %add3A_169, %dma_start3A_187] : memref<2x10240x128xf32, #tpu.memory_space<hbm>> -> memref<1x128x128xf32, #tpu.memory_space<hbm>>
      %dma_start3A_189 = tpu.memref_squeeze %dma_start3A_188 : memref<1x128x128xf32, #tpu.memory_space<hbm>> -> memref<128x128xf32, #tpu.memory_space<hbm>>
      %dma_start3A_190 = arith.constant 0 : i32
      %dma_start3A_191 = tpu.memref_slice %arg10[%add3A_165, %dma_start3A_190] : memref<10240x128xf32, #tpu.memory_space<vmem_shared>> -> memref<128x128xf32, #tpu.memory_space<vmem_shared>>
      tpu.enqueue_dma source(%dma_start3A_191 : memref<128x128xf32, #tpu.memory_space<vmem_shared>>) target(%dma_start3A_189 : memref<128x128xf32, #tpu.memory_space<hbm>>) target_semaphore(%run_scoped3A_186 : memref<!tpu.dma_semaphore, #tpu.memory_space<semaphore_mem>>)
      %dma_wait3A_192 = arith.constant 0 : i32
      %dma_wait3A_193 = tpu.memref_slice %arg5[%arg0, %add3A_169, %dma_wait3A_192] : memref<2x10240x128xf32, #tpu.memory_space<hbm>> -> memref<1x128x128xf32, #tpu.memory_space<hbm>>
      %dma_wait3A_194 = tpu.memref_squeeze %dma_wait3A_193 : memref<1x128x128xf32, #tpu.memory_space<hbm>> -> memref<128x128xf32, #tpu.memory_space<hbm>>
      %dma_wait3A_195 = arith.constant 0 : i32
      %dma_wait3A_196 = tpu.memref_slice %arg10[%add3A_165, %dma_wait3A_195] : memref<10240x128xf32, #tpu.memory_space<vmem_shared>> -> memref<128x128xf32, #tpu.memory_space<vmem_shared>>
      tpu.wait_dma2 semaphore(%run_scoped3A_186 : memref<!tpu.dma_semaphore, #tpu.memory_space<semaphore_mem>>) src(%dma_wait3A_196 : memref<128x128xf32, #tpu.memory_space<vmem_shared>>) dst(%dma_wait3A_194 : memref<128x128xf32, #tpu.memory_space<hbm>>)
      tpu.yield
    }) : () -> ()
    %mul3A_170 = arith.constant 640 : i32
    %mul3A_171 = arith.muli %arg1, %mul3A_170 : i32
    %add3A_172 = arith.constant 384 : i32
    %add3A_173 = arith.addi %mul3A_171, %add3A_172 : i32
    %mul3A_174 = arith.constant 640 : i32
    %mul3A_175 = arith.muli %arg1, %mul3A_174 : i32
    %add3A_176 = arith.constant 384 : i32
    %add3A_177 = arith.addi %mul3A_175, %add3A_176 : i32
    "tpu.region"() ({
      %run_scoped3A_186 = tpu.sem_alloc : memref<!tpu.dma_semaphore, #tpu.memory_space<semaphore_mem>>
      %dma_start3A_187 = arith.constant 0 : i32
      %dma_start3A_188 = tpu.memref_slice %arg5[%arg0, %add3A_177, %dma_start3A_187] : memref<2x10240x128xf32, #tpu.memory_space<hbm>> -> memref<1x128x128xf32, #tpu.memory_space<hbm>>
      %dma_start3A_189 = tpu.memref_squeeze %dma_start3A_188 : memref<1x128x128xf32, #tpu.memory_space<hbm>> -> memref<128x128xf32, #tpu.memory_space<hbm>>
      %dma_start3A_190 = arith.constant 0 : i32
      %dma_start3A_191 = tpu.memref_slice %arg10[%add3A_173, %dma_start3A_190] : memref<10240x128xf32, #tpu.memory_space<vmem_shared>> -> memref<128x128xf32, #tpu.memory_space<vmem_shared>>
      tpu.enqueue_dma source(%dma_start3A_191 : memref<128x128xf32, #tpu.memory_space<vmem_shared>>) target(%dma_start3A_189 : memref<128x128xf32, #tpu.memory_space<hbm>>) target_semaphore(%run_scoped3A_186 : memref<!tpu.dma_semaphore, #tpu.memory_space<semaphore_mem>>)
      %dma_wait3A_192 = arith.constant 0 : i32
      %dma_wait3A_193 = tpu.memref_slice %arg5[%arg0, %add3A_177, %dma_wait3A_192] : memref<2x10240x128xf32, #tpu.memory_space<hbm>> -> memref<1x128x128xf32, #tpu.memory_space<hbm>>
      %dma_wait3A_194 = tpu.memref_squeeze %dma_wait3A_193 : memref<1x128x128xf32, #tpu.memory_space<hbm>> -> memref<128x128xf32, #tpu.memory_space<hbm>>
      %dma_wait3A_195 = arith.constant 0 : i32
      %dma_wait3A_196 = tpu.memref_slice %arg10[%add3A_173, %dma_wait3A_195] : memref<10240x128xf32, #tpu.memory_space<vmem_shared>> -> memref<128x128xf32, #tpu.memory_space<vmem_shared>>
      tpu.wait_dma2 semaphore(%run_scoped3A_186 : memref<!tpu.dma_semaphore, #tpu.memory_space<semaphore_mem>>) src(%dma_wait3A_196 : memref<128x128xf32, #tpu.memory_space<vmem_shared>>) dst(%dma_wait3A_194 : memref<128x128xf32, #tpu.memory_space<hbm>>)
      tpu.yield
    }) : () -> ()
    %mul3A_178 = arith.constant 640 : i32
    %mul3A_179 = arith.muli %arg1, %mul3A_178 : i32
    %add3A_180 = arith.constant 512 : i32
    %add3A_181 = arith.addi %mul3A_179, %add3A_180 : i32
    %mul3A_182 = arith.constant 640 : i32
    %mul3A_183 = arith.muli %arg1, %mul3A_182 : i32
    %add3A_184 = arith.constant 512 : i32
    %add3A_185 = arith.addi %mul3A_183, %add3A_184 : i32
    "tpu.region"() ({
      %run_scoped3A_186 = tpu.sem_alloc : memref<!tpu.dma_semaphore, #tpu.memory_space<semaphore_mem>>
      %dma_start3A_187 = arith.constant 0 : i32
      %dma_start3A_188 = tpu.memref_slice %arg5[%arg0, %add3A_185, %dma_start3A_187] : memref<2x10240x128xf32, #tpu.memory_space<hbm>> -> memref<1x128x128xf32, #tpu.memory_space<hbm>>
      %dma_start3A_189 = tpu.memref_squeeze %dma_start3A_188 : memref<1x128x128xf32, #tpu.memory_space<hbm>> -> memref<128x128xf32, #tpu.memory_space<hbm>>
      %dma_start3A_190 = arith.constant 0 : i32
      %dma_start3A_191 = tpu.memref_slice %arg10[%add3A_181, %dma_start3A_190] : memref<10240x128xf32, #tpu.memory_space<vmem_shared>> -> memref<128x128xf32, #tpu.memory_space<vmem_shared>>
      tpu.enqueue_dma source(%dma_start3A_191 : memref<128x128xf32, #tpu.memory_space<vmem_shared>>) target(%dma_start3A_189 : memref<128x128xf32, #tpu.memory_space<hbm>>) target_semaphore(%run_scoped3A_186 : memref<!tpu.dma_semaphore, #tpu.memory_space<semaphore_mem>>)
      %dma_wait3A_192 = arith.constant 0 : i32
      %dma_wait3A_193 = tpu.memref_slice %arg5[%arg0, %add3A_185, %dma_wait3A_192] : memref<2x10240x128xf32, #tpu.memory_space<hbm>> -> memref<1x128x128xf32, #tpu.memory_space<hbm>>
      %dma_wait3A_194 = tpu.memref_squeeze %dma_wait3A_193 : memref<1x128x128xf32, #tpu.memory_space<hbm>> -> memref<128x128xf32, #tpu.memory_space<hbm>>
      %dma_wait3A_195 = arith.constant 0 : i32
      %dma_wait3A_196 = tpu.memref_slice %arg10[%add3A_181, %dma_wait3A_195] : memref<10240x128xf32, #tpu.memory_space<vmem_shared>> -> memref<128x128xf32, #tpu.memory_space<vmem_shared>>
      tpu.wait_dma2 semaphore(%run_scoped3A_186 : memref<!tpu.dma_semaphore, #tpu.memory_space<semaphore_mem>>) src(%dma_wait3A_196 : memref<128x128xf32, #tpu.memory_space<vmem_shared>>) dst(%dma_wait3A_194 : memref<128x128xf32, #tpu.memory_space<hbm>>)
      tpu.yield
    }) : () -> ()
    return
  }
}

#map = affine_map<(d0, d1) -> (0, 0)>
#map1 = affine_map<(d0, d1) -> (0, 0, 0)>
module attributes {stable_mosaic.version = 14 : i64} {
  func.func @k(%arg0: i32, %arg1: i32, %arg2: memref<10240x128xf32, #tpu.memory_space<hbm>>, %arg3: memref<32x88x128xi32, #tpu.memory_space<hbm>>, %arg4: memref<32x88x128xi32, #tpu.memory_space<hbm>>, %arg5: memref<2x10240x128xf32, #tpu.memory_space<hbm>>, %arg6: memref<2x8x128xi32, #tpu.memory_space<vmem>>, %arg7: memref<2x8x128xi32, #tpu.memory_space<vmem>>, %arg8: memref<128xi32, #tpu.memory_space<vmem>>, %arg9: memref<2x128x128xf32, #tpu.memory_space<vmem>>, %arg10: memref<10240x128xf32, #tpu.memory_space<vmem_shared>>, %arg11: memref<!tpu.dma_semaphore, #tpu.memory_space<semaphore_mem>>, %arg12: memref<!tpu.dma_semaphore, #tpu.memory_space<semaphore_mem>>, %arg13: memref<!tpu.dma_semaphore, #tpu.memory_space<semaphore_mem>>, %arg14: memref<!tpu.dma_semaphore, #tpu.memory_space<semaphore_mem>>) attributes {dimension_semantics = [#tpu.dimension_semantics<core_parallel>, #tpu.dimension_semantics<subcore_parallel>], iteration_bounds = array<i64: 2, 16>, scalar_prefetch = 0 : i64, scratch_operands = 9 : i64, tpu.core_type = #tpu.core_type<sc_vector_subcore>, window_params = [{transform_indices = #map}, {transform_indices = #map1}, {transform_indices = #map1}, {transform_indices = #map1}]} {
    %mul3A = arith.constant 16 : i32
    %mul3A_0 = arith.muli %arg0, %mul3A : i32
    %add3A = arith.addi %mul3A_0, %arg1 : i32
    %dma_start3A = arith.constant 0 : i32
    %dma_start3A_1 = arith.constant 0 : i32
    %dma_start3A_2 = arith.constant 0 : i32
    %dma_start3A_3 = tpu.memref_slice %arg6[%dma_start3A, %dma_start3A_1, %dma_start3A_2] : memref<2x8x128xi32, #tpu.memory_space<vmem>> -> memref<1x8x128xi32, #tpu.memory_space<vmem>>
    %dma_start3A_4 = tpu.memref_squeeze %dma_start3A_3 : memref<1x8x128xi32, #tpu.memory_space<vmem>> -> memref<8x128xi32, #tpu.memory_space<vmem>>
    %dma_start3A_5 = arith.constant 0 : i32
    %dma_start3A_6 = arith.constant 0 : i32
    %dma_start3A_7 = tpu.memref_slice %arg3[%add3A, %dma_start3A_5, %dma_start3A_6] : memref<32x88x128xi32, #tpu.memory_space<hbm>> -> memref<1x8x128xi32, #tpu.memory_space<hbm>>
    %dma_start3A_8 = tpu.memref_squeeze %dma_start3A_7 : memref<1x8x128xi32, #tpu.memory_space<hbm>> -> memref<8x128xi32, #tpu.memory_space<hbm>>
    %dma_start3A_9 = arith.constant 0 : i32
    %dma_start3A_10 = arith.constant 0 : i32
    %dma_start3A_11 = tpu.memref_slice %arg6[%dma_start3A, %dma_start3A_9, %dma_start3A_10] : memref<2x8x128xi32, #tpu.memory_space<vmem>> -> memref<1x8x128xi32, #tpu.memory_space<vmem>>
    %dma_start3A_12 = tpu.memref_squeeze %dma_start3A_11 : memref<1x8x128xi32, #tpu.memory_space<vmem>> -> memref<8x128xi32, #tpu.memory_space<vmem>>
    %dma_start3A_13 = arith.constant 0 : i32
    %dma_start3A_14 = arith.constant 0 : i32
    %dma_start3A_15 = tpu.memref_slice %arg3[%add3A, %dma_start3A_13, %dma_start3A_14] : memref<32x88x128xi32, #tpu.memory_space<hbm>> -> memref<1x8x128xi32, #tpu.memory_space<hbm>>
    %dma_start3A_16 = tpu.memref_squeeze %dma_start3A_15 : memref<1x8x128xi32, #tpu.memory_space<hbm>> -> memref<8x128xi32, #tpu.memory_space<hbm>>
    tpu.enqueue_dma source(%dma_start3A_16 : memref<8x128xi32, #tpu.memory_space<hbm>>) target(%dma_start3A_12 : memref<8x128xi32, #tpu.memory_space<vmem>>) target_semaphore(%arg14 : memref<!tpu.dma_semaphore, #tpu.memory_space<semaphore_mem>>)
    %dma_start3A_17 = arith.constant 0 : i32
    %dma_start3A_18 = arith.constant 0 : i32
    %dma_start3A_19 = arith.constant 0 : i32
    %dma_start3A_20 = tpu.memref_slice %arg7[%dma_start3A_17, %dma_start3A_18, %dma_start3A_19] : memref<2x8x128xi32, #tpu.memory_space<vmem>> -> memref<1x8x128xi32, #tpu.memory_space<vmem>>
    %dma_start3A_21 = tpu.memref_squeeze %dma_start3A_20 : memref<1x8x128xi32, #tpu.memory_space<vmem>> -> memref<8x128xi32, #tpu.memory_space<vmem>>
    %dma_start3A_22 = arith.constant 0 : i32
    %dma_start3A_23 = arith.constant 0 : i32
    %dma_start3A_24 = tpu.memref_slice %arg4[%add3A, %dma_start3A_22, %dma_start3A_23] : memref<32x88x128xi32, #tpu.memory_space<hbm>> -> memref<1x8x128xi32, #tpu.memory_space<hbm>>
    %dma_start3A_25 = tpu.memref_squeeze %dma_start3A_24 : memref<1x8x128xi32, #tpu.memory_space<hbm>> -> memref<8x128xi32, #tpu.memory_space<hbm>>
    %dma_start3A_26 = arith.constant 0 : i32
    %dma_start3A_27 = arith.constant 0 : i32
    %dma_start3A_28 = tpu.memref_slice %arg7[%dma_start3A_17, %dma_start3A_26, %dma_start3A_27] : memref<2x8x128xi32, #tpu.memory_space<vmem>> -> memref<1x8x128xi32, #tpu.memory_space<vmem>>
    %dma_start3A_29 = tpu.memref_squeeze %dma_start3A_28 : memref<1x8x128xi32, #tpu.memory_space<vmem>> -> memref<8x128xi32, #tpu.memory_space<vmem>>
    %dma_start3A_30 = arith.constant 0 : i32
    %dma_start3A_31 = arith.constant 0 : i32
    %dma_start3A_32 = tpu.memref_slice %arg4[%add3A, %dma_start3A_30, %dma_start3A_31] : memref<32x88x128xi32, #tpu.memory_space<hbm>> -> memref<1x8x128xi32, #tpu.memory_space<hbm>>
    %dma_start3A_33 = tpu.memref_squeeze %dma_start3A_32 : memref<1x8x128xi32, #tpu.memory_space<hbm>> -> memref<8x128xi32, #tpu.memory_space<hbm>>
    tpu.enqueue_dma source(%dma_start3A_33 : memref<8x128xi32, #tpu.memory_space<hbm>>) target(%dma_start3A_29 : memref<8x128xi32, #tpu.memory_space<vmem>>) target_semaphore(%arg14 : memref<!tpu.dma_semaphore, #tpu.memory_space<semaphore_mem>>)
    %scan3A = arith.constant 0 : i32
    %scan3A_34 = arith.constant 0 : i32
    %scan3A_35 = arith.constant 128 : i32
    %scan3A_36 = arith.addi %scan3A_34, %scan3A_35 : i32
    %scan3A_37 = arith.constant 1 : i32
    scf.for %scan3A_186 = %scan3A_34 to %scan3A_36 step %scan3A_37  : i32 {
      %broadcast_in_dim3A = arith.constant 0.000000e+00 : f32
      %broadcast_in_dim3A_187 = vector.broadcast %broadcast_in_dim3A : f32 to vector<16xf32>
      %swap3A = arith.constant 0 : i32
      %swap3A_188 = arith.index_cast %swap3A : i32 to index
      %swap3A_189 = arith.index_cast %scan3A_186 : i32 to index
      %swap3A_190 = arith.constant 0 : index
      %swap3A_191 = tpu.vector_load %arg9[%swap3A_188, %swap3A_189, %swap3A_190] {strides = array<i32>} : memref<2x128x128xf32, #tpu.memory_space<vmem>>, vector<1x1x16xf32>,
      %swap3A_192 = vector.shape_cast %swap3A_191 : vector<1x1x16xf32> to vector<16xf32>
      %swap3A_193 = vector.shape_cast %broadcast_in_dim3A_187 : vector<16xf32> to vector<1x1x16xf32>
      tpu.vector_store %arg9[%swap3A_188, %swap3A_189, %swap3A_190], %swap3A_193 {strides = array<i32>} : memref<2x128x128xf32, #tpu.memory_space<vmem>>, vector<1x1x16xf32>,
      %broadcast_in_dim3A_194 = arith.constant 0.000000e+00 : f32
      %broadcast_in_dim3A_195 = vector.broadcast %broadcast_in_dim3A_194 : f32 to vector<16xf32>
      %swap3A_196 = arith.constant 0 : i32
      %swap3A_197 = arith.index_cast %swap3A_196 : i32 to index
      %swap3A_198 = arith.index_cast %scan3A_186 : i32 to index
      %swap3A_199 = arith.constant 16 : index
      %swap3A_200 = tpu.vector_load %arg9[%swap3A_197, %swap3A_198, %swap3A_199] {strides = array<i32>} : memref<2x128x128xf32, #tpu.memory_space<vmem>>, vector<1x1x16xf32>,
      %swap3A_201 = vector.shape_cast %swap3A_200 : vector<1x1x16xf32> to vector<16xf32>
      %swap3A_202 = vector.shape_cast %broadcast_in_dim3A_195 : vector<16xf32> to vector<1x1x16xf32>
      tpu.vector_store %arg9[%swap3A_197, %swap3A_198, %swap3A_199], %swap3A_202 {strides = array<i32>} : memref<2x128x128xf32, #tpu.memory_space<vmem>>, vector<1x1x16xf32>,
      %broadcast_in_dim3A_203 = arith.constant 0.000000e+00 : f32
      %broadcast_in_dim3A_204 = vector.broadcast %broadcast_in_dim3A_203 : f32 to vector<16xf32>
      %swap3A_205 = arith.constant 0 : i32
      %swap3A_206 = arith.index_cast %swap3A_205 : i32 to index
      %swap3A_207 = arith.index_cast %scan3A_186 : i32 to index
      %swap3A_208 = arith.constant 32 : index
      %swap3A_209 = tpu.vector_load %arg9[%swap3A_206, %swap3A_207, %swap3A_208] {strides = array<i32>} : memref<2x128x128xf32, #tpu.memory_space<vmem>>, vector<1x1x16xf32>,
      %swap3A_210 = vector.shape_cast %swap3A_209 : vector<1x1x16xf32> to vector<16xf32>
      %swap3A_211 = vector.shape_cast %broadcast_in_dim3A_204 : vector<16xf32> to vector<1x1x16xf32>
      tpu.vector_store %arg9[%swap3A_206, %swap3A_207, %swap3A_208], %swap3A_211 {strides = array<i32>} : memref<2x128x128xf32, #tpu.memory_space<vmem>>, vector<1x1x16xf32>,
      %broadcast_in_dim3A_212 = arith.constant 0.000000e+00 : f32
      %broadcast_in_dim3A_213 = vector.broadcast %broadcast_in_dim3A_212 : f32 to vector<16xf32>
      %swap3A_214 = arith.constant 0 : i32
      %swap3A_215 = arith.index_cast %swap3A_214 : i32 to index
      %swap3A_216 = arith.index_cast %scan3A_186 : i32 to index
      %swap3A_217 = arith.constant 48 : index
      %swap3A_218 = tpu.vector_load %arg9[%swap3A_215, %swap3A_216, %swap3A_217] {strides = array<i32>} : memref<2x128x128xf32, #tpu.memory_space<vmem>>, vector<1x1x16xf32>,
      %swap3A_219 = vector.shape_cast %swap3A_218 : vector<1x1x16xf32> to vector<16xf32>
      %swap3A_220 = vector.shape_cast %broadcast_in_dim3A_213 : vector<16xf32> to vector<1x1x16xf32>
      tpu.vector_store %arg9[%swap3A_215, %swap3A_216, %swap3A_217], %swap3A_220 {strides = array<i32>} : memref<2x128x128xf32, #tpu.memory_space<vmem>>, vector<1x1x16xf32>,
      %broadcast_in_dim3A_221 = arith.constant 0.000000e+00 : f32
      %broadcast_in_dim3A_222 = vector.broadcast %broadcast_in_dim3A_221 : f32 to vector<16xf32>
      %swap3A_223 = arith.constant 0 : i32
      %swap3A_224 = arith.index_cast %swap3A_223 : i32 to index
      %swap3A_225 = arith.index_cast %scan3A_186 : i32 to index
      %swap3A_226 = arith.constant 64 : index
      %swap3A_227 = tpu.vector_load %arg9[%swap3A_224, %swap3A_225, %swap3A_226] {strides = array<i32>} : memref<2x128x128xf32, #tpu.memory_space<vmem>>, vector<1x1x16xf32>,
      %swap3A_228 = vector.shape_cast %swap3A_227 : vector<1x1x16xf32> to vector<16xf32>
      %swap3A_229 = vector.shape_cast %broadcast_in_dim3A_222 : vector<16xf32> to vector<1x1x16xf32>
      tpu.vector_store %arg9[%swap3A_224, %swap3A_225, %swap3A_226], %swap3A_229 {strides = array<i32>} : memref<2x128x128xf32, #tpu.memory_space<vmem>>, vector<1x1x16xf32>,
      %broadcast_in_dim3A_230 = arith.constant 0.000000e+00 : f32
      %broadcast_in_dim3A_231 = vector.broadcast %broadcast_in_dim3A_230 : f32 to vector<16xf32>
      %swap3A_232 = arith.constant 0 : i32
      %swap3A_233 = arith.index_cast %swap3A_232 : i32 to index
      %swap3A_234 = arith.index_cast %scan3A_186 : i32 to index
      %swap3A_235 = arith.constant 80 : index
      %swap3A_236 = tpu.vector_load %arg9[%swap3A_233, %swap3A_234, %swap3A_235] {strides = array<i32>} : memref<2x128x128xf32, #tpu.memory_space<vmem>>, vector<1x1x16xf32>,
      %swap3A_237 = vector.shape_cast %swap3A_236 : vector<1x1x16xf32> to vector<16xf32>
      %swap3A_238 = vector.shape_cast %broadcast_in_dim3A_231 : vector<16xf32> to vector<1x1x16xf32>
      tpu.vector_store %arg9[%swap3A_233, %swap3A_234, %swap3A_235], %swap3A_238 {strides = array<i32>} : memref<2x128x128xf32, #tpu.memory_space<vmem>>, vector<1x1x16xf32>,
      %broadcast_in_dim3A_239 = arith.constant 0.000000e+00 : f32
      %broadcast_in_dim3A_240 = vector.broadcast %broadcast_in_dim3A_239 : f32 to vector<16xf32>
      %swap3A_241 = arith.constant 0 : i32
      %swap3A_242 = arith.index_cast %swap3A_241 : i32 to index
      %swap3A_243 = arith.index_cast %scan3A_186 : i32 to index
      %swap3A_244 = arith.constant 96 : index
      %swap3A_245 = tpu.vector_load %arg9[%swap3A_242, %swap3A_243, %swap3A_244] {strides = array<i32>} : memref<2x128x128xf32, #tpu.memory_space<vmem>>, vector<1x1x16xf32>,
      %swap3A_246 = vector.shape_cast %swap3A_245 : vector<1x1x16xf32> to vector<16xf32>
      %swap3A_247 = vector.shape_cast %broadcast_in_dim3A_240 : vector<16xf32> to vector<1x1x16xf32>
      tpu.vector_store %arg9[%swap3A_242, %swap3A_243, %swap3A_244], %swap3A_247 {strides = array<i32>} : memref<2x128x128xf32, #tpu.memory_space<vmem>>, vector<1x1x16xf32>,
      %broadcast_in_dim3A_248 = arith.constant 0.000000e+00 : f32
      %broadcast_in_dim3A_249 = vector.broadcast %broadcast_in_dim3A_248 : f32 to vector<16xf32>
      %swap3A_250 = arith.constant 0 : i32
      %swap3A_251 = arith.index_cast %swap3A_250 : i32 to index
      %swap3A_252 = arith.index_cast %scan3A_186 : i32 to index
      %swap3A_253 = arith.constant 112 : index
      %swap3A_254 = tpu.vector_load %arg9[%swap3A_251, %swap3A_252, %swap3A_253] {strides = array<i32>} : memref<2x128x128xf32, #tpu.memory_space<vmem>>, vector<1x1x16xf32>,
      %swap3A_255 = vector.shape_cast %swap3A_254 : vector<1x1x16xf32> to vector<16xf32>
      %swap3A_256 = vector.shape_cast %broadcast_in_dim3A_249 : vector<16xf32> to vector<1x1x16xf32>
      tpu.vector_store %arg9[%swap3A_251, %swap3A_252, %swap3A_253], %swap3A_256 {strides = array<i32>} : memref<2x128x128xf32, #tpu.memory_space<vmem>>, vector<1x1x16xf32>,
    }
    %scan3A_38 = arith.constant 128 : i32
    %mul3A_39 = arith.constant 640 : i32
    %mul3A_40 = arith.muli %arg1, %mul3A_39 : i32
    %add3A_41 = arith.constant 0 : i32
    %add3A_42 = arith.addi %mul3A_40, %add3A_41 : i32
    %run_scoped3A = arith.constant 0 : i32
    "tpu.region"() ({
      %run_scoped3A_186 = tpu.sem_alloc : memref<!tpu.dma_semaphore, #tpu.memory_space<semaphore_mem>>
      %dma_start3A_187 = arith.constant 0 : i32
      %dma_start3A_188 = arith.constant 0 : i32
      %dma_start3A_189 = tpu.memref_slice %arg9[%run_scoped3A, %dma_start3A_187, %dma_start3A_188] : memref<2x128x128xf32, #tpu.memory_space<vmem>> -> memref<1x128x128xf32, #tpu.memory_space<vmem>>
      %dma_start3A_190 = tpu.memref_squeeze %dma_start3A_189 : memref<1x128x128xf32, #tpu.memory_space<vmem>> -> memref<128x128xf32, #tpu.memory_space<vmem>>
      %dma_start3A_191 = arith.constant 0 : i32
      %dma_start3A_192 = tpu.memref_slice %arg10[%add3A_42, %dma_start3A_191] : memref<10240x128xf32, #tpu.memory_space<vmem_shared>> -> memref<128x128xf32, #tpu.memory_space<vmem_shared>>
      %dma_start3A_193 = arith.constant 0 : i32
      %dma_start3A_194 = tpu.memref_slice %arg10[%add3A_42, %dma_start3A_193] : memref<10240x128xf32, #tpu.memory_space<vmem_shared>> -> memref<128x128xf32, #tpu.memory_space<vmem_shared>>
      %dma_start3A_195 = arith.constant 0 : i32
      %dma_start3A_196 = arith.constant 0 : i32
      %dma_start3A_197 = tpu.memref_slice %arg9[%run_scoped3A, %dma_start3A_195, %dma_start3A_196] : memref<2x128x128xf32, #tpu.memory_space<vmem>> -> memref<1x128x128xf32, #tpu.memory_space<vmem>>
      %dma_start3A_198 = tpu.memref_squeeze %dma_start3A_197 : memref<1x128x128xf32, #tpu.memory_space<vmem>> -> memref<128x128xf32, #tpu.memory_space<vmem>>
      tpu.enqueue_dma source(%dma_start3A_198 : memref<128x128xf32, #tpu.memory_space<vmem>>) target(%dma_start3A_194 : memref<128x128xf32, #tpu.memory_space<vmem_shared>>) target_semaphore(%run_scoped3A_186 : memref<!tpu.dma_semaphore, #tpu.memory_space<semaphore_mem>>)
      %dma_wait3A_199 = arith.constant 0 : i32
      %dma_wait3A_200 = arith.constant 0 : i32
      %dma_wait3A_201 = tpu.memref_slice %arg9[%run_scoped3A, %dma_wait3A_199, %dma_wait3A_200] : memref<2x128x128xf32, #tpu.memory_space<vmem>> -> memref<1x128x128xf32, #tpu.memory_space<vmem>>
      %dma_wait3A_202 = tpu.memref_squeeze %dma_wait3A_201 : memref<1x128x128xf32, #tpu.memory_space<vmem>> -> memref<128x128xf32, #tpu.memory_space<vmem>>
      %dma_wait3A_203 = arith.constant 0 : i32
      %dma_wait3A_204 = tpu.memref_slice %arg10[%add3A_42, %dma_wait3A_203] : memref<10240x128xf32, #tpu.memory_space<vmem_shared>> -> memref<128x128xf32, #tpu.memory_space<vmem_shared>>
      %dma_wait3A_205 = arith.constant 0 : i32
      %dma_wait3A_206 = tpu.memref_slice %arg10[%add3A_42, %dma_wait3A_205] : memref<10240x128xf32, #tpu.memory_space<vmem_shared>> -> memref<128x128xf32, #tpu.memory_space<vmem_shared>>
      %dma_wait3A_207 = arith.constant 0 : i32
      %dma_wait3A_208 = arith.constant 0 : i32
      %dma_wait3A_209 = tpu.memref_slice %arg9[%run_scoped3A, %dma_wait3A_207, %dma_wait3A_208] : memref<2x128x128xf32, #tpu.memory_space<vmem>> -> memref<1x128x128xf32, #tpu.memory_space<vmem>>
      %dma_wait3A_210 = tpu.memref_squeeze %dma_wait3A_209 : memref<1x128x128xf32, #tpu.memory_space<vmem>> -> memref<128x128xf32, #tpu.memory_space<vmem>>
      tpu.wait_dma2 semaphore(%run_scoped3A_186 : memref<!tpu.dma_semaphore, #tpu.memory_space<semaphore_mem>>) src(%dma_wait3A_210 : memref<128x128xf32, #tpu.memory_space<vmem>>) dst(%dma_wait3A_206 : memref<128x128xf32, #tpu.memory_space<vmem_shared>>)
      tpu.yield
    }) : () -> ()
    %mul3A_43 = arith.constant 640 : i32
    %mul3A_44 = arith.muli %arg1, %mul3A_43 : i32
    %add3A_45 = arith.constant 128 : i32
    %add3A_46 = arith.addi %mul3A_44, %add3A_45 : i32
    %run_scoped3A_47 = arith.constant 0 : i32
    "tpu.region"() ({
      %run_scoped3A_186 = tpu.sem_alloc : memref<!tpu.dma_semaphore, #tpu.memory_space<semaphore_mem>>
      %dma_start3A_187 = arith.constant 0 : i32
      %dma_start3A_188 = arith.constant 0 : i32
      %dma_start3A_189 = tpu.memref_slice %arg9[%run_scoped3A_47, %dma_start3A_187, %dma_start3A_188] : memref<2x128x128xf32, #tpu.memory_space<vmem>> -> memref<1x128x128xf32, #tpu.memory_space<vmem>>
      %dma_start3A_190 = tpu.memref_squeeze %dma_start3A_189 : memref<1x128x128xf32, #tpu.memory_space<vmem>> -> memref<128x128xf32, #tpu.memory_space<vmem>>
      %dma_start3A_191 = arith.constant 0 : i32
      %dma_start3A_192 = tpu.memref_slice %arg10[%add3A_46, %dma_start3A_191] : memref<10240x128xf32, #tpu.memory_space<vmem_shared>> -> memref<128x128xf32, #tpu.memory_space<vmem_shared>>
      %dma_start3A_193 = arith.constant 0 : i32
      %dma_start3A_194 = tpu.memref_slice %arg10[%add3A_46, %dma_start3A_193] : memref<10240x128xf32, #tpu.memory_space<vmem_shared>> -> memref<128x128xf32, #tpu.memory_space<vmem_shared>>
      %dma_start3A_195 = arith.constant 0 : i32
      %dma_start3A_196 = arith.constant 0 : i32
      %dma_start3A_197 = tpu.memref_slice %arg9[%run_scoped3A_47, %dma_start3A_195, %dma_start3A_196] : memref<2x128x128xf32, #tpu.memory_space<vmem>> -> memref<1x128x128xf32, #tpu.memory_space<vmem>>
      %dma_start3A_198 = tpu.memref_squeeze %dma_start3A_197 : memref<1x128x128xf32, #tpu.memory_space<vmem>> -> memref<128x128xf32, #tpu.memory_space<vmem>>
      tpu.enqueue_dma source(%dma_start3A_198 : memref<128x128xf32, #tpu.memory_space<vmem>>) target(%dma_start3A_194 : memref<128x128xf32, #tpu.memory_space<vmem_shared>>) target_semaphore(%run_scoped3A_186 : memref<!tpu.dma_semaphore, #tpu.memory_space<semaphore_mem>>)
      %dma_wait3A_199 = arith.constant 0 : i32
      %dma_wait3A_200 = arith.constant 0 : i32
      %dma_wait3A_201 = tpu.memref_slice %arg9[%run_scoped3A_47, %dma_wait3A_199, %dma_wait3A_200] : memref<2x128x128xf32, #tpu.memory_space<vmem>> -> memref<1x128x128xf32, #tpu.memory_space<vmem>>
      %dma_wait3A_202 = tpu.memref_squeeze %dma_wait3A_201 : memref<1x128x128xf32, #tpu.memory_space<vmem>> -> memref<128x128xf32, #tpu.memory_space<vmem>>
      %dma_wait3A_203 = arith.constant 0 : i32
      %dma_wait3A_204 = tpu.memref_slice %arg10[%add3A_46, %dma_wait3A_203] : memref<10240x128xf32, #tpu.memory_space<vmem_shared>> -> memref<128x128xf32, #tpu.memory_space<vmem_shared>>
      %dma_wait3A_205 = arith.constant 0 : i32
      %dma_wait3A_206 = tpu.memref_slice %arg10[%add3A_46, %dma_wait3A_205] : memref<10240x128xf32, #tpu.memory_space<vmem_shared>> -> memref<128x128xf32, #tpu.memory_space<vmem_shared>>
      %dma_wait3A_207 = arith.constant 0 : i32
      %dma_wait3A_208 = arith.constant 0 : i32
      %dma_wait3A_209 = tpu.memref_slice %arg9[%run_scoped3A_47, %dma_wait3A_207, %dma_wait3A_208] : memref<2x128x128xf32, #tpu.memory_space<vmem>> -> memref<1x128x128xf32, #tpu.memory_space<vmem>>
      %dma_wait3A_210 = tpu.memref_squeeze %dma_wait3A_209 : memref<1x128x128xf32, #tpu.memory_space<vmem>> -> memref<128x128xf32, #tpu.memory_space<vmem>>
      tpu.wait_dma2 semaphore(%run_scoped3A_186 : memref<!tpu.dma_semaphore, #tpu.memory_space<semaphore_mem>>) src(%dma_wait3A_210 : memref<128x128xf32, #tpu.memory_space<vmem>>) dst(%dma_wait3A_206 : memref<128x128xf32, #tpu.memory_space<vmem_shared>>)
      tpu.yield
    }) : () -> ()
    %mul3A_48 = arith.constant 640 : i32
    %mul3A_49 = arith.muli %arg1, %mul3A_48 : i32
    %add3A_50 = arith.constant 256 : i32
    %add3A_51 = arith.addi %mul3A_49, %add3A_50 : i32
    %run_scoped3A_52 = arith.constant 0 : i32
    "tpu.region"() ({
      %run_scoped3A_186 = tpu.sem_alloc : memref<!tpu.dma_semaphore, #tpu.memory_space<semaphore_mem>>
      %dma_start3A_187 = arith.constant 0 : i32
      %dma_start3A_188 = arith.constant 0 : i32
      %dma_start3A_189 = tpu.memref_slice %arg9[%run_scoped3A_52, %dma_start3A_187, %dma_start3A_188] : memref<2x128x128xf32, #tpu.memory_space<vmem>> -> memref<1x128x128xf32, #tpu.memory_space<vmem>>
      %dma_start3A_190 = tpu.memref_squeeze %dma_start3A_189 : memref<1x128x128xf32, #tpu.memory_space<vmem>> -> memref<128x128xf32, #tpu.memory_space<vmem>>
      %dma_start3A_191 = arith.constant 0 : i32
      %dma_start3A_192 = tpu.memref_slice %arg10[%add3A_51, %dma_start3A_191] : memref<10240x128xf32, #tpu.memory_space<vmem_shared>> -> memref<128x128xf32, #tpu.memory_space<vmem_shared>>
      %dma_start3A_193 = arith.constant 0 : i32
      %dma_start3A_194 = tpu.memref_slice %arg10[%add3A_51, %dma_start3A_193] : memref<10240x128xf32, #tpu.memory_space<vmem_shared>> -> memref<128x128xf32, #tpu.memory_space<vmem_shared>>
      %dma_start3A_195 = arith.constant 0 : i32
      %dma_start3A_196 = arith.constant 0 : i32
      %dma_start3A_197 = tpu.memref_slice %arg9[%run_scoped3A_52, %dma_start3A_195, %dma_start3A_196] : memref<2x128x128xf32, #tpu.memory_space<vmem>> -> memref<1x128x128xf32, #tpu.memory_space<vmem>>
      %dma_start3A_198 = tpu.memref_squeeze %dma_start3A_197 : memref<1x128x128xf32, #tpu.memory_space<vmem>> -> memref<128x128xf32, #tpu.memory_space<vmem>>
      tpu.enqueue_dma source(%dma_start3A_198 : memref<128x128xf32, #tpu.memory_space<vmem>>) target(%dma_start3A_194 : memref<128x128xf32, #tpu.memory_space<vmem_shared>>) target_semaphore(%run_scoped3A_186 : memref<!tpu.dma_semaphore, #tpu.memory_space<semaphore_mem>>)
      %dma_wait3A_199 = arith.constant 0 : i32
      %dma_wait3A_200 = arith.constant 0 : i32
      %dma_wait3A_201 = tpu.memref_slice %arg9[%run_scoped3A_52, %dma_wait3A_199, %dma_wait3A_200] : memref<2x128x128xf32, #tpu.memory_space<vmem>> -> memref<1x128x128xf32, #tpu.memory_space<vmem>>
      %dma_wait3A_202 = tpu.memref_squeeze %dma_wait3A_201 : memref<1x128x128xf32, #tpu.memory_space<vmem>> -> memref<128x128xf32, #tpu.memory_space<vmem>>
      %dma_wait3A_203 = arith.constant 0 : i32
      %dma_wait3A_204 = tpu.memref_slice %arg10[%add3A_51, %dma_wait3A_203] : memref<10240x128xf32, #tpu.memory_space<vmem_shared>> -> memref<128x128xf32, #tpu.memory_space<vmem_shared>>
      %dma_wait3A_205 = arith.constant 0 : i32
      %dma_wait3A_206 = tpu.memref_slice %arg10[%add3A_51, %dma_wait3A_205] : memref<10240x128xf32, #tpu.memory_space<vmem_shared>> -> memref<128x128xf32, #tpu.memory_space<vmem_shared>>
      %dma_wait3A_207 = arith.constant 0 : i32
      %dma_wait3A_208 = arith.constant 0 : i32
      %dma_wait3A_209 = tpu.memref_slice %arg9[%run_scoped3A_52, %dma_wait3A_207, %dma_wait3A_208] : memref<2x128x128xf32, #tpu.memory_space<vmem>> -> memref<1x128x128xf32, #tpu.memory_space<vmem>>
      %dma_wait3A_210 = tpu.memref_squeeze %dma_wait3A_209 : memref<1x128x128xf32, #tpu.memory_space<vmem>> -> memref<128x128xf32, #tpu.memory_space<vmem>>
      tpu.wait_dma2 semaphore(%run_scoped3A_186 : memref<!tpu.dma_semaphore, #tpu.memory_space<semaphore_mem>>) src(%dma_wait3A_210 : memref<128x128xf32, #tpu.memory_space<vmem>>) dst(%dma_wait3A_206 : memref<128x128xf32, #tpu.memory_space<vmem_shared>>)
      tpu.yield
    }) : () -> ()
    %mul3A_53 = arith.constant 640 : i32
    %mul3A_54 = arith.muli %arg1, %mul3A_53 : i32
    %add3A_55 = arith.constant 384 : i32
    %add3A_56 = arith.addi %mul3A_54, %add3A_55 : i32
    %run_scoped3A_57 = arith.constant 0 : i32
    "tpu.region"() ({
      %run_scoped3A_186 = tpu.sem_alloc : memref<!tpu.dma_semaphore, #tpu.memory_space<semaphore_mem>>
      %dma_start3A_187 = arith.constant 0 : i32
      %dma_start3A_188 = arith.constant 0 : i32
      %dma_start3A_189 = tpu.memref_slice %arg9[%run_scoped3A_57, %dma_start3A_187, %dma_start3A_188] : memref<2x128x128xf32, #tpu.memory_space<vmem>> -> memref<1x128x128xf32, #tpu.memory_space<vmem>>
      %dma_start3A_190 = tpu.memref_squeeze %dma_start3A_189 : memref<1x128x128xf32, #tpu.memory_space<vmem>> -> memref<128x128xf32, #tpu.memory_space<vmem>>
      %dma_start3A_191 = arith.constant 0 : i32
      %dma_start3A_192 = tpu.memref_slice %arg10[%add3A_56, %dma_start3A_191] : memref<10240x128xf32, #tpu.memory_space<vmem_shared>> -> memref<128x128xf32, #tpu.memory_space<vmem_shared>>
      %dma_start3A_193 = arith.constant 0 : i32
      %dma_start3A_194 = tpu.memref_slice %arg10[%add3A_56, %dma_start3A_193] : memref<10240x128xf32, #tpu.memory_space<vmem_shared>> -> memref<128x128xf32, #tpu.memory_space<vmem_shared>>
      %dma_start3A_195 = arith.constant 0 : i32
      %dma_start3A_196 = arith.constant 0 : i32
      %dma_start3A_197 = tpu.memref_slice %arg9[%run_scoped3A_57, %dma_start3A_195, %dma_start3A_196] : memref<2x128x128xf32, #tpu.memory_space<vmem>> -> memref<1x128x128xf32, #tpu.memory_space<vmem>>
      %dma_start3A_198 = tpu.memref_squeeze %dma_start3A_197 : memref<1x128x128xf32, #tpu.memory_space<vmem>> -> memref<128x128xf32, #tpu.memory_space<vmem>>
      tpu.enqueue_dma source(%dma_start3A_198 : memref<128x128xf32, #tpu.memory_space<vmem>>) target(%dma_start3A_194 : memref<128x128xf32, #tpu.memory_space<vmem_shared>>) target_semaphore(%run_scoped3A_186 : memref<!tpu.dma_semaphore, #tpu.memory_space<semaphore_mem>>)
      %dma_wait3A_199 = arith.constant 0 : i32
      %dma_wait3A_200 = arith.constant 0 : i32
      %dma_wait3A_201 = tpu.memref_slice %arg9[%run_scoped3A_57, %dma_wait3A_199, %dma_wait3A_200] : memref<2x128x128xf32, #tpu.memory_space<vmem>> -> memref<1x128x128xf32, #tpu.memory_space<vmem>>
      %dma_wait3A_202 = tpu.memref_squeeze %dma_wait3A_201 : memref<1x128x128xf32, #tpu.memory_space<vmem>> -> memref<128x128xf32, #tpu.memory_space<vmem>>
      %dma_wait3A_203 = arith.constant 0 : i32
      %dma_wait3A_204 = tpu.memref_slice %arg10[%add3A_56, %dma_wait3A_203] : memref<10240x128xf32, #tpu.memory_space<vmem_shared>> -> memref<128x128xf32, #tpu.memory_space<vmem_shared>>
      %dma_wait3A_205 = arith.constant 0 : i32
      %dma_wait3A_206 = tpu.memref_slice %arg10[%add3A_56, %dma_wait3A_205] : memref<10240x128xf32, #tpu.memory_space<vmem_shared>> -> memref<128x128xf32, #tpu.memory_space<vmem_shared>>
      %dma_wait3A_207 = arith.constant 0 : i32
      %dma_wait3A_208 = arith.constant 0 : i32
      %dma_wait3A_209 = tpu.memref_slice %arg9[%run_scoped3A_57, %dma_wait3A_207, %dma_wait3A_208] : memref<2x128x128xf32, #tpu.memory_space<vmem>> -> memref<1x128x128xf32, #tpu.memory_space<vmem>>
      %dma_wait3A_210 = tpu.memref_squeeze %dma_wait3A_209 : memref<1x128x128xf32, #tpu.memory_space<vmem>> -> memref<128x128xf32, #tpu.memory_space<vmem>>
      tpu.wait_dma2 semaphore(%run_scoped3A_186 : memref<!tpu.dma_semaphore, #tpu.memory_space<semaphore_mem>>) src(%dma_wait3A_210 : memref<128x128xf32, #tpu.memory_space<vmem>>) dst(%dma_wait3A_206 : memref<128x128xf32, #tpu.memory_space<vmem_shared>>)
      tpu.yield
    }) : () -> ()
    %mul3A_58 = arith.constant 640 : i32
    %mul3A_59 = arith.muli %arg1, %mul3A_58 : i32
    %add3A_60 = arith.constant 512 : i32
    %add3A_61 = arith.addi %mul3A_59, %add3A_60 : i32
    %run_scoped3A_62 = arith.constant 0 : i32
    "tpu.region"() ({
      %run_scoped3A_186 = tpu.sem_alloc : memref<!tpu.dma_semaphore, #tpu.memory_space<semaphore_mem>>
      %dma_start3A_187 = arith.constant 0 : i32
      %dma_start3A_188 = arith.constant 0 : i32
      %dma_start3A_189 = tpu.memref_slice %arg9[%run_scoped3A_62, %dma_start3A_187, %dma_start3A_188] : memref<2x128x128xf32, #tpu.memory_space<vmem>> -> memref<1x128x128xf32, #tpu.memory_space<vmem>>
      %dma_start3A_190 = tpu.memref_squeeze %dma_start3A_189 : memref<1x128x128xf32, #tpu.memory_space<vmem>> -> memref<128x128xf32, #tpu.memory_space<vmem>>
      %dma_start3A_191 = arith.constant 0 : i32
      %dma_start3A_192 = tpu.memref_slice %arg10[%add3A_61, %dma_start3A_191] : memref<10240x128xf32, #tpu.memory_space<vmem_shared>> -> memref<128x128xf32, #tpu.memory_space<vmem_shared>>
      %dma_start3A_193 = arith.constant 0 : i32
      %dma_start3A_194 = tpu.memref_slice %arg10[%add3A_61, %dma_start3A_193] : memref<10240x128xf32, #tpu.memory_space<vmem_shared>> -> memref<128x128xf32, #tpu.memory_space<vmem_shared>>
      %dma_start3A_195 = arith.constant 0 : i32
      %dma_start3A_196 = arith.constant 0 : i32
      %dma_start3A_197 = tpu.memref_slice %arg9[%run_scoped3A_62, %dma_start3A_195, %dma_start3A_196] : memref<2x128x128xf32, #tpu.memory_space<vmem>> -> memref<1x128x128xf32, #tpu.memory_space<vmem>>
      %dma_start3A_198 = tpu.memref_squeeze %dma_start3A_197 : memref<1x128x128xf32, #tpu.memory_space<vmem>> -> memref<128x128xf32, #tpu.memory_space<vmem>>
      tpu.enqueue_dma source(%dma_start3A_198 : memref<128x128xf32, #tpu.memory_space<vmem>>) target(%dma_start3A_194 : memref<128x128xf32, #tpu.memory_space<vmem_shared>>) target_semaphore(%run_scoped3A_186 : memref<!tpu.dma_semaphore, #tpu.memory_space<semaphore_mem>>)
      %dma_wait3A_199 = arith.constant 0 : i32
      %dma_wait3A_200 = arith.constant 0 : i32
      %dma_wait3A_201 = tpu.memref_slice %arg9[%run_scoped3A_62, %dma_wait3A_199, %dma_wait3A_200] : memref<2x128x128xf32, #tpu.memory_space<vmem>> -> memref<1x128x128xf32, #tpu.memory_space<vmem>>
      %dma_wait3A_202 = tpu.memref_squeeze %dma_wait3A_201 : memref<1x128x128xf32, #tpu.memory_space<vmem>> -> memref<128x128xf32, #tpu.memory_space<vmem>>
      %dma_wait3A_203 = arith.constant 0 : i32
      %dma_wait3A_204 = tpu.memref_slice %arg10[%add3A_61, %dma_wait3A_203] : memref<10240x128xf32, #tpu.memory_space<vmem_shared>> -> memref<128x128xf32, #tpu.memory_space<vmem_shared>>
      %dma_wait3A_205 = arith.constant 0 : i32
      %dma_wait3A_206 = tpu.memref_slice %arg10[%add3A_61, %dma_wait3A_205] : memref<10240x128xf32, #tpu.memory_space<vmem_shared>> -> memref<128x128xf32, #tpu.memory_space<vmem_shared>>
      %dma_wait3A_207 = arith.constant 0 : i32
      %dma_wait3A_208 = arith.constant 0 : i32
      %dma_wait3A_209 = tpu.memref_slice %arg9[%run_scoped3A_62, %dma_wait3A_207, %dma_wait3A_208] : memref<2x128x128xf32, #tpu.memory_space<vmem>> -> memref<1x128x128xf32, #tpu.memory_space<vmem>>
      %dma_wait3A_210 = tpu.memref_squeeze %dma_wait3A_209 : memref<1x128x128xf32, #tpu.memory_space<vmem>> -> memref<128x128xf32, #tpu.memory_space<vmem>>
      tpu.wait_dma2 semaphore(%run_scoped3A_186 : memref<!tpu.dma_semaphore, #tpu.memory_space<semaphore_mem>>) src(%dma_wait3A_210 : memref<128x128xf32, #tpu.memory_space<vmem>>) dst(%dma_wait3A_206 : memref<128x128xf32, #tpu.memory_space<vmem_shared>>)
      tpu.yield
    }) : () -> ()
    %barrier3A = arith.constant 0 : index
    tpu.barrier barrier_id(%barrier3A)
    %dma_wait3A = arith.constant 0 : i32
    %dma_wait3A_63 = arith.constant 0 : i32
    %dma_wait3A_64 = arith.constant 0 : i32
    %dma_wait3A_65 = tpu.memref_slice %arg6[%dma_wait3A, %dma_wait3A_63, %dma_wait3A_64] : memref<2x8x128xi32, #tpu.memory_space<vmem>> -> memref<1x8x128xi32, #tpu.memory_space<vmem>>
    %dma_wait3A_66 = tpu.memref_squeeze %dma_wait3A_65 : memref<1x8x128xi32, #tpu.memory_space<vmem>> -> memref<8x128xi32, #tpu.memory_space<vmem>>
    %dma_wait3A_67 = arith.constant 0 : i32
    %dma_wait3A_68 = arith.constant 0 : i32
    %dma_wait3A_69 = tpu.memref_slice %arg3[%add3A, %dma_wait3A_67, %dma_wait3A_68] : memref<32x88x128xi32, #tpu.memory_space<hbm>> -> memref<1x8x128xi32, #tpu.memory_space<hbm>>
    %dma_wait3A_70 = tpu.memref_squeeze %dma_wait3A_69 : memref<1x8x128xi32, #tpu.memory_space<hbm>> -> memref<8x128xi32, #tpu.memory_space<hbm>>
    %dma_wait3A_71 = arith.constant 0 : i32
    %dma_wait3A_72 = arith.constant 0 : i32
    %dma_wait3A_73 = tpu.memref_slice %arg6[%dma_wait3A, %dma_wait3A_71, %dma_wait3A_72] : memref<2x8x128xi32, #tpu.memory_space<vmem>> -> memref<1x8x128xi32, #tpu.memory_space<vmem>>
    %dma_wait3A_74 = tpu.memref_squeeze %dma_wait3A_73 : memref<1x8x128xi32, #tpu.memory_space<vmem>> -> memref<8x128xi32, #tpu.memory_space<vmem>>
    %dma_wait3A_75 = arith.constant 0 : i32
    %dma_wait3A_76 = arith.constant 0 : i32
    %dma_wait3A_77 = tpu.memref_slice %arg3[%add3A, %dma_wait3A_75, %dma_wait3A_76] : memref<32x88x128xi32, #tpu.memory_space<hbm>> -> memref<1x8x128xi32, #tpu.memory_space<hbm>>
    %dma_wait3A_78 = tpu.memref_squeeze %dma_wait3A_77 : memref<1x8x128xi32, #tpu.memory_space<hbm>> -> memref<8x128xi32, #tpu.memory_space<hbm>>
    tpu.wait_dma2 semaphore(%arg14 : memref<!tpu.dma_semaphore, #tpu.memory_space<semaphore_mem>>) src(%dma_wait3A_78 : memref<8x128xi32, #tpu.memory_space<hbm>>) dst(%dma_wait3A_74 : memref<8x128xi32, #tpu.memory_space<vmem>>)
    %dma_wait3A_79 = arith.constant 0 : i32
    %dma_wait3A_80 = arith.constant 0 : i32
    %dma_wait3A_81 = arith.constant 0 : i32
    %dma_wait3A_82 = tpu.memref_slice %arg6[%dma_wait3A_79, %dma_wait3A_80, %dma_wait3A_81] : memref<2x8x128xi32, #tpu.memory_space<vmem>> -> memref<1x8x128xi32, #tpu.memory_space<vmem>>
    %dma_wait3A_83 = tpu.memref_squeeze %dma_wait3A_82 : memref<1x8x128xi32, #tpu.memory_space<vmem>> -> memref<8x128xi32, #tpu.memory_space<vmem>>
    %dma_wait3A_84 = arith.constant 0 : i32
    %dma_wait3A_85 = arith.constant 0 : i32
    %dma_wait3A_86 = tpu.memref_slice %arg3[%add3A, %dma_wait3A_84, %dma_wait3A_85] : memref<32x88x128xi32, #tpu.memory_space<hbm>> -> memref<1x8x128xi32, #tpu.memory_space<hbm>>
    %dma_wait3A_87 = tpu.memref_squeeze %dma_wait3A_86 : memref<1x8x128xi32, #tpu.memory_space<hbm>> -> memref<8x128xi32, #tpu.memory_space<hbm>>
    %dma_wait3A_88 = arith.constant 0 : i32
    %dma_wait3A_89 = arith.constant 0 : i32
    %dma_wait3A_90 = tpu.memref_slice %arg6[%dma_wait3A_79, %dma_wait3A_88, %dma_wait3A_89] : memref<2x8x128xi32, #tpu.memory_space<vmem>> -> memref<1x8x128xi32, #tpu.memory_space<vmem>>
    %dma_wait3A_91 = tpu.memref_squeeze %dma_wait3A_90 : memref<1x8x128xi32, #tpu.memory_space<vmem>> -> memref<8x128xi32, #tpu.memory_space<vmem>>
    %dma_wait3A_92 = arith.constant 0 : i32
    %dma_wait3A_93 = arith.constant 0 : i32
    %dma_wait3A_94 = tpu.memref_slice %arg3[%add3A, %dma_wait3A_92, %dma_wait3A_93] : memref<32x88x128xi32, #tpu.memory_space<hbm>> -> memref<1x8x128xi32, #tpu.memory_space<hbm>>
    %dma_wait3A_95 = tpu.memref_squeeze %dma_wait3A_94 : memref<1x8x128xi32, #tpu.memory_space<hbm>> -> memref<8x128xi32, #tpu.memory_space<hbm>>
    tpu.wait_dma2 semaphore(%arg14 : memref<!tpu.dma_semaphore, #tpu.memory_space<semaphore_mem>>) src(%dma_wait3A_95 : memref<8x128xi32, #tpu.memory_space<hbm>>) dst(%dma_wait3A_91 : memref<8x128xi32, #tpu.memory_space<vmem>>)
    %dma_start3A_96 = arith.constant 0 : i32
    %dma_start3A_97 = arith.constant 0 : i32
    %dma_start3A_98 = arith.constant 0 : i32
    %dma_start3A_99 = arith.constant 0 : i32
    %dma_start3A_100 = arith.constant 0 : i32
    %dma_start3A_101 = tpu.memref_slice %arg9[%dma_start3A_98, %dma_start3A_99, %dma_start3A_100] : memref<2x128x128xf32, #tpu.memory_space<vmem>> -> memref<1x128x128xf32, #tpu.memory_space<vmem>>
    %dma_start3A_102 = tpu.memref_squeeze %dma_start3A_101 : memref<1x128x128xf32, #tpu.memory_space<vmem>> -> memref<128x128xf32, #tpu.memory_space<vmem>>
    %dma_start3A_103 = arith.constant 0 : i32
    %dma_start3A_104 = tpu.memref_slice %arg6[%dma_start3A_96, %dma_start3A_97, %dma_start3A_103] : memref<2x8x128xi32, #tpu.memory_space<vmem>> -> memref<1x1x128xi32, #tpu.memory_space<vmem>>
    %dma_start3A_105 = tpu.memref_squeeze %dma_start3A_104 : memref<1x1x128xi32, #tpu.memory_space<vmem>> -> memref<128xi32, #tpu.memory_space<vmem>>
    %dma_start3A_106 = arith.constant 0 : i32
    %dma_start3A_107 = arith.constant 0 : i32
    %dma_start3A_108 = tpu.memref_slice %arg2[%dma_start3A_106, %dma_start3A_107] : memref<10240x128xf32, #tpu.memory_space<hbm>> -> memref<10240x128xf32, #tpu.memory_space<hbm>>
    tpu.enqueue_indirect_dma source(%dma_start3A_108 : memref<10240x128xf32, #tpu.memory_space<hbm>>) target(%dma_start3A_102 : memref<128x128xf32, #tpu.memory_space<vmem>>) offsets(%dma_start3A_105 : memref<128xi32, #tpu.memory_space<vmem>>) semaphore(%arg11 : memref<!tpu.dma_semaphore, #tpu.memory_space<semaphore_mem>>)
    %scan3A_109 = arith.constant 0 : i32
    %scan3A_110 = arith.constant 0 : i32
    %scan3A_111 = arith.constant 11 : i32
    %scan3A_112 = arith.addi %scan3A_110, %scan3A_111 : i32
    %scan3A_113 = arith.constant 1 : i32
    scf.for %scan3A_186 = %scan3A_110 to %scan3A_112 step %scan3A_113  : i32 {
      %jit3A = arith.constant 2 : i32
      %eq3A = arith.constant 0 : i32
      %eq3A_187 = arith.cmpi eq, %jit3A, %eq3A : i32
      %jit3A_188 = arith.constant 1 : i32
      %select_n3A = arith.select %eq3A_187, %jit3A_188, %jit3A : i32
      %rem3A = arith.remsi %scan3A_186, %select_n3A : i32
      %ne3A = arith.constant 0 : i32
      %ne3A_189 = arith.cmpi ne, %rem3A, %ne3A : i32
      %lt3A = arith.constant 0 : i32
      %lt3A_190 = arith.cmpi slt, %rem3A, %lt3A : i32
      %lt3A_191 = arith.constant 0 : i32
      %lt3A_192 = arith.cmpi slt, %select_n3A, %lt3A_191 : i32
      %ne3A_193 = arith.xori %lt3A_190, %lt3A_192 : i1
      %and3A = arith.andi %ne3A_193, %ne3A_189 : i1
      %add3A_194 = arith.addi %rem3A, %select_n3A : i32
      %select_n3A_195 = arith.select %and3A, %add3A_194, %rem3A : i32
      %add3A_196 = arith.constant 1 : i32
      %add3A_197 = arith.addi %scan3A_186, %add3A_196 : i32
      %min3A = arith.constant 10 : i32
      %min3A_198 = arith.minsi %add3A_197, %min3A : i32
      %sub3A = arith.constant 1 : i32
      %sub3A_199 = arith.subi %sub3A, %select_n3A_195 : i32
      %mul3A_200 = arith.constant 8 : i32
      %mul3A_201 = arith.muli %min3A_198, %mul3A_200 : i32
      %dma_start3A_202 = arith.constant 0 : i32
      %dma_start3A_203 = arith.constant 0 : i32
      %dma_start3A_204 = tpu.memref_slice %arg6[%sub3A_199, %dma_start3A_202, %dma_start3A_203] : memref<2x8x128xi32, #tpu.memory_space<vmem>> -> memref<1x8x128xi32, #tpu.memory_space<vmem>>
      %dma_start3A_205 = tpu.memref_squeeze %dma_start3A_204 : memref<1x8x128xi32, #tpu.memory_space<vmem>> -> memref<8x128xi32, #tpu.memory_space<vmem>>
      %dma_start3A_206 = arith.constant 0 : i32
      %dma_start3A_207 = tpu.memref_slice %arg3[%add3A, %mul3A_201, %dma_start3A_206] : memref<32x88x128xi32, #tpu.memory_space<hbm>> -> memref<1x8x128xi32, #tpu.memory_space<hbm>>
      %dma_start3A_208 = tpu.memref_squeeze %dma_start3A_207 : memref<1x8x128xi32, #tpu.memory_space<hbm>> -> memref<8x128xi32, #tpu.memory_space<hbm>>
      %dma_start3A_209 = arith.constant 0 : i32
      %dma_start3A_210 = arith.constant 0 : i32
      %dma_start3A_211 = tpu.memref_slice %arg6[%sub3A_199, %dma_start3A_209, %dma_start3A_210] : memref<2x8x128xi32, #tpu.memory_space<vmem>> -> memref<1x8x128xi32, #tpu.memory_space<vmem>>
      %dma_start3A_212 = tpu.memref_squeeze %dma_start3A_211 : memref<1x8x128xi32, #tpu.memory_space<vmem>> -> memref<8x128xi32, #tpu.memory_space<vmem>>
      %dma_start3A_213 = arith.constant 0 : i32
      %dma_start3A_214 = tpu.memref_slice %arg3[%add3A, %mul3A_201, %dma_start3A_213] : memref<32x88x128xi32, #tpu.memory_space<hbm>> -> memref<1x8x128xi32, #tpu.memory_space<hbm>>
      %dma_start3A_215 = tpu.memref_squeeze %dma_start3A_214 : memref<1x8x128xi32, #tpu.memory_space<hbm>> -> memref<8x128xi32, #tpu.memory_space<hbm>>
      tpu.enqueue_dma source(%dma_start3A_215 : memref<8x128xi32, #tpu.memory_space<hbm>>) target(%dma_start3A_212 : memref<8x128xi32, #tpu.memory_space<vmem>>) target_semaphore(%arg14 : memref<!tpu.dma_semaphore, #tpu.memory_space<semaphore_mem>>)
      %mul3A_216 = arith.constant 8 : i32
      %mul3A_217 = arith.muli %min3A_198, %mul3A_216 : i32
      %dma_start3A_218 = arith.constant 0 : i32
      %dma_start3A_219 = arith.constant 0 : i32
      %dma_start3A_220 = tpu.memref_slice %arg7[%sub3A_199, %dma_start3A_218, %dma_start3A_219] : memref<2x8x128xi32, #tpu.memory_space<vmem>> -> memref<1x8x128xi32, #tpu.memory_space<vmem>>
      %dma_start3A_221 = tpu.memref_squeeze %dma_start3A_220 : memref<1x8x128xi32, #tpu.memory_space<vmem>> -> memref<8x128xi32, #tpu.memory_space<vmem>>
      %dma_start3A_222 = arith.constant 0 : i32
      %dma_start3A_223 = tpu.memref_slice %arg4[%add3A, %mul3A_217, %dma_start3A_222] : memref<32x88x128xi32, #tpu.memory_space<hbm>> -> memref<1x8x128xi32, #tpu.memory_space<hbm>>
      %dma_start3A_224 = tpu.memref_squeeze %dma_start3A_223 : memref<1x8x128xi32, #tpu.memory_space<hbm>> -> memref<8x128xi32, #tpu.memory_space<hbm>>
      %dma_start3A_225 = arith.constant 0 : i32
      %dma_start3A_226 = arith.constant 0 : i32
      %dma_start3A_227 = tpu.memref_slice %arg7[%sub3A_199, %dma_start3A_225, %dma_start3A_226] : memref<2x8x128xi32, #tpu.memory_space<vmem>> -> memref<1x8x128xi32, #tpu.memory_space<vmem>>
      %dma_start3A_228 = tpu.memref_squeeze %dma_start3A_227 : memref<1x8x128xi32, #tpu.memory_space<vmem>> -> memref<8x128xi32, #tpu.memory_space<vmem>>
      %dma_start3A_229 = arith.constant 0 : i32
      %dma_start3A_230 = tpu.memref_slice %arg4[%add3A, %mul3A_217, %dma_start3A_229] : memref<32x88x128xi32, #tpu.memory_space<hbm>> -> memref<1x8x128xi32, #tpu.memory_space<hbm>>
      %dma_start3A_231 = tpu.memref_squeeze %dma_start3A_230 : memref<1x8x128xi32, #tpu.memory_space<hbm>> -> memref<8x128xi32, #tpu.memory_space<hbm>>
      tpu.enqueue_dma source(%dma_start3A_231 : memref<8x128xi32, #tpu.memory_space<hbm>>) target(%dma_start3A_228 : memref<8x128xi32, #tpu.memory_space<vmem>>) target_semaphore(%arg14 : memref<!tpu.dma_semaphore, #tpu.memory_space<semaphore_mem>>)
      %mul3A_232 = arith.constant 8 : i32
      %mul3A_233 = arith.muli %scan3A_186, %mul3A_232 : i32
      %add3A_234 = arith.constant 0 : i32
      %add3A_235 = arith.addi %mul3A_233, %add3A_234 : i32
      %lt3A_236 = arith.constant 81 : i32
      %lt3A_237 = arith.cmpi slt, %add3A_235, %lt3A_236 : i32
      %gt3A = arith.constant 0 : i32
      %gt3A_238 = arith.cmpi sgt, %scan3A_186, %gt3A : i32
      %convert_element_type3A = arith.extui %gt3A_238 : i1 to i32
      %cond3A = arith.constant 0 : i32
      %cond3A_239 = arith.cmpi ne, %convert_element_type3A, %cond3A : i32
      scf.if %cond3A_239 {
        %dma_wait3A_544 = arith.constant 1 : i32
        %dma_wait3A_545 = arith.constant 0 : i32
        %dma_wait3A_546 = arith.constant 0 : i32
        %dma_wait3A_547 = tpu.memref_slice %arg9[%dma_wait3A_544, %dma_wait3A_545, %dma_wait3A_546] : memref<2x128x128xf32, #tpu.memory_space<vmem>> -> memref<1x128x128xf32, #tpu.memory_space<vmem>>
        %dma_wait3A_548 = tpu.memref_squeeze %dma_wait3A_547 : memref<1x128x128xf32, #tpu.memory_space<vmem>> -> memref<128x128xf32, #tpu.memory_space<vmem>>
        %dma_wait3A_549 = arith.constant 0 : i32
        %dma_wait3A_550 = arith.constant 0 : i32
        %dma_wait3A_551 = tpu.memref_slice %arg2[%dma_wait3A_549, %dma_wait3A_550] : memref<10240x128xf32, #tpu.memory_space<hbm>> -> memref<128x128xf32, #tpu.memory_space<hbm>>
        %dma_wait3A_552 = arith.constant 0 : i32
        %dma_wait3A_553 = arith.constant 0 : i32
        %dma_wait3A_554 = tpu.memref_slice %arg9[%dma_wait3A_544, %dma_wait3A_552, %dma_wait3A_553] : memref<2x128x128xf32, #tpu.memory_space<vmem>> -> memref<1x128x128xf32, #tpu.memory_space<vmem>>
        %dma_wait3A_555 = tpu.memref_squeeze %dma_wait3A_554 : memref<1x128x128xf32, #tpu.memory_space<vmem>> -> memref<128x128xf32, #tpu.memory_space<vmem>>
        %dma_wait3A_556 = arith.constant 0 : i32
        %dma_wait3A_557 = arith.constant 0 : i32
        %dma_wait3A_558 = tpu.memref_slice %arg2[%dma_wait3A_556, %dma_wait3A_557] : memref<10240x128xf32, #tpu.memory_space<hbm>> -> memref<128x128xf32, #tpu.memory_space<hbm>>
        tpu.wait_dma2 semaphore(%arg13 : memref<!tpu.dma_semaphore, #tpu.memory_space<semaphore_mem>>) src(%dma_wait3A_558 : memref<128x128xf32, #tpu.memory_space<hbm>>) dst(%dma_wait3A_555 : memref<128x128xf32, #tpu.memory_space<vmem>>)
      } else {
      }
      %mul3A_240 = arith.constant 8 : i32
      %mul3A_241 = arith.muli %scan3A_186, %mul3A_240 : i32
      %add3A_242 = arith.constant 0 : i32
      %add3A_243 = arith.addi %mul3A_241, %add3A_242 : i32
      %add3A_244 = arith.constant 1 : i32
      %add3A_245 = arith.addi %add3A_243, %add3A_244 : i32
      %lt3A_246 = arith.constant 81 : i32
      %lt3A_247 = arith.cmpi slt, %add3A_245, %lt3A_246 : i32
      %convert_element_type3A_248 = arith.extui %lt3A_247 : i1 to i32
      %cond3A_249 = arith.constant 0 : i32
      %cond3A_250 = arith.cmpi ne, %convert_element_type3A_248, %cond3A_249 : i32
      scf.if %cond3A_250 {
        %dma_start3A_544 = arith.constant 1 : i32
        %dma_start3A_545 = arith.constant 1 : i32
        %dma_start3A_546 = arith.constant 0 : i32
        %dma_start3A_547 = arith.constant 0 : i32
        %dma_start3A_548 = tpu.memref_slice %arg9[%dma_start3A_545, %dma_start3A_546, %dma_start3A_547] : memref<2x128x128xf32, #tpu.memory_space<vmem>> -> memref<1x128x128xf32, #tpu.memory_space<vmem>>
        %dma_start3A_549 = tpu.memref_squeeze %dma_start3A_548 : memref<1x128x128xf32, #tpu.memory_space<vmem>> -> memref<128x128xf32, #tpu.memory_space<vmem>>
        %dma_start3A_550 = arith.constant 0 : i32
        %dma_start3A_551 = tpu.memref_slice %arg6[%select_n3A_195, %dma_start3A_544, %dma_start3A_550] : memref<2x8x128xi32, #tpu.memory_space<vmem>> -> memref<1x1x128xi32, #tpu.memory_space<vmem>>
        %dma_start3A_552 = tpu.memref_squeeze %dma_start3A_551 : memref<1x1x128xi32, #tpu.memory_space<vmem>> -> memref<128xi32, #tpu.memory_space<vmem>>
        %dma_start3A_553 = arith.constant 0 : i32
        %dma_start3A_554 = arith.constant 0 : i32
        %dma_start3A_555 = tpu.memref_slice %arg2[%dma_start3A_553, %dma_start3A_554] : memref<10240x128xf32, #tpu.memory_space<hbm>> -> memref<10240x128xf32, #tpu.memory_space<hbm>>
        tpu.enqueue_indirect_dma source(%dma_start3A_555 : memref<10240x128xf32, #tpu.memory_space<hbm>>) target(%dma_start3A_549 : memref<128x128xf32, #tpu.memory_space<vmem>>) offsets(%dma_start3A_552 : memref<128xi32, #tpu.memory_space<vmem>>) semaphore(%arg12 : memref<!tpu.dma_semaphore, #tpu.memory_space<semaphore_mem>>)
      } else {
      }
      %dma_wait3A_251 = arith.constant 0 : i32
      %dma_wait3A_252 = arith.constant 0 : i32
      %dma_wait3A_253 = arith.constant 0 : i32
      %dma_wait3A_254 = tpu.memref_slice %arg9[%dma_wait3A_251, %dma_wait3A_252, %dma_wait3A_253] : memref<2x128x128xf32, #tpu.memory_space<vmem>> -> memref<1x128x128xf32, #tpu.memory_space<vmem>>
      %dma_wait3A_255 = tpu.memref_squeeze %dma_wait3A_254 : memref<1x128x128xf32, #tpu.memory_space<vmem>> -> memref<128x128xf32, #tpu.memory_space<vmem>>
      %dma_wait3A_256 = arith.constant 0 : i32
      %dma_wait3A_257 = arith.constant 0 : i32
      %dma_wait3A_258 = tpu.memref_slice %arg2[%dma_wait3A_256, %dma_wait3A_257] : memref<10240x128xf32, #tpu.memory_space<hbm>> -> memref<128x128xf32, #tpu.memory_space<hbm>>
      %dma_wait3A_259 = arith.constant 0 : i32
      %dma_wait3A_260 = arith.constant 0 : i32
      %dma_wait3A_261 = tpu.memref_slice %arg9[%dma_wait3A_251, %dma_wait3A_259, %dma_wait3A_260] : memref<2x128x128xf32, #tpu.memory_space<vmem>> -> memref<1x128x128xf32, #tpu.memory_space<vmem>>
      %dma_wait3A_262 = tpu.memref_squeeze %dma_wait3A_261 : memref<1x128x128xf32, #tpu.memory_space<vmem>> -> memref<128x128xf32, #tpu.memory_space<vmem>>
      %dma_wait3A_263 = arith.constant 0 : i32
      %dma_wait3A_264 = arith.constant 0 : i32
      %dma_wait3A_265 = tpu.memref_slice %arg2[%dma_wait3A_263, %dma_wait3A_264] : memref<10240x128xf32, #tpu.memory_space<hbm>> -> memref<128x128xf32, #tpu.memory_space<hbm>>
      tpu.wait_dma2 semaphore(%arg11 : memref<!tpu.dma_semaphore, #tpu.memory_space<semaphore_mem>>) src(%dma_wait3A_265 : memref<128x128xf32, #tpu.memory_space<hbm>>) dst(%dma_wait3A_262 : memref<128x128xf32, #tpu.memory_space<vmem>>)
      %run_scoped3A_266 = arith.constant 0 : i32
      %run_scoped3A_267 = arith.constant 0 : i32
      "tpu.region"() ({
        %run_scoped3A_544 = tpu.sem_alloc : memref<!tpu.dma_semaphore, #tpu.memory_space<semaphore_mem>>
        %dma_start3A_545 = arith.constant 0 : i32
        %dma_start3A_546 = arith.constant 0 : i32
        %dma_start3A_547 = tpu.memref_slice %arg9[%run_scoped3A_266, %dma_start3A_545, %dma_start3A_546] : memref<2x128x128xf32, #tpu.memory_space<vmem>> -> memref<1x128x128xf32, #tpu.memory_space<vmem>>
        %dma_start3A_548 = tpu.memref_squeeze %dma_start3A_547 : memref<1x128x128xf32, #tpu.memory_space<vmem>> -> memref<128x128xf32, #tpu.memory_space<vmem>>
        %dma_start3A_549 = arith.constant 0 : i32
        %dma_start3A_550 = tpu.memref_slice %arg7[%select_n3A_195, %run_scoped3A_267, %dma_start3A_549] : memref<2x8x128xi32, #tpu.memory_space<vmem>> -> memref<1x1x128xi32, #tpu.memory_space<vmem>>
        %dma_start3A_551 = tpu.memref_squeeze %dma_start3A_550 : memref<1x1x128xi32, #tpu.memory_space<vmem>> -> memref<128xi32, #tpu.memory_space<vmem>>
        %dma_start3A_552 = arith.constant 0 : i32
        %dma_start3A_553 = arith.constant 0 : i32
        %dma_start3A_554 = tpu.memref_slice %arg10[%dma_start3A_552, %dma_start3A_553] : memref<10240x128xf32, #tpu.memory_space<vmem_shared>> -> memref<10240x128xf32, #tpu.memory_space<vmem_shared>>
        tpu.enqueue_indirect_dma source(%dma_start3A_548 : memref<128x128xf32, #tpu.memory_space<vmem>>) target(%dma_start3A_554 : memref<10240x128xf32, #tpu.memory_space<vmem_shared>>) offsets(%dma_start3A_551 : memref<128xi32, #tpu.memory_space<vmem>>) semaphore(%run_scoped3A_544 : memref<!tpu.dma_semaphore, #tpu.memory_space<semaphore_mem>>) {add = true}
        %dma_wait3A_555 = arith.constant 0 : i32
        %dma_wait3A_556 = arith.constant 0 : i32
        %dma_wait3A_557 = tpu.memref_slice %arg9[%run_scoped3A_266, %dma_wait3A_555, %dma_wait3A_556] : memref<2x128x128xf32, #tpu.memory_space<vmem>> -> memref<1x128x128xf32, #tpu.memory_space<vmem>>
        %dma_wait3A_558 = tpu.memref_squeeze %dma_wait3A_557 : memref<1x128x128xf32, #tpu.memory_space<vmem>> -> memref<128x128xf32, #tpu.memory_space<vmem>>
        %dma_wait3A_559 = arith.constant 0 : i32
        %dma_wait3A_560 = tpu.memref_slice %arg7[%select_n3A_195, %run_scoped3A_267, %dma_wait3A_559] : memref<2x8x128xi32, #tpu.memory_space<vmem>> -> memref<1x1x128xi32, #tpu.memory_space<vmem>>
        %dma_wait3A_561 = tpu.memref_squeeze %dma_wait3A_560 : memref<1x1x128xi32, #tpu.memory_space<vmem>> -> memref<128xi32, #tpu.memory_space<vmem>>
        %dma_wait3A_562 = arith.constant 0 : i32
        %dma_wait3A_563 = arith.constant 0 : i32
        %dma_wait3A_564 = tpu.memref_slice %arg10[%dma_wait3A_562, %dma_wait3A_563] : memref<10240x128xf32, #tpu.memory_space<vmem_shared>> -> memref<10240x128xf32, #tpu.memory_space<vmem_shared>>
        tpu.wait_indirect_dma semaphore(%run_scoped3A_544 : memref<!tpu.dma_semaphore, #tpu.memory_space<semaphore_mem>>) src(%dma_wait3A_558 : memref<128x128xf32, #tpu.memory_space<vmem>>) dst(%dma_wait3A_564 : memref<10240x128xf32, #tpu.memory_space<vmem_shared>>)
        tpu.yield
      }) : () -> ()
      %mul3A_268 = arith.constant 8 : i32
      %mul3A_269 = arith.muli %scan3A_186, %mul3A_268 : i32
      %add3A_270 = arith.constant 1 : i32
      %add3A_271 = arith.addi %mul3A_269, %add3A_270 : i32
      %lt3A_272 = arith.constant 81 : i32
      %lt3A_273 = arith.cmpi slt, %add3A_271, %lt3A_272 : i32
      %mul3A_274 = arith.constant 8 : i32
      %mul3A_275 = arith.muli %scan3A_186, %mul3A_274 : i32
      %add3A_276 = arith.constant 1 : i32
      %add3A_277 = arith.addi %mul3A_275, %add3A_276 : i32
      %add3A_278 = arith.constant 1 : i32
      %add3A_279 = arith.addi %add3A_277, %add3A_278 : i32
      %lt3A_280 = arith.constant 81 : i32
      %lt3A_281 = arith.cmpi slt, %add3A_279, %lt3A_280 : i32
      %convert_element_type3A_282 = arith.extui %lt3A_281 : i1 to i32
      %cond3A_283 = arith.constant 0 : i32
      %cond3A_284 = arith.cmpi ne, %convert_element_type3A_282, %cond3A_283 : i32
      scf.if %cond3A_284 {
        %dma_start3A_544 = arith.constant 2 : i32
        %dma_start3A_545 = arith.constant 0 : i32
        %dma_start3A_546 = arith.constant 0 : i32
        %dma_start3A_547 = arith.constant 0 : i32
        %dma_start3A_548 = tpu.memref_slice %arg9[%dma_start3A_545, %dma_start3A_546, %dma_start3A_547] : memref<2x128x128xf32, #tpu.memory_space<vmem>> -> memref<1x128x128xf32, #tpu.memory_space<vmem>>
        %dma_start3A_549 = tpu.memref_squeeze %dma_start3A_548 : memref<1x128x128xf32, #tpu.memory_space<vmem>> -> memref<128x128xf32, #tpu.memory_space<vmem>>
        %dma_start3A_550 = arith.constant 0 : i32
        %dma_start3A_551 = tpu.memref_slice %arg6[%select_n3A_195, %dma_start3A_544, %dma_start3A_550] : memref<2x8x128xi32, #tpu.memory_space<vmem>> -> memref<1x1x128xi32, #tpu.memory_space<vmem>>
        %dma_start3A_552 = tpu.memref_squeeze %dma_start3A_551 : memref<1x1x128xi32, #tpu.memory_space<vmem>> -> memref<128xi32, #tpu.memory_space<vmem>>
        %dma_start3A_553 = arith.constant 0 : i32
        %dma_start3A_554 = arith.constant 0 : i32
        %dma_start3A_555 = tpu.memref_slice %arg2[%dma_start3A_553, %dma_start3A_554] : memref<10240x128xf32, #tpu.memory_space<hbm>> -> memref<10240x128xf32, #tpu.memory_space<hbm>>
        tpu.enqueue_indirect_dma source(%dma_start3A_555 : memref<10240x128xf32, #tpu.memory_space<hbm>>) target(%dma_start3A_549 : memref<128x128xf32, #tpu.memory_space<vmem>>) offsets(%dma_start3A_552 : memref<128xi32, #tpu.memory_space<vmem>>) semaphore(%arg11 : memref<!tpu.dma_semaphore, #tpu.memory_space<semaphore_mem>>)
      } else {
      }
      %convert_element_type3A_285 = arith.extui %lt3A_273 : i1 to i32
      %cond3A_286 = arith.constant 0 : i32
      %cond3A_287 = arith.cmpi ne, %convert_element_type3A_285, %cond3A_286 : i32
      scf.if %cond3A_287 {
        %dma_wait3A_544 = arith.constant 1 : i32
        %dma_wait3A_545 = arith.constant 0 : i32
        %dma_wait3A_546 = arith.constant 0 : i32
        %dma_wait3A_547 = tpu.memref_slice %arg9[%dma_wait3A_544, %dma_wait3A_545, %dma_wait3A_546] : memref<2x128x128xf32, #tpu.memory_space<vmem>> -> memref<1x128x128xf32, #tpu.memory_space<vmem>>
        %dma_wait3A_548 = tpu.memref_squeeze %dma_wait3A_547 : memref<1x128x128xf32, #tpu.memory_space<vmem>> -> memref<128x128xf32, #tpu.memory_space<vmem>>
        %dma_wait3A_549 = arith.constant 0 : i32
        %dma_wait3A_550 = arith.constant 0 : i32
        %dma_wait3A_551 = tpu.memref_slice %arg2[%dma_wait3A_549, %dma_wait3A_550] : memref<10240x128xf32, #tpu.memory_space<hbm>> -> memref<128x128xf32, #tpu.memory_space<hbm>>
        %dma_wait3A_552 = arith.constant 0 : i32
        %dma_wait3A_553 = arith.constant 0 : i32
        %dma_wait3A_554 = tpu.memref_slice %arg9[%dma_wait3A_544, %dma_wait3A_552, %dma_wait3A_553] : memref<2x128x128xf32, #tpu.memory_space<vmem>> -> memref<1x128x128xf32, #tpu.memory_space<vmem>>
        %dma_wait3A_555 = tpu.memref_squeeze %dma_wait3A_554 : memref<1x128x128xf32, #tpu.memory_space<vmem>> -> memref<128x128xf32, #tpu.memory_space<vmem>>
        %dma_wait3A_556 = arith.constant 0 : i32
        %dma_wait3A_557 = arith.constant 0 : i32
        %dma_wait3A_558 = tpu.memref_slice %arg2[%dma_wait3A_556, %dma_wait3A_557] : memref<10240x128xf32, #tpu.memory_space<hbm>> -> memref<128x128xf32, #tpu.memory_space<hbm>>
        tpu.wait_dma2 semaphore(%arg12 : memref<!tpu.dma_semaphore, #tpu.memory_space<semaphore_mem>>) src(%dma_wait3A_558 : memref<128x128xf32, #tpu.memory_space<hbm>>) dst(%dma_wait3A_555 : memref<128x128xf32, #tpu.memory_space<vmem>>)
        %run_scoped3A_559 = arith.constant 1 : i32
        %run_scoped3A_560 = arith.constant 1 : i32
        "tpu.region"() ({
          %run_scoped3A_561 = tpu.sem_alloc : memref<!tpu.dma_semaphore, #tpu.memory_space<semaphore_mem>>
          %dma_start3A_562 = arith.constant 0 : i32
          %dma_start3A_563 = arith.constant 0 : i32
          %dma_start3A_564 = tpu.memref_slice %arg9[%run_scoped3A_559, %dma_start3A_562, %dma_start3A_563] : memref<2x128x128xf32, #tpu.memory_space<vmem>> -> memref<1x128x128xf32, #tpu.memory_space<vmem>>
          %dma_start3A_565 = tpu.memref_squeeze %dma_start3A_564 : memref<1x128x128xf32, #tpu.memory_space<vmem>> -> memref<128x128xf32, #tpu.memory_space<vmem>>
          %dma_start3A_566 = arith.constant 0 : i32
          %dma_start3A_567 = tpu.memref_slice %arg7[%select_n3A_195, %run_scoped3A_560, %dma_start3A_566] : memref<2x8x128xi32, #tpu.memory_space<vmem>> -> memref<1x1x128xi32, #tpu.memory_space<vmem>>
          %dma_start3A_568 = tpu.memref_squeeze %dma_start3A_567 : memref<1x1x128xi32, #tpu.memory_space<vmem>> -> memref<128xi32, #tpu.memory_space<vmem>>
          %dma_start3A_569 = arith.constant 0 : i32
          %dma_start3A_570 = arith.constant 0 : i32
          %dma_start3A_571 = tpu.memref_slice %arg10[%dma_start3A_569, %dma_start3A_570] : memref<10240x128xf32, #tpu.memory_space<vmem_shared>> -> memref<10240x128xf32, #tpu.memory_space<vmem_shared>>
          tpu.enqueue_indirect_dma source(%dma_start3A_565 : memref<128x128xf32, #tpu.memory_space<vmem>>) target(%dma_start3A_571 : memref<10240x128xf32, #tpu.memory_space<vmem_shared>>) offsets(%dma_start3A_568 : memref<128xi32, #tpu.memory_space<vmem>>) semaphore(%run_scoped3A_561 : memref<!tpu.dma_semaphore, #tpu.memory_space<semaphore_mem>>) {add = true}
          %dma_wait3A_572 = arith.constant 0 : i32
          %dma_wait3A_573 = arith.constant 0 : i32
          %dma_wait3A_574 = tpu.memref_slice %arg9[%run_scoped3A_559, %dma_wait3A_572, %dma_wait3A_573] : memref<2x128x128xf32, #tpu.memory_space<vmem>> -> memref<1x128x128xf32, #tpu.memory_space<vmem>>
          %dma_wait3A_575 = tpu.memref_squeeze %dma_wait3A_574 : memref<1x128x128xf32, #tpu.memory_space<vmem>> -> memref<128x128xf32, #tpu.memory_space<vmem>>
          %dma_wait3A_576 = arith.constant 0 : i32
          %dma_wait3A_577 = tpu.memref_slice %arg7[%select_n3A_195, %run_scoped3A_560, %dma_wait3A_576] : memref<2x8x128xi32, #tpu.memory_space<vmem>> -> memref<1x1x128xi32, #tpu.memory_space<vmem>>
          %dma_wait3A_578 = tpu.memref_squeeze %dma_wait3A_577 : memref<1x1x128xi32, #tpu.memory_space<vmem>> -> memref<128xi32, #tpu.memory_space<vmem>>
          %dma_wait3A_579 = arith.constant 0 : i32
          %dma_wait3A_580 = arith.constant 0 : i32
          %dma_wait3A_581 = tpu.memref_slice %arg10[%dma_wait3A_579, %dma_wait3A_580] : memref<10240x128xf32, #tpu.memory_space<vmem_shared>> -> memref<10240x128xf32, #tpu.memory_space<vmem_shared>>
          tpu.wait_indirect_dma semaphore(%run_scoped3A_561 : memref<!tpu.dma_semaphore, #tpu.memory_space<semaphore_mem>>) src(%dma_wait3A_575 : memref<128x128xf32, #tpu.memory_space<vmem>>) dst(%dma_wait3A_581 : memref<10240x128xf32, #tpu.memory_space<vmem_shared>>)
          tpu.yield
        }) : () -> ()
      } else {
      }
      %mul3A_288 = arith.constant 8 : i32
      %mul3A_289 = arith.muli %scan3A_186, %mul3A_288 : i32
      %add3A_290 = arith.constant 2 : i32
      %add3A_291 = arith.addi %mul3A_289, %add3A_290 : i32
      %lt3A_292 = arith.constant 81 : i32
      %lt3A_293 = arith.cmpi slt, %add3A_291, %lt3A_292 : i32
      %mul3A_294 = arith.constant 8 : i32
      %mul3A_295 = arith.muli %scan3A_186, %mul3A_294 : i32
      %add3A_296 = arith.constant 2 : i32
      %add3A_297 = arith.addi %mul3A_295, %add3A_296 : i32
      %add3A_298 = arith.constant 1 : i32
      %add3A_299 = arith.addi %add3A_297, %add3A_298 : i32
      %lt3A_300 = arith.constant 81 : i32
      %lt3A_301 = arith.cmpi slt, %add3A_299, %lt3A_300 : i32
      %convert_element_type3A_302 = arith.extui %lt3A_301 : i1 to i32
      %cond3A_303 = arith.constant 0 : i32
      %cond3A_304 = arith.cmpi ne, %convert_element_type3A_302, %cond3A_303 : i32
      scf.if %cond3A_304 {
        %dma_start3A_544 = arith.constant 3 : i32
        %dma_start3A_545 = arith.constant 1 : i32
        %dma_start3A_546 = arith.constant 0 : i32
        %dma_start3A_547 = arith.constant 0 : i32
        %dma_start3A_548 = tpu.memref_slice %arg9[%dma_start3A_545, %dma_start3A_546, %dma_start3A_547] : memref<2x128x128xf32, #tpu.memory_space<vmem>> -> memref<1x128x128xf32, #tpu.memory_space<vmem>>
        %dma_start3A_549 = tpu.memref_squeeze %dma_start3A_548 : memref<1x128x128xf32, #tpu.memory_space<vmem>> -> memref<128x128xf32, #tpu.memory_space<vmem>>
        %dma_start3A_550 = arith.constant 0 : i32
        %dma_start3A_551 = tpu.memref_slice %arg6[%select_n3A_195, %dma_start3A_544, %dma_start3A_550] : memref<2x8x128xi32, #tpu.memory_space<vmem>> -> memref<1x1x128xi32, #tpu.memory_space<vmem>>
        %dma_start3A_552 = tpu.memref_squeeze %dma_start3A_551 : memref<1x1x128xi32, #tpu.memory_space<vmem>> -> memref<128xi32, #tpu.memory_space<vmem>>
        %dma_start3A_553 = arith.constant 0 : i32
        %dma_start3A_554 = arith.constant 0 : i32
        %dma_start3A_555 = tpu.memref_slice %arg2[%dma_start3A_553, %dma_start3A_554] : memref<10240x128xf32, #tpu.memory_space<hbm>> -> memref<10240x128xf32, #tpu.memory_space<hbm>>
        tpu.enqueue_indirect_dma source(%dma_start3A_555 : memref<10240x128xf32, #tpu.memory_space<hbm>>) target(%dma_start3A_549 : memref<128x128xf32, #tpu.memory_space<vmem>>) offsets(%dma_start3A_552 : memref<128xi32, #tpu.memory_space<vmem>>) semaphore(%arg12 : memref<!tpu.dma_semaphore, #tpu.memory_space<semaphore_mem>>)
      } else {
      }
      %convert_element_type3A_305 = arith.extui %lt3A_293 : i1 to i32
      %cond3A_306 = arith.constant 0 : i32
      %cond3A_307 = arith.cmpi ne, %convert_element_type3A_305, %cond3A_306 : i32
      scf.if %cond3A_307 {
        %dma_wait3A_544 = arith.constant 0 : i32
        %dma_wait3A_545 = arith.constant 0 : i32
        %dma_wait3A_546 = arith.constant 0 : i32
        %dma_wait3A_547 = tpu.memref_slice %arg9[%dma_wait3A_544, %dma_wait3A_545, %dma_wait3A_546] : memref<2x128x128xf32, #tpu.memory_space<vmem>> -> memref<1x128x128xf32, #tpu.memory_space<vmem>>
        %dma_wait3A_548 = tpu.memref_squeeze %dma_wait3A_547 : memref<1x128x128xf32, #tpu.memory_space<vmem>> -> memref<128x128xf32, #tpu.memory_space<vmem>>
        %dma_wait3A_549 = arith.constant 0 : i32
        %dma_wait3A_550 = arith.constant 0 : i32
        %dma_wait3A_551 = tpu.memref_slice %arg2[%dma_wait3A_549, %dma_wait3A_550] : memref<10240x128xf32, #tpu.memory_space<hbm>> -> memref<128x128xf32, #tpu.memory_space<hbm>>
        %dma_wait3A_552 = arith.constant 0 : i32
        %dma_wait3A_553 = arith.constant 0 : i32
        %dma_wait3A_554 = tpu.memref_slice %arg9[%dma_wait3A_544, %dma_wait3A_552, %dma_wait3A_553] : memref<2x128x128xf32, #tpu.memory_space<vmem>> -> memref<1x128x128xf32, #tpu.memory_space<vmem>>
        %dma_wait3A_555 = tpu.memref_squeeze %dma_wait3A_554 : memref<1x128x128xf32, #tpu.memory_space<vmem>> -> memref<128x128xf32, #tpu.memory_space<vmem>>
        %dma_wait3A_556 = arith.constant 0 : i32
        %dma_wait3A_557 = arith.constant 0 : i32
        %dma_wait3A_558 = tpu.memref_slice %arg2[%dma_wait3A_556, %dma_wait3A_557] : memref<10240x128xf32, #tpu.memory_space<hbm>> -> memref<128x128xf32, #tpu.memory_space<hbm>>
        tpu.wait_dma2 semaphore(%arg11 : memref<!tpu.dma_semaphore, #tpu.memory_space<semaphore_mem>>) src(%dma_wait3A_558 : memref<128x128xf32, #tpu.memory_space<hbm>>) dst(%dma_wait3A_555 : memref<128x128xf32, #tpu.memory_space<vmem>>)
        %run_scoped3A_559 = arith.constant 0 : i32
        %run_scoped3A_560 = arith.constant 2 : i32
        "tpu.region"() ({
          %run_scoped3A_561 = tpu.sem_alloc : memref<!tpu.dma_semaphore, #tpu.memory_space<semaphore_mem>>
          %dma_start3A_562 = arith.constant 0 : i32
          %dma_start3A_563 = arith.constant 0 : i32
          %dma_start3A_564 = tpu.memref_slice %arg9[%run_scoped3A_559, %dma_start3A_562, %dma_start3A_563] : memref<2x128x128xf32, #tpu.memory_space<vmem>> -> memref<1x128x128xf32, #tpu.memory_space<vmem>>
          %dma_start3A_565 = tpu.memref_squeeze %dma_start3A_564 : memref<1x128x128xf32, #tpu.memory_space<vmem>> -> memref<128x128xf32, #tpu.memory_space<vmem>>
          %dma_start3A_566 = arith.constant 0 : i32
          %dma_start3A_567 = tpu.memref_slice %arg7[%select_n3A_195, %run_scoped3A_560, %dma_start3A_566] : memref<2x8x128xi32, #tpu.memory_space<vmem>> -> memref<1x1x128xi32, #tpu.memory_space<vmem>>
          %dma_start3A_568 = tpu.memref_squeeze %dma_start3A_567 : memref<1x1x128xi32, #tpu.memory_space<vmem>> -> memref<128xi32, #tpu.memory_space<vmem>>
          %dma_start3A_569 = arith.constant 0 : i32
          %dma_start3A_570 = arith.constant 0 : i32
          %dma_start3A_571 = tpu.memref_slice %arg10[%dma_start3A_569, %dma_start3A_570] : memref<10240x128xf32, #tpu.memory_space<vmem_shared>> -> memref<10240x128xf32, #tpu.memory_space<vmem_shared>>
          tpu.enqueue_indirect_dma source(%dma_start3A_565 : memref<128x128xf32, #tpu.memory_space<vmem>>) target(%dma_start3A_571 : memref<10240x128xf32, #tpu.memory_space<vmem_shared>>) offsets(%dma_start3A_568 : memref<128xi32, #tpu.memory_space<vmem>>) semaphore(%run_scoped3A_561 : memref<!tpu.dma_semaphore, #tpu.memory_space<semaphore_mem>>) {add = true}
          %dma_wait3A_572 = arith.constant 0 : i32
          %dma_wait3A_573 = arith.constant 0 : i32
          %dma_wait3A_574 = tpu.memref_slice %arg9[%run_scoped3A_559, %dma_wait3A_572, %dma_wait3A_573] : memref<2x128x128xf32, #tpu.memory_space<vmem>> -> memref<1x128x128xf32, #tpu.memory_space<vmem>>
          %dma_wait3A_575 = tpu.memref_squeeze %dma_wait3A_574 : memref<1x128x128xf32, #tpu.memory_space<vmem>> -> memref<128x128xf32, #tpu.memory_space<vmem>>
          %dma_wait3A_576 = arith.constant 0 : i32
          %dma_wait3A_577 = tpu.memref_slice %arg7[%select_n3A_195, %run_scoped3A_560, %dma_wait3A_576] : memref<2x8x128xi32, #tpu.memory_space<vmem>> -> memref<1x1x128xi32, #tpu.memory_space<vmem>>
          %dma_wait3A_578 = tpu.memref_squeeze %dma_wait3A_577 : memref<1x1x128xi32, #tpu.memory_space<vmem>> -> memref<128xi32, #tpu.memory_space<vmem>>
          %dma_wait3A_579 = arith.constant 0 : i32
          %dma_wait3A_580 = arith.constant 0 : i32
          %dma_wait3A_581 = tpu.memref_slice %arg10[%dma_wait3A_579, %dma_wait3A_580] : memref<10240x128xf32, #tpu.memory_space<vmem_shared>> -> memref<10240x128xf32, #tpu.memory_space<vmem_shared>>
          tpu.wait_indirect_dma semaphore(%run_scoped3A_561 : memref<!tpu.dma_semaphore, #tpu.memory_space<semaphore_mem>>) src(%dma_wait3A_575 : memref<128x128xf32, #tpu.memory_space<vmem>>) dst(%dma_wait3A_581 : memref<10240x128xf32, #tpu.memory_space<vmem_shared>>)
          tpu.yield
        }) : () -> ()
      } else {
      }
      %mul3A_308 = arith.constant 8 : i32
      %mul3A_309 = arith.muli %scan3A_186, %mul3A_308 : i32
      %add3A_310 = arith.constant 3 : i32
      %add3A_311 = arith.addi %mul3A_309, %add3A_310 : i32
      %lt3A_312 = arith.constant 81 : i32
      %lt3A_313 = arith.cmpi slt, %add3A_311, %lt3A_312 : i32
      %mul3A_314 = arith.constant 8 : i32
      %mul3A_315 = arith.muli %scan3A_186, %mul3A_314 : i32
      %add3A_316 = arith.constant 3 : i32
      %add3A_317 = arith.addi %mul3A_315, %add3A_316 : i32
      %add3A_318 = arith.constant 1 : i32
      %add3A_319 = arith.addi %add3A_317, %add3A_318 : i32
      %lt3A_320 = arith.constant 81 : i32
      %lt3A_321 = arith.cmpi slt, %add3A_319, %lt3A_320 : i32
      %convert_element_type3A_322 = arith.extui %lt3A_321 : i1 to i32
      %cond3A_323 = arith.constant 0 : i32
      %cond3A_324 = arith.cmpi ne, %convert_element_type3A_322, %cond3A_323 : i32
      scf.if %cond3A_324 {
        %dma_start3A_544 = arith.constant 4 : i32
        %dma_start3A_545 = arith.constant 0 : i32
        %dma_start3A_546 = arith.constant 0 : i32
        %dma_start3A_547 = arith.constant 0 : i32
        %dma_start3A_548 = tpu.memref_slice %arg9[%dma_start3A_545, %dma_start3A_546, %dma_start3A_547] : memref<2x128x128xf32, #tpu.memory_space<vmem>> -> memref<1x128x128xf32, #tpu.memory_space<vmem>>
        %dma_start3A_549 = tpu.memref_squeeze %dma_start3A_548 : memref<1x128x128xf32, #tpu.memory_space<vmem>> -> memref<128x128xf32, #tpu.memory_space<vmem>>
        %dma_start3A_550 = arith.constant 0 : i32
        %dma_start3A_551 = tpu.memref_slice %arg6[%select_n3A_195, %dma_start3A_544, %dma_start3A_550] : memref<2x8x128xi32, #tpu.memory_space<vmem>> -> memref<1x1x128xi32, #tpu.memory_space<vmem>>
        %dma_start3A_552 = tpu.memref_squeeze %dma_start3A_551 : memref<1x1x128xi32, #tpu.memory_space<vmem>> -> memref<128xi32, #tpu.memory_space<vmem>>
        %dma_start3A_553 = arith.constant 0 : i32
        %dma_start3A_554 = arith.constant 0 : i32
        %dma_start3A_555 = tpu.memref_slice %arg2[%dma_start3A_553, %dma_start3A_554] : memref<10240x128xf32, #tpu.memory_space<hbm>> -> memref<10240x128xf32, #tpu.memory_space<hbm>>
        tpu.enqueue_indirect_dma source(%dma_start3A_555 : memref<10240x128xf32, #tpu.memory_space<hbm>>) target(%dma_start3A_549 : memref<128x128xf32, #tpu.memory_space<vmem>>) offsets(%dma_start3A_552 : memref<128xi32, #tpu.memory_space<vmem>>) semaphore(%arg11 : memref<!tpu.dma_semaphore, #tpu.memory_space<semaphore_mem>>)
      } else {
      }
      %convert_element_type3A_325 = arith.extui %lt3A_313 : i1 to i32
      %cond3A_326 = arith.constant 0 : i32
      %cond3A_327 = arith.cmpi ne, %convert_element_type3A_325, %cond3A_326 : i32
      scf.if %cond3A_327 {
        %dma_wait3A_544 = arith.constant 1 : i32
        %dma_wait3A_545 = arith.constant 0 : i32
        %dma_wait3A_546 = arith.constant 0 : i32
        %dma_wait3A_547 = tpu.memref_slice %arg9[%dma_wait3A_544, %dma_wait3A_545, %dma_wait3A_546] : memref<2x128x128xf32, #tpu.memory_space<vmem>> -> memref<1x128x128xf32, #tpu.memory_space<vmem>>
        %dma_wait3A_548 = tpu.memref_squeeze %dma_wait3A_547 : memref<1x128x128xf32, #tpu.memory_space<vmem>> -> memref<128x128xf32, #tpu.memory_space<vmem>>
        %dma_wait3A_549 = arith.constant 0 : i32
        %dma_wait3A_550 = arith.constant 0 : i32
        %dma_wait3A_551 = tpu.memref_slice %arg2[%dma_wait3A_549, %dma_wait3A_550] : memref<10240x128xf32, #tpu.memory_space<hbm>> -> memref<128x128xf32, #tpu.memory_space<hbm>>
        %dma_wait3A_552 = arith.constant 0 : i32
        %dma_wait3A_553 = arith.constant 0 : i32
        %dma_wait3A_554 = tpu.memref_slice %arg9[%dma_wait3A_544, %dma_wait3A_552, %dma_wait3A_553] : memref<2x128x128xf32, #tpu.memory_space<vmem>> -> memref<1x128x128xf32, #tpu.memory_space<vmem>>
        %dma_wait3A_555 = tpu.memref_squeeze %dma_wait3A_554 : memref<1x128x128xf32, #tpu.memory_space<vmem>> -> memref<128x128xf32, #tpu.memory_space<vmem>>
        %dma_wait3A_556 = arith.constant 0 : i32
        %dma_wait3A_557 = arith.constant 0 : i32
        %dma_wait3A_558 = tpu.memref_slice %arg2[%dma_wait3A_556, %dma_wait3A_557] : memref<10240x128xf32, #tpu.memory_space<hbm>> -> memref<128x128xf32, #tpu.memory_space<hbm>>
        tpu.wait_dma2 semaphore(%arg12 : memref<!tpu.dma_semaphore, #tpu.memory_space<semaphore_mem>>) src(%dma_wait3A_558 : memref<128x128xf32, #tpu.memory_space<hbm>>) dst(%dma_wait3A_555 : memref<128x128xf32, #tpu.memory_space<vmem>>)
        %run_scoped3A_559 = arith.constant 1 : i32
        %run_scoped3A_560 = arith.constant 3 : i32
        "tpu.region"() ({
          %run_scoped3A_561 = tpu.sem_alloc : memref<!tpu.dma_semaphore, #tpu.memory_space<semaphore_mem>>
          %dma_start3A_562 = arith.constant 0 : i32
          %dma_start3A_563 = arith.constant 0 : i32
          %dma_start3A_564 = tpu.memref_slice %arg9[%run_scoped3A_559, %dma_start3A_562, %dma_start3A_563] : memref<2x128x128xf32, #tpu.memory_space<vmem>> -> memref<1x128x128xf32, #tpu.memory_space<vmem>>
          %dma_start3A_565 = tpu.memref_squeeze %dma_start3A_564 : memref<1x128x128xf32, #tpu.memory_space<vmem>> -> memref<128x128xf32, #tpu.memory_space<vmem>>
          %dma_start3A_566 = arith.constant 0 : i32
          %dma_start3A_567 = tpu.memref_slice %arg7[%select_n3A_195, %run_scoped3A_560, %dma_start3A_566] : memref<2x8x128xi32, #tpu.memory_space<vmem>> -> memref<1x1x128xi32, #tpu.memory_space<vmem>>
          %dma_start3A_568 = tpu.memref_squeeze %dma_start3A_567 : memref<1x1x128xi32, #tpu.memory_space<vmem>> -> memref<128xi32, #tpu.memory_space<vmem>>
          %dma_start3A_569 = arith.constant 0 : i32
          %dma_start3A_570 = arith.constant 0 : i32
          %dma_start3A_571 = tpu.memref_slice %arg10[%dma_start3A_569, %dma_start3A_570] : memref<10240x128xf32, #tpu.memory_space<vmem_shared>> -> memref<10240x128xf32, #tpu.memory_space<vmem_shared>>
          tpu.enqueue_indirect_dma source(%dma_start3A_565 : memref<128x128xf32, #tpu.memory_space<vmem>>) target(%dma_start3A_571 : memref<10240x128xf32, #tpu.memory_space<vmem_shared>>) offsets(%dma_start3A_568 : memref<128xi32, #tpu.memory_space<vmem>>) semaphore(%run_scoped3A_561 : memref<!tpu.dma_semaphore, #tpu.memory_space<semaphore_mem>>) {add = true}
          %dma_wait3A_572 = arith.constant 0 : i32
          %dma_wait3A_573 = arith.constant 0 : i32
          %dma_wait3A_574 = tpu.memref_slice %arg9[%run_scoped3A_559, %dma_wait3A_572, %dma_wait3A_573] : memref<2x128x128xf32, #tpu.memory_space<vmem>> -> memref<1x128x128xf32, #tpu.memory_space<vmem>>
          %dma_wait3A_575 = tpu.memref_squeeze %dma_wait3A_574 : memref<1x128x128xf32, #tpu.memory_space<vmem>> -> memref<128x128xf32, #tpu.memory_space<vmem>>
          %dma_wait3A_576 = arith.constant 0 : i32
          %dma_wait3A_577 = tpu.memref_slice %arg7[%select_n3A_195, %run_scoped3A_560, %dma_wait3A_576] : memref<2x8x128xi32, #tpu.memory_space<vmem>> -> memref<1x1x128xi32, #tpu.memory_space<vmem>>
          %dma_wait3A_578 = tpu.memref_squeeze %dma_wait3A_577 : memref<1x1x128xi32, #tpu.memory_space<vmem>> -> memref<128xi32, #tpu.memory_space<vmem>>
          %dma_wait3A_579 = arith.constant 0 : i32
          %dma_wait3A_580 = arith.constant 0 : i32
          %dma_wait3A_581 = tpu.memref_slice %arg10[%dma_wait3A_579, %dma_wait3A_580] : memref<10240x128xf32, #tpu.memory_space<vmem_shared>> -> memref<10240x128xf32, #tpu.memory_space<vmem_shared>>
          tpu.wait_indirect_dma semaphore(%run_scoped3A_561 : memref<!tpu.dma_semaphore, #tpu.memory_space<semaphore_mem>>) src(%dma_wait3A_575 : memref<128x128xf32, #tpu.memory_space<vmem>>) dst(%dma_wait3A_581 : memref<10240x128xf32, #tpu.memory_space<vmem_shared>>)
          tpu.yield
        }) : () -> ()
      } else {
      }
      %mul3A_328 = arith.constant 8 : i32
      %mul3A_329 = arith.muli %scan3A_186, %mul3A_328 : i32
      %add3A_330 = arith.constant 4 : i32
      %add3A_331 = arith.addi %mul3A_329, %add3A_330 : i32
      %lt3A_332 = arith.constant 81 : i32
      %lt3A_333 = arith.cmpi slt, %add3A_331, %lt3A_332 : i32
      %mul3A_334 = arith.constant 8 : i32
      %mul3A_335 = arith.muli %scan3A_186, %mul3A_334 : i32
      %add3A_336 = arith.constant 4 : i32
      %add3A_337 = arith.addi %mul3A_335, %add3A_336 : i32
      %add3A_338 = arith.constant 1 : i32
      %add3A_339 = arith.addi %add3A_337, %add3A_338 : i32
      %lt3A_340 = arith.constant 81 : i32
      %lt3A_341 = arith.cmpi slt, %add3A_339, %lt3A_340 : i32
      %convert_element_type3A_342 = arith.extui %lt3A_341 : i1 to i32
      %cond3A_343 = arith.constant 0 : i32
      %cond3A_344 = arith.cmpi ne, %convert_element_type3A_342, %cond3A_343 : i32
      scf.if %cond3A_344 {
        %dma_start3A_544 = arith.constant 5 : i32
        %dma_start3A_545 = arith.constant 1 : i32
        %dma_start3A_546 = arith.constant 0 : i32
        %dma_start3A_547 = arith.constant 0 : i32
        %dma_start3A_548 = tpu.memref_slice %arg9[%dma_start3A_545, %dma_start3A_546, %dma_start3A_547] : memref<2x128x128xf32, #tpu.memory_space<vmem>> -> memref<1x128x128xf32, #tpu.memory_space<vmem>>
        %dma_start3A_549 = tpu.memref_squeeze %dma_start3A_548 : memref<1x128x128xf32, #tpu.memory_space<vmem>> -> memref<128x128xf32, #tpu.memory_space<vmem>>
        %dma_start3A_550 = arith.constant 0 : i32
        %dma_start3A_551 = tpu.memref_slice %arg6[%select_n3A_195, %dma_start3A_544, %dma_start3A_550] : memref<2x8x128xi32, #tpu.memory_space<vmem>> -> memref<1x1x128xi32, #tpu.memory_space<vmem>>
        %dma_start3A_552 = tpu.memref_squeeze %dma_start3A_551 : memref<1x1x128xi32, #tpu.memory_space<vmem>> -> memref<128xi32, #tpu.memory_space<vmem>>
        %dma_start3A_553 = arith.constant 0 : i32
        %dma_start3A_554 = arith.constant 0 : i32
        %dma_start3A_555 = tpu.memref_slice %arg2[%dma_start3A_553, %dma_start3A_554] : memref<10240x128xf32, #tpu.memory_space<hbm>> -> memref<10240x128xf32, #tpu.memory_space<hbm>>
        tpu.enqueue_indirect_dma source(%dma_start3A_555 : memref<10240x128xf32, #tpu.memory_space<hbm>>) target(%dma_start3A_549 : memref<128x128xf32, #tpu.memory_space<vmem>>) offsets(%dma_start3A_552 : memref<128xi32, #tpu.memory_space<vmem>>) semaphore(%arg12 : memref<!tpu.dma_semaphore, #tpu.memory_space<semaphore_mem>>)
      } else {
      }
      %convert_element_type3A_345 = arith.extui %lt3A_333 : i1 to i32
      %cond3A_346 = arith.constant 0 : i32
      %cond3A_347 = arith.cmpi ne, %convert_element_type3A_345, %cond3A_346 : i32
      scf.if %cond3A_347 {
        %dma_wait3A_544 = arith.constant 0 : i32
        %dma_wait3A_545 = arith.constant 0 : i32
        %dma_wait3A_546 = arith.constant 0 : i32
        %dma_wait3A_547 = tpu.memref_slice %arg9[%dma_wait3A_544, %dma_wait3A_545, %dma_wait3A_546] : memref<2x128x128xf32, #tpu.memory_space<vmem>> -> memref<1x128x128xf32, #tpu.memory_space<vmem>>
        %dma_wait3A_548 = tpu.memref_squeeze %dma_wait3A_547 : memref<1x128x128xf32, #tpu.memory_space<vmem>> -> memref<128x128xf32, #tpu.memory_space<vmem>>
        %dma_wait3A_549 = arith.constant 0 : i32
        %dma_wait3A_550 = arith.constant 0 : i32
        %dma_wait3A_551 = tpu.memref_slice %arg2[%dma_wait3A_549, %dma_wait3A_550] : memref<10240x128xf32, #tpu.memory_space<hbm>> -> memref<128x128xf32, #tpu.memory_space<hbm>>
        %dma_wait3A_552 = arith.constant 0 : i32
        %dma_wait3A_553 = arith.constant 0 : i32
        %dma_wait3A_554 = tpu.memref_slice %arg9[%dma_wait3A_544, %dma_wait3A_552, %dma_wait3A_553] : memref<2x128x128xf32, #tpu.memory_space<vmem>> -> memref<1x128x128xf32, #tpu.memory_space<vmem>>
        %dma_wait3A_555 = tpu.memref_squeeze %dma_wait3A_554 : memref<1x128x128xf32, #tpu.memory_space<vmem>> -> memref<128x128xf32, #tpu.memory_space<vmem>>
        %dma_wait3A_556 = arith.constant 0 : i32
        %dma_wait3A_557 = arith.constant 0 : i32
        %dma_wait3A_558 = tpu.memref_slice %arg2[%dma_wait3A_556, %dma_wait3A_557] : memref<10240x128xf32, #tpu.memory_space<hbm>> -> memref<128x128xf32, #tpu.memory_space<hbm>>
        tpu.wait_dma2 semaphore(%arg11 : memref<!tpu.dma_semaphore, #tpu.memory_space<semaphore_mem>>) src(%dma_wait3A_558 : memref<128x128xf32, #tpu.memory_space<hbm>>) dst(%dma_wait3A_555 : memref<128x128xf32, #tpu.memory_space<vmem>>)
        %run_scoped3A_559 = arith.constant 0 : i32
        %run_scoped3A_560 = arith.constant 4 : i32
        "tpu.region"() ({
          %run_scoped3A_561 = tpu.sem_alloc : memref<!tpu.dma_semaphore, #tpu.memory_space<semaphore_mem>>
          %dma_start3A_562 = arith.constant 0 : i32
          %dma_start3A_563 = arith.constant 0 : i32
          %dma_start3A_564 = tpu.memref_slice %arg9[%run_scoped3A_559, %dma_start3A_562, %dma_start3A_563] : memref<2x128x128xf32, #tpu.memory_space<vmem>> -> memref<1x128x128xf32, #tpu.memory_space<vmem>>
          %dma_start3A_565 = tpu.memref_squeeze %dma_start3A_564 : memref<1x128x128xf32, #tpu.memory_space<vmem>> -> memref<128x128xf32, #tpu.memory_space<vmem>>
          %dma_start3A_566 = arith.constant 0 : i32
          %dma_start3A_567 = tpu.memref_slice %arg7[%select_n3A_195, %run_scoped3A_560, %dma_start3A_566] : memref<2x8x128xi32, #tpu.memory_space<vmem>> -> memref<1x1x128xi32, #tpu.memory_space<vmem>>
          %dma_start3A_568 = tpu.memref_squeeze %dma_start3A_567 : memref<1x1x128xi32, #tpu.memory_space<vmem>> -> memref<128xi32, #tpu.memory_space<vmem>>
          %dma_start3A_569 = arith.constant 0 : i32
          %dma_start3A_570 = arith.constant 0 : i32
          %dma_start3A_571 = tpu.memref_slice %arg10[%dma_start3A_569, %dma_start3A_570] : memref<10240x128xf32, #tpu.memory_space<vmem_shared>> -> memref<10240x128xf32, #tpu.memory_space<vmem_shared>>
          tpu.enqueue_indirect_dma source(%dma_start3A_565 : memref<128x128xf32, #tpu.memory_space<vmem>>) target(%dma_start3A_571 : memref<10240x128xf32, #tpu.memory_space<vmem_shared>>) offsets(%dma_start3A_568 : memref<128xi32, #tpu.memory_space<vmem>>) semaphore(%run_scoped3A_561 : memref<!tpu.dma_semaphore, #tpu.memory_space<semaphore_mem>>) {add = true}
          %dma_wait3A_572 = arith.constant 0 : i32
          %dma_wait3A_573 = arith.constant 0 : i32
          %dma_wait3A_574 = tpu.memref_slice %arg9[%run_scoped3A_559, %dma_wait3A_572, %dma_wait3A_573] : memref<2x128x128xf32, #tpu.memory_space<vmem>> -> memref<1x128x128xf32, #tpu.memory_space<vmem>>
          %dma_wait3A_575 = tpu.memref_squeeze %dma_wait3A_574 : memref<1x128x128xf32, #tpu.memory_space<vmem>> -> memref<128x128xf32, #tpu.memory_space<vmem>>
          %dma_wait3A_576 = arith.constant 0 : i32
          %dma_wait3A_577 = tpu.memref_slice %arg7[%select_n3A_195, %run_scoped3A_560, %dma_wait3A_576] : memref<2x8x128xi32, #tpu.memory_space<vmem>> -> memref<1x1x128xi32, #tpu.memory_space<vmem>>
          %dma_wait3A_578 = tpu.memref_squeeze %dma_wait3A_577 : memref<1x1x128xi32, #tpu.memory_space<vmem>> -> memref<128xi32, #tpu.memory_space<vmem>>
          %dma_wait3A_579 = arith.constant 0 : i32
          %dma_wait3A_580 = arith.constant 0 : i32
          %dma_wait3A_581 = tpu.memref_slice %arg10[%dma_wait3A_579, %dma_wait3A_580] : memref<10240x128xf32, #tpu.memory_space<vmem_shared>> -> memref<10240x128xf32, #tpu.memory_space<vmem_shared>>
          tpu.wait_indirect_dma semaphore(%run_scoped3A_561 : memref<!tpu.dma_semaphore, #tpu.memory_space<semaphore_mem>>) src(%dma_wait3A_575 : memref<128x128xf32, #tpu.memory_space<vmem>>) dst(%dma_wait3A_581 : memref<10240x128xf32, #tpu.memory_space<vmem_shared>>)
          tpu.yield
        }) : () -> ()
      } else {
      }
      %mul3A_348 = arith.constant 8 : i32
      %mul3A_349 = arith.muli %scan3A_186, %mul3A_348 : i32
      %add3A_350 = arith.constant 5 : i32
      %add3A_351 = arith.addi %mul3A_349, %add3A_350 : i32
      %lt3A_352 = arith.constant 81 : i32
      %lt3A_353 = arith.cmpi slt, %add3A_351, %lt3A_352 : i32
      %mul3A_354 = arith.constant 8 : i32
      %mul3A_355 = arith.muli %scan3A_186, %mul3A_354 : i32
      %add3A_356 = arith.constant 5 : i32
      %add3A_357 = arith.addi %mul3A_355, %add3A_356 : i32
      %add3A_358 = arith.constant 1 : i32
      %add3A_359 = arith.addi %add3A_357, %add3A_358 : i32
      %lt3A_360 = arith.constant 81 : i32
      %lt3A_361 = arith.cmpi slt, %add3A_359, %lt3A_360 : i32
      %convert_element_type3A_362 = arith.extui %lt3A_361 : i1 to i32
      %cond3A_363 = arith.constant 0 : i32
      %cond3A_364 = arith.cmpi ne, %convert_element_type3A_362, %cond3A_363 : i32
      scf.if %cond3A_364 {
        %dma_start3A_544 = arith.constant 6 : i32
        %dma_start3A_545 = arith.constant 0 : i32
        %dma_start3A_546 = arith.constant 0 : i32
        %dma_start3A_547 = arith.constant 0 : i32
        %dma_start3A_548 = tpu.memref_slice %arg9[%dma_start3A_545, %dma_start3A_546, %dma_start3A_547] : memref<2x128x128xf32, #tpu.memory_space<vmem>> -> memref<1x128x128xf32, #tpu.memory_space<vmem>>
        %dma_start3A_549 = tpu.memref_squeeze %dma_start3A_548 : memref<1x128x128xf32, #tpu.memory_space<vmem>> -> memref<128x128xf32, #tpu.memory_space<vmem>>
        %dma_start3A_550 = arith.constant 0 : i32
        %dma_start3A_551 = tpu.memref_slice %arg6[%select_n3A_195, %dma_start3A_544, %dma_start3A_550] : memref<2x8x128xi32, #tpu.memory_space<vmem>> -> memref<1x1x128xi32, #tpu.memory_space<vmem>>
        %dma_start3A_552 = tpu.memref_squeeze %dma_start3A_551 : memref<1x1x128xi32, #tpu.memory_space<vmem>> -> memref<128xi32, #tpu.memory_space<vmem>>
        %dma_start3A_553 = arith.constant 0 : i32
        %dma_start3A_554 = arith.constant 0 : i32
        %dma_start3A_555 = tpu.memref_slice %arg2[%dma_start3A_553, %dma_start3A_554] : memref<10240x128xf32, #tpu.memory_space<hbm>> -> memref<10240x128xf32, #tpu.memory_space<hbm>>
        tpu.enqueue_indirect_dma source(%dma_start3A_555 : memref<10240x128xf32, #tpu.memory_space<hbm>>) target(%dma_start3A_549 : memref<128x128xf32, #tpu.memory_space<vmem>>) offsets(%dma_start3A_552 : memref<128xi32, #tpu.memory_space<vmem>>) semaphore(%arg11 : memref<!tpu.dma_semaphore, #tpu.memory_space<semaphore_mem>>)
      } else {
      }
      %convert_element_type3A_365 = arith.extui %lt3A_353 : i1 to i32
      %cond3A_366 = arith.constant 0 : i32
      %cond3A_367 = arith.cmpi ne, %convert_element_type3A_365, %cond3A_366 : i32
      scf.if %cond3A_367 {
        %dma_wait3A_544 = arith.constant 1 : i32
        %dma_wait3A_545 = arith.constant 0 : i32
        %dma_wait3A_546 = arith.constant 0 : i32
        %dma_wait3A_547 = tpu.memref_slice %arg9[%dma_wait3A_544, %dma_wait3A_545, %dma_wait3A_546] : memref<2x128x128xf32, #tpu.memory_space<vmem>> -> memref<1x128x128xf32, #tpu.memory_space<vmem>>
        %dma_wait3A_548 = tpu.memref_squeeze %dma_wait3A_547 : memref<1x128x128xf32, #tpu.memory_space<vmem>> -> memref<128x128xf32, #tpu.memory_space<vmem>>
        %dma_wait3A_549 = arith.constant 0 : i32
        %dma_wait3A_550 = arith.constant 0 : i32
        %dma_wait3A_551 = tpu.memref_slice %arg2[%dma_wait3A_549, %dma_wait3A_550] : memref<10240x128xf32, #tpu.memory_space<hbm>> -> memref<128x128xf32, #tpu.memory_space<hbm>>
        %dma_wait3A_552 = arith.constant 0 : i32
        %dma_wait3A_553 = arith.constant 0 : i32
        %dma_wait3A_554 = tpu.memref_slice %arg9[%dma_wait3A_544, %dma_wait3A_552, %dma_wait3A_553] : memref<2x128x128xf32, #tpu.memory_space<vmem>> -> memref<1x128x128xf32, #tpu.memory_space<vmem>>
        %dma_wait3A_555 = tpu.memref_squeeze %dma_wait3A_554 : memref<1x128x128xf32, #tpu.memory_space<vmem>> -> memref<128x128xf32, #tpu.memory_space<vmem>>
        %dma_wait3A_556 = arith.constant 0 : i32
        %dma_wait3A_557 = arith.constant 0 : i32
        %dma_wait3A_558 = tpu.memref_slice %arg2[%dma_wait3A_556, %dma_wait3A_557] : memref<10240x128xf32, #tpu.memory_space<hbm>> -> memref<128x128xf32, #tpu.memory_space<hbm>>
        tpu.wait_dma2 semaphore(%arg12 : memref<!tpu.dma_semaphore, #tpu.memory_space<semaphore_mem>>) src(%dma_wait3A_558 : memref<128x128xf32, #tpu.memory_space<hbm>>) dst(%dma_wait3A_555 : memref<128x128xf32, #tpu.memory_space<vmem>>)
        %run_scoped3A_559 = arith.constant 1 : i32
        %run_scoped3A_560 = arith.constant 5 : i32
        "tpu.region"() ({
          %run_scoped3A_561 = tpu.sem_alloc : memref<!tpu.dma_semaphore, #tpu.memory_space<semaphore_mem>>
          %dma_start3A_562 = arith.constant 0 : i32
          %dma_start3A_563 = arith.constant 0 : i32
          %dma_start3A_564 = tpu.memref_slice %arg9[%run_scoped3A_559, %dma_start3A_562, %dma_start3A_563] : memref<2x128x128xf32, #tpu.memory_space<vmem>> -> memref<1x128x128xf32, #tpu.memory_space<vmem>>
          %dma_start3A_565 = tpu.memref_squeeze %dma_start3A_564 : memref<1x128x128xf32, #tpu.memory_space<vmem>> -> memref<128x128xf32, #tpu.memory_space<vmem>>
          %dma_start3A_566 = arith.constant 0 : i32
          %dma_start3A_567 = tpu.memref_slice %arg7[%select_n3A_195, %run_scoped3A_560, %dma_start3A_566] : memref<2x8x128xi32, #tpu.memory_space<vmem>> -> memref<1x1x128xi32, #tpu.memory_space<vmem>>
          %dma_start3A_568 = tpu.memref_squeeze %dma_start3A_567 : memref<1x1x128xi32, #tpu.memory_space<vmem>> -> memref<128xi32, #tpu.memory_space<vmem>>
          %dma_start3A_569 = arith.constant 0 : i32
          %dma_start3A_570 = arith.constant 0 : i32
          %dma_start3A_571 = tpu.memref_slice %arg10[%dma_start3A_569, %dma_start3A_570] : memref<10240x128xf32, #tpu.memory_space<vmem_shared>> -> memref<10240x128xf32, #tpu.memory_space<vmem_shared>>
          tpu.enqueue_indirect_dma source(%dma_start3A_565 : memref<128x128xf32, #tpu.memory_space<vmem>>) target(%dma_start3A_571 : memref<10240x128xf32, #tpu.memory_space<vmem_shared>>) offsets(%dma_start3A_568 : memref<128xi32, #tpu.memory_space<vmem>>) semaphore(%run_scoped3A_561 : memref<!tpu.dma_semaphore, #tpu.memory_space<semaphore_mem>>) {add = true}
          %dma_wait3A_572 = arith.constant 0 : i32
          %dma_wait3A_573 = arith.constant 0 : i32
          %dma_wait3A_574 = tpu.memref_slice %arg9[%run_scoped3A_559, %dma_wait3A_572, %dma_wait3A_573] : memref<2x128x128xf32, #tpu.memory_space<vmem>> -> memref<1x128x128xf32, #tpu.memory_space<vmem>>
          %dma_wait3A_575 = tpu.memref_squeeze %dma_wait3A_574 : memref<1x128x128xf32, #tpu.memory_space<vmem>> -> memref<128x128xf32, #tpu.memory_space<vmem>>
          %dma_wait3A_576 = arith.constant 0 : i32
          %dma_wait3A_577 = tpu.memref_slice %arg7[%select_n3A_195, %run_scoped3A_560, %dma_wait3A_576] : memref<2x8x128xi32, #tpu.memory_space<vmem>> -> memref<1x1x128xi32, #tpu.memory_space<vmem>>
          %dma_wait3A_578 = tpu.memref_squeeze %dma_wait3A_577 : memref<1x1x128xi32, #tpu.memory_space<vmem>> -> memref<128xi32, #tpu.memory_space<vmem>>
          %dma_wait3A_579 = arith.constant 0 : i32
          %dma_wait3A_580 = arith.constant 0 : i32
          %dma_wait3A_581 = tpu.memref_slice %arg10[%dma_wait3A_579, %dma_wait3A_580] : memref<10240x128xf32, #tpu.memory_space<vmem_shared>> -> memref<10240x128xf32, #tpu.memory_space<vmem_shared>>
          tpu.wait_indirect_dma semaphore(%run_scoped3A_561 : memref<!tpu.dma_semaphore, #tpu.memory_space<semaphore_mem>>) src(%dma_wait3A_575 : memref<128x128xf32, #tpu.memory_space<vmem>>) dst(%dma_wait3A_581 : memref<10240x128xf32, #tpu.memory_space<vmem_shared>>)
          tpu.yield
        }) : () -> ()
      } else {
      }
      %mul3A_368 = arith.constant 8 : i32
      %mul3A_369 = arith.muli %scan3A_186, %mul3A_368 : i32
      %add3A_370 = arith.constant 6 : i32
      %add3A_371 = arith.addi %mul3A_369, %add3A_370 : i32
      %lt3A_372 = arith.constant 81 : i32
      %lt3A_373 = arith.cmpi slt, %add3A_371, %lt3A_372 : i32
      %dma_start3A_374 = arith.constant 7 : i32
      %dma_start3A_375 = arith.constant 1 : i32
      %dma_start3A_376 = arith.constant 0 : i32
      %dma_start3A_377 = arith.constant 0 : i32
      %dma_start3A_378 = tpu.memref_slice %arg9[%dma_start3A_375, %dma_start3A_376, %dma_start3A_377] : memref<2x128x128xf32, #tpu.memory_space<vmem>> -> memref<1x128x128xf32, #tpu.memory_space<vmem>>
      %dma_start3A_379 = tpu.memref_squeeze %dma_start3A_378 : memref<1x128x128xf32, #tpu.memory_space<vmem>> -> memref<128x128xf32, #tpu.memory_space<vmem>>
      %dma_start3A_380 = arith.constant 0 : i32
      %dma_start3A_381 = tpu.memref_slice %arg6[%select_n3A_195, %dma_start3A_374, %dma_start3A_380] : memref<2x8x128xi32, #tpu.memory_space<vmem>> -> memref<1x1x128xi32, #tpu.memory_space<vmem>>
      %dma_start3A_382 = tpu.memref_squeeze %dma_start3A_381 : memref<1x1x128xi32, #tpu.memory_space<vmem>> -> memref<128xi32, #tpu.memory_space<vmem>>
      %dma_start3A_383 = arith.constant 0 : i32
      %dma_start3A_384 = arith.constant 0 : i32
      %dma_start3A_385 = tpu.memref_slice %arg2[%dma_start3A_383, %dma_start3A_384] : memref<10240x128xf32, #tpu.memory_space<hbm>> -> memref<10240x128xf32, #tpu.memory_space<hbm>>
      tpu.enqueue_indirect_dma source(%dma_start3A_385 : memref<10240x128xf32, #tpu.memory_space<hbm>>) target(%dma_start3A_379 : memref<128x128xf32, #tpu.memory_space<vmem>>) offsets(%dma_start3A_382 : memref<128xi32, #tpu.memory_space<vmem>>) semaphore(%arg12 : memref<!tpu.dma_semaphore, #tpu.memory_space<semaphore_mem>>)
      %convert_element_type3A_386 = arith.extui %lt3A_373 : i1 to i32
      %cond3A_387 = arith.constant 0 : i32
      %cond3A_388 = arith.cmpi ne, %convert_element_type3A_386, %cond3A_387 : i32
      scf.if %cond3A_388 {
        %dma_wait3A_544 = arith.constant 0 : i32
        %dma_wait3A_545 = arith.constant 0 : i32
        %dma_wait3A_546 = arith.constant 0 : i32
        %dma_wait3A_547 = tpu.memref_slice %arg9[%dma_wait3A_544, %dma_wait3A_545, %dma_wait3A_546] : memref<2x128x128xf32, #tpu.memory_space<vmem>> -> memref<1x128x128xf32, #tpu.memory_space<vmem>>
        %dma_wait3A_548 = tpu.memref_squeeze %dma_wait3A_547 : memref<1x128x128xf32, #tpu.memory_space<vmem>> -> memref<128x128xf32, #tpu.memory_space<vmem>>
        %dma_wait3A_549 = arith.constant 0 : i32
        %dma_wait3A_550 = arith.constant 0 : i32
        %dma_wait3A_551 = tpu.memref_slice %arg2[%dma_wait3A_549, %dma_wait3A_550] : memref<10240x128xf32, #tpu.memory_space<hbm>> -> memref<128x128xf32, #tpu.memory_space<hbm>>
        %dma_wait3A_552 = arith.constant 0 : i32
        %dma_wait3A_553 = arith.constant 0 : i32
        %dma_wait3A_554 = tpu.memref_slice %arg9[%dma_wait3A_544, %dma_wait3A_552, %dma_wait3A_553] : memref<2x128x128xf32, #tpu.memory_space<vmem>> -> memref<1x128x128xf32, #tpu.memory_space<vmem>>
        %dma_wait3A_555 = tpu.memref_squeeze %dma_wait3A_554 : memref<1x128x128xf32, #tpu.memory_space<vmem>> -> memref<128x128xf32, #tpu.memory_space<vmem>>
        %dma_wait3A_556 = arith.constant 0 : i32
        %dma_wait3A_557 = arith.constant 0 : i32
        %dma_wait3A_558 = tpu.memref_slice %arg2[%dma_wait3A_556, %dma_wait3A_557] : memref<10240x128xf32, #tpu.memory_space<hbm>> -> memref<128x128xf32, #tpu.memory_space<hbm>>
        tpu.wait_dma2 semaphore(%arg11 : memref<!tpu.dma_semaphore, #tpu.memory_space<semaphore_mem>>) src(%dma_wait3A_558 : memref<128x128xf32, #tpu.memory_space<hbm>>) dst(%dma_wait3A_555 : memref<128x128xf32, #tpu.memory_space<vmem>>)
        %run_scoped3A_559 = arith.constant 0 : i32
        %run_scoped3A_560 = arith.constant 6 : i32
        "tpu.region"() ({
          %run_scoped3A_561 = tpu.sem_alloc : memref<!tpu.dma_semaphore, #tpu.memory_space<semaphore_mem>>
          %dma_start3A_562 = arith.constant 0 : i32
          %dma_start3A_563 = arith.constant 0 : i32
          %dma_start3A_564 = tpu.memref_slice %arg9[%run_scoped3A_559, %dma_start3A_562, %dma_start3A_563] : memref<2x128x128xf32, #tpu.memory_space<vmem>> -> memref<1x128x128xf32, #tpu.memory_space<vmem>>
          %dma_start3A_565 = tpu.memref_squeeze %dma_start3A_564 : memref<1x128x128xf32, #tpu.memory_space<vmem>> -> memref<128x128xf32, #tpu.memory_space<vmem>>
          %dma_start3A_566 = arith.constant 0 : i32
          %dma_start3A_567 = tpu.memref_slice %arg7[%select_n3A_195, %run_scoped3A_560, %dma_start3A_566] : memref<2x8x128xi32, #tpu.memory_space<vmem>> -> memref<1x1x128xi32, #tpu.memory_space<vmem>>
          %dma_start3A_568 = tpu.memref_squeeze %dma_start3A_567 : memref<1x1x128xi32, #tpu.memory_space<vmem>> -> memref<128xi32, #tpu.memory_space<vmem>>
          %dma_start3A_569 = arith.constant 0 : i32
          %dma_start3A_570 = arith.constant 0 : i32
          %dma_start3A_571 = tpu.memref_slice %arg10[%dma_start3A_569, %dma_start3A_570] : memref<10240x128xf32, #tpu.memory_space<vmem_shared>> -> memref<10240x128xf32, #tpu.memory_space<vmem_shared>>
          tpu.enqueue_indirect_dma source(%dma_start3A_565 : memref<128x128xf32, #tpu.memory_space<vmem>>) target(%dma_start3A_571 : memref<10240x128xf32, #tpu.memory_space<vmem_shared>>) offsets(%dma_start3A_568 : memref<128xi32, #tpu.memory_space<vmem>>) semaphore(%run_scoped3A_561 : memref<!tpu.dma_semaphore, #tpu.memory_space<semaphore_mem>>) {add = true}
          %dma_wait3A_572 = arith.constant 0 : i32
          %dma_wait3A_573 = arith.constant 0 : i32
          %dma_wait3A_574 = tpu.memref_slice %arg9[%run_scoped3A_559, %dma_wait3A_572, %dma_wait3A_573] : memref<2x128x128xf32, #tpu.memory_space<vmem>> -> memref<1x128x128xf32, #tpu.memory_space<vmem>>
          %dma_wait3A_575 = tpu.memref_squeeze %dma_wait3A_574 : memref<1x128x128xf32, #tpu.memory_space<vmem>> -> memref<128x128xf32, #tpu.memory_space<vmem>>
          %dma_wait3A_576 = arith.constant 0 : i32
          %dma_wait3A_577 = tpu.memref_slice %arg7[%select_n3A_195, %run_scoped3A_560, %dma_wait3A_576] : memref<2x8x128xi32, #tpu.memory_space<vmem>> -> memref<1x1x128xi32, #tpu.memory_space<vmem>>
          %dma_wait3A_578 = tpu.memref_squeeze %dma_wait3A_577 : memref<1x1x128xi32, #tpu.memory_space<vmem>> -> memref<128xi32, #tpu.memory_space<vmem>>
          %dma_wait3A_579 = arith.constant 0 : i32
          %dma_wait3A_580 = arith.constant 0 : i32
          %dma_wait3A_581 = tpu.memref_slice %arg10[%dma_wait3A_579, %dma_wait3A_580] : memref<10240x128xf32, #tpu.memory_space<vmem_shared>> -> memref<10240x128xf32, #tpu.memory_space<vmem_shared>>
          tpu.wait_indirect_dma semaphore(%run_scoped3A_561 : memref<!tpu.dma_semaphore, #tpu.memory_space<semaphore_mem>>) src(%dma_wait3A_575 : memref<128x128xf32, #tpu.memory_space<vmem>>) dst(%dma_wait3A_581 : memref<10240x128xf32, #tpu.memory_space<vmem_shared>>)
          tpu.yield
        }) : () -> ()
      } else {
      }
      %mul3A_389 = arith.constant 8 : i32
      %mul3A_390 = arith.muli %scan3A_186, %mul3A_389 : i32
      %add3A_391 = arith.constant 7 : i32
      %add3A_392 = arith.addi %mul3A_390, %add3A_391 : i32
      %lt3A_393 = arith.constant 81 : i32
      %lt3A_394 = arith.cmpi slt, %add3A_392, %lt3A_393 : i32
      %dma_wait3A_395 = arith.constant 1 : i32
      %dma_wait3A_396 = arith.constant 0 : i32
      %dma_wait3A_397 = arith.constant 0 : i32
      %dma_wait3A_398 = tpu.memref_slice %arg9[%dma_wait3A_395, %dma_wait3A_396, %dma_wait3A_397] : memref<2x128x128xf32, #tpu.memory_space<vmem>> -> memref<1x128x128xf32, #tpu.memory_space<vmem>>
      %dma_wait3A_399 = tpu.memref_squeeze %dma_wait3A_398 : memref<1x128x128xf32, #tpu.memory_space<vmem>> -> memref<128x128xf32, #tpu.memory_space<vmem>>
      %dma_wait3A_400 = arith.constant 0 : i32
      %dma_wait3A_401 = arith.constant 0 : i32
      %dma_wait3A_402 = tpu.memref_slice %arg2[%dma_wait3A_400, %dma_wait3A_401] : memref<10240x128xf32, #tpu.memory_space<hbm>> -> memref<128x128xf32, #tpu.memory_space<hbm>>
      %dma_wait3A_403 = arith.constant 0 : i32
      %dma_wait3A_404 = arith.constant 0 : i32
      %dma_wait3A_405 = tpu.memref_slice %arg9[%dma_wait3A_395, %dma_wait3A_403, %dma_wait3A_404] : memref<2x128x128xf32, #tpu.memory_space<vmem>> -> memref<1x128x128xf32, #tpu.memory_space<vmem>>
      %dma_wait3A_406 = tpu.memref_squeeze %dma_wait3A_405 : memref<1x128x128xf32, #tpu.memory_space<vmem>> -> memref<128x128xf32, #tpu.memory_space<vmem>>
      %dma_wait3A_407 = arith.constant 0 : i32
      %dma_wait3A_408 = arith.constant 0 : i32
      %dma_wait3A_409 = tpu.memref_slice %arg2[%dma_wait3A_407, %dma_wait3A_408] : memref<10240x128xf32, #tpu.memory_space<hbm>> -> memref<128x128xf32, #tpu.memory_space<hbm>>
      tpu.wait_dma2 semaphore(%arg12 : memref<!tpu.dma_semaphore, #tpu.memory_space<semaphore_mem>>) src(%dma_wait3A_409 : memref<128x128xf32, #tpu.memory_space<hbm>>) dst(%dma_wait3A_406 : memref<128x128xf32, #tpu.memory_space<vmem>>)
      %get3A = arith.constant 7 : i32
      %get3A_410 = arith.index_cast %select_n3A_195 : i32 to index
      %get3A_411 = arith.index_cast %get3A : i32 to index
      %get3A_412 = arith.constant 0 : index
      %get3A_413 = tpu.vector_load %arg7[%get3A_410, %get3A_411, %get3A_412] {strides = array<i32>} : memref<2x8x128xi32, #tpu.memory_space<vmem>>, vector<1x1x16xi32>,
      %get3A_414 = vector.shape_cast %get3A_413 : vector<1x1x16xi32> to vector<16xi32>
      %swap3A = arith.constant 0 : index
      %swap3A_415 = tpu.vector_load %arg8[%swap3A] {strides = array<i32>} : memref<128xi32, #tpu.memory_space<vmem>>, vector<16xi32>,
      %swap3A_416 = vector.shape_cast %swap3A_415 : vector<16xi32> to vector<16xi32>
      %swap3A_417 = vector.shape_cast %get3A_414 : vector<16xi32> to vector<16xi32>
      tpu.vector_store %arg8[%swap3A], %swap3A_417 {strides = array<i32>} : memref<128xi32, #tpu.memory_space<vmem>>, vector<16xi32>,
      %get3A_418 = arith.constant 7 : i32
      %get3A_419 = arith.index_cast %select_n3A_195 : i32 to index
      %get3A_420 = arith.index_cast %get3A_418 : i32 to index
      %get3A_421 = arith.constant 16 : index
      %get3A_422 = tpu.vector_load %arg7[%get3A_419, %get3A_420, %get3A_421] {strides = array<i32>} : memref<2x8x128xi32, #tpu.memory_space<vmem>>, vector<1x1x16xi32>,
      %get3A_423 = vector.shape_cast %get3A_422 : vector<1x1x16xi32> to vector<16xi32>
      %swap3A_424 = arith.constant 16 : index
      %swap3A_425 = tpu.vector_load %arg8[%swap3A_424] {strides = array<i32>} : memref<128xi32, #tpu.memory_space<vmem>>, vector<16xi32>,
      %swap3A_426 = vector.shape_cast %swap3A_425 : vector<16xi32> to vector<16xi32>
      %swap3A_427 = vector.shape_cast %get3A_423 : vector<16xi32> to vector<16xi32>
      tpu.vector_store %arg8[%swap3A_424], %swap3A_427 {strides = array<i32>} : memref<128xi32, #tpu.memory_space<vmem>>, vector<16xi32>,
      %get3A_428 = arith.constant 7 : i32
      %get3A_429 = arith.index_cast %select_n3A_195 : i32 to index
      %get3A_430 = arith.index_cast %get3A_428 : i32 to index
      %get3A_431 = arith.constant 32 : index
      %get3A_432 = tpu.vector_load %arg7[%get3A_429, %get3A_430, %get3A_431] {strides = array<i32>} : memref<2x8x128xi32, #tpu.memory_space<vmem>>, vector<1x1x16xi32>,
      %get3A_433 = vector.shape_cast %get3A_432 : vector<1x1x16xi32> to vector<16xi32>
      %swap3A_434 = arith.constant 32 : index
      %swap3A_435 = tpu.vector_load %arg8[%swap3A_434] {strides = array<i32>} : memref<128xi32, #tpu.memory_space<vmem>>, vector<16xi32>,
      %swap3A_436 = vector.shape_cast %swap3A_435 : vector<16xi32> to vector<16xi32>
      %swap3A_437 = vector.shape_cast %get3A_433 : vector<16xi32> to vector<16xi32>
      tpu.vector_store %arg8[%swap3A_434], %swap3A_437 {strides = array<i32>} : memref<128xi32, #tpu.memory_space<vmem>>, vector<16xi32>,
      %get3A_438 = arith.constant 7 : i32
      %get3A_439 = arith.index_cast %select_n3A_195 : i32 to index
      %get3A_440 = arith.index_cast %get3A_438 : i32 to index
      %get3A_441 = arith.constant 48 : index
      %get3A_442 = tpu.vector_load %arg7[%get3A_439, %get3A_440, %get3A_441] {strides = array<i32>} : memref<2x8x128xi32, #tpu.memory_space<vmem>>, vector<1x1x16xi32>,
      %get3A_443 = vector.shape_cast %get3A_442 : vector<1x1x16xi32> to vector<16xi32>
      %swap3A_444 = arith.constant 48 : index
      %swap3A_445 = tpu.vector_load %arg8[%swap3A_444] {strides = array<i32>} : memref<128xi32, #tpu.memory_space<vmem>>, vector<16xi32>,
      %swap3A_446 = vector.shape_cast %swap3A_445 : vector<16xi32> to vector<16xi32>
      %swap3A_447 = vector.shape_cast %get3A_443 : vector<16xi32> to vector<16xi32>
      tpu.vector_store %arg8[%swap3A_444], %swap3A_447 {strides = array<i32>} : memref<128xi32, #tpu.memory_space<vmem>>, vector<16xi32>,
      %get3A_448 = arith.constant 7 : i32
      %get3A_449 = arith.index_cast %select_n3A_195 : i32 to index
      %get3A_450 = arith.index_cast %get3A_448 : i32 to index
      %get3A_451 = arith.constant 64 : index
      %get3A_452 = tpu.vector_load %arg7[%get3A_449, %get3A_450, %get3A_451] {strides = array<i32>} : memref<2x8x128xi32, #tpu.memory_space<vmem>>, vector<1x1x16xi32>,
      %get3A_453 = vector.shape_cast %get3A_452 : vector<1x1x16xi32> to vector<16xi32>
      %swap3A_454 = arith.constant 64 : index
      %swap3A_455 = tpu.vector_load %arg8[%swap3A_454] {strides = array<i32>} : memref<128xi32, #tpu.memory_space<vmem>>, vector<16xi32>,
      %swap3A_456 = vector.shape_cast %swap3A_455 : vector<16xi32> to vector<16xi32>
      %swap3A_457 = vector.shape_cast %get3A_453 : vector<16xi32> to vector<16xi32>
      tpu.vector_store %arg8[%swap3A_454], %swap3A_457 {strides = array<i32>} : memref<128xi32, #tpu.memory_space<vmem>>, vector<16xi32>,
      %get3A_458 = arith.constant 7 : i32
      %get3A_459 = arith.index_cast %select_n3A_195 : i32 to index
      %get3A_460 = arith.index_cast %get3A_458 : i32 to index
      %get3A_461 = arith.constant 80 : index
      %get3A_462 = tpu.vector_load %arg7[%get3A_459, %get3A_460, %get3A_461] {strides = array<i32>} : memref<2x8x128xi32, #tpu.memory_space<vmem>>, vector<1x1x16xi32>,
      %get3A_463 = vector.shape_cast %get3A_462 : vector<1x1x16xi32> to vector<16xi32>
      %swap3A_464 = arith.constant 80 : index
      %swap3A_465 = tpu.vector_load %arg8[%swap3A_464] {strides = array<i32>} : memref<128xi32, #tpu.memory_space<vmem>>, vector<16xi32>,
      %swap3A_466 = vector.shape_cast %swap3A_465 : vector<16xi32> to vector<16xi32>
      %swap3A_467 = vector.shape_cast %get3A_463 : vector<16xi32> to vector<16xi32>
      tpu.vector_store %arg8[%swap3A_464], %swap3A_467 {strides = array<i32>} : memref<128xi32, #tpu.memory_space<vmem>>, vector<16xi32>,
      %get3A_468 = arith.constant 7 : i32
      %get3A_469 = arith.index_cast %select_n3A_195 : i32 to index
      %get3A_470 = arith.index_cast %get3A_468 : i32 to index
      %get3A_471 = arith.constant 96 : index
      %get3A_472 = tpu.vector_load %arg7[%get3A_469, %get3A_470, %get3A_471] {strides = array<i32>} : memref<2x8x128xi32, #tpu.memory_space<vmem>>, vector<1x1x16xi32>,
      %get3A_473 = vector.shape_cast %get3A_472 : vector<1x1x16xi32> to vector<16xi32>
      %swap3A_474 = arith.constant 96 : index
      %swap3A_475 = tpu.vector_load %arg8[%swap3A_474] {strides = array<i32>} : memref<128xi32, #tpu.memory_space<vmem>>, vector<16xi32>,
      %swap3A_476 = vector.shape_cast %swap3A_475 : vector<16xi32> to vector<16xi32>
      %swap3A_477 = vector.shape_cast %get3A_473 : vector<16xi32> to vector<16xi32>
      tpu.vector_store %arg8[%swap3A_474], %swap3A_477 {strides = array<i32>} : memref<128xi32, #tpu.memory_space<vmem>>, vector<16xi32>,
      %get3A_478 = arith.constant 7 : i32
      %get3A_479 = arith.index_cast %select_n3A_195 : i32 to index
      %get3A_480 = arith.index_cast %get3A_478 : i32 to index
      %get3A_481 = arith.constant 112 : index
      %get3A_482 = tpu.vector_load %arg7[%get3A_479, %get3A_480, %get3A_481] {strides = array<i32>} : memref<2x8x128xi32, #tpu.memory_space<vmem>>, vector<1x1x16xi32>,
      %get3A_483 = vector.shape_cast %get3A_482 : vector<1x1x16xi32> to vector<16xi32>
      %swap3A_484 = arith.constant 112 : index
      %swap3A_485 = tpu.vector_load %arg8[%swap3A_484] {strides = array<i32>} : memref<128xi32, #tpu.memory_space<vmem>>, vector<16xi32>,
      %swap3A_486 = vector.shape_cast %swap3A_485 : vector<16xi32> to vector<16xi32>
      %swap3A_487 = vector.shape_cast %get3A_483 : vector<16xi32> to vector<16xi32>
      tpu.vector_store %arg8[%swap3A_484], %swap3A_487 {strides = array<i32>} : memref<128xi32, #tpu.memory_space<vmem>>, vector<16xi32>,
      %dma_start3A_488 = arith.constant 1 : i32
      %dma_start3A_489 = arith.constant 0 : i32
      %dma_start3A_490 = arith.constant 0 : i32
      %dma_start3A_491 = tpu.memref_slice %arg9[%dma_start3A_488, %dma_start3A_489, %dma_start3A_490] : memref<2x128x128xf32, #tpu.memory_space<vmem>> -> memref<1x128x128xf32, #tpu.memory_space<vmem>>
      %dma_start3A_492 = tpu.memref_squeeze %dma_start3A_491 : memref<1x128x128xf32, #tpu.memory_space<vmem>> -> memref<128x128xf32, #tpu.memory_space<vmem>>
      %dma_start3A_493 = arith.constant 0 : i32
      %dma_start3A_494 = arith.constant 0 : i32
      %dma_start3A_495 = tpu.memref_slice %arg10[%dma_start3A_493, %dma_start3A_494] : memref<10240x128xf32, #tpu.memory_space<vmem_shared>> -> memref<10240x128xf32, #tpu.memory_space<vmem_shared>>
      tpu.enqueue_indirect_dma source(%dma_start3A_492 : memref<128x128xf32, #tpu.memory_space<vmem>>) target(%dma_start3A_495 : memref<10240x128xf32, #tpu.memory_space<vmem_shared>>) offsets(%arg8 : memref<128xi32, #tpu.memory_space<vmem>>) semaphore(%arg13 : memref<!tpu.dma_semaphore, #tpu.memory_space<semaphore_mem>>) {add = true}
      %dma_wait3A_496 = arith.constant 0 : i32
      %dma_wait3A_497 = arith.constant 0 : i32
      %dma_wait3A_498 = arith.constant 0 : i32
      %dma_wait3A_499 = tpu.memref_slice %arg6[%dma_wait3A_496, %dma_wait3A_497, %dma_wait3A_498] : memref<2x8x128xi32, #tpu.memory_space<vmem>> -> memref<1x8x128xi32, #tpu.memory_space<vmem>>
      %dma_wait3A_500 = tpu.memref_squeeze %dma_wait3A_499 : memref<1x8x128xi32, #tpu.memory_space<vmem>> -> memref<8x128xi32, #tpu.memory_space<vmem>>
      %dma_wait3A_501 = arith.constant 0 : i32
      %dma_wait3A_502 = arith.constant 0 : i32
      %dma_wait3A_503 = tpu.memref_slice %arg3[%add3A, %dma_wait3A_501, %dma_wait3A_502] : memref<32x88x128xi32, #tpu.memory_space<hbm>> -> memref<1x8x128xi32, #tpu.memory_space<hbm>>
      %dma_wait3A_504 = tpu.memref_squeeze %dma_wait3A_503 : memref<1x8x128xi32, #tpu.memory_space<hbm>> -> memref<8x128xi32, #tpu.memory_space<hbm>>
      %dma_wait3A_505 = arith.constant 0 : i32
      %dma_wait3A_506 = arith.constant 0 : i32
      %dma_wait3A_507 = tpu.memref_slice %arg6[%dma_wait3A_496, %dma_wait3A_505, %dma_wait3A_506] : memref<2x8x128xi32, #tpu.memory_space<vmem>> -> memref<1x8x128xi32, #tpu.memory_space<vmem>>
      %dma_wait3A_508 = tpu.memref_squeeze %dma_wait3A_507 : memref<1x8x128xi32, #tpu.memory_space<vmem>> -> memref<8x128xi32, #tpu.memory_space<vmem>>
      %dma_wait3A_509 = arith.constant 0 : i32
      %dma_wait3A_510 = arith.constant 0 : i32
      %dma_wait3A_511 = tpu.memref_slice %arg3[%add3A, %dma_wait3A_509, %dma_wait3A_510] : memref<32x88x128xi32, #tpu.memory_space<hbm>> -> memref<1x8x128xi32, #tpu.memory_space<hbm>>
      %dma_wait3A_512 = tpu.memref_squeeze %dma_wait3A_511 : memref<1x8x128xi32, #tpu.memory_space<hbm>> -> memref<8x128xi32, #tpu.memory_space<hbm>>
      tpu.wait_dma2 semaphore(%arg14 : memref<!tpu.dma_semaphore, #tpu.memory_space<semaphore_mem>>) src(%dma_wait3A_512 : memref<8x128xi32, #tpu.memory_space<hbm>>) dst(%dma_wait3A_508 : memref<8x128xi32, #tpu.memory_space<vmem>>)
      %dma_wait3A_513 = arith.constant 0 : i32
      %dma_wait3A_514 = arith.constant 0 : i32
      %dma_wait3A_515 = arith.constant 0 : i32
      %dma_wait3A_516 = tpu.memref_slice %arg6[%dma_wait3A_513, %dma_wait3A_514, %dma_wait3A_515] : memref<2x8x128xi32, #tpu.memory_space<vmem>> -> memref<1x8x128xi32, #tpu.memory_space<vmem>>
      %dma_wait3A_517 = tpu.memref_squeeze %dma_wait3A_516 : memref<1x8x128xi32, #tpu.memory_space<vmem>> -> memref<8x128xi32, #tpu.memory_space<vmem>>
      %dma_wait3A_518 = arith.constant 0 : i32
      %dma_wait3A_519 = arith.constant 0 : i32
      %dma_wait3A_520 = tpu.memref_slice %arg3[%add3A, %dma_wait3A_518, %dma_wait3A_519] : memref<32x88x128xi32, #tpu.memory_space<hbm>> -> memref<1x8x128xi32, #tpu.memory_space<hbm>>
      %dma_wait3A_521 = tpu.memref_squeeze %dma_wait3A_520 : memref<1x8x128xi32, #tpu.memory_space<hbm>> -> memref<8x128xi32, #tpu.memory_space<hbm>>
      %dma_wait3A_522 = arith.constant 0 : i32
      %dma_wait3A_523 = arith.constant 0 : i32
      %dma_wait3A_524 = tpu.memref_slice %arg6[%dma_wait3A_513, %dma_wait3A_522, %dma_wait3A_523] : memref<2x8x128xi32, #tpu.memory_space<vmem>> -> memref<1x8x128xi32, #tpu.memory_space<vmem>>
      %dma_wait3A_525 = tpu.memref_squeeze %dma_wait3A_524 : memref<1x8x128xi32, #tpu.memory_space<vmem>> -> memref<8x128xi32, #tpu.memory_space<vmem>>
      %dma_wait3A_526 = arith.constant 0 : i32
      %dma_wait3A_527 = arith.constant 0 : i32
      %dma_wait3A_528 = tpu.memref_slice %arg3[%add3A, %dma_wait3A_526, %dma_wait3A_527] : memref<32x88x128xi32, #tpu.memory_space<hbm>> -> memref<1x8x128xi32, #tpu.memory_space<hbm>>
      %dma_wait3A_529 = tpu.memref_squeeze %dma_wait3A_528 : memref<1x8x128xi32, #tpu.memory_space<hbm>> -> memref<8x128xi32, #tpu.memory_space<hbm>>
      tpu.wait_dma2 semaphore(%arg14 : memref<!tpu.dma_semaphore, #tpu.memory_space<semaphore_mem>>) src(%dma_wait3A_529 : memref<8x128xi32, #tpu.memory_space<hbm>>) dst(%dma_wait3A_525 : memref<8x128xi32, #tpu.memory_space<vmem>>)
      %sub3A_530 = arith.constant 1 : i32
      %sub3A_531 = arith.subi %sub3A_530, %select_n3A_195 : i32
      %dma_start3A_532 = arith.constant 0 : i32
      %dma_start3A_533 = arith.constant 0 : i32
      %dma_start3A_534 = arith.constant 0 : i32
      %dma_start3A_535 = arith.constant 0 : i32
      %dma_start3A_536 = tpu.memref_slice %arg9[%dma_start3A_533, %dma_start3A_534, %dma_start3A_535] : memref<2x128x128xf32, #tpu.memory_space<vmem>> -> memref<1x128x128xf32, #tpu.memory_space<vmem>>
      %dma_start3A_537 = tpu.memref_squeeze %dma_start3A_536 : memref<1x128x128xf32, #tpu.memory_space<vmem>> -> memref<128x128xf32, #tpu.memory_space<vmem>>
      %dma_start3A_538 = arith.constant 0 : i32
      %dma_start3A_539 = tpu.memref_slice %arg6[%sub3A_531, %dma_start3A_532, %dma_start3A_538] : memref<2x8x128xi32, #tpu.memory_space<vmem>> -> memref<1x1x128xi32, #tpu.memory_space<vmem>>
      %dma_start3A_540 = tpu.memref_squeeze %dma_start3A_539 : memref<1x1x128xi32, #tpu.memory_space<vmem>> -> memref<128xi32, #tpu.memory_space<vmem>>
      %dma_start3A_541 = arith.constant 0 : i32
      %dma_start3A_542 = arith.constant 0 : i32
      %dma_start3A_543 = tpu.memref_slice %arg2[%dma_start3A_541, %dma_start3A_542] : memref<10240x128xf32, #tpu.memory_space<hbm>> -> memref<10240x128xf32, #tpu.memory_space<hbm>>
      tpu.enqueue_indirect_dma source(%dma_start3A_543 : memref<10240x128xf32, #tpu.memory_space<hbm>>) target(%dma_start3A_537 : memref<128x128xf32, #tpu.memory_space<vmem>>) offsets(%dma_start3A_540 : memref<128xi32, #tpu.memory_space<vmem>>) semaphore(%arg11 : memref<!tpu.dma_semaphore, #tpu.memory_space<semaphore_mem>>)
    }
    %scan3A_114 = arith.constant 11 : i32
    %dma_wait3A_115 = arith.constant 1 : i32
    %dma_wait3A_116 = arith.constant 0 : i32
    %dma_wait3A_117 = arith.constant 0 : i32
    %dma_wait3A_118 = tpu.memref_slice %arg9[%dma_wait3A_115, %dma_wait3A_116, %dma_wait3A_117] : memref<2x128x128xf32, #tpu.memory_space<vmem>> -> memref<1x128x128xf32, #tpu.memory_space<vmem>>
    %dma_wait3A_119 = tpu.memref_squeeze %dma_wait3A_118 : memref<1x128x128xf32, #tpu.memory_space<vmem>> -> memref<128x128xf32, #tpu.memory_space<vmem>>
    %dma_wait3A_120 = arith.constant 0 : i32
    %dma_wait3A_121 = arith.constant 0 : i32
    %dma_wait3A_122 = tpu.memref_slice %arg2[%dma_wait3A_120, %dma_wait3A_121] : memref<10240x128xf32, #tpu.memory_space<hbm>> -> memref<128x128xf32, #tpu.memory_space<hbm>>
    %dma_wait3A_123 = arith.constant 0 : i32
    %dma_wait3A_124 = arith.constant 0 : i32
    %dma_wait3A_125 = tpu.memref_slice %arg9[%dma_wait3A_115, %dma_wait3A_123, %dma_wait3A_124] : memref<2x128x128xf32, #tpu.memory_space<vmem>> -> memref<1x128x128xf32, #tpu.memory_space<vmem>>
    %dma_wait3A_126 = tpu.memref_squeeze %dma_wait3A_125 : memref<1x128x128xf32, #tpu.memory_space<vmem>> -> memref<128x128xf32, #tpu.memory_space<vmem>>
    %dma_wait3A_127 = arith.constant 0 : i32
    %dma_wait3A_128 = arith.constant 0 : i32
    %dma_wait3A_129 = tpu.memref_slice %arg2[%dma_wait3A_127, %dma_wait3A_128] : memref<10240x128xf32, #tpu.memory_space<hbm>> -> memref<128x128xf32, #tpu.memory_space<hbm>>
    tpu.wait_dma2 semaphore(%arg13 : memref<!tpu.dma_semaphore, #tpu.memory_space<semaphore_mem>>) src(%dma_wait3A_129 : memref<128x128xf32, #tpu.memory_space<hbm>>) dst(%dma_wait3A_126 : memref<128x128xf32, #tpu.memory_space<vmem>>)
    %dma_wait3A_130 = arith.constant 0 : i32
    %dma_wait3A_131 = arith.constant 0 : i32
    %dma_wait3A_132 = arith.constant 0 : i32
    %dma_wait3A_133 = tpu.memref_slice %arg9[%dma_wait3A_130, %dma_wait3A_131, %dma_wait3A_132] : memref<2x128x128xf32, #tpu.memory_space<vmem>> -> memref<1x128x128xf32, #tpu.memory_space<vmem>>
    %dma_wait3A_134 = tpu.memref_squeeze %dma_wait3A_133 : memref<1x128x128xf32, #tpu.memory_space<vmem>> -> memref<128x128xf32, #tpu.memory_space<vmem>>
    %dma_wait3A_135 = arith.constant 0 : i32
    %dma_wait3A_136 = arith.constant 0 : i32
    %dma_wait3A_137 = tpu.memref_slice %arg2[%dma_wait3A_135, %dma_wait3A_136] : memref<10240x128xf32, #tpu.memory_space<hbm>> -> memref<128x128xf32, #tpu.memory_space<hbm>>
    %dma_wait3A_138 = arith.constant 0 : i32
    %dma_wait3A_139 = arith.constant 0 : i32
    %dma_wait3A_140 = tpu.memref_slice %arg9[%dma_wait3A_130, %dma_wait3A_138, %dma_wait3A_139] : memref<2x128x128xf32, #tpu.memory_space<vmem>> -> memref<1x128x128xf32, #tpu.memory_space<vmem>>
    %dma_wait3A_141 = tpu.memref_squeeze %dma_wait3A_140 : memref<1x128x128xf32, #tpu.memory_space<vmem>> -> memref<128x128xf32, #tpu.memory_space<vmem>>
    %dma_wait3A_142 = arith.constant 0 : i32
    %dma_wait3A_143 = arith.constant 0 : i32
    %dma_wait3A_144 = tpu.memref_slice %arg2[%dma_wait3A_142, %dma_wait3A_143] : memref<10240x128xf32, #tpu.memory_space<hbm>> -> memref<128x128xf32, #tpu.memory_space<hbm>>
    tpu.wait_dma2 semaphore(%arg11 : memref<!tpu.dma_semaphore, #tpu.memory_space<semaphore_mem>>) src(%dma_wait3A_144 : memref<128x128xf32, #tpu.memory_space<hbm>>) dst(%dma_wait3A_141 : memref<128x128xf32, #tpu.memory_space<vmem>>)
    %barrier3A_145 = arith.constant 0 : index
    tpu.barrier barrier_id(%barrier3A_145)
    %mul3A_146 = arith.constant 640 : i32
    %mul3A_147 = arith.muli %arg1, %mul3A_146 : i32
    %add3A_148 = arith.constant 0 : i32
    %add3A_149 = arith.addi %mul3A_147, %add3A_148 : i32
    %mul3A_150 = arith.constant 640 : i32
    %mul3A_151 = arith.muli %arg1, %mul3A_150 : i32
    %add3A_152 = arith.constant 0 : i32
    %add3A_153 = arith.addi %mul3A_151, %add3A_152 : i32
    "tpu.region"() ({
      %run_scoped3A_186 = tpu.sem_alloc : memref<!tpu.dma_semaphore, #tpu.memory_space<semaphore_mem>>
      %dma_start3A_187 = arith.constant 0 : i32
      %dma_start3A_188 = tpu.memref_slice %arg5[%arg0, %add3A_153, %dma_start3A_187] : memref<2x10240x128xf32, #tpu.memory_space<hbm>> -> memref<1x128x128xf32, #tpu.memory_space<hbm>>
      %dma_start3A_189 = tpu.memref_squeeze %dma_start3A_188 : memref<1x128x128xf32, #tpu.memory_space<hbm>> -> memref<128x128xf32, #tpu.memory_space<hbm>>
      %dma_start3A_190 = arith.constant 0 : i32
      %dma_start3A_191 = tpu.memref_slice %arg10[%add3A_149, %dma_start3A_190] : memref<10240x128xf32, #tpu.memory_space<vmem_shared>> -> memref<128x128xf32, #tpu.memory_space<vmem_shared>>
      tpu.enqueue_dma source(%dma_start3A_191 : memref<128x128xf32, #tpu.memory_space<vmem_shared>>) target(%dma_start3A_189 : memref<128x128xf32, #tpu.memory_space<hbm>>) target_semaphore(%run_scoped3A_186 : memref<!tpu.dma_semaphore, #tpu.memory_space<semaphore_mem>>)
      %dma_wait3A_192 = arith.constant 0 : i32
      %dma_wait3A_193 = tpu.memref_slice %arg5[%arg0, %add3A_153, %dma_wait3A_192] : memref<2x10240x128xf32, #tpu.memory_space<hbm>> -> memref<1x128x128xf32, #tpu.memory_space<hbm>>
      %dma_wait3A_194 = tpu.memref_squeeze %dma_wait3A_193 : memref<1x128x128xf32, #tpu.memory_space<hbm>> -> memref<128x128xf32, #tpu.memory_space<hbm>>
      %dma_wait3A_195 = arith.constant 0 : i32
      %dma_wait3A_196 = tpu.memref_slice %arg10[%add3A_149, %dma_wait3A_195] : memref<10240x128xf32, #tpu.memory_space<vmem_shared>> -> memref<128x128xf32, #tpu.memory_space<vmem_shared>>
      tpu.wait_dma2 semaphore(%run_scoped3A_186 : memref<!tpu.dma_semaphore, #tpu.memory_space<semaphore_mem>>) src(%dma_wait3A_196 : memref<128x128xf32, #tpu.memory_space<vmem_shared>>) dst(%dma_wait3A_194 : memref<128x128xf32, #tpu.memory_space<hbm>>)
      tpu.yield
    }) : () -> ()
    %mul3A_154 = arith.constant 640 : i32
    %mul3A_155 = arith.muli %arg1, %mul3A_154 : i32
    %add3A_156 = arith.constant 128 : i32
    %add3A_157 = arith.addi %mul3A_155, %add3A_156 : i32
    %mul3A_158 = arith.constant 640 : i32
    %mul3A_159 = arith.muli %arg1, %mul3A_158 : i32
    %add3A_160 = arith.constant 128 : i32
    %add3A_161 = arith.addi %mul3A_159, %add3A_160 : i32
    "tpu.region"() ({
      %run_scoped3A_186 = tpu.sem_alloc : memref<!tpu.dma_semaphore, #tpu.memory_space<semaphore_mem>>
      %dma_start3A_187 = arith.constant 0 : i32
      %dma_start3A_188 = tpu.memref_slice %arg5[%arg0, %add3A_161, %dma_start3A_187] : memref<2x10240x128xf32, #tpu.memory_space<hbm>> -> memref<1x128x128xf32, #tpu.memory_space<hbm>>
      %dma_start3A_189 = tpu.memref_squeeze %dma_start3A_188 : memref<1x128x128xf32, #tpu.memory_space<hbm>> -> memref<128x128xf32, #tpu.memory_space<hbm>>
      %dma_start3A_190 = arith.constant 0 : i32
      %dma_start3A_191 = tpu.memref_slice %arg10[%add3A_157, %dma_start3A_190] : memref<10240x128xf32, #tpu.memory_space<vmem_shared>> -> memref<128x128xf32, #tpu.memory_space<vmem_shared>>
      tpu.enqueue_dma source(%dma_start3A_191 : memref<128x128xf32, #tpu.memory_space<vmem_shared>>) target(%dma_start3A_189 : memref<128x128xf32, #tpu.memory_space<hbm>>) target_semaphore(%run_scoped3A_186 : memref<!tpu.dma_semaphore, #tpu.memory_space<semaphore_mem>>)
      %dma_wait3A_192 = arith.constant 0 : i32
      %dma_wait3A_193 = tpu.memref_slice %arg5[%arg0, %add3A_161, %dma_wait3A_192] : memref<2x10240x128xf32, #tpu.memory_space<hbm>> -> memref<1x128x128xf32, #tpu.memory_space<hbm>>
      %dma_wait3A_194 = tpu.memref_squeeze %dma_wait3A_193 : memref<1x128x128xf32, #tpu.memory_space<hbm>> -> memref<128x128xf32, #tpu.memory_space<hbm>>
      %dma_wait3A_195 = arith.constant 0 : i32
      %dma_wait3A_196 = tpu.memref_slice %arg10[%add3A_157, %dma_wait3A_195] : memref<10240x128xf32, #tpu.memory_space<vmem_shared>> -> memref<128x128xf32, #tpu.memory_space<vmem_shared>>
      tpu.wait_dma2 semaphore(%run_scoped3A_186 : memref<!tpu.dma_semaphore, #tpu.memory_space<semaphore_mem>>) src(%dma_wait3A_196 : memref<128x128xf32, #tpu.memory_space<vmem_shared>>) dst(%dma_wait3A_194 : memref<128x128xf32, #tpu.memory_space<hbm>>)
      tpu.yield
    }) : () -> ()
    %mul3A_162 = arith.constant 640 : i32
    %mul3A_163 = arith.muli %arg1, %mul3A_162 : i32
    %add3A_164 = arith.constant 256 : i32
    %add3A_165 = arith.addi %mul3A_163, %add3A_164 : i32
    %mul3A_166 = arith.constant 640 : i32
    %mul3A_167 = arith.muli %arg1, %mul3A_166 : i32
    %add3A_168 = arith.constant 256 : i32
    %add3A_169 = arith.addi %mul3A_167, %add3A_168 : i32
    "tpu.region"() ({
      %run_scoped3A_186 = tpu.sem_alloc : memref<!tpu.dma_semaphore, #tpu.memory_space<semaphore_mem>>
      %dma_start3A_187 = arith.constant 0 : i32
      %dma_start3A_188 = tpu.memref_slice %arg5[%arg0, %add3A_169, %dma_start3A_187] : memref<2x10240x128xf32, #tpu.memory_space<hbm>> -> memref<1x128x128xf32, #tpu.memory_space<hbm>>
      %dma_start3A_189 = tpu.memref_squeeze %dma_start3A_188 : memref<1x128x128xf32, #tpu.memory_space<hbm>> -> memref<128x128xf32, #tpu.memory_space<hbm>>
      %dma_start3A_190 = arith.constant 0 : i32
      %dma_start3A_191 = tpu.memref_slice %arg10[%add3A_165, %dma_start3A_190] : memref<10240x128xf32, #tpu.memory_space<vmem_shared>> -> memref<128x128xf32, #tpu.memory_space<vmem_shared>>
      tpu.enqueue_dma source(%dma_start3A_191 : memref<128x128xf32, #tpu.memory_space<vmem_shared>>) target(%dma_start3A_189 : memref<128x128xf32, #tpu.memory_space<hbm>>) target_semaphore(%run_scoped3A_186 : memref<!tpu.dma_semaphore, #tpu.memory_space<semaphore_mem>>)
      %dma_wait3A_192 = arith.constant 0 : i32
      %dma_wait3A_193 = tpu.memref_slice %arg5[%arg0, %add3A_169, %dma_wait3A_192] : memref<2x10240x128xf32, #tpu.memory_space<hbm>> -> memref<1x128x128xf32, #tpu.memory_space<hbm>>
      %dma_wait3A_194 = tpu.memref_squeeze %dma_wait3A_193 : memref<1x128x128xf32, #tpu.memory_space<hbm>> -> memref<128x128xf32, #tpu.memory_space<hbm>>
      %dma_wait3A_195 = arith.constant 0 : i32
      %dma_wait3A_196 = tpu.memref_slice %arg10[%add3A_165, %dma_wait3A_195] : memref<10240x128xf32, #tpu.memory_space<vmem_shared>> -> memref<128x128xf32, #tpu.memory_space<vmem_shared>>
      tpu.wait_dma2 semaphore(%run_scoped3A_186 : memref<!tpu.dma_semaphore, #tpu.memory_space<semaphore_mem>>) src(%dma_wait3A_196 : memref<128x128xf32, #tpu.memory_space<vmem_shared>>) dst(%dma_wait3A_194 : memref<128x128xf32, #tpu.memory_space<hbm>>)
      tpu.yield
    }) : () -> ()
    %mul3A_170 = arith.constant 640 : i32
    %mul3A_171 = arith.muli %arg1, %mul3A_170 : i32
    %add3A_172 = arith.constant 384 : i32
    %add3A_173 = arith.addi %mul3A_171, %add3A_172 : i32
    %mul3A_174 = arith.constant 640 : i32
    %mul3A_175 = arith.muli %arg1, %mul3A_174 : i32
    %add3A_176 = arith.constant 384 : i32
    %add3A_177 = arith.addi %mul3A_175, %add3A_176 : i32
    "tpu.region"() ({
      %run_scoped3A_186 = tpu.sem_alloc : memref<!tpu.dma_semaphore, #tpu.memory_space<semaphore_mem>>
      %dma_start3A_187 = arith.constant 0 : i32
      %dma_start3A_188 = tpu.memref_slice %arg5[%arg0, %add3A_177, %dma_start3A_187] : memref<2x10240x128xf32, #tpu.memory_space<hbm>> -> memref<1x128x128xf32, #tpu.memory_space<hbm>>
      %dma_start3A_189 = tpu.memref_squeeze %dma_start3A_188 : memref<1x128x128xf32, #tpu.memory_space<hbm>> -> memref<128x128xf32, #tpu.memory_space<hbm>>
      %dma_start3A_190 = arith.constant 0 : i32
      %dma_start3A_191 = tpu.memref_slice %arg10[%add3A_173, %dma_start3A_190] : memref<10240x128xf32, #tpu.memory_space<vmem_shared>> -> memref<128x128xf32, #tpu.memory_space<vmem_shared>>
      tpu.enqueue_dma source(%dma_start3A_191 : memref<128x128xf32, #tpu.memory_space<vmem_shared>>) target(%dma_start3A_189 : memref<128x128xf32, #tpu.memory_space<hbm>>) target_semaphore(%run_scoped3A_186 : memref<!tpu.dma_semaphore, #tpu.memory_space<semaphore_mem>>)
      %dma_wait3A_192 = arith.constant 0 : i32
      %dma_wait3A_193 = tpu.memref_slice %arg5[%arg0, %add3A_177, %dma_wait3A_192] : memref<2x10240x128xf32, #tpu.memory_space<hbm>> -> memref<1x128x128xf32, #tpu.memory_space<hbm>>
      %dma_wait3A_194 = tpu.memref_squeeze %dma_wait3A_193 : memref<1x128x128xf32, #tpu.memory_space<hbm>> -> memref<128x128xf32, #tpu.memory_space<hbm>>
      %dma_wait3A_195 = arith.constant 0 : i32
      %dma_wait3A_196 = tpu.memref_slice %arg10[%add3A_173, %dma_wait3A_195] : memref<10240x128xf32, #tpu.memory_space<vmem_shared>> -> memref<128x128xf32, #tpu.memory_space<vmem_shared>>
      tpu.wait_dma2 semaphore(%run_scoped3A_186 : memref<!tpu.dma_semaphore, #tpu.memory_space<semaphore_mem>>) src(%dma_wait3A_196 : memref<128x128xf32, #tpu.memory_space<vmem_shared>>) dst(%dma_wait3A_194 : memref<128x128xf32, #tpu.memory_space<hbm>>)
      tpu.yield
    }) : () -> ()
    %mul3A_178 = arith.constant 640 : i32
    %mul3A_179 = arith.muli %arg1, %mul3A_178 : i32
    %add3A_180 = arith.constant 512 : i32
    %add3A_181 = arith.addi %mul3A_179, %add3A_180 : i32
    %mul3A_182 = arith.constant 640 : i32
    %mul3A_183 = arith.muli %arg1, %mul3A_182 : i32
    %add3A_184 = arith.constant 512 : i32
    %add3A_185 = arith.addi %mul3A_183, %add3A_184 : i32
    "tpu.region"() ({
      %run_scoped3A_186 = tpu.sem_alloc : memref<!tpu.dma_semaphore, #tpu.memory_space<semaphore_mem>>
      %dma_start3A_187 = arith.constant 0 : i32
      %dma_start3A_188 = tpu.memref_slice %arg5[%arg0, %add3A_185, %dma_start3A_187] : memref<2x10240x128xf32, #tpu.memory_space<hbm>> -> memref<1x128x128xf32, #tpu.memory_space<hbm>>
      %dma_start3A_189 = tpu.memref_squeeze %dma_start3A_188 : memref<1x128x128xf32, #tpu.memory_space<hbm>> -> memref<128x128xf32, #tpu.memory_space<hbm>>
      %dma_start3A_190 = arith.constant 0 : i32
      %dma_start3A_191 = tpu.memref_slice %arg10[%add3A_181, %dma_start3A_190] : memref<10240x128xf32, #tpu.memory_space<vmem_shared>> -> memref<128x128xf32, #tpu.memory_space<vmem_shared>>
      tpu.enqueue_dma source(%dma_start3A_191 : memref<128x128xf32, #tpu.memory_space<vmem_shared>>) target(%dma_start3A_189 : memref<128x128xf32, #tpu.memory_space<hbm>>) target_semaphore(%run_scoped3A_186 : memref<!tpu.dma_semaphore, #tpu.memory_space<semaphore_mem>>)
      %dma_wait3A_192 = arith.constant 0 : i32
      %dma_wait3A_193 = tpu.memref_slice %arg5[%arg0, %add3A_185, %dma_wait3A_192] : memref<2x10240x128xf32, #tpu.memory_space<hbm>> -> memref<1x128x128xf32, #tpu.memory_space<hbm>>
      %dma_wait3A_194 = tpu.memref_squeeze %dma_wait3A_193 : memref<1x128x128xf32, #tpu.memory_space<hbm>> -> memref<128x128xf32, #tpu.memory_space<hbm>>
      %dma_wait3A_195 = arith.constant 0 : i32
      %dma_wait3A_196 = tpu.memref_slice %arg10[%add3A_181, %dma_wait3A_195] : memref<10240x128xf32, #tpu.memory_space<vmem_shared>> -> memref<128x128xf32, #tpu.memory_space<vmem_shared>>
      tpu.wait_dma2 semaphore(%run_scoped3A_186 : memref<!tpu.dma_semaphore, #tpu.memory_space<semaphore_mem>>) src(%dma_wait3A_196 : memref<128x128xf32, #tpu.memory_space<vmem_shared>>) dst(%dma_wait3A_194 : memref<128x128xf32, #tpu.memory_space<hbm>>)
      tpu.yield
    }) : () -> ()
    return
  }
}

module attributes {stable_mosaic.version = 14 : i64} {
  func.func @_mm1_body(%arg0: i32, %arg1: memref<2x2048xf32, #tpu.memory_space<vmem>>, %arg2: memref<2048x128xf32, #tpu.memory_space<vmem>>, %arg3: memref<128x128xf32, #tpu.memory_space<vmem>>, %arg4: memref<2048x128xf32, #tpu.memory_space<vmem>>) attributes {dimension_semantics = [#tpu.dimension_semantics<arbitrary>], iteration_bounds = array<i64: 5>, scalar_prefetch = 0 : i64, scratch_operands = 0 : i64, tpu.core_type = #tpu.core_type<tc>, window_params = [{transform_indices = @transform_0, window_bounds = array<i64: 2, 2048>}, {transform_indices = @transform_1, window_bounds = array<i64: 2048, 128>}, {pipeline_mode = #tpu.pipeline_mode<synchronous>, transform_indices = @transform_2, window_bounds = array<i64: 128, 128>}, {transform_indices = @transform_3, window_bounds = array<i64: 2048, 128>}]} {
    %get3A = arith.constant 0 : index
    %get3A_0 = arith.constant 0 : index
    %get3A_1 = vector.load %arg1[%get3A, %get3A_0] : memref<2x2048xf32, #tpu.memory_space<vmem>>, vector<1x2048xf32>
    %get3A_2 = vector.shape_cast %get3A_1 : vector<1x2048xf32> to vector<2048xf32>
    %get3A_3 = arith.constant 1 : index
    %get3A_4 = arith.constant 0 : index
    %get3A_5 = vector.load %arg1[%get3A_3, %get3A_4] : memref<2x2048xf32, #tpu.memory_space<vmem>>, vector<1x2048xf32>
    %get3A_6 = vector.shape_cast %get3A_5 : vector<1x2048xf32> to vector<2048xf32>
    %add3A = arith.addf %get3A_2, %get3A_6 : vector<2048xf32>
    %gt3A = arith.constant 0.000000e+00 : f32
    %gt3A_7 = vector.broadcast %gt3A : f32 to vector<2048xf32>
    %gt3A_8 = arith.cmpf ogt, %add3A, %gt3A_7 : vector<2048xf32>
    %rsqrt3A = math.rsqrt %add3A : vector<2048xf32>
    %jit3A = arith.constant 0.000000e+00 : f32
    %broadcast_in_dim3A = vector.broadcast %jit3A : f32 to vector<2048xf32>
    %select_n3A = arith.select %gt3A_8, %rsqrt3A, %broadcast_in_dim3A : vector<2048xi1>, vector<2048xf32>
    %get3A_9 = arith.constant 0 : index
    %get3A_10 = arith.constant 0 : index
    %get3A_11 = vector.load %arg2[%get3A_9, %get3A_10] : memref<2048x128xf32, #tpu.memory_space<vmem>>, vector<2048x128xf32>
    %get3A_12 = arith.constant 0 : index
    %get3A_13 = arith.constant 0 : index
    %get3A_14 = vector.load %arg3[%get3A_12, %get3A_13] : memref<128x128xf32, #tpu.memory_space<vmem>>, vector<128x128xf32>
    %dot_general3A = arith.constant dense<0.000000e+00> : vector<2048x128xf32>
    %dot_general3A_15 = tpu.matmul %get3A_11, %get3A_14, %dot_general3A {dimension_numbers = #tpu.dot_dimension_numbers<[1], [0], [0], [1], [0, 0, 1, 1], [], []>, transpose_lhs_hint = false} : vector<2048x128xf32>, vector<128x128xf32>, vector<2048x128xf32> -> vector<2048x128xf32>
    %broadcast_in_dim3A_16 = vector.shape_cast %select_n3A : vector<2048xf32> to vector<2048x1xf32>
    %mul3A = vector.broadcast %broadcast_in_dim3A_16 : vector<2048x1xf32> to vector<2048x128xf32>
    %mul3A_17 = arith.mulf %dot_general3A_15, %mul3A : vector<2048x128xf32>
    %swap3A = arith.constant 0 : index
    %swap3A_18 = arith.constant 0 : index
    %swap3A_19 = vector.load %arg4[%swap3A, %swap3A_18] : memref<2048x128xf32, #tpu.memory_space<vmem>>, vector<2048x128xf32>
    tpu.vector_store %arg4[%swap3A, %swap3A_18], %mul3A_17 {strides = array<i32>} : memref<2048x128xf32, #tpu.memory_space<vmem>>, vector<2048x128xf32>,
    return
  }
  func.func @transform_0(%arg0: i32) -> (i32, i32) {
    %c0_i32 = arith.constant 0 : i32
    %c0_i32_0 = arith.constant 0 : i32
    return %c0_i32, %arg0 : i32, i32
  }
  func.func @transform_1(%arg0: i32) -> (i32, i32) {
    %c0_i32 = arith.constant 0 : i32
    %c0_i32_0 = arith.constant 0 : i32
    return %arg0, %c0_i32 : i32, i32
  }
  func.func @transform_2(%arg0: i32) -> (i32, i32) {
    %c0_i32 = arith.constant 0 : i32
    %c0_i32_0 = arith.constant 0 : i32
    %c0_i32_1 = arith.constant 0 : i32
    return %c0_i32, %c0_i32_0 : i32, i32
  }
  func.func @transform_3(%arg0: i32) -> (i32, i32) {
    %c0_i32 = arith.constant 0 : i32
    %c0_i32_0 = arith.constant 0 : i32
    return %arg0, %c0_i32 : i32, i32
  }
}

module attributes {stable_mosaic.version = 14 : i64} {
  func.func @_mid_body(%arg0: i32, %arg1: memref<2x2048xf32, #tpu.memory_space<vmem>>, %arg2: memref<2x2048x128xf32, #tpu.memory_space<vmem>>, %arg3: memref<1x128xf32, #tpu.memory_space<vmem>>, %arg4: memref<128x128xf32, #tpu.memory_space<vmem>>, %arg5: memref<2048x128xf32, #tpu.memory_space<vmem>>) attributes {dimension_semantics = [#tpu.dimension_semantics<arbitrary>], iteration_bounds = array<i64: 5>, scalar_prefetch = 0 : i64, scratch_operands = 0 : i64, tpu.core_type = #tpu.core_type<tc>, window_params = [{transform_indices = @transform_0, window_bounds = array<i64: 2, 2048>}, {transform_indices = @transform_1, window_bounds = array<i64: 2, 2048, 128>}, {pipeline_mode = #tpu.pipeline_mode<synchronous>, transform_indices = @transform_2, window_bounds = array<i64: 1, 128>}, {pipeline_mode = #tpu.pipeline_mode<synchronous>, transform_indices = @transform_3, window_bounds = array<i64: 128, 128>}, {transform_indices = @transform_4, window_bounds = array<i64: 2048, 128>}]} {
    %get3A = arith.constant 0 : index
    %get3A_0 = arith.constant 0 : index
    %get3A_1 = vector.load %arg1[%get3A, %get3A_0] : memref<2x2048xf32, #tpu.memory_space<vmem>>, vector<1x2048xf32>
    %get3A_2 = vector.shape_cast %get3A_1 : vector<1x2048xf32> to vector<2048xf32>
    %get3A_3 = arith.constant 1 : index
    %get3A_4 = arith.constant 0 : index
    %get3A_5 = vector.load %arg1[%get3A_3, %get3A_4] : memref<2x2048xf32, #tpu.memory_space<vmem>>, vector<1x2048xf32>
    %get3A_6 = vector.shape_cast %get3A_5 : vector<1x2048xf32> to vector<2048xf32>
    %add3A = arith.addf %get3A_2, %get3A_6 : vector<2048xf32>
    %gt3A = arith.constant 0.000000e+00 : f32
    %gt3A_7 = vector.broadcast %gt3A : f32 to vector<2048xf32>
    %gt3A_8 = arith.cmpf ogt, %add3A, %gt3A_7 : vector<2048xf32>
    %rsqrt3A = math.rsqrt %add3A : vector<2048xf32>
    %jit3A = arith.constant 0.000000e+00 : f32
    %broadcast_in_dim3A = vector.broadcast %jit3A : f32 to vector<2048xf32>
    %select_n3A = arith.select %gt3A_8, %rsqrt3A, %broadcast_in_dim3A : vector<2048xi1>, vector<2048xf32>
    %get3A_9 = arith.constant 0 : index
    %get3A_10 = arith.constant 0 : index
    %get3A_11 = arith.constant 0 : index
    %get3A_12 = vector.load %arg2[%get3A_9, %get3A_10, %get3A_11] : memref<2x2048x128xf32, #tpu.memory_space<vmem>>, vector<1x2048x128xf32>
    %get3A_13 = vector.shape_cast %get3A_12 : vector<1x2048x128xf32> to vector<2048x128xf32>
    %get3A_14 = arith.constant 1 : index
    %get3A_15 = arith.constant 0 : index
    %get3A_16 = arith.constant 0 : index
    %get3A_17 = vector.load %arg2[%get3A_14, %get3A_15, %get3A_16] : memref<2x2048x128xf32, #tpu.memory_space<vmem>>, vector<1x2048x128xf32>
    %get3A_18 = vector.shape_cast %get3A_17 : vector<1x2048x128xf32> to vector<2048x128xf32>
    %add3A_19 = arith.addf %get3A_13, %get3A_18 : vector<2048x128xf32>
    %broadcast_in_dim3A_20 = vector.shape_cast %select_n3A : vector<2048xf32> to vector<2048x1xf32>
    %mul3A = vector.broadcast %broadcast_in_dim3A_20 : vector<2048x1xf32> to vector<2048x128xf32>
    %mul3A_21 = arith.mulf %add3A_19, %mul3A : vector<2048x128xf32>
    %get3A_22 = arith.constant 0 : index
    %get3A_23 = arith.constant 0 : index
    %get3A_24 = vector.load %arg3[%get3A_22, %get3A_23] : memref<1x128xf32, #tpu.memory_space<vmem>>, vector<1x128xf32>
    %add3A_25 = vector.broadcast %get3A_24 : vector<1x128xf32> to vector<2048x128xf32>
    %add3A_26 = arith.addf %mul3A_21, %add3A_25 : vector<2048x128xf32>
    %max3A = arith.constant 0.000000e+00 : f32
    %max3A_27 = vector.broadcast %max3A : f32 to vector<2048x128xf32>
    %max3A_28 = arith.maximumf %add3A_26, %max3A_27 : vector<2048x128xf32>
    %get3A_29 = arith.constant 0 : index
    %get3A_30 = arith.constant 0 : index
    %get3A_31 = vector.load %arg4[%get3A_29, %get3A_30] : memref<128x128xf32, #tpu.memory_space<vmem>>, vector<128x128xf32>
    %dot_general3A = arith.constant dense<0.000000e+00> : vector<2048x128xf32>
    %dot_general3A_32 = tpu.matmul %max3A_28, %get3A_31, %dot_general3A {dimension_numbers = #tpu.dot_dimension_numbers<[1], [0], [0], [1], [0, 0, 1, 1], [], []>, transpose_lhs_hint = false} : vector<2048x128xf32>, vector<128x128xf32>, vector<2048x128xf32> -> vector<2048x128xf32>
    %broadcast_in_dim3A_33 = vector.shape_cast %select_n3A : vector<2048xf32> to vector<2048x1xf32>
    %mul3A_34 = vector.broadcast %broadcast_in_dim3A_33 : vector<2048x1xf32> to vector<2048x128xf32>
    %mul3A_35 = arith.mulf %dot_general3A_32, %mul3A_34 : vector<2048x128xf32>
    %swap3A = arith.constant 0 : index
    %swap3A_36 = arith.constant 0 : index
    %swap3A_37 = vector.load %arg5[%swap3A, %swap3A_36] : memref<2048x128xf32, #tpu.memory_space<vmem>>, vector<2048x128xf32>
    tpu.vector_store %arg5[%swap3A, %swap3A_36], %mul3A_35 {strides = array<i32>} : memref<2048x128xf32, #tpu.memory_space<vmem>>, vector<2048x128xf32>,
    return
  }
  func.func @transform_0(%arg0: i32) -> (i32, i32) {
    %c0_i32 = arith.constant 0 : i32
    %c0_i32_0 = arith.constant 0 : i32
    return %c0_i32, %arg0 : i32, i32
  }
  func.func @transform_1(%arg0: i32) -> (i32, i32, i32) {
    %c0_i32 = arith.constant 0 : i32
    %c0_i32_0 = arith.constant 0 : i32
    %c0_i32_1 = arith.constant 0 : i32
    return %c0_i32, %arg0, %c0_i32_0 : i32, i32, i32
  }
  func.func @transform_2(%arg0: i32) -> (i32, i32) {
    %c0_i32 = arith.constant 0 : i32
    %c0_i32_0 = arith.constant 0 : i32
    %c0_i32_1 = arith.constant 0 : i32
    return %c0_i32, %c0_i32_0 : i32, i32
  }
  func.func @transform_3(%arg0: i32) -> (i32, i32) {
    %c0_i32 = arith.constant 0 : i32
    %c0_i32_0 = arith.constant 0 : i32
    %c0_i32_1 = arith.constant 0 : i32
    return %c0_i32, %c0_i32_0 : i32, i32
  }
  func.func @transform_4(%arg0: i32) -> (i32, i32) {
    %c0_i32 = arith.constant 0 : i32
    %c0_i32_0 = arith.constant 0 : i32
    return %arg0, %c0_i32 : i32, i32
  }
}

module attributes {stable_mosaic.version = 14 : i64} {
  func.func @_fin_body(%arg0: i32, %arg1: memref<2x2048xf32, #tpu.memory_space<vmem>>, %arg2: memref<2x2048x128xf32, #tpu.memory_space<vmem>>, %arg3: memref<1x64xf32, #tpu.memory_space<vmem>>, %arg4: memref<1x64xf32, #tpu.memory_space<vmem>>, %arg5: memref<2048x64xf32, #tpu.memory_space<vmem>>, %arg6: memref<2048x64xf32, #tpu.memory_space<vmem>>) attributes {dimension_semantics = [#tpu.dimension_semantics<arbitrary>], iteration_bounds = array<i64: 5>, scalar_prefetch = 0 : i64, scratch_operands = 0 : i64, tpu.core_type = #tpu.core_type<tc>, window_params = [{transform_indices = @transform_0, window_bounds = array<i64: 2, 2048>}, {transform_indices = @transform_1, window_bounds = array<i64: 2, 2048, 128>}, {pipeline_mode = #tpu.pipeline_mode<synchronous>, transform_indices = @transform_2, window_bounds = array<i64: 1, 64>}, {pipeline_mode = #tpu.pipeline_mode<synchronous>, transform_indices = @transform_3, window_bounds = array<i64: 1, 64>}, {transform_indices = @transform_4, window_bounds = array<i64: 2048, 64>}, {transform_indices = @transform_5, window_bounds = array<i64: 2048, 64>}]} {
    %get3A = arith.constant 0 : index
    %get3A_0 = arith.constant 0 : index
    %get3A_1 = vector.load %arg1[%get3A, %get3A_0] : memref<2x2048xf32, #tpu.memory_space<vmem>>, vector<1x2048xf32>
    %get3A_2 = vector.shape_cast %get3A_1 : vector<1x2048xf32> to vector<2048xf32>
    %get3A_3 = arith.constant 1 : index
    %get3A_4 = arith.constant 0 : index
    %get3A_5 = vector.load %arg1[%get3A_3, %get3A_4] : memref<2x2048xf32, #tpu.memory_space<vmem>>, vector<1x2048xf32>
    %get3A_6 = vector.shape_cast %get3A_5 : vector<1x2048xf32> to vector<2048xf32>
    %add3A = arith.addf %get3A_2, %get3A_6 : vector<2048xf32>
    %gt3A = arith.constant 0.000000e+00 : f32
    %gt3A_7 = vector.broadcast %gt3A : f32 to vector<2048xf32>
    %gt3A_8 = arith.cmpf ogt, %add3A, %gt3A_7 : vector<2048xf32>
    %rsqrt3A = math.rsqrt %add3A : vector<2048xf32>
    %jit3A = arith.constant 0.000000e+00 : f32
    %broadcast_in_dim3A = vector.broadcast %jit3A : f32 to vector<2048xf32>
    %select_n3A = arith.select %gt3A_8, %rsqrt3A, %broadcast_in_dim3A : vector<2048xi1>, vector<2048xf32>
    %get3A_9 = arith.constant 0 : index
    %get3A_10 = arith.constant 0 : index
    %get3A_11 = arith.constant 0 : index
    %get3A_12 = vector.load %arg2[%get3A_9, %get3A_10, %get3A_11] : memref<2x2048x128xf32, #tpu.memory_space<vmem>>, vector<1x2048x128xf32>
    %get3A_13 = vector.shape_cast %get3A_12 : vector<1x2048x128xf32> to vector<2048x128xf32>
    %get3A_14 = arith.constant 1 : index
    %get3A_15 = arith.constant 0 : index
    %get3A_16 = arith.constant 0 : index
    %get3A_17 = vector.load %arg2[%get3A_14, %get3A_15, %get3A_16] : memref<2x2048x128xf32, #tpu.memory_space<vmem>>, vector<1x2048x128xf32>
    %get3A_18 = vector.shape_cast %get3A_17 : vector<1x2048x128xf32> to vector<2048x128xf32>
    %add3A_19 = arith.addf %get3A_13, %get3A_18 : vector<2048x128xf32>
    %slice3A = vector.extract_strided_slice %add3A_19 {offsets = [0, 0], sizes = [2048, 64], strides = [1, 1]} : vector<2048x128xf32> to vector<2048x64xf32>
    %broadcast_in_dim3A_20 = vector.shape_cast %select_n3A : vector<2048xf32> to vector<2048x1xf32>
    %mul3A = vector.broadcast %broadcast_in_dim3A_20 : vector<2048x1xf32> to vector<2048x64xf32>
    %mul3A_21 = arith.mulf %slice3A, %mul3A : vector<2048x64xf32>
    %get3A_22 = arith.constant 0 : index
    %get3A_23 = arith.constant 0 : index
    %get3A_24 = vector.load %arg3[%get3A_22, %get3A_23] : memref<1x64xf32, #tpu.memory_space<vmem>>, vector<1x64xf32>
    %add3A_25 = vector.broadcast %get3A_24 : vector<1x64xf32> to vector<2048x64xf32>
    %add3A_26 = arith.addf %mul3A_21, %add3A_25 : vector<2048x64xf32>
    %swap3A = arith.constant 0 : index
    %swap3A_27 = arith.constant 0 : index
    %swap3A_28 = vector.load %arg5[%swap3A, %swap3A_27] : memref<2048x64xf32, #tpu.memory_space<vmem>>, vector<2048x64xf32>
    tpu.vector_store %arg5[%swap3A, %swap3A_27], %add3A_26 {strides = array<i32>} : memref<2048x64xf32, #tpu.memory_space<vmem>>, vector<2048x64xf32>,
    %slice3A_29 = vector.extract_strided_slice %add3A_19 {offsets = [0, 64], sizes = [2048, 64], strides = [1, 1]} : vector<2048x128xf32> to vector<2048x64xf32>
    %broadcast_in_dim3A_30 = vector.shape_cast %select_n3A : vector<2048xf32> to vector<2048x1xf32>
    %mul3A_31 = vector.broadcast %broadcast_in_dim3A_30 : vector<2048x1xf32> to vector<2048x64xf32>
    %mul3A_32 = arith.mulf %slice3A_29, %mul3A_31 : vector<2048x64xf32>
    %get3A_33 = arith.constant 0 : index
    %get3A_34 = arith.constant 0 : index
    %get3A_35 = vector.load %arg4[%get3A_33, %get3A_34] : memref<1x64xf32, #tpu.memory_space<vmem>>, vector<1x64xf32>
    %add3A_36 = vector.broadcast %get3A_35 : vector<1x64xf32> to vector<2048x64xf32>
    %add3A_37 = arith.addf %mul3A_32, %add3A_36 : vector<2048x64xf32>
    %swap3A_38 = arith.constant 0 : index
    %swap3A_39 = arith.constant 0 : index
    %swap3A_40 = vector.load %arg6[%swap3A_38, %swap3A_39] : memref<2048x64xf32, #tpu.memory_space<vmem>>, vector<2048x64xf32>
    tpu.vector_store %arg6[%swap3A_38, %swap3A_39], %add3A_37 {strides = array<i32>} : memref<2048x64xf32, #tpu.memory_space<vmem>>, vector<2048x64xf32>,
    return
  }
  func.func @transform_0(%arg0: i32) -> (i32, i32) {
    %c0_i32 = arith.constant 0 : i32
    %c0_i32_0 = arith.constant 0 : i32
    return %c0_i32, %arg0 : i32, i32
  }
  func.func @transform_1(%arg0: i32) -> (i32, i32, i32) {
    %c0_i32 = arith.constant 0 : i32
    %c0_i32_0 = arith.constant 0 : i32
    %c0_i32_1 = arith.constant 0 : i32
    return %c0_i32, %arg0, %c0_i32_0 : i32, i32, i32
  }
  func.func @transform_2(%arg0: i32) -> (i32, i32) {
    %c0_i32 = arith.constant 0 : i32
    %c0_i32_0 = arith.constant 0 : i32
    %c0_i32_1 = arith.constant 0 : i32
    return %c0_i32, %c0_i32_0 : i32, i32
  }
  func.func @transform_3(%arg0: i32) -> (i32, i32) {
    %c0_i32 = arith.constant 0 : i32
    %c0_i32_0 = arith.constant 0 : i32
    %c0_i32_1 = arith.constant 0 : i32
    return %c0_i32, %c0_i32_0 : i32, i32
  }
  func.func @transform_4(%arg0: i32) -> (i32, i32) {
    %c0_i32 = arith.constant 0 : i32
    %c0_i32_0 = arith.constant 0 : i32
    return %arg0, %c0_i32 : i32, i32
  }
  func.func @transform_5(%arg0: i32) -> (i32, i32) {
    %c0_i32 = arith.constant 0 : i32
    %c0_i32_0 = arith.constant 0 : i32
    return %arg0, %c0_i32 : i32, i32
  }
}

</mosaic_0001>

<sc_bundles>
// kernel: _impl.11.cloned.1.call-start
scs
__scs_entry_jumppad:
0x0: {  	(pc) =	sbr.rel $0x88, $3  }
0x1: {  	(tag) =	ssettag $0x0;
	lr =	simm.s32 $0x1  }
0x2: {  	[smem:$0x3F99] =	sst lr;
	_ =	strace $0xD0000000  }
0x3: {  	_ = 	snop  }
0x4: {  	_ = 	snop  }
0x5: {  	_ = 	snop  }
0x6: {  	_ = 	snop  }
0x7: {  	_ = 	snop  }
__scs_overlays_trampoline_lowered:
0x8: {  	[smem:$0x3FA8] =	sst s0  }
0x9: {  	[smem:$0x3FA9] =	sst s1  }
0xa: {  	[smem:$0x3FAA] =	sst s2  }
0xb: {  	[smem:$0x3FAB] =	sst s3  }
0xc: {  	[smem:$0x3FAC] =	sst s4  }
0xd: {  	[smem:$0x3FAD] =	sst s5  }
0xe: {  	[smem:$0x3FAE] =	sst s6  }
0xf: {  	[smem:$0x3FAF] =	sst s7  }
0x10: {  	[smem:$0x3FB0] =	sst s8  }
0x11: {  	[smem:$0x3FB1] =	sst s9;
	s0 =	simm.s32 @!p0 $0x0  }
0x12: {  	s1 =	sld [smem:$0x3F97];
	s0 =	simm.s32 @p0 $0x1  }
0x13: {  	[smem:$0x3FB2] =	sst s0;
	s0 =	simm.s32 @!p1 $0x0  }
0x14: {  	s2 =	sld [smem:$0x3F96];
	s0 =	simm.s32 @p1 $0x1  }
0x15: {  	[smem:$0x3FB3] =	sst s0;
	s0 =	simm.s32 @!p2 $0x0  }
0x16: {  	s3 =	sld [smem:$0x3FDB];
	s0 =	simm.s32 @p2 $0x1  }
0x17: {  	s4 =	simm.s32 $0x1BF5;
	[smem:$0x3FB5] =	sst s0  }
0x18: {  	s0 =	sld [smem:$0x3F98];
	_ =	swait.ge [sflag:s4], $0x0  }
0x19: {  	s7 =	sld [smem:$0x3F99]  }
0x1a: {  	s8 =	sadd.s32 $0xFFFFE003, lr  }
0x1b: {  	s9 =	sadd.s32 $0xFFFFFEF7, lr;
	s5 =	simm.s32 $0xFFFFFFFF;
	p2 =	slt.u32 s8, $0xFFFFF086  }
0x1c: {  	p1 =	slt.u32 s9, $0xF7A;
	s5 =	simm.s32 @!p2 $0x0  }
0x1d: {  	s5 =	simm.s32 @p1 $0x1;
	p0 =	seq.s32 s7, s2  }
0x1e: {  	s7 =	smul.u32 @!p0 $0xF7A, s2;
	p2 =	seq.s32 @!p0 s5, $0x0  }
0x1f: {  	s9 =	smul.u32 $0xF7A, s1;
	s8 =	simm.s32 @!p0 $0x1BF5;
	p2 =	por !p2, p0  }
0x20: {  	[sflag:s8] =	ssyncset.s32 @!p0 $0xFFFFF086;
	s6 =	sadd.s32 @!p0 s3, s7;
	s7 =	simm.s32 @!p0 $0x108  }
0x21: {  	s3 =	sadd.s32 s3, s9;
	s6 =	sadd.s32 @!p0 $0x88, s6;
	s7 =	simm.s32 @p2 $0x1082  }
0x22: {  	[simem:s7], [sflag:s8] =	dma.local @!p0 [hbm:s6], $0xF7A  }
0x23: {  	s9 =	sor.u32 $0xD0000000, s2;
	s6 =	simm.s32 $0x108;
	_ =	swait.ge @!p0 [sflag:s8], $0x0  }
0x24: {  	s3 =	sadd.s32 $0x88, s3;
	s6 =	simm.s32 @!p1 $0x1082;
	[sflag:s4] =	ssyncset.s32 $0xFFFFF086  }
0x25: {  	[simem:s6], [sflag:s4] =	dma.local [hbm:s3], $0xF7A  }
0x26: {  	[smem:$0x3F99] =	sst s1;
	(tag) =	ssettag s2;
	_ =	strace s9  }
0x27: {  	s1 =	sld [smem:$0x3FA9]  }
0x28: {  	s2 =	sld [smem:$0x3FAA]  }
0x29: {  	s4 =	sld [smem:$0x3FAC]  }
0x2a: {  	p0 =	seq.s32 s5, $0x0;
	s5 =	sld [smem:$0x3FAD]  }
0x2b: {  	s6 =	sld [smem:$0x3FAE]  }
0x2c: {  	s7 =	sld [smem:$0x3FAF]  }
0x2d: {  	s3 =	simm.s32 $0x108;
	s8 =	sld [smem:$0x3FB0]  }
0x2e: {  	s3 =	simm.s32 @!p0 $0x1082;
	s9 =	sld [smem:$0x3FB1]  }
0x2f: {  	lr =	sadd.s32 s0, s3;
	s0 =	sld [smem:$0x3FA8]  }
0x30: {  	s3 =	sld [smem:$0x3FAB]  }
0x31: {  	[smem:$0x3FB4] =	sst s10  }
0x32: {  	s10 =	sld [smem:$0x3FB2];
	_ =	sdelay $0x3  }
0x33: {  	p0 =	seq.s32 s10, $0x1;
	s10 =	sld [smem:$0x3FB4];
	_ =	sdelay $0x3  }
0x34: {  	[smem:$0x3FB4] =	sst s10  }
0x35: {  	s10 =	sld [smem:$0x3FB3];
	_ =	sdelay $0x3  }
0x36: {  	p1 =	seq.s32 s10, $0x1;
	s10 =	sld [smem:$0x3FB4];
	_ =	sdelay $0x3  }
0x37: {  	[smem:$0x3FB4] =	sst s10  }
0x38: {  	s10 =	sld [smem:$0x3FB5]  }
0x39: {  	_ = 	snop;
	(pc) =	sbr.ind lr, $3  }
0x3a: {  	_ = 	snop  }
0x3b: {  	_ = 	snop  }
0x3c: {  	p2 =	seq.s32 s10, $0x1;
	s10 =	sld [smem:$0x3FB4]  }
0x3d: {  	_ =	shalt  }
0x3e: {  	_ =	shalt  }
0x3f: {  	_ =	shalt  }
0x40: {  	_ =	shalt  }
0x41: {  	_ =	shalt  }
0x42: {  	_ =	shalt  }
0x43: {  	_ =	shalt  }
0x44: {  	_ =	shalt  }
0x45: {  	_ =	shalt  }
0x46: {  	_ =	shalt  }
0x47: {  	_ =	shalt  }
0x48: {  	_ =	shalt  }
0x49: {  	_ =	shalt  }
0x4a: {  	_ =	shalt  }
0x4b: {  	_ =	shalt  }
0x4c: {  	_ =	shalt  }
0x4d: {  	_ =	shalt  }
0x4e: {  	_ =	shalt  }
0x4f: {  	_ =	shalt  }
0x50: {  	_ =	shalt  }
0x51: {  	_ =	shalt  }
0x52: {  	_ =	shalt  }
0x53: {  	_ =	shalt  }
0x54: {  	_ =	shalt  }
0x55: {  	_ =	shalt  }
0x56: {  	_ =	shalt  }
0x57: {  	_ =	shalt  }
0x58: {  	_ =	shalt  }
0x59: {  	_ =	shalt  }
0x5a: {  	_ =	shalt  }
0x5b: {  	_ =	shalt  }
0x5c: {  	_ =	shalt  }
0x5d: {  	_ =	shalt  }
0x5e: {  	_ =	shalt  }
0x5f: {  	_ =	shalt  }
0x60: {  	_ =	shalt  }
0x61: {  	_ =	shalt  }
0x62: {  	_ =	shalt  }
0x63: {  	_ =	shalt  }
0x64: {  	_ =	shalt  }
0x65: {  	_ =	shalt  }
0x66: {  	_ =	shalt  }
0x67: {  	_ =	shalt  }
0x68: {  	_ =	shalt  }
0x69: {  	_ =	shalt  }
0x6a: {  	_ =	shalt  }
0x6b: {  	_ =	shalt  }
0x6c: {  	_ =	shalt  }
0x6d: {  	_ =	shalt  }
0x6e: {  	_ =	shalt  }
0x6f: {  	_ =	shalt  }
0x70: {  	_ =	shalt  }
0x71: {  	_ =	shalt  }
0x72: {  	_ =	shalt  }
0x73: {  	_ =	shalt  }
0x74: {  	_ =	shalt  }
0x75: {  	_ =	shalt  }
0x76: {  	_ =	shalt  }
0x77: {  	_ =	shalt  }
0x78: {  	_ =	shalt  }
0x79: {  	_ =	shalt  }
0x7a: {  	_ =	shalt  }
0x7b: {  	_ =	shalt  }
0x7c: {  	_ =	shalt  }
0x7d: {  	_ =	shalt  }
0x7e: {  	_ =	shalt  }
0x7f: {  	_ =	shalt  }
0x80: {  	_ =	shalt  }
0x81: {  	_ =	shalt  }
0x82: {  	_ =	shalt  }
0x83: {  	_ =	shalt  }
0x84: {  	_ =	shalt  }
0x85: {  	_ =	shalt  }
0x86: {  	_ =	shalt  }
0x87: {  	_ =	shalt  }
.Lfunc_end0:
.L_simem_size_0:
called_computation.1_lowered:
.L_overlay_start_0:
0x88: {  	s2 =	sld [smem:$0x3FD9]  }
0x89: {  	s3 =	sld [smem:$0x3FFE];
	_ =	sdelay $0x1  }
0x8a: {  	s1 =	srdreg.scid  }
0x8b: {  	s0 =	sand.u32 $0x1, s1  }
0x8c: {  	s14 =	sshll.u32 s0, $0xA;
	s2 =	sadd.s32 s3, s2  }
0x8d: {  	s2 =	sadd.s32 s2, s14  }
0x8e: {  	[smem:$0x3FC0] =	sst s2  }
0x8f: {  	_ = 	snop  }
0x90: {  	s2 =	sld [smem:$0x3FD0];
	_ =	sdelay $0x2  }
0x91: {  	s15 =	simm.s32 $0xA;
	s4 =	simm.s32 $0x10  }
0x92: {  	[smem:s4], [sflag:s15] =	dma.local [hbm:s2], $0x1  }
0x93: {  	_ =	swait.eq [sflag:s15], $0x1  }
0x94: {  	[sflag:s15] =	ssyncset.done $0x0  }
0x95: {  	s16 =	sld [smem:$0x10];
	[sflag:s15] =	ssyncadd.s32 $0xFFFFFFFF  }
0x96: {  	s17 =	sld [smem:$0x11];
	(tm) =	ssettm $0x1  }
0x97: {  	s18 =	sld [smem:$0x3FFB];
	_ =	sdelay $0x3  }
0x98: {  	_ =	strace s18  }
0x99: {  	s4 =	sld [smem:$0x3FFC];
	_ =	sdelay $0x3  }
0x9a: {  	_ =	strace s4  }
0x9b: {  	s4 =	sld [smem:$0x3FFD];
	_ =	sdelay $0x3  }
0x9c: {  	_ =	strace s4  }
0x9d: {  	_ =	strace $0x8FFFFFFF  }
0x9e: {  	s19 =	sld [smem:$0x3FDB];
	_ =	sdelay $0x1  }
0x9f: {  	s5 =	simm.s32 $_scs_section_size  }
0xa0: {  	s6 =	simm.s32 $_size__tile_overlayer_lowered;
	s7 =	simm.s32 $_tile_overlayer_lowered  }
0xa1: {  	s22 =	simm.s32 $0x1BFF;
	s21 =	sshll.u32 s7, $0x1;
	s4 =	sadd.s32 s5, s19  }
0xa2: {  	s8 =	simm.s32 $0x0;
	s20 =	sshll.u32 s6, $0x1;
	s6 =	sadd.s32 s21, s4  }
0xa3: {  	[timem:s8], [sflag:s22] =	dma.local [hbm:s6], s20  }
0xa4: {  	_ =	swait.ge [sflag:s22], s20  }
0xa5: {  	s5 =	ssub.s32 $0x0, s20;
	[sflag:s22] =	ssyncset.done $0x0  }
0xa6: {  	[sflag:s22] =	ssyncadd.s32 s5;
	_ =	sdelay $0x1  }
0xa7: {  	s23 =	simm.s32 $0x1B8B  }
0xa8: {  	_ =	swait.ge [sflag:s23], $0x1  }
0xa9: {  	[sflag:s23] =	ssyncset.done $0x0  }
0xaa: {  	s25 =	simm.s32 $0x1B8E;
	s24 =	sld [smem:$0x3FFE];
	[sflag:s23] =	ssyncadd.s32 $0xFFFFFFFF  }
0xab: {  	s26 =	simm.s32 $execute0_lowered;
	[smem:$0x3FD2] =	sst s25  }
0xac: {  	s6 =	sshll.u32 s26, $0x1;
	_ =	strace $0x80000049;
	[dreg:$0x1] =	wrdreg $0xFFFFFFFF  }
0xad: {  	s28 =	simm.s32 $_size_execute0_lowered;
	s4 =	sadd.s32 s4, s6;
	[dreg:$0x0] =	wrdreg $0x0  }
0xae: {  	s6 =	sshll.u32 s28, $0x1;
	[dreg:$0x2] =	wrdreg s4  }
0xaf: {  	[dreg:$0x3] =	wrdreg s6  }
0xb0: {  	[dreg:$0x4] =	wrdreg $0xC0  }
0xb1: {  	_ =	task [dreg:s8], $0x5FFFF  }
0xb2: {  	[dreg:$0x1] =	wrdreg $0xFFFFFFFF  }
0xb3: {  	[dreg:$0x0] =	wrdreg $0x60  }
0xb4: {  	[dreg:$0x2] =	wrdreg s24  }
0xb5: {  	[dreg:$0x3] =	wrdreg s16  }
0xb6: {  	[dreg:$0x4] =	wrdreg s17  }
0xb7: {  	[dreg:$0x5] =	wrdreg $0x90800  }
0xb8: {  	[dreg:$0x6] =	wrdreg $0x9  }
0xb9: {  	_ =	task.clear_ibuf [dreg:s8], $0x7FFFF;
	_ =	strace $0x90000049  }
0xba: {  	s29 =	simm.s32 $0x9;
	_ =	strace $0x8000004B  }
0xbb: {  	_ =	swait.ge [sflag:s29], $0x1  }
0xbc: {  	[sflag:s29] =	ssyncadd.s32 $0xFFFFFFFF  }
0xbd: {  	_ =	strace $0x9000004B  }
0xbe: {  	_ =	sfence  }
0xbf: {  	s30 =	sld [smem:$0x0];
	_ =	sdelay $0x2  }
0xc0: {  	s31 =	sshll.u32 s1, $0xD;
	s1 =	sshrl.u32 s1, $0x2  }
0xc1: {  	s3 =	sand.u32 $0x4000, s31;
	s1 =	sadd.s32 s1, s30  }
0xc2: {  	s0 =	sor.u32 s3, s0;
	s1 =	sshll.u32 s1, $0x11  }
0xc3: {  	s0 =	sor.u32 s1, s0  }
0xc4: {  	s0 =	sadd.s32 $0x8F2B, s0  }
0xc5: {  	[sflag:s0] =	ssyncadd.remote.s32 $0x1  }
0xc6: {  	_ =	sfence.sel $0xFFFF  }
0xc7: {  	[dreg:$0x0] =	wrdreg $0xFFFFFFFF;
	(pc) =	sbr.abs _section_cstart, $3  }
0xc8: {  	[dreg:$0x1] =	wrdreg $0xFFFFFFFF  }
0xc9: {  	_ =	task.clear_ibuf [dreg:s8], $0x2FFFF;
	_ =	strace $0x9FFFFFFF  }
0xca: {  	(tm) =	ssettm $0x7FFFFFFF  }
0xcb: {  	_ =	shalt  }
tec
execute0_lowered:
.L_overlay_start_1:
0x0: {  	(tag) =	ssettag $0x1  }
0x1: {  	s1 =	rddreg [dreg:$0x0]  }
0x2: {  	s0 =	rddreg [dreg:$0x1]  }
0x3: {  	s2 =	srdreg.scid;
	s3 =	rddreg [dreg:$0x2]  }
0x4: {  	s4 =	rddreg [dreg:$0x3];
	s11 =	stileid.u32;
	s5 =	simm.s32 $0x0  }
0x5: {  	s28 =	simm.s32 $0x1;
	s29 =	simm.s32 $0x2;
	s30 =	simm.s32 $0x1000  }
0x6: {  	s31 =	simm.s32 $0x3;
	s2 =	sand.u32 $0x1, s2;
	[smem:$0x7FF] =	sst s5  }
0x7: {  	s10 =	smul.u32 $0x50000, s11;
	s7 =	sadd.s32 $0x2600, s1;
	s1 =	sadd.s32 $0x2A600, s1  }
0x8: {  	s14 =	smul.u32 $0x14000, s11;
	s6 =	sshll.u32 s2, $0x4;
	s8 =	ssub.s32 $0x2, s2  }
0x9: {  	_ =	strace $0x8000004A;
	s2 =	smul.u32 $0x140000, s2;
	s6 =	sor.u32 s11, s6  }
0xa: {  	s9 =	sshrl.u32 s8, $0x1;
	s10 =	sshrl.u32 s10, $0x2;
	s23 =	sadd.s32 $0x4000, s14  }
0xb: {  	s15 =	sadd.s32 $0x8000, s14;
	s17 =	sadd.s32 $0xC000, s14;
	s18 =	sadd.s32 $0x10000, s14  }
0xc: {  	s6 =	smul.u32 $0x2C00, s6;
	s8 =	ssub.s32 s8, s9;
	s10 =	sadd.s32 s10, s4  }
0xd: {  	s11 =	sadd.s32 s23, s4;
	s12 =	sadd.s32 s15, s4;
	s13 =	sadd.s32 s17, s4  }
0xe: {  	s16 =	sadd.s32 s14, s2;
	s14 =	sadd.s32 s18, s4;
	s25 =	sadd.s32 s2, s17  }
0xf: {  	s24 =	sadd.s32 s2, s15;
	s16 =	sshrl.u32 s16, $0x3;
	s15 =	sshrl.u32 s25, $0x3  }
0x10: {  	s20 =	smax.u32 s8, $0x1;
	s25 =	simm.s32 $0x80;
	s16 =	sadd.s32 s1, s16  }
0x11: {  	s21 =	sshrl.u32 s6, $0x3;
	s26 =	sadd.s32 s1, s15;
	[dreg:$0x7] =	wrdreg s16  }
0x12: {  	s22 =	sadd.s32 s0, s21;
	s9 =	sadd.s32 s3, s21;
	[dreg:$0xa] =	wrdreg s26  }
0x13: {  	s26 =	simm.s32 $0x5080;
	[dreg:$0x6] =	wrdreg s9;
	s9 =	sadd.s32 s2, s23  }
.Ltmp0:
0x14: {  	[dreg:$0x5] =	wrdreg s22;
	s9 =	sshrl.u32 s9, $0x3;
	(pc) =	sbr.rel .LBB2_1-.Ltmp0, $4  }
0x15: {  	s2 =	sadd.s32 s2, s18;
	s22 =	simm.s32 $0x1080;
	s9 =	sadd.s32 s1, s9  }
0x16: {  	s2 =	sshrl.u32 s2, $0x3;
	[dreg:$0x8] =	wrdreg s9;
	s9 =	sshrl.u32 s24, $0x3  }
0x17: {  	s23 =	simm.s32 $0x5;
	s19 =	sadd.s32 s1, s2;
	s9 =	sadd.s32 s1, s9  }
0x18: {  	v0 =	vimm.f32 $0.0e+00;
	s24 =	simm.s32 $0x4;
	s1 =	simm.s32 $0x0;
	[dreg:$0x9] =	wrdreg s9  }
.LBB2_23:
0x19: {  	_ =	swait.ge [sflag:s31], $0x4000  }
0x1a: {  	[sflag:s31] =	ssyncset.done $0x0  }
0x1b: {  	[sflag:s31] =	ssyncadd.s32 $0xFFFFC000  }
0x1c: {  	_ =	swait.ge [sflag:s28], $0x4000  }
0x1d: {  	[sflag:s28] =	ssyncset.done $0x0  }
0x1e: {  	s2 =	stileid.u32;
	[sflag:s28] =	ssyncadd.s32 $0xFFFFC000  }
0x1f: {  	s2 =	sshll.u32 s2, $0x6;
	[bflag:$0x0] =	sbarrier.arrive $0xFFFF  }
0x20: {  	s8 =	sshrl.u32 s10, $0x3;
	s2 =	sor.u32 $0x1C05, s2;
	s9 =	rddreg [dreg:$0x7]  }
0x21: {  	[hbm:s9], [sflag:s2] =	dma.local [spmem:s8], $0x800  }
0x22: {  	_ =	swait.ge [sflag:s23], $0x800  }
0x23: {  	[sflag:s23] =	ssyncset.done $0x0  }
0x24: {  	s18 =	sshrl.u32 s11, $0x3;
	s21 =	rddreg [dreg:$0x8];
	[sflag:s23] =	ssyncadd.s32 $0xFFFFF800  }
0x25: {  	[hbm:s21], [sflag:s2] =	dma.local [spmem:s18], $0x800  }
0x26: {  	_ =	swait.ge [sflag:s23], $0x800  }
0x27: {  	[sflag:s23] =	ssyncset.done $0x0  }
0x28: {  	s15 =	sshrl.u32 s12, $0x3;
	s16 =	rddreg [dreg:$0x9];
	[sflag:s23] =	ssyncadd.s32 $0xFFFFF800  }
0x29: {  	[hbm:s16], [sflag:s2] =	dma.local [spmem:s15], $0x800  }
0x2a: {  	_ =	swait.ge [sflag:s23], $0x800  }
0x2b: {  	[sflag:s23] =	ssyncset.done $0x0  }
0x2c: {  	s17 =	sshrl.u32 s13, $0x3;
	s18 =	rddreg [dreg:$0xa];
	[sflag:s23] =	ssyncadd.s32 $0xFFFFF800  }
0x2d: {  	[hbm:s18], [sflag:s2] =	dma.local [spmem:s17], $0x800  }
0x2e: {  	s1 =	sadd.s32 $0x1, s1;
	_ =	swait.ge [sflag:s23], $0x800  }
0x2f: {  	p0 =	sne.s32 s1, s20;
	[sflag:s23] =	ssyncset.done $0x0  }
.Ltmp1:
0x30: {  	s21 =	sshrl.u32 s14, $0x3;
	[sflag:s23] =	ssyncadd.s32 $0xFFFFF800;
	(pc) =	sbr.rel @!p0 .LBB2_24-.Ltmp1, $4  }
0x31: {  	[hbm:s19], [sflag:s2] =	dma.local [spmem:s21], $0x800  }
0x32: {  	_ =	swait.ge [sflag:s23], $0x800  }
0x33: {  	[sflag:s23] =	ssyncset.done $0x0  }
0x34: {  	[sflag:s23] =	ssyncadd.s32 $0xFFFFF800  }
.LBB2_1:
0x35: {  	s2 =	rddreg [dreg:$0x5]  }
0x36: {  	[tilespmem:s5], [sflag:$0x4] =	stream.linear.gather [hbm4b:s2+s5], $0x400, $0x38;
	[tilespmem:$0x1D080] =	vst v63  }
0x37: {  	s21 =	rddreg [dreg:$0x6];
	s8 =	simm.s32 $0x800  }
0x38: {  	[tilespmem:s8], [sflag:$0x4] =	stream.linear.gather [hbm4b:s21+s5], $0x400, $0x38;
	[tilespmem:$0x1D080] =	vst v63  }
0x39: {  	s2 =	simm.s32 $0x0;
	s8 =	simm.s32 $0x200  }
.LBB2_2:
0x3a: {  	p0 =	sne.s32 s8, $0xFE00;
	[tilespmem:s2+$0x10F0] =	vst v0  }
0x3b: {  	[tilespmem:s2+$0x1080] =	vst v0  }
0x3c: {  	[tilespmem:s2+$0x1090] =	vst v0  }
.Ltmp2:
0x3d: {  	[tilespmem:s2+$0x10A0] =	vst v0;
	(pc) =	sbr.rel @p0 .LBB2_2-.Ltmp2, $4  }
0x3e: {  	[tilespmem:s2+$0x10B0] =	vst v0  }
0x3f: {  	[tilespmem:s2+$0x10C0] =	vst v0  }
0x40: {  	[tilespmem:s2+$0x10D0] =	vst v0  }
0x41: {  	[tilespmem:s2+$0x10E0] =	vst v0;
	s2 =	sshra.s32 s8, $0x2;
	s8 =	sadd.s32 $0x200, s8  }
0x42: {  	[tilespmem:s2+$0x10F0] =	vst v0  }
0x43: {  	[tilespmem:s2+$0x1080] =	vst v0  }
0x44: {  	[tilespmem:s2+$0x1090] =	vst v0  }
0x45: {  	[tilespmem:s2+$0x10A0] =	vst v0  }
0x46: {  	[tilespmem:s2+$0x10B0] =	vst v0  }
0x47: {  	[tilespmem:s2+$0x10C0] =	vst v0  }
0x48: {  	[tilespmem:s2+$0x10D0] =	vst v0  }
0x49: {  	[tilespmem:s2+$0x10E0] =	vst v0  }
0x4a: {  	[spmem:s10] =	stream.linear.scatter [tilespmem:s22], [sflag:$0x5], $0x4000, $0x38;
	[tilespmem:$0x1D080] =	vst v63  }
0x4b: {  	_ =	swait.ge [sflag:s23], $0x4000  }
0x4c: {  	[sflag:s23] =	ssyncset.done $0x0  }
0x4d: {  	[sflag:s23] =	ssyncadd.s32 $0xFFFFC000  }
0x4e: {  	[spmem:s11] =	stream.linear.scatter [tilespmem:s22], [sflag:$0x5], $0x4000, $0x38;
	[tilespmem:$0x1D080] =	vst v63  }
0x4f: {  	_ =	swait.ge [sflag:s23], $0x4000  }
0x50: {  	[sflag:s23] =	ssyncset.done $0x0  }
0x51: {  	[sflag:s23] =	ssyncadd.s32 $0xFFFFC000  }
0x52: {  	[spmem:s12] =	stream.linear.scatter [tilespmem:s22], [sflag:$0x5], $0x4000, $0x38;
	[tilespmem:$0x1D080] =	vst v63  }
0x53: {  	_ =	swait.ge [sflag:s23], $0x4000  }
0x54: {  	[sflag:s23] =	ssyncset.done $0x0  }
0x55: {  	[sflag:s23] =	ssyncadd.s32 $0xFFFFC000  }
0x56: {  	[spmem:s13] =	stream.linear.scatter [tilespmem:s22], [sflag:$0x5], $0x4000, $0x38;
	[tilespmem:$0x1D080] =	vst v63  }
0x57: {  	_ =	swait.ge [sflag:s23], $0x4000  }
0x58: {  	[sflag:s23] =	ssyncset.done $0x0  }
0x59: {  	[sflag:s23] =	ssyncadd.s32 $0xFFFFC000  }
0x5a: {  	[spmem:s14] =	stream.linear.scatter [tilespmem:s22], [sflag:$0x5], $0x4000, $0x38;
	[tilespmem:$0x1D080] =	vst v63  }
0x5b: {  	_ =	swait.ge [sflag:s23], $0x4000  }
0x5c: {  	[sflag:s23] =	ssyncset.done $0x0  }
0x5d: {  	[sflag:s23] =	ssyncadd.s32 $0xFFFFC000  }
0x5e: {  	[bflag:$0x0] =	sbarrier.arrive $0xFFFF  }
0x5f: {  	_ =	swait.ge [sflag:s24], $0x400  }
0x60: {  	[sflag:s24] =	ssyncset.done $0x0  }
.Ltmp3:
0x61: {  	[sflag:s24] =	ssyncadd.s32 $0xFFFFFC00;
	(pc) =	sbr.rel .LBB2_4-.Ltmp3, $4  }
0x62: {  	_ =	swait.ge [sflag:s24], $0x400  }
0x63: {  	[sflag:s24] =	ssyncset.done $0x0  }
0x64: {  	s15 =	simm.s32 $0x0;
	s21 =	simm.s32 $0x0;
	[sflag:s24] =	ssyncadd.s32 $0xFFFFFC00  }
0x65: {  	[tilespmem:s22], [sflag:$0x1] =	stream.indirect.gather [hbm4b:s7+s25], $0x80, s15, s25, $0xb8;
	[tilespmem:$0x1D080] =	vst v63  }
.LBB2_25:
0x66: {  	s2 =	sor.u32 $0x380, s9  }
0x67: {  	[tilespmem:s26], [sflag:$0x2] =	stream.indirect.gather [hbm4b:s7+s25], $0x80, s2, s25, $0xb8;
	[tilespmem:$0x1D080] =	vst v63  }
.LBB2_22:
0x68: {  	_ =	swait.ge [sflag:s29], $0x4000  }
0x69: {  	[sflag:s29] =	ssyncset.done $0x0  }
0x6a: {  	[sflag:s29] =	ssyncadd.s32 $0xFFFFC000  }
0x6b: {  	v1 =	vld [tilespmem:s2+$0x800];
	_ =	sdelay $0x4  }
0x6c: {  	[tilespmem:$0x1000] =	vst v1  }
0x6d: {  	v1 =	vld [tilespmem:s9+$0xB90];
	_ =	sdelay $0x4  }
0x6e: {  	[tilespmem:$0x1010] =	vst v1  }
0x6f: {  	v1 =	vld [tilespmem:s9+$0xBA0];
	_ =	sdelay $0x4  }
0x70: {  	[tilespmem:$0x1020] =	vst v1  }
0x71: {  	v1 =	vld [tilespmem:s9+$0xBB0];
	_ =	sdelay $0x4  }
0x72: {  	[tilespmem:$0x1030] =	vst v1  }
0x73: {  	v1 =	vld [tilespmem:s9+$0xBC0];
	_ =	sdelay $0x4  }
0x74: {  	[tilespmem:$0x1040] =	vst v1  }
0x75: {  	v1 =	vld [tilespmem:s9+$0xBD0];
	_ =	sdelay $0x4  }
0x76: {  	[tilespmem:$0x1050] =	vst v1  }
0x77: {  	v1 =	vld [tilespmem:s9+$0xBE0];
	_ =	sdelay $0x4  }
0x78: {  	[tilespmem:$0x1060] =	vst v1  }
0x79: {  	v1 =	vld [tilespmem:s9+$0xBF0];
	_ =	sdelay $0x4  }
0x7a: {  	[tilespmem:$0x1070] =	vst v1  }
0x7b: {  	[spmem:s4] =	stream.indirect.scatter.add.f32 [tilespmem:s26], [sflag:$0x3], $0x80, s30, s25, $0xb8;
	[tilespmem:$0x1D080] =	vst v63  }
0x7c: {  	_ =	swait.ge [sflag:s24], $0x400  }
0x7d: {  	p0 =	sne.s32 s21, $0xB;
	[sflag:s24] =	ssyncset.done $0x0  }
.Ltmp4:
0x7e: {  	[sflag:s24] =	ssyncadd.s32 $0xFFFFFC00;
	(pc) =	sbr.rel @!p0 .LBB2_23-.Ltmp4, $4  }
0x7f: {  	_ =	swait.ge [sflag:s24], $0x400  }
0x80: {  	[sflag:s24] =	ssyncset.done $0x0  }
0x81: {  	s15 =	sadd.s32 $0x8, s15;
	[sflag:s24] =	ssyncadd.s32 $0xFFFFFC00  }
0x82: {  	[tilespmem:s22], [sflag:$0x1] =	stream.indirect.gather [hbm4b:s7+s25], $0x80, s8, s25, $0xb8;
	[tilespmem:$0x1D080] =	vst v63  }
.LBB2_4:
0x83: {  	s2 =	smov.u32 s21;
	s21 =	sadd.s32 $0x1, s21  }
0x84: {  	s8 =	smin.u32 s21, $0xA  }
0x85: {  	s8 =	sshll.u32 s8, $0xA  }
0x86: {  	s9 =	sand.u32 $0x1, s2;
	s8 =	sadd.s32 s6, s8  }
0x87: {  	p0 =	seq.s32 s15, $0x0;
	s9 =	sshll.u32 s9, $0xA;
	s16 =	sshrl.u32 s8, $0x3  }
0x88: {  	p1 =	sgt.u32 @!p0 s2, $0x9;
	s8 =	sxor.u32 $0x400, s9;
	s17 =	sadd.s32 s0, s16  }
0x89: {  	[tilespmem:s8], [sflag:$0x4] =	stream.linear.gather [hbm4b:s17+s5], $0x400, $0x38;
	[tilespmem:$0x1D080] =	vst v63  }
0x8a: {  	p1 =	por p0, !p1;
	s18 =	sor.u32 $0x800, s8;
	s16 =	sadd.s32 s3, s16  }
0x8b: {  	[tilespmem:s18], [sflag:$0x4] =	stream.linear.gather [hbm4b:s16+s5], $0x400, $0x38;
	[tilespmem:$0x1D080] =	vst v63  }
.Ltmp5:
0x8c: {  	_ = 	snop;
	(pc) =	sbr.rel @!p1 .LBB2_5-.Ltmp5, $4  }
0x8d: {  	s16 =	simm.s32 @!p0 $0x3  }
0x8e: {  	_ =	swait.ge @!p0 [sflag:s16], $0x4000  }
0x8f: {  	[sflag:s16] =	ssyncset.done @!p0 $0x0  }
0x90: {  	[sflag:s16] =	ssyncadd.s32 @!p0 $0xFFFFC000  }
.Ltmp6:
0x91: {  	(pc) =	sbr.rel .LBB2_7-.Ltmp6, $4  }
0x92: {  	s2 =	sor.u32 $0x80, s9  }
0x93: {  	[tilespmem:s26], [sflag:$0x2] =	stream.indirect.gather [hbm4b:s7+s25], $0x80, s2, s25, $0xb8;
	[tilespmem:$0x1D080] =	vst v63  }
0x94: {  	s2 =	smov.u32 s15  }
0x95: {  	s2 =	simm.s32 @p0 $0x0;
	p0 =	por $0x1, $0x1  }
.LBB2_5:
0x96: {  	s2 =	simm.s32 @!p0 $0x50;
	p0 =	por @!p0 $0x0, $0x0  }
.LBB2_7:
0x97: {  	_ =	swait.ge [sflag:s28], $0x4000  }
0x98: {  	[sflag:s28] =	ssyncset.done $0x0  }
0x99: {  	s16 =	sor.u32 $0x800, s9;
	[sflag:s28] =	ssyncadd.s32 $0xFFFFC000  }
0x9a: {  	[spmem:s4] =	stream.indirect.scatter.add.f32 [tilespmem:s22], [sflag:$0x5], $0x80, s16, s25, $0xb8;
	[tilespmem:$0x1D080] =	vst v63  }
0x9b: {  	p2 =	sgt.u32 s2, $0x4E;
	_ =	swait.ge [sflag:s23], $0x4000  }
0x9c: {  	s17 =	simm.s32 @!p2 $0x80;
	[sflag:s23] =	ssyncset.done $0x0  }
0x9d: {  	s18 =	simm.s32 @!p2 $0x1080;
	s16 =	sadd.s32 @!p2 $0x100, s9;
	[sflag:s23] =	ssyncadd.s32 $0xFFFFC000  }
0x9e: {  	[tilespmem:s18], [sflag:$0x1] =	stream.indirect.gather @!p2 [hbm4b:s7+s17], $0x80, s16, s17, $0xb8;
	[tilespmem:$0x1D080] =	vst v63  }
0x9f: {  	s16 =	simm.s32 @p0 $0x2  }
0xa0: {  	_ =	swait.ge @p0 [sflag:s16], $0x4000  }
0xa1: {  	p1 =	sgt.u32 s2, $0x4D;
	s17 =	simm.s32 @p0 $0x80;
	[sflag:s16] =	ssyncset.done @p0 $0x0  }
0xa2: {  	s18 =	simm.s32 @p0 $0x5080;
	[sflag:s16] =	ssyncadd.s32 @p0 $0xFFFFC000;
	s16 =	sadd.s32 @p0 $0x880, s9  }
0xa3: {  	[spmem:s4] =	stream.indirect.scatter.add.f32 @p0 [tilespmem:s18], [sflag:$0x5], $0x80, s16, s17, $0xb8;
	[tilespmem:$0x1D080] =	vst v63  }
.Ltmp7:
0xa4: {  	_ = 	snop;
	(pc) =	sbr.rel @p1 .LBB2_9-.Ltmp7, $4  }
0xa5: {  	s16 =	simm.s32 @p0 $0x5  }
0xa6: {  	_ =	swait.ge @p0 [sflag:s16], $0x4000  }
0xa7: {  	[sflag:s16] =	ssyncset.done @p0 $0x0  }
0xa8: {  	[sflag:s16] =	ssyncadd.s32 @p0 $0xFFFFC000  }
.Ltmp8:
0xa9: {  	(pc) =	sbr.rel .LBB2_10-.Ltmp8, $3  }
0xaa: {  	_ =	sdelay $0x1  }
0xab: {  	s16 =	sadd.s32 $0x180, s9  }
0xac: {  	[tilespmem:s26], [sflag:$0x2] =	stream.indirect.gather [hbm4b:s7+s25], $0x80, s16, s25, $0xb8;
	[tilespmem:$0x1D080] =	vst v63  }
.LBB2_9:
.Ltmp9:
0xad: {  	(pc) =	sbr.rel @p2 .LBB2_25-.Ltmp9, $1  }
0xae: {  	_ =	sdelay $0x3  }
.LBB2_10:
0xaf: {  	_ =	swait.ge [sflag:s28], $0x4000  }
0xb0: {  	p0 =	sgt.u32 s2, $0x4C;
	[sflag:s28] =	ssyncset.done $0x0  }
.Ltmp10:
0xb1: {  	s16 =	sadd.s32 $0x900, s9;
	[sflag:s28] =	ssyncadd.s32 $0xFFFFC000;
	(pc) =	sbr.rel @p0 .LBB2_12-.Ltmp10, $4  }
0xb2: {  	[spmem:s4] =	stream.indirect.scatter.add.f32 [tilespmem:s22], [sflag:$0x5], $0x80, s16, s25, $0xb8;
	[tilespmem:$0x1D080] =	vst v63  }
0xb3: {  	_ =	swait.ge [sflag:s23], $0x4000  }
0xb4: {  	[sflag:s23] =	ssyncset.done $0x0  }
0xb5: {  	[sflag:s23] =	ssyncadd.s32 $0xFFFFC000  }
.Ltmp11:
0xb6: {  	(pc) =	sbr.rel .LBB2_13-.Ltmp11, $3  }
0xb7: {  	_ =	sdelay $0x1  }
0xb8: {  	s16 =	sadd.s32 $0x200, s9  }
0xb9: {  	[tilespmem:s22], [sflag:$0x1] =	stream.indirect.gather [hbm4b:s7+s25], $0x80, s16, s25, $0xb8;
	[tilespmem:$0x1D080] =	vst v63  }
.LBB2_12:
.Ltmp12:
0xba: {  	(pc) =	sbr.rel @p1 .LBB2_25-.Ltmp12, $1  }
0xbb: {  	_ =	sdelay $0x3  }
.LBB2_13:
0xbc: {  	_ =	swait.ge [sflag:s29], $0x4000  }
0xbd: {  	p1 =	sgt.u32 s2, $0x4B;
	[sflag:s29] =	ssyncset.done $0x0  }
.Ltmp13:
0xbe: {  	s16 =	sadd.s32 $0x980, s9;
	[sflag:s29] =	ssyncadd.s32 $0xFFFFC000;
	(pc) =	sbr.rel @p1 .LBB2_15-.Ltmp13, $4  }
0xbf: {  	[spmem:s4] =	stream.indirect.scatter.add.f32 [tilespmem:s26], [sflag:$0x5], $0x80, s16, s25, $0xb8;
	[tilespmem:$0x1D080] =	vst v63  }
0xc0: {  	_ =	swait.ge [sflag:s23], $0x4000  }
0xc1: {  	[sflag:s23] =	ssyncset.done $0x0  }
0xc2: {  	[sflag:s23] =	ssyncadd.s32 $0xFFFFC000  }
.Ltmp14:
0xc3: {  	(pc) =	sbr.rel .LBB2_16-.Ltmp14, $3  }
0xc4: {  	_ =	sdelay $0x1  }
0xc5: {  	s16 =	sadd.s32 $0x280, s9  }
0xc6: {  	[tilespmem:s26], [sflag:$0x2] =	stream.indirect.gather [hbm4b:s7+s25], $0x80, s16, s25, $0xb8;
	[tilespmem:$0x1D080] =	vst v63  }
.LBB2_15:
.Ltmp15:
0xc7: {  	(pc) =	sbr.rel @p0 .LBB2_21-.Ltmp15, $1  }
0xc8: {  	_ =	sdelay $0x3  }
.LBB2_16:
0xc9: {  	_ =	swait.ge [sflag:s28], $0x4000  }
0xca: {  	p0 =	slt.u32 s2, $0x4B;
	[sflag:s28] =	ssyncset.done $0x0  }
.Ltmp16:
0xcb: {  	s16 =	sadd.s32 $0xA00, s9;
	[sflag:s28] =	ssyncadd.s32 $0xFFFFC000;
	(pc) =	sbr.rel @!p0 .LBB2_19-.Ltmp16, $4  }
0xcc: {  	[spmem:s4] =	stream.indirect.scatter.add.f32 [tilespmem:s22], [sflag:$0x5], $0x80, s16, s25, $0xb8;
	[tilespmem:$0x1D080] =	vst v63  }
0xcd: {  	_ =	swait.ge [sflag:s23], $0x4000  }
0xce: {  	[sflag:s23] =	ssyncset.done $0x0  }
0xcf: {  	[sflag:s23] =	ssyncadd.s32 $0xFFFFC000  }
.Ltmp17:
0xd0: {  	(pc) =	sbr.rel .LBB2_18-.Ltmp17, $3  }
0xd1: {  	_ =	sdelay $0x1  }
0xd2: {  	s2 =	sadd.s32 $0x300, s9  }
0xd3: {  	[tilespmem:s22], [sflag:$0x1] =	stream.indirect.gather [hbm4b:s7+s25], $0x80, s2, s25, $0xb8;
	[tilespmem:$0x1D080] =	vst v63  }
.LBB2_19:
0xd4: {  	p1 =	slt.u32 s2, $0x4C  }
.Ltmp18:
0xd5: {  	_ = 	snop;
	(pc) =	sbr.rel @!p1 .LBB2_20-.Ltmp18, $1  }
0xd6: {  	_ =	sdelay $0x3  }
.LBB2_18:
0xd7: {  	_ =	swait.ge [sflag:s29], $0x4000  }
0xd8: {  	[sflag:s29] =	ssyncset.done $0x0  }
0xd9: {  	s2 =	sadd.s32 $0xA80, s9;
	[sflag:s29] =	ssyncadd.s32 $0xFFFFC000  }
0xda: {  	[spmem:s4] =	stream.indirect.scatter.add.f32 [tilespmem:s26], [sflag:$0x5], $0x80, s2, s25, $0xb8;
	[tilespmem:$0x1D080] =	vst v63  }
0xdb: {  	_ =	swait.ge [sflag:s23], $0x4000  }
0xdc: {  	[sflag:s23] =	ssyncset.done $0x0  }
0xdd: {  	s16 =	simm.s32 @p0 $0x1;
	s2 =	sor.u32 $0x380, s9;
	[sflag:s23] =	ssyncadd.s32 $0xFFFFC000  }
0xde: {  	[tilespmem:s26], [sflag:$0x2] =	stream.indirect.gather [hbm4b:s7+s25], $0x80, s2, s25, $0xb8;
	[tilespmem:$0x1D080] =	vst v63  }
0xdf: {  	_ =	swait.ge @p0 [sflag:s16], $0x4000  }
0xe0: {  	s17 =	simm.s32 @p0 $0x80;
	[sflag:s16] =	ssyncset.done @p0 $0x0  }
0xe1: {  	s18 =	simm.s32 @p0 $0x1080;
	[sflag:s16] =	ssyncadd.s32 @p0 $0xFFFFC000;
	s16 =	sadd.s32 @p0 $0xB00, s9  }
0xe2: {  	[spmem:s4] =	stream.indirect.scatter.add.f32 @p0 [tilespmem:s18], [sflag:$0x5], $0x80, s16, s17, $0xb8;
	[tilespmem:$0x1D080] =	vst v63  }
.Ltmp19:
0xe3: {  	_ = 	snop;
	(pc) =	sbr.rel .LBB2_22-.Ltmp19, $4  }
0xe4: {  	s16 =	simm.s32 @p0 $0x5  }
0xe5: {  	_ =	swait.ge @p0 [sflag:s16], $0x4000  }
0xe6: {  	[sflag:s16] =	ssyncset.done @p0 $0x0  }
0xe7: {  	[sflag:s16] =	ssyncadd.s32 @p0 $0xFFFFC000  }
.LBB2_21:
.Ltmp20:
0xe8: {  	(pc) =	sbr.rel .LBB2_22-.Ltmp20, $3  }
0xe9: {  	_ =	sdelay $0x1  }
0xea: {  	s2 =	sor.u32 $0x380, s9  }
0xeb: {  	[tilespmem:s26], [sflag:$0x2] =	stream.indirect.gather [hbm4b:s7+s25], $0x80, s2, s25, $0xb8;
	[tilespmem:$0x1D080] =	vst v63  }
.LBB2_20:
.Ltmp21:
0xec: {  	(pc) =	sbr.rel .LBB2_22-.Ltmp21, $3  }
0xed: {  	_ =	sdelay $0x1  }
0xee: {  	s2 =	sor.u32 $0x380, s9  }
0xef: {  	[tilespmem:s26], [sflag:$0x2] =	stream.indirect.gather [hbm4b:s7+s25], $0x80, s2, s25, $0xb8;
	[tilespmem:$0x1D080] =	vst v63  }
.LBB2_24:
0xf0: {  	_ =	sfence.sel $0x180000  }
0xf1: {  	[bflag:$0x0] =	sbarrier.arrive $0xFFFF  }
0xf2: {  	_ =	strace $0x9000004A  }
0xf3: {  	s0 =	stileid.u32;
	[bflag:$0x2] =	sbarrier.arrive $0xFFFF  }
0xf4: {  	p0 =	sne.s32 s0, $0x0;
	s0 =	rddreg [dreg:$0x4]  }
0xf5: {  	s0 =	sadd.s32 @!p0 $0x100000, s0  }
0xf6: {  	[sflag:s0] =	ssyncadd.tile.s32 @!p0 $0x1;
	_ =	shalt  }
.Lfunc_end2:
_tile_overlayer_lowered:
.L_overlay_start_2:
0xf7: {  	(tag) =	ssettag $0x2  }
0xf8: {  	s0 =	rddreg [dreg:$0x0];
	s2 =	stileid.u32  }
0xf9: {  	s1 =	rddreg [dreg:$0x1];
	p0 =	sne.s32 s2, $0x0  }
0xfa: {  	s3 =	rddreg [dreg:$0x2];
	[bflag:$0x3] =	sbarrier.arrive $0xFFFF;
	s2 =	simm.s32 @!p0 $0x1C05  }
0xfb: {  	[timem:s3], [sflag:s2] =	dma.local @!p0 [hbm:s0], s1  }
0xfc: {  	s0 =	simm.s32 @!p0 $0x5  }
0xfd: {  	_ =	swait.ge @!p0 [sflag:s0], s1  }
0xfe: {  	s1 =	ssub.s32 @!p0 $0x0, s1;
	[sflag:s0] =	ssyncset.done @!p0 $0x0  }
0xff: {  	[sflag:s0] =	ssyncadd.s32 @!p0 s1  }
0x100: {  	[bflag:$0x3] =	sbarrier.arrive $0xFFFF  }
0x101: {  	_ =	shalt  }

// kernel: _impl.14.cloned.1.call-start
scs
__scs_entry_jumppad:
0x0: {  	(pc) =	sbr.rel $0x88, $3  }
0x1: {  	(tag) =	ssettag $0x0;
	lr =	simm.s32 $0x1  }
0x2: {  	[smem:$0x3F99] =	sst lr;
	_ =	strace $0xD0000000  }
0x3: {  	_ = 	snop  }
0x4: {  	_ = 	snop  }
0x5: {  	_ = 	snop  }
0x6: {  	_ = 	snop  }
0x7: {  	_ = 	snop  }
__scs_overlays_trampoline_lowered:
0x8: {  	[smem:$0x3FA8] =	sst s0  }
0x9: {  	[smem:$0x3FA9] =	sst s1  }
0xa: {  	[smem:$0x3FAA] =	sst s2  }
0xb: {  	[smem:$0x3FAB] =	sst s3  }
0xc: {  	[smem:$0x3FAC] =	sst s4  }
0xd: {  	[smem:$0x3FAD] =	sst s5  }
0xe: {  	[smem:$0x3FAE] =	sst s6  }
0xf: {  	[smem:$0x3FAF] =	sst s7  }
0x10: {  	[smem:$0x3FB0] =	sst s8  }
0x11: {  	[smem:$0x3FB1] =	sst s9;
	s0 =	simm.s32 @!p0 $0x0  }
0x12: {  	s1 =	sld [smem:$0x3F97];
	s0 =	simm.s32 @p0 $0x1  }
0x13: {  	[smem:$0x3FB2] =	sst s0;
	s0 =	simm.s32 @!p1 $0x0  }
0x14: {  	s2 =	sld [smem:$0x3F96];
	s0 =	simm.s32 @p1 $0x1  }
0x15: {  	[smem:$0x3FB3] =	sst s0;
	s0 =	simm.s32 @!p2 $0x0  }
0x16: {  	s3 =	sld [smem:$0x3FDB];
	s0 =	simm.s32 @p2 $0x1  }
0x17: {  	s4 =	simm.s32 $0x1BF5;
	[smem:$0x3FB5] =	sst s0  }
0x18: {  	s0 =	sld [smem:$0x3F98];
	_ =	swait.ge [sflag:s4], $0x0  }
0x19: {  	s7 =	sld [smem:$0x3F99]  }
0x1a: {  	s8 =	sadd.s32 $0xFFFFE003, lr  }
0x1b: {  	s9 =	sadd.s32 $0xFFFFFEF7, lr;
	s5 =	simm.s32 $0xFFFFFFFF;
	p2 =	slt.u32 s8, $0xFFFFF086  }
0x1c: {  	p1 =	slt.u32 s9, $0xF7A;
	s5 =	simm.s32 @!p2 $0x0  }
0x1d: {  	s5 =	simm.s32 @p1 $0x1;
	p0 =	seq.s32 s7, s2  }
0x1e: {  	s7 =	smul.u32 @!p0 $0xF7A, s2;
	p2 =	seq.s32 @!p0 s5, $0x0  }
0x1f: {  	s9 =	smul.u32 $0xF7A, s1;
	s8 =	simm.s32 @!p0 $0x1BF5;
	p2 =	por !p2, p0  }
0x20: {  	[sflag:s8] =	ssyncset.s32 @!p0 $0xFFFFF086;
	s6 =	sadd.s32 @!p0 s3, s7;
	s7 =	simm.s32 @!p0 $0x108  }
0x21: {  	s3 =	sadd.s32 s3, s9;
	s6 =	sadd.s32 @!p0 $0x88, s6;
	s7 =	simm.s32 @p2 $0x1082  }
0x22: {  	[simem:s7], [sflag:s8] =	dma.local @!p0 [hbm:s6], $0xF7A  }
0x23: {  	s9 =	sor.u32 $0xD0000000, s2;
	s6 =	simm.s32 $0x108;
	_ =	swait.ge @!p0 [sflag:s8], $0x0  }
0x24: {  	s3 =	sadd.s32 $0x88, s3;
	s6 =	simm.s32 @!p1 $0x1082;
	[sflag:s4] =	ssyncset.s32 $0xFFFFF086  }
0x25: {  	[simem:s6], [sflag:s4] =	dma.local [hbm:s3], $0xF7A  }
0x26: {  	[smem:$0x3F99] =	sst s1;
	(tag) =	ssettag s2;
	_ =	strace s9  }
0x27: {  	s1 =	sld [smem:$0x3FA9]  }
0x28: {  	s2 =	sld [smem:$0x3FAA]  }
0x29: {  	s4 =	sld [smem:$0x3FAC]  }
0x2a: {  	p0 =	seq.s32 s5, $0x0;
	s5 =	sld [smem:$0x3FAD]  }
0x2b: {  	s6 =	sld [smem:$0x3FAE]  }
0x2c: {  	s7 =	sld [smem:$0x3FAF]  }
0x2d: {  	s3 =	simm.s32 $0x108;
	s8 =	sld [smem:$0x3FB0]  }
0x2e: {  	s3 =	simm.s32 @!p0 $0x1082;
	s9 =	sld [smem:$0x3FB1]  }
0x2f: {  	lr =	sadd.s32 s0, s3;
	s0 =	sld [smem:$0x3FA8]  }
0x30: {  	s3 =	sld [smem:$0x3FAB]  }
0x31: {  	[smem:$0x3FB4] =	sst s10  }
0x32: {  	s10 =	sld [smem:$0x3FB2];
	_ =	sdelay $0x3  }
0x33: {  	p0 =	seq.s32 s10, $0x1;
	s10 =	sld [smem:$0x3FB4];
	_ =	sdelay $0x3  }
0x34: {  	[smem:$0x3FB4] =	sst s10  }
0x35: {  	s10 =	sld [smem:$0x3FB3];
	_ =	sdelay $0x3  }
0x36: {  	p1 =	seq.s32 s10, $0x1;
	s10 =	sld [smem:$0x3FB4];
	_ =	sdelay $0x3  }
0x37: {  	[smem:$0x3FB4] =	sst s10  }
0x38: {  	s10 =	sld [smem:$0x3FB5]  }
0x39: {  	_ = 	snop;
	(pc) =	sbr.ind lr, $3  }
0x3a: {  	_ = 	snop  }
0x3b: {  	_ = 	snop  }
0x3c: {  	p2 =	seq.s32 s10, $0x1;
	s10 =	sld [smem:$0x3FB4]  }
0x3d: {  	_ =	shalt  }
0x3e: {  	_ =	shalt  }
0x3f: {  	_ =	shalt  }
0x40: {  	_ =	shalt  }
0x41: {  	_ =	shalt  }
0x42: {  	_ =	shalt  }
0x43: {  	_ =	shalt  }
0x44: {  	_ =	shalt  }
0x45: {  	_ =	shalt  }
0x46: {  	_ =	shalt  }
0x47: {  	_ =	shalt  }
0x48: {  	_ =	shalt  }
0x49: {  	_ =	shalt  }
0x4a: {  	_ =	shalt  }
0x4b: {  	_ =	shalt  }
0x4c: {  	_ =	shalt  }
0x4d: {  	_ =	shalt  }
0x4e: {  	_ =	shalt  }
0x4f: {  	_ =	shalt  }
0x50: {  	_ =	shalt  }
0x51: {  	_ =	shalt  }
0x52: {  	_ =	shalt  }
0x53: {  	_ =	shalt  }
0x54: {  	_ =	shalt  }
0x55: {  	_ =	shalt  }
0x56: {  	_ =	shalt  }
0x57: {  	_ =	shalt  }
0x58: {  	_ =	shalt  }
0x59: {  	_ =	shalt  }
0x5a: {  	_ =	shalt  }
0x5b: {  	_ =	shalt  }
0x5c: {  	_ =	shalt  }
0x5d: {  	_ =	shalt  }
0x5e: {  	_ =	shalt  }
0x5f: {  	_ =	shalt  }
0x60: {  	_ =	shalt  }
0x61: {  	_ =	shalt  }
0x62: {  	_ =	shalt  }
0x63: {  	_ =	shalt  }
0x64: {  	_ =	shalt  }
0x65: {  	_ =	shalt  }
0x66: {  	_ =	shalt  }
0x67: {  	_ =	shalt  }
0x68: {  	_ =	shalt  }
0x69: {  	_ =	shalt  }
0x6a: {  	_ =	shalt  }
0x6b: {  	_ =	shalt  }
0x6c: {  	_ =	shalt  }
0x6d: {  	_ =	shalt  }
0x6e: {  	_ =	shalt  }
0x6f: {  	_ =	shalt  }
0x70: {  	_ =	shalt  }
0x71: {  	_ =	shalt  }
0x72: {  	_ =	shalt  }
0x73: {  	_ =	shalt  }
0x74: {  	_ =	shalt  }
0x75: {  	_ =	shalt  }
0x76: {  	_ =	shalt  }
0x77: {  	_ =	shalt  }
0x78: {  	_ =	shalt  }
0x79: {  	_ =	shalt  }
0x7a: {  	_ =	shalt  }
0x7b: {  	_ =	shalt  }
0x7c: {  	_ =	shalt  }
0x7d: {  	_ =	shalt  }
0x7e: {  	_ =	shalt  }
0x7f: {  	_ =	shalt  }
0x80: {  	_ =	shalt  }
0x81: {  	_ =	shalt  }
0x82: {  	_ =	shalt  }
0x83: {  	_ =	shalt  }
0x84: {  	_ =	shalt  }
0x85: {  	_ =	shalt  }
0x86: {  	_ =	shalt  }
0x87: {  	_ =	shalt  }
.Lfunc_end0:
.L_simem_size_0:
called_computation.2_lowered:
.L_overlay_start_0:
0x88: {  	s2 =	sld [smem:$0x3FD9]  }
0x89: {  	s3 =	sld [smem:$0x3FFE];
	_ =	sdelay $0x1  }
0x8a: {  	s1 =	srdreg.scid  }
0x8b: {  	s0 =	sand.u32 $0x1, s1  }
0x8c: {  	s14 =	sshll.u32 s0, $0xA;
	s2 =	sadd.s32 s3, s2  }
0x8d: {  	s2 =	sadd.s32 s2, s14  }
0x8e: {  	[smem:$0x3FC0] =	sst s2  }
0x8f: {  	_ = 	snop  }
0x90: {  	s2 =	sld [smem:$0x3FD0];
	_ =	sdelay $0x2  }
0x91: {  	s15 =	simm.s32 $0xA;
	s4 =	simm.s32 $0x10  }
0x92: {  	[smem:s4], [sflag:s15] =	dma.local [hbm:s2], $0x1  }
0x93: {  	_ =	swait.eq [sflag:s15], $0x1  }
0x94: {  	[sflag:s15] =	ssyncset.done $0x0  }
0x95: {  	s16 =	sld [smem:$0x10];
	[sflag:s15] =	ssyncadd.s32 $0xFFFFFFFF  }
0x96: {  	s17 =	sld [smem:$0x11];
	(tm) =	ssettm $0x1  }
0x97: {  	s18 =	sld [smem:$0x3FFB];
	_ =	sdelay $0x3  }
0x98: {  	_ =	strace s18  }
0x99: {  	s4 =	sld [smem:$0x3FFC];
	_ =	sdelay $0x3  }
0x9a: {  	_ =	strace s4  }
0x9b: {  	s4 =	sld [smem:$0x3FFD];
	_ =	sdelay $0x3  }
0x9c: {  	_ =	strace s4  }
0x9d: {  	_ =	strace $0x8FFFFFFF  }
0x9e: {  	s19 =	sld [smem:$0x3FDB];
	_ =	sdelay $0x1  }
0x9f: {  	s5 =	simm.s32 $_scs_section_size  }
0xa0: {  	s6 =	simm.s32 $_size__tile_overlayer_lowered;
	s7 =	simm.s32 $_tile_overlayer_lowered  }
0xa1: {  	s22 =	simm.s32 $0x1BFF;
	s21 =	sshll.u32 s7, $0x1;
	s4 =	sadd.s32 s5, s19  }
0xa2: {  	s8 =	simm.s32 $0x0;
	s20 =	sshll.u32 s6, $0x1;
	s6 =	sadd.s32 s21, s4  }
0xa3: {  	[timem:s8], [sflag:s22] =	dma.local [hbm:s6], s20  }
0xa4: {  	_ =	swait.ge [sflag:s22], s20  }
0xa5: {  	s5 =	ssub.s32 $0x0, s20;
	[sflag:s22] =	ssyncset.done $0x0  }
0xa6: {  	[sflag:s22] =	ssyncadd.s32 s5;
	_ =	sdelay $0x1  }
0xa7: {  	s23 =	simm.s32 $0x1B8B  }
0xa8: {  	_ =	swait.ge [sflag:s23], $0x1  }
0xa9: {  	[sflag:s23] =	ssyncset.done $0x0  }
0xaa: {  	s25 =	simm.s32 $0x1B8E;
	s24 =	sld [smem:$0x3FFE];
	[sflag:s23] =	ssyncadd.s32 $0xFFFFFFFF  }
0xab: {  	s26 =	simm.s32 $execute0_lowered;
	[smem:$0x3FD2] =	sst s25  }
0xac: {  	s6 =	sshll.u32 s26, $0x1;
	_ =	strace $0x8000004C;
	[dreg:$0x1] =	wrdreg $0xFFFFFFFF  }
0xad: {  	s28 =	simm.s32 $_size_execute0_lowered;
	s4 =	sadd.s32 s4, s6;
	[dreg:$0x0] =	wrdreg $0x0  }
0xae: {  	s6 =	sshll.u32 s28, $0x1;
	[dreg:$0x2] =	wrdreg s4  }
0xaf: {  	[dreg:$0x3] =	wrdreg s6  }
0xb0: {  	[dreg:$0x4] =	wrdreg $0xC0  }
0xb1: {  	_ =	task [dreg:s8], $0x5FFFF  }
0xb2: {  	[dreg:$0x1] =	wrdreg $0xFFFFFFFF  }
0xb3: {  	[dreg:$0x0] =	wrdreg $0x60  }
0xb4: {  	[dreg:$0x2] =	wrdreg s24  }
0xb5: {  	[dreg:$0x3] =	wrdreg s16  }
0xb6: {  	[dreg:$0x4] =	wrdreg s17  }
0xb7: {  	[dreg:$0x5] =	wrdreg $0x90800  }
0xb8: {  	[dreg:$0x6] =	wrdreg $0x9  }
0xb9: {  	_ =	task.clear_ibuf [dreg:s8], $0x7FFFF;
	_ =	strace $0x9000004C  }
0xba: {  	s29 =	simm.s32 $0x9;
	_ =	strace $0x8000004E  }
0xbb: {  	_ =	swait.ge [sflag:s29], $0x1  }
0xbc: {  	[sflag:s29] =	ssyncadd.s32 $0xFFFFFFFF  }
0xbd: {  	_ =	strace $0x9000004E  }
0xbe: {  	_ =	sfence  }
0xbf: {  	s30 =	sld [smem:$0x0];
	_ =	sdelay $0x2  }
0xc0: {  	s31 =	sshll.u32 s1, $0xD;
	s1 =	sshrl.u32 s1, $0x2  }
0xc1: {  	s3 =	sand.u32 $0x4000, s31;
	s1 =	sadd.s32 s1, s30  }
0xc2: {  	s0 =	sor.u32 s3, s0;
	s1 =	sshll.u32 s1, $0x11  }
0xc3: {  	s0 =	sor.u32 s1, s0  }
0xc4: {  	s0 =	sadd.s32 $0x8F2B, s0  }
0xc5: {  	[sflag:s0] =	ssyncadd.remote.s32 $0x1  }
0xc6: {  	_ =	sfence.sel $0xFFFF  }
0xc7: {  	[dreg:$0x0] =	wrdreg $0xFFFFFFFF;
	(pc) =	sbr.abs _section_cstart, $3  }
0xc8: {  	[dreg:$0x1] =	wrdreg $0xFFFFFFFF  }
0xc9: {  	_ =	task.clear_ibuf [dreg:s8], $0x2FFFF;
	_ =	strace $0x9FFFFFFF  }
0xca: {  	(tm) =	ssettm $0x7FFFFFFF  }
0xcb: {  	_ =	shalt  }
tec
execute0_lowered:
.L_overlay_start_1:
0x0: {  	(tag) =	ssettag $0x1  }
0x1: {  	s1 =	rddreg [dreg:$0x0]  }
0x2: {  	s0 =	rddreg [dreg:$0x1]  }
0x3: {  	s2 =	srdreg.scid;
	s3 =	rddreg [dreg:$0x2]  }
0x4: {  	s4 =	rddreg [dreg:$0x3];
	s11 =	stileid.u32;
	s5 =	simm.s32 $0x0  }
0x5: {  	s28 =	simm.s32 $0x1;
	s29 =	simm.s32 $0x2;
	s30 =	simm.s32 $0x1000  }
0x6: {  	s31 =	simm.s32 $0x3;
	s2 =	sand.u32 $0x1, s2;
	[smem:$0x7FF] =	sst s5  }
0x7: {  	s10 =	smul.u32 $0x50000, s11;
	s7 =	sadd.s32 $0x2600, s1;
	s1 =	sadd.s32 $0x2A600, s1  }
0x8: {  	s14 =	smul.u32 $0x14000, s11;
	s6 =	sshll.u32 s2, $0x4;
	s8 =	ssub.s32 $0x2, s2  }
0x9: {  	_ =	strace $0x8000004D;
	s2 =	smul.u32 $0x140000, s2;
	s6 =	sor.u32 s11, s6  }
0xa: {  	s9 =	sshrl.u32 s8, $0x1;
	s10 =	sshrl.u32 s10, $0x2;
	s23 =	sadd.s32 $0x4000, s14  }
0xb: {  	s15 =	sadd.s32 $0x8000, s14;
	s17 =	sadd.s32 $0xC000, s14;
	s18 =	sadd.s32 $0x10000, s14  }
0xc: {  	s6 =	smul.u32 $0x2C00, s6;
	s8 =	ssub.s32 s8, s9;
	s10 =	sadd.s32 s10, s4  }
0xd: {  	s11 =	sadd.s32 s23, s4;
	s12 =	sadd.s32 s15, s4;
	s13 =	sadd.s32 s17, s4  }
0xe: {  	s16 =	sadd.s32 s14, s2;
	s14 =	sadd.s32 s18, s4;
	s25 =	sadd.s32 s2, s17  }
0xf: {  	s24 =	sadd.s32 s2, s15;
	s16 =	sshrl.u32 s16, $0x3;
	s15 =	sshrl.u32 s25, $0x3  }
0x10: {  	s20 =	smax.u32 s8, $0x1;
	s25 =	simm.s32 $0x80;
	s16 =	sadd.s32 s1, s16  }
0x11: {  	s21 =	sshrl.u32 s6, $0x3;
	s26 =	sadd.s32 s1, s15;
	[dreg:$0x7] =	wrdreg s16  }
0x12: {  	s22 =	sadd.s32 s0, s21;
	s9 =	sadd.s32 s3, s21;
	[dreg:$0xa] =	wrdreg s26  }
0x13: {  	s26 =	simm.s32 $0x5080;
	[dreg:$0x6] =	wrdreg s9;
	s9 =	sadd.s32 s2, s23  }
.Ltmp0:
0x14: {  	[dreg:$0x5] =	wrdreg s22;
	s9 =	sshrl.u32 s9, $0x3;
	(pc) =	sbr.rel .LBB2_1-.Ltmp0, $4  }
0x15: {  	s2 =	sadd.s32 s2, s18;
	s22 =	simm.s32 $0x1080;
	s9 =	sadd.s32 s1, s9  }
0x16: {  	s2 =	sshrl.u32 s2, $0x3;
	[dreg:$0x8] =	wrdreg s9;
	s9 =	sshrl.u32 s24, $0x3  }
0x17: {  	s23 =	simm.s32 $0x5;
	s19 =	sadd.s32 s1, s2;
	s9 =	sadd.s32 s1, s9  }
0x18: {  	v0 =	vimm.f32 $0.0e+00;
	s24 =	simm.s32 $0x4;
	s1 =	simm.s32 $0x0;
	[dreg:$0x9] =	wrdreg s9  }
.LBB2_23:
0x19: {  	_ =	swait.ge [sflag:s31], $0x4000  }
0x1a: {  	[sflag:s31] =	ssyncset.done $0x0  }
0x1b: {  	[sflag:s31] =	ssyncadd.s32 $0xFFFFC000  }
0x1c: {  	_ =	swait.ge [sflag:s28], $0x4000  }
0x1d: {  	[sflag:s28] =	ssyncset.done $0x0  }
0x1e: {  	s2 =	stileid.u32;
	[sflag:s28] =	ssyncadd.s32 $0xFFFFC000  }
0x1f: {  	s2 =	sshll.u32 s2, $0x6;
	[bflag:$0x0] =	sbarrier.arrive $0xFFFF  }
0x20: {  	s8 =	sshrl.u32 s10, $0x3;
	s2 =	sor.u32 $0x1C05, s2;
	s9 =	rddreg [dreg:$0x7]  }
0x21: {  	[hbm:s9], [sflag:s2] =	dma.local [spmem:s8], $0x800  }
0x22: {  	_ =	swait.ge [sflag:s23], $0x800  }
0x23: {  	[sflag:s23] =	ssyncset.done $0x0  }
0x24: {  	s18 =	sshrl.u32 s11, $0x3;
	s21 =	rddreg [dreg:$0x8];
	[sflag:s23] =	ssyncadd.s32 $0xFFFFF800  }
0x25: {  	[hbm:s21], [sflag:s2] =	dma.local [spmem:s18], $0x800  }
0x26: {  	_ =	swait.ge [sflag:s23], $0x800  }
0x27: {  	[sflag:s23] =	ssyncset.done $0x0  }
0x28: {  	s15 =	sshrl.u32 s12, $0x3;
	s16 =	rddreg [dreg:$0x9];
	[sflag:s23] =	ssyncadd.s32 $0xFFFFF800  }
0x29: {  	[hbm:s16], [sflag:s2] =	dma.local [spmem:s15], $0x800  }
0x2a: {  	_ =	swait.ge [sflag:s23], $0x800  }
0x2b: {  	[sflag:s23] =	ssyncset.done $0x0  }
0x2c: {  	s17 =	sshrl.u32 s13, $0x3;
	s18 =	rddreg [dreg:$0xa];
	[sflag:s23] =	ssyncadd.s32 $0xFFFFF800  }
0x2d: {  	[hbm:s18], [sflag:s2] =	dma.local [spmem:s17], $0x800  }
0x2e: {  	s1 =	sadd.s32 $0x1, s1;
	_ =	swait.ge [sflag:s23], $0x800  }
0x2f: {  	p0 =	sne.s32 s1, s20;
	[sflag:s23] =	ssyncset.done $0x0  }
.Ltmp1:
0x30: {  	s21 =	sshrl.u32 s14, $0x3;
	[sflag:s23] =	ssyncadd.s32 $0xFFFFF800;
	(pc) =	sbr.rel @!p0 .LBB2_24-.Ltmp1, $4  }
0x31: {  	[hbm:s19], [sflag:s2] =	dma.local [spmem:s21], $0x800  }
0x32: {  	_ =	swait.ge [sflag:s23], $0x800  }
0x33: {  	[sflag:s23] =	ssyncset.done $0x0  }
0x34: {  	[sflag:s23] =	ssyncadd.s32 $0xFFFFF800  }
.LBB2_1:
0x35: {  	s2 =	rddreg [dreg:$0x5]  }
0x36: {  	[tilespmem:s5], [sflag:$0x4] =	stream.linear.gather [hbm4b:s2+s5], $0x400, $0x38;
	[tilespmem:$0x1D080] =	vst v63  }
0x37: {  	s21 =	rddreg [dreg:$0x6];
	s8 =	simm.s32 $0x800  }
0x38: {  	[tilespmem:s8], [sflag:$0x4] =	stream.linear.gather [hbm4b:s21+s5], $0x400, $0x38;
	[tilespmem:$0x1D080] =	vst v63  }
0x39: {  	s2 =	simm.s32 $0x0;
	s8 =	simm.s32 $0x200  }
.LBB2_2:
0x3a: {  	p0 =	sne.s32 s8, $0xFE00;
	[tilespmem:s2+$0x10F0] =	vst v0  }
0x3b: {  	[tilespmem:s2+$0x1080] =	vst v0  }
0x3c: {  	[tilespmem:s2+$0x1090] =	vst v0  }
.Ltmp2:
0x3d: {  	[tilespmem:s2+$0x10A0] =	vst v0;
	(pc) =	sbr.rel @p0 .LBB2_2-.Ltmp2, $4  }
0x3e: {  	[tilespmem:s2+$0x10B0] =	vst v0  }
0x3f: {  	[tilespmem:s2+$0x10C0] =	vst v0  }
0x40: {  	[tilespmem:s2+$0x10D0] =	vst v0  }
0x41: {  	[tilespmem:s2+$0x10E0] =	vst v0;
	s2 =	sshra.s32 s8, $0x2;
	s8 =	sadd.s32 $0x200, s8  }
0x42: {  	[tilespmem:s2+$0x10F0] =	vst v0  }
0x43: {  	[tilespmem:s2+$0x1080] =	vst v0  }
0x44: {  	[tilespmem:s2+$0x1090] =	vst v0  }
0x45: {  	[tilespmem:s2+$0x10A0] =	vst v0  }
0x46: {  	[tilespmem:s2+$0x10B0] =	vst v0  }
0x47: {  	[tilespmem:s2+$0x10C0] =	vst v0  }
0x48: {  	[tilespmem:s2+$0x10D0] =	vst v0  }
0x49: {  	[tilespmem:s2+$0x10E0] =	vst v0  }
0x4a: {  	[spmem:s10] =	stream.linear.scatter [tilespmem:s22], [sflag:$0x5], $0x4000, $0x38;
	[tilespmem:$0x1D080] =	vst v63  }
0x4b: {  	_ =	swait.ge [sflag:s23], $0x4000  }
0x4c: {  	[sflag:s23] =	ssyncset.done $0x0  }
0x4d: {  	[sflag:s23] =	ssyncadd.s32 $0xFFFFC000  }
0x4e: {  	[spmem:s11] =	stream.linear.scatter [tilespmem:s22], [sflag:$0x5], $0x4000, $0x38;
	[tilespmem:$0x1D080] =	vst v63  }
0x4f: {  	_ =	swait.ge [sflag:s23], $0x4000  }
0x50: {  	[sflag:s23] =	ssyncset.done $0x0  }
0x51: {  	[sflag:s23] =	ssyncadd.s32 $0xFFFFC000  }
0x52: {  	[spmem:s12] =	stream.linear.scatter [tilespmem:s22], [sflag:$0x5], $0x4000, $0x38;
	[tilespmem:$0x1D080] =	vst v63  }
0x53: {  	_ =	swait.ge [sflag:s23], $0x4000  }
0x54: {  	[sflag:s23] =	ssyncset.done $0x0  }
0x55: {  	[sflag:s23] =	ssyncadd.s32 $0xFFFFC000  }
0x56: {  	[spmem:s13] =	stream.linear.scatter [tilespmem:s22], [sflag:$0x5], $0x4000, $0x38;
	[tilespmem:$0x1D080] =	vst v63  }
0x57: {  	_ =	swait.ge [sflag:s23], $0x4000  }
0x58: {  	[sflag:s23] =	ssyncset.done $0x0  }
0x59: {  	[sflag:s23] =	ssyncadd.s32 $0xFFFFC000  }
0x5a: {  	[spmem:s14] =	stream.linear.scatter [tilespmem:s22], [sflag:$0x5], $0x4000, $0x38;
	[tilespmem:$0x1D080] =	vst v63  }
0x5b: {  	_ =	swait.ge [sflag:s23], $0x4000  }
0x5c: {  	[sflag:s23] =	ssyncset.done $0x0  }
0x5d: {  	[sflag:s23] =	ssyncadd.s32 $0xFFFFC000  }
0x5e: {  	[bflag:$0x0] =	sbarrier.arrive $0xFFFF  }
0x5f: {  	_ =	swait.ge [sflag:s24], $0x400  }
0x60: {  	[sflag:s24] =	ssyncset.done $0x0  }
.Ltmp3:
0x61: {  	[sflag:s24] =	ssyncadd.s32 $0xFFFFFC00;
	(pc) =	sbr.rel .LBB2_4-.Ltmp3, $4  }
0x62: {  	_ =	swait.ge [sflag:s24], $0x400  }
0x63: {  	[sflag:s24] =	ssyncset.done $0x0  }
0x64: {  	s15 =	simm.s32 $0x0;
	s21 =	simm.s32 $0x0;
	[sflag:s24] =	ssyncadd.s32 $0xFFFFFC00  }
0x65: {  	[tilespmem:s22], [sflag:$0x1] =	stream.indirect.gather [hbm4b:s7+s25], $0x80, s15, s25, $0xb8;
	[tilespmem:$0x1D080] =	vst v63  }
.LBB2_25:
0x66: {  	s2 =	sor.u32 $0x380, s9  }
0x67: {  	[tilespmem:s26], [sflag:$0x2] =	stream.indirect.gather [hbm4b:s7+s25], $0x80, s2, s25, $0xb8;
	[tilespmem:$0x1D080] =	vst v63  }
.LBB2_22:
0x68: {  	_ =	swait.ge [sflag:s29], $0x4000  }
0x69: {  	[sflag:s29] =	ssyncset.done $0x0  }
0x6a: {  	[sflag:s29] =	ssyncadd.s32 $0xFFFFC000  }
0x6b: {  	v1 =	vld [tilespmem:s2+$0x800];
	_ =	sdelay $0x4  }
0x6c: {  	[tilespmem:$0x1000] =	vst v1  }
0x6d: {  	v1 =	vld [tilespmem:s9+$0xB90];
	_ =	sdelay $0x4  }
0x6e: {  	[tilespmem:$0x1010] =	vst v1  }
0x6f: {  	v1 =	vld [tilespmem:s9+$0xBA0];
	_ =	sdelay $0x4  }
0x70: {  	[tilespmem:$0x1020] =	vst v1  }
0x71: {  	v1 =	vld [tilespmem:s9+$0xBB0];
	_ =	sdelay $0x4  }
0x72: {  	[tilespmem:$0x1030] =	vst v1  }
0x73: {  	v1 =	vld [tilespmem:s9+$0xBC0];
	_ =	sdelay $0x4  }
0x74: {  	[tilespmem:$0x1040] =	vst v1  }
0x75: {  	v1 =	vld [tilespmem:s9+$0xBD0];
	_ =	sdelay $0x4  }
0x76: {  	[tilespmem:$0x1050] =	vst v1  }
0x77: {  	v1 =	vld [tilespmem:s9+$0xBE0];
	_ =	sdelay $0x4  }
0x78: {  	[tilespmem:$0x1060] =	vst v1  }
0x79: {  	v1 =	vld [tilespmem:s9+$0xBF0];
	_ =	sdelay $0x4  }
0x7a: {  	[tilespmem:$0x1070] =	vst v1  }
0x7b: {  	[spmem:s4] =	stream.indirect.scatter.add.f32 [tilespmem:s26], [sflag:$0x3], $0x80, s30, s25, $0xb8;
	[tilespmem:$0x1D080] =	vst v63  }
0x7c: {  	_ =	swait.ge [sflag:s24], $0x400  }
0x7d: {  	p0 =	sne.s32 s21, $0xB;
	[sflag:s24] =	ssyncset.done $0x0  }
.Ltmp4:
0x7e: {  	[sflag:s24] =	ssyncadd.s32 $0xFFFFFC00;
	(pc) =	sbr.rel @!p0 .LBB2_23-.Ltmp4, $4  }
0x7f: {  	_ =	swait.ge [sflag:s24], $0x400  }
0x80: {  	[sflag:s24] =	ssyncset.done $0x0  }
0x81: {  	s15 =	sadd.s32 $0x8, s15;
	[sflag:s24] =	ssyncadd.s32 $0xFFFFFC00  }
0x82: {  	[tilespmem:s22], [sflag:$0x1] =	stream.indirect.gather [hbm4b:s7+s25], $0x80, s8, s25, $0xb8;
	[tilespmem:$0x1D080] =	vst v63  }
.LBB2_4:
0x83: {  	s2 =	smov.u32 s21;
	s21 =	sadd.s32 $0x1, s21  }
0x84: {  	s8 =	smin.u32 s21, $0xA  }
0x85: {  	s8 =	sshll.u32 s8, $0xA  }
0x86: {  	s9 =	sand.u32 $0x1, s2;
	s8 =	sadd.s32 s6, s8  }
0x87: {  	p0 =	seq.s32 s15, $0x0;
	s9 =	sshll.u32 s9, $0xA;
	s16 =	sshrl.u32 s8, $0x3  }
0x88: {  	p1 =	sgt.u32 @!p0 s2, $0x9;
	s8 =	sxor.u32 $0x400, s9;
	s17 =	sadd.s32 s0, s16  }
0x89: {  	[tilespmem:s8], [sflag:$0x4] =	stream.linear.gather [hbm4b:s17+s5], $0x400, $0x38;
	[tilespmem:$0x1D080] =	vst v63  }
0x8a: {  	p1 =	por p0, !p1;
	s18 =	sor.u32 $0x800, s8;
	s16 =	sadd.s32 s3, s16  }
0x8b: {  	[tilespmem:s18], [sflag:$0x4] =	stream.linear.gather [hbm4b:s16+s5], $0x400, $0x38;
	[tilespmem:$0x1D080] =	vst v63  }
.Ltmp5:
0x8c: {  	_ = 	snop;
	(pc) =	sbr.rel @!p1 .LBB2_5-.Ltmp5, $4  }
0x8d: {  	s16 =	simm.s32 @!p0 $0x3  }
0x8e: {  	_ =	swait.ge @!p0 [sflag:s16], $0x4000  }
0x8f: {  	[sflag:s16] =	ssyncset.done @!p0 $0x0  }
0x90: {  	[sflag:s16] =	ssyncadd.s32 @!p0 $0xFFFFC000  }
.Ltmp6:
0x91: {  	(pc) =	sbr.rel .LBB2_7-.Ltmp6, $4  }
0x92: {  	s2 =	sor.u32 $0x80, s9  }
0x93: {  	[tilespmem:s26], [sflag:$0x2] =	stream.indirect.gather [hbm4b:s7+s25], $0x80, s2, s25, $0xb8;
	[tilespmem:$0x1D080] =	vst v63  }
0x94: {  	s2 =	smov.u32 s15  }
0x95: {  	s2 =	simm.s32 @p0 $0x0;
	p0 =	por $0x1, $0x1  }
.LBB2_5:
0x96: {  	s2 =	simm.s32 @!p0 $0x50;
	p0 =	por @!p0 $0x0, $0x0  }
.LBB2_7:
0x97: {  	_ =	swait.ge [sflag:s28], $0x4000  }
0x98: {  	[sflag:s28] =	ssyncset.done $0x0  }
0x99: {  	s16 =	sor.u32 $0x800, s9;
	[sflag:s28] =	ssyncadd.s32 $0xFFFFC000  }
0x9a: {  	[spmem:s4] =	stream.indirect.scatter.add.f32 [tilespmem:s22], [sflag:$0x5], $0x80, s16, s25, $0xb8;
	[tilespmem:$0x1D080] =	vst v63  }
0x9b: {  	p2 =	sgt.u32 s2, $0x4E;
	_ =	swait.ge [sflag:s23], $0x4000  }
0x9c: {  	s17 =	simm.s32 @!p2 $0x80;
	[sflag:s23] =	ssyncset.done $0x0  }
0x9d: {  	s18 =	simm.s32 @!p2 $0x1080;
	s16 =	sadd.s32 @!p2 $0x100, s9;
	[sflag:s23] =	ssyncadd.s32 $0xFFFFC000  }
0x9e: {  	[tilespmem:s18], [sflag:$0x1] =	stream.indirect.gather @!p2 [hbm4b:s7+s17], $0x80, s16, s17, $0xb8;
	[tilespmem:$0x1D080] =	vst v63  }
0x9f: {  	s16 =	simm.s32 @p0 $0x2  }
0xa0: {  	_ =	swait.ge @p0 [sflag:s16], $0x4000  }
0xa1: {  	p1 =	sgt.u32 s2, $0x4D;
	s17 =	simm.s32 @p0 $0x80;
	[sflag:s16] =	ssyncset.done @p0 $0x0  }
0xa2: {  	s18 =	simm.s32 @p0 $0x5080;
	[sflag:s16] =	ssyncadd.s32 @p0 $0xFFFFC000;
	s16 =	sadd.s32 @p0 $0x880, s9  }
0xa3: {  	[spmem:s4] =	stream.indirect.scatter.add.f32 @p0 [tilespmem:s18], [sflag:$0x5], $0x80, s16, s17, $0xb8;
	[tilespmem:$0x1D080] =	vst v63  }
.Ltmp7:
0xa4: {  	_ = 	snop;
	(pc) =	sbr.rel @p1 .LBB2_9-.Ltmp7, $4  }
0xa5: {  	s16 =	simm.s32 @p0 $0x5  }
0xa6: {  	_ =	swait.ge @p0 [sflag:s16], $0x4000  }
0xa7: {  	[sflag:s16] =	ssyncset.done @p0 $0x0  }
0xa8: {  	[sflag:s16] =	ssyncadd.s32 @p0 $0xFFFFC000  }
.Ltmp8:
0xa9: {  	(pc) =	sbr.rel .LBB2_10-.Ltmp8, $3  }
0xaa: {  	_ =	sdelay $0x1  }
0xab: {  	s16 =	sadd.s32 $0x180, s9  }
0xac: {  	[tilespmem:s26], [sflag:$0x2] =	stream.indirect.gather [hbm4b:s7+s25], $0x80, s16, s25, $0xb8;
	[tilespmem:$0x1D080] =	vst v63  }
.LBB2_9:
.Ltmp9:
0xad: {  	(pc) =	sbr.rel @p2 .LBB2_25-.Ltmp9, $1  }
0xae: {  	_ =	sdelay $0x3  }
.LBB2_10:
0xaf: {  	_ =	swait.ge [sflag:s28], $0x4000  }
0xb0: {  	p0 =	sgt.u32 s2, $0x4C;
	[sflag:s28] =	ssyncset.done $0x0  }
.Ltmp10:
0xb1: {  	s16 =	sadd.s32 $0x900, s9;
	[sflag:s28] =	ssyncadd.s32 $0xFFFFC000;
	(pc) =	sbr.rel @p0 .LBB2_12-.Ltmp10, $4  }
0xb2: {  	[spmem:s4] =	stream.indirect.scatter.add.f32 [tilespmem:s22], [sflag:$0x5], $0x80, s16, s25, $0xb8;
	[tilespmem:$0x1D080] =	vst v63  }
0xb3: {  	_ =	swait.ge [sflag:s23], $0x4000  }
0xb4: {  	[sflag:s23] =	ssyncset.done $0x0  }
0xb5: {  	[sflag:s23] =	ssyncadd.s32 $0xFFFFC000  }
.Ltmp11:
0xb6: {  	(pc) =	sbr.rel .LBB2_13-.Ltmp11, $3  }
0xb7: {  	_ =	sdelay $0x1  }
0xb8: {  	s16 =	sadd.s32 $0x200, s9  }
0xb9: {  	[tilespmem:s22], [sflag:$0x1] =	stream.indirect.gather [hbm4b:s7+s25], $0x80, s16, s25, $0xb8;
	[tilespmem:$0x1D080] =	vst v63  }
.LBB2_12:
.Ltmp12:
0xba: {  	(pc) =	sbr.rel @p1 .LBB2_25-.Ltmp12, $1  }
0xbb: {  	_ =	sdelay $0x3  }
.LBB2_13:
0xbc: {  	_ =	swait.ge [sflag:s29], $0x4000  }
0xbd: {  	p1 =	sgt.u32 s2, $0x4B;
	[sflag:s29] =	ssyncset.done $0x0  }
.Ltmp13:
0xbe: {  	s16 =	sadd.s32 $0x980, s9;
	[sflag:s29] =	ssyncadd.s32 $0xFFFFC000;
	(pc) =	sbr.rel @p1 .LBB2_15-.Ltmp13, $4  }
0xbf: {  	[spmem:s4] =	stream.indirect.scatter.add.f32 [tilespmem:s26], [sflag:$0x5], $0x80, s16, s25, $0xb8;
	[tilespmem:$0x1D080] =	vst v63  }
0xc0: {  	_ =	swait.ge [sflag:s23], $0x4000  }
0xc1: {  	[sflag:s23] =	ssyncset.done $0x0  }
0xc2: {  	[sflag:s23] =	ssyncadd.s32 $0xFFFFC000  }
.Ltmp14:
0xc3: {  	(pc) =	sbr.rel .LBB2_16-.Ltmp14, $3  }
0xc4: {  	_ =	sdelay $0x1  }
0xc5: {  	s16 =	sadd.s32 $0x280, s9  }
0xc6: {  	[tilespmem:s26], [sflag:$0x2] =	stream.indirect.gather [hbm4b:s7+s25], $0x80, s16, s25, $0xb8;
	[tilespmem:$0x1D080] =	vst v63  }
.LBB2_15:
.Ltmp15:
0xc7: {  	(pc) =	sbr.rel @p0 .LBB2_21-.Ltmp15, $1  }
0xc8: {  	_ =	sdelay $0x3  }
.LBB2_16:
0xc9: {  	_ =	swait.ge [sflag:s28], $0x4000  }
0xca: {  	p0 =	slt.u32 s2, $0x4B;
	[sflag:s28] =	ssyncset.done $0x0  }
.Ltmp16:
0xcb: {  	s16 =	sadd.s32 $0xA00, s9;
	[sflag:s28] =	ssyncadd.s32 $0xFFFFC000;
	(pc) =	sbr.rel @!p0 .LBB2_19-.Ltmp16, $4  }
0xcc: {  	[spmem:s4] =	stream.indirect.scatter.add.f32 [tilespmem:s22], [sflag:$0x5], $0x80, s16, s25, $0xb8;
	[tilespmem:$0x1D080] =	vst v63  }
0xcd: {  	_ =	swait.ge [sflag:s23], $0x4000  }
0xce: {  	[sflag:s23] =	ssyncset.done $0x0  }
0xcf: {  	[sflag:s23] =	ssyncadd.s32 $0xFFFFC000  }
.Ltmp17:
0xd0: {  	(pc) =	sbr.rel .LBB2_18-.Ltmp17, $3  }
0xd1: {  	_ =	sdelay $0x1  }
0xd2: {  	s2 =	sadd.s32 $0x300, s9  }
0xd3: {  	[tilespmem:s22], [sflag:$0x1] =	stream.indirect.gather [hbm4b:s7+s25], $0x80, s2, s25, $0xb8;
	[tilespmem:$0x1D080] =	vst v63  }
.LBB2_19:
0xd4: {  	p1 =	slt.u32 s2, $0x4C  }
.Ltmp18:
0xd5: {  	_ = 	snop;
	(pc) =	sbr.rel @!p1 .LBB2_20-.Ltmp18, $1  }
0xd6: {  	_ =	sdelay $0x3  }
.LBB2_18:
0xd7: {  	_ =	swait.ge [sflag:s29], $0x4000  }
0xd8: {  	[sflag:s29] =	ssyncset.done $0x0  }
0xd9: {  	s2 =	sadd.s32 $0xA80, s9;
	[sflag:s29] =	ssyncadd.s32 $0xFFFFC000  }
0xda: {  	[spmem:s4] =	stream.indirect.scatter.add.f32 [tilespmem:s26], [sflag:$0x5], $0x80, s2, s25, $0xb8;
	[tilespmem:$0x1D080] =	vst v63  }
0xdb: {  	_ =	swait.ge [sflag:s23], $0x4000  }
0xdc: {  	[sflag:s23] =	ssyncset.done $0x0  }
0xdd: {  	s16 =	simm.s32 @p0 $0x1;
	s2 =	sor.u32 $0x380, s9;
	[sflag:s23] =	ssyncadd.s32 $0xFFFFC000  }
0xde: {  	[tilespmem:s26], [sflag:$0x2] =	stream.indirect.gather [hbm4b:s7+s25], $0x80, s2, s25, $0xb8;
	[tilespmem:$0x1D080] =	vst v63  }
0xdf: {  	_ =	swait.ge @p0 [sflag:s16], $0x4000  }
0xe0: {  	s17 =	simm.s32 @p0 $0x80;
	[sflag:s16] =	ssyncset.done @p0 $0x0  }
0xe1: {  	s18 =	simm.s32 @p0 $0x1080;
	[sflag:s16] =	ssyncadd.s32 @p0 $0xFFFFC000;
	s16 =	sadd.s32 @p0 $0xB00, s9  }
0xe2: {  	[spmem:s4] =	stream.indirect.scatter.add.f32 @p0 [tilespmem:s18], [sflag:$0x5], $0x80, s16, s17, $0xb8;
	[tilespmem:$0x1D080] =	vst v63  }
.Ltmp19:
0xe3: {  	_ = 	snop;
	(pc) =	sbr.rel .LBB2_22-.Ltmp19, $4  }
0xe4: {  	s16 =	simm.s32 @p0 $0x5  }
0xe5: {  	_ =	swait.ge @p0 [sflag:s16], $0x4000  }
0xe6: {  	[sflag:s16] =	ssyncset.done @p0 $0x0  }
0xe7: {  	[sflag:s16] =	ssyncadd.s32 @p0 $0xFFFFC000  }
.LBB2_21:
.Ltmp20:
0xe8: {  	(pc) =	sbr.rel .LBB2_22-.Ltmp20, $3  }
0xe9: {  	_ =	sdelay $0x1  }
0xea: {  	s2 =	sor.u32 $0x380, s9  }
0xeb: {  	[tilespmem:s26], [sflag:$0x2] =	stream.indirect.gather [hbm4b:s7+s25], $0x80, s2, s25, $0xb8;
	[tilespmem:$0x1D080] =	vst v63  }
.LBB2_20:
.Ltmp21:
0xec: {  	(pc) =	sbr.rel .LBB2_22-.Ltmp21, $3  }
0xed: {  	_ =	sdelay $0x1  }
0xee: {  	s2 =	sor.u32 $0x380, s9  }
0xef: {  	[tilespmem:s26], [sflag:$0x2] =	stream.indirect.gather [hbm4b:s7+s25], $0x80, s2, s25, $0xb8;
	[tilespmem:$0x1D080] =	vst v63  }
.LBB2_24:
0xf0: {  	_ =	sfence.sel $0x180000  }
0xf1: {  	[bflag:$0x0] =	sbarrier.arrive $0xFFFF  }
0xf2: {  	_ =	strace $0x9000004D  }
0xf3: {  	s0 =	stileid.u32;
	[bflag:$0x2] =	sbarrier.arrive $0xFFFF  }
0xf4: {  	p0 =	sne.s32 s0, $0x0;
	s0 =	rddreg [dreg:$0x4]  }
0xf5: {  	s0 =	sadd.s32 @!p0 $0x100000, s0  }
0xf6: {  	[sflag:s0] =	ssyncadd.tile.s32 @!p0 $0x1;
	_ =	shalt  }
.Lfunc_end2:
_tile_overlayer_lowered:
.L_overlay_start_2:
0xf7: {  	(tag) =	ssettag $0x2  }
0xf8: {  	s0 =	rddreg [dreg:$0x0];
	s2 =	stileid.u32  }
0xf9: {  	s1 =	rddreg [dreg:$0x1];
	p0 =	sne.s32 s2, $0x0  }
0xfa: {  	s3 =	rddreg [dreg:$0x2];
	[bflag:$0x3] =	sbarrier.arrive $0xFFFF;
	s2 =	simm.s32 @!p0 $0x1C05  }
0xfb: {  	[timem:s3], [sflag:s2] =	dma.local @!p0 [hbm:s0], s1  }
0xfc: {  	s0 =	simm.s32 @!p0 $0x5  }
0xfd: {  	_ =	swait.ge @!p0 [sflag:s0], s1  }
0xfe: {  	s1 =	ssub.s32 @!p0 $0x0, s1;
	[sflag:s0] =	ssyncset.done @!p0 $0x0  }
0xff: {  	[sflag:s0] =	ssyncadd.s32 @!p0 s1  }
0x100: {  	[bflag:$0x3] =	sbarrier.arrive $0xFFFF  }
0x101: {  	_ =	shalt  }

// kernel: _impl.8.cloned.1.call-start
scs
__scs_entry_jumppad:
0x0: {  	(pc) =	sbr.rel $0x88, $3  }
0x1: {  	(tag) =	ssettag $0x0;
	lr =	simm.s32 $0x1  }
0x2: {  	[smem:$0x3F99] =	sst lr;
	_ =	strace $0xD0000000  }
0x3: {  	_ = 	snop  }
0x4: {  	_ = 	snop  }
0x5: {  	_ = 	snop  }
0x6: {  	_ = 	snop  }
0x7: {  	_ = 	snop  }
__scs_overlays_trampoline_lowered:
0x8: {  	[smem:$0x3FA8] =	sst s0  }
0x9: {  	[smem:$0x3FA9] =	sst s1  }
0xa: {  	[smem:$0x3FAA] =	sst s2  }
0xb: {  	[smem:$0x3FAB] =	sst s3  }
0xc: {  	[smem:$0x3FAC] =	sst s4  }
0xd: {  	[smem:$0x3FAD] =	sst s5  }
0xe: {  	[smem:$0x3FAE] =	sst s6  }
0xf: {  	[smem:$0x3FAF] =	sst s7  }
0x10: {  	[smem:$0x3FB0] =	sst s8  }
0x11: {  	[smem:$0x3FB1] =	sst s9;
	s0 =	simm.s32 @!p0 $0x0  }
0x12: {  	s1 =	sld [smem:$0x3F97];
	s0 =	simm.s32 @p0 $0x1  }
0x13: {  	[smem:$0x3FB2] =	sst s0;
	s0 =	simm.s32 @!p1 $0x0  }
0x14: {  	s2 =	sld [smem:$0x3F96];
	s0 =	simm.s32 @p1 $0x1  }
0x15: {  	[smem:$0x3FB3] =	sst s0;
	s0 =	simm.s32 @!p2 $0x0  }
0x16: {  	s3 =	sld [smem:$0x3FDB];
	s0 =	simm.s32 @p2 $0x1  }
0x17: {  	s4 =	simm.s32 $0x1BF5;
	[smem:$0x3FB5] =	sst s0  }
0x18: {  	s0 =	sld [smem:$0x3F98];
	_ =	swait.ge [sflag:s4], $0x0  }
0x19: {  	s7 =	sld [smem:$0x3F99]  }
0x1a: {  	s8 =	sadd.s32 $0xFFFFE003, lr  }
0x1b: {  	s9 =	sadd.s32 $0xFFFFFEF7, lr;
	s5 =	simm.s32 $0xFFFFFFFF;
	p2 =	slt.u32 s8, $0xFFFFF086  }
0x1c: {  	p1 =	slt.u32 s9, $0xF7A;
	s5 =	simm.s32 @!p2 $0x0  }
0x1d: {  	s5 =	simm.s32 @p1 $0x1;
	p0 =	seq.s32 s7, s2  }
0x1e: {  	s7 =	smul.u32 @!p0 $0xF7A, s2;
	p2 =	seq.s32 @!p0 s5, $0x0  }
0x1f: {  	s9 =	smul.u32 $0xF7A, s1;
	s8 =	simm.s32 @!p0 $0x1BF5;
	p2 =	por !p2, p0  }
0x20: {  	[sflag:s8] =	ssyncset.s32 @!p0 $0xFFFFF086;
	s6 =	sadd.s32 @!p0 s3, s7;
	s7 =	simm.s32 @!p0 $0x108  }
0x21: {  	s3 =	sadd.s32 s3, s9;
	s6 =	sadd.s32 @!p0 $0x88, s6;
	s7 =	simm.s32 @p2 $0x1082  }
0x22: {  	[simem:s7], [sflag:s8] =	dma.local @!p0 [hbm:s6], $0xF7A  }
0x23: {  	s9 =	sor.u32 $0xD0000000, s2;
	s6 =	simm.s32 $0x108;
	_ =	swait.ge @!p0 [sflag:s8], $0x0  }
0x24: {  	s3 =	sadd.s32 $0x88, s3;
	s6 =	simm.s32 @!p1 $0x1082;
	[sflag:s4] =	ssyncset.s32 $0xFFFFF086  }
0x25: {  	[simem:s6], [sflag:s4] =	dma.local [hbm:s3], $0xF7A  }
0x26: {  	[smem:$0x3F99] =	sst s1;
	(tag) =	ssettag s2;
	_ =	strace s9  }
0x27: {  	s1 =	sld [smem:$0x3FA9]  }
0x28: {  	s2 =	sld [smem:$0x3FAA]  }
0x29: {  	s4 =	sld [smem:$0x3FAC]  }
0x2a: {  	p0 =	seq.s32 s5, $0x0;
	s5 =	sld [smem:$0x3FAD]  }
0x2b: {  	s6 =	sld [smem:$0x3FAE]  }
0x2c: {  	s7 =	sld [smem:$0x3FAF]  }
0x2d: {  	s3 =	simm.s32 $0x108;
	s8 =	sld [smem:$0x3FB0]  }
0x2e: {  	s3 =	simm.s32 @!p0 $0x1082;
	s9 =	sld [smem:$0x3FB1]  }
0x2f: {  	lr =	sadd.s32 s0, s3;
	s0 =	sld [smem:$0x3FA8]  }
0x30: {  	s3 =	sld [smem:$0x3FAB]  }
0x31: {  	[smem:$0x3FB4] =	sst s10  }
0x32: {  	s10 =	sld [smem:$0x3FB2];
	_ =	sdelay $0x3  }
0x33: {  	p0 =	seq.s32 s10, $0x1;
	s10 =	sld [smem:$0x3FB4];
	_ =	sdelay $0x3  }
0x34: {  	[smem:$0x3FB4] =	sst s10  }
0x35: {  	s10 =	sld [smem:$0x3FB3];
	_ =	sdelay $0x3  }
0x36: {  	p1 =	seq.s32 s10, $0x1;
	s10 =	sld [smem:$0x3FB4];
	_ =	sdelay $0x3  }
0x37: {  	[smem:$0x3FB4] =	sst s10  }
0x38: {  	s10 =	sld [smem:$0x3FB5]  }
0x39: {  	_ = 	snop;
	(pc) =	sbr.ind lr, $3  }
0x3a: {  	_ = 	snop  }
0x3b: {  	_ = 	snop  }
0x3c: {  	p2 =	seq.s32 s10, $0x1;
	s10 =	sld [smem:$0x3FB4]  }
0x3d: {  	_ =	shalt  }
0x3e: {  	_ =	shalt  }
0x3f: {  	_ =	shalt  }
0x40: {  	_ =	shalt  }
0x41: {  	_ =	shalt  }
0x42: {  	_ =	shalt  }
0x43: {  	_ =	shalt  }
0x44: {  	_ =	shalt  }
0x45: {  	_ =	shalt  }
0x46: {  	_ =	shalt  }
0x47: {  	_ =	shalt  }
0x48: {  	_ =	shalt  }
0x49: {  	_ =	shalt  }
0x4a: {  	_ =	shalt  }
0x4b: {  	_ =	shalt  }
0x4c: {  	_ =	shalt  }
0x4d: {  	_ =	shalt  }
0x4e: {  	_ =	shalt  }
0x4f: {  	_ =	shalt  }
0x50: {  	_ =	shalt  }
0x51: {  	_ =	shalt  }
0x52: {  	_ =	shalt  }
0x53: {  	_ =	shalt  }
0x54: {  	_ =	shalt  }
0x55: {  	_ =	shalt  }
0x56: {  	_ =	shalt  }
0x57: {  	_ =	shalt  }
0x58: {  	_ =	shalt  }
0x59: {  	_ =	shalt  }
0x5a: {  	_ =	shalt  }
0x5b: {  	_ =	shalt  }
0x5c: {  	_ =	shalt  }
0x5d: {  	_ =	shalt  }
0x5e: {  	_ =	shalt  }
0x5f: {  	_ =	shalt  }
0x60: {  	_ =	shalt  }
0x61: {  	_ =	shalt  }
0x62: {  	_ =	shalt  }
0x63: {  	_ =	shalt  }
0x64: {  	_ =	shalt  }
0x65: {  	_ =	shalt  }
0x66: {  	_ =	shalt  }
0x67: {  	_ =	shalt  }
0x68: {  	_ =	shalt  }
0x69: {  	_ =	shalt  }
0x6a: {  	_ =	shalt  }
0x6b: {  	_ =	shalt  }
0x6c: {  	_ =	shalt  }
0x6d: {  	_ =	shalt  }
0x6e: {  	_ =	shalt  }
0x6f: {  	_ =	shalt  }
0x70: {  	_ =	shalt  }
0x71: {  	_ =	shalt  }
0x72: {  	_ =	shalt  }
0x73: {  	_ =	shalt  }
0x74: {  	_ =	shalt  }
0x75: {  	_ =	shalt  }
0x76: {  	_ =	shalt  }
0x77: {  	_ =	shalt  }
0x78: {  	_ =	shalt  }
0x79: {  	_ =	shalt  }
0x7a: {  	_ =	shalt  }
0x7b: {  	_ =	shalt  }
0x7c: {  	_ =	shalt  }
0x7d: {  	_ =	shalt  }
0x7e: {  	_ =	shalt  }
0x7f: {  	_ =	shalt  }
0x80: {  	_ =	shalt  }
0x81: {  	_ =	shalt  }
0x82: {  	_ =	shalt  }
0x83: {  	_ =	shalt  }
0x84: {  	_ =	shalt  }
0x85: {  	_ =	shalt  }
0x86: {  	_ =	shalt  }
0x87: {  	_ =	shalt  }
.Lfunc_end0:
.L_simem_size_0:
called_computation_lowered:
.L_overlay_start_0:
0x88: {  	s2 =	sld [smem:$0x3FD9]  }
0x89: {  	s3 =	sld [smem:$0x3FFE];
	_ =	sdelay $0x1  }
0x8a: {  	s1 =	srdreg.scid  }
0x8b: {  	s0 =	sand.u32 $0x1, s1  }
0x8c: {  	s14 =	sshll.u32 s0, $0xA;
	s2 =	sadd.s32 s3, s2  }
0x8d: {  	s2 =	sadd.s32 s2, s14  }
0x8e: {  	[smem:$0x3FC0] =	sst s2  }
0x8f: {  	_ = 	snop  }
0x90: {  	s2 =	sld [smem:$0x3FD0];
	_ =	sdelay $0x2  }
0x91: {  	s15 =	simm.s32 $0xA;
	s4 =	simm.s32 $0x10  }
0x92: {  	[smem:s4], [sflag:s15] =	dma.local [hbm:s2], $0x1  }
0x93: {  	_ =	swait.eq [sflag:s15], $0x1  }
0x94: {  	[sflag:s15] =	ssyncset.done $0x0  }
0x95: {  	[sflag:s15] =	ssyncadd.s32 $0xFFFFFFFF  }
0x96: {  	s16 =	sld [smem:$0x11];
	(tm) =	ssettm $0x1  }
0x97: {  	s17 =	sld [smem:$0x3FFB];
	_ =	sdelay $0x3  }
0x98: {  	_ =	strace s17  }
0x99: {  	s3 =	sld [smem:$0x3FFC];
	_ =	sdelay $0x3  }
0x9a: {  	_ =	strace s3  }
0x9b: {  	s3 =	sld [smem:$0x3FFD];
	_ =	sdelay $0x3  }
0x9c: {  	_ =	strace s3  }
0x9d: {  	_ =	strace $0x8FFFFFFF  }
0x9e: {  	s18 =	sld [smem:$0x3FDB];
	_ =	sdelay $0x1  }
0x9f: {  	s19 =	simm.s32 $_scs_section_size  }
0xa0: {  	s5 =	simm.s32 $_size__tile_overlayer_lowered;
	s6 =	simm.s32 $_tile_overlayer_lowered  }
0xa1: {  	s22 =	simm.s32 $0x1BFF;
	s21 =	sshll.u32 s6, $0x1;
	s3 =	sadd.s32 s19, s18  }
0xa2: {  	s7 =	simm.s32 $0x0;
	s20 =	sshll.u32 s5, $0x1;
	s5 =	sadd.s32 s21, s3  }
0xa3: {  	[timem:s7], [sflag:s22] =	dma.local [hbm:s5], s20  }
0xa4: {  	_ =	swait.ge [sflag:s22], s20  }
0xa5: {  	s4 =	ssub.s32 $0x0, s20;
	[sflag:s22] =	ssyncset.done $0x0  }
0xa6: {  	[sflag:s22] =	ssyncadd.s32 s4;
	_ =	sdelay $0x1  }
0xa7: {  	s23 =	simm.s32 $0x1B8B  }
0xa8: {  	_ =	swait.ge [sflag:s23], $0x1  }
0xa9: {  	[sflag:s23] =	ssyncset.done $0x0  }
0xaa: {  	s25 =	simm.s32 $0x1B8E;
	s24 =	sld [smem:$0x3FFE];
	[sflag:s23] =	ssyncadd.s32 $0xFFFFFFFF  }
0xab: {  	s26 =	simm.s32 $execute0_lowered;
	[smem:$0x3FD2] =	sst s25  }
0xac: {  	s5 =	sshll.u32 s26, $0x1;
	_ =	strace $0x80000046;
	[dreg:$0x1] =	wrdreg $0xFFFFFFFF  }
0xad: {  	s28 =	simm.s32 $_size_execute0_lowered;
	s3 =	sadd.s32 s3, s5;
	[dreg:$0x0] =	wrdreg $0x0  }
0xae: {  	s5 =	sshll.u32 s28, $0x1;
	[dreg:$0x2] =	wrdreg s3  }
0xaf: {  	[dreg:$0x3] =	wrdreg s5  }
0xb0: {  	[dreg:$0x4] =	wrdreg $0xC0  }
0xb1: {  	_ =	task [dreg:s7], $0x5FFFF  }
0xb2: {  	[dreg:$0x1] =	wrdreg $0xFFFFFFFF  }
0xb3: {  	[dreg:$0x0] =	wrdreg $0x60  }
0xb4: {  	[dreg:$0x2] =	wrdreg s16  }
0xb5: {  	[dreg:$0x3] =	wrdreg s24  }
0xb6: {  	[dreg:$0x4] =	wrdreg $0x2F000  }
0xb7: {  	[dreg:$0x5] =	wrdreg $0x9  }
0xb8: {  	_ =	task.clear_ibuf [dreg:s7], $0x6FFFF;
	_ =	strace $0x90000046  }
0xb9: {  	s29 =	simm.s32 $0x9;
	_ =	strace $0x80000048  }
0xba: {  	_ =	swait.ge [sflag:s29], $0x1  }
0xbb: {  	[sflag:s29] =	ssyncadd.s32 $0xFFFFFFFF  }
0xbc: {  	_ =	strace $0x90000048  }
0xbd: {  	_ =	sfence  }
0xbe: {  	s30 =	sld [smem:$0x0];
	_ =	sdelay $0x2  }
0xbf: {  	s31 =	sshll.u32 s1, $0xD;
	s1 =	sshrl.u32 s1, $0x2  }
0xc0: {  	s3 =	sand.u32 $0x4000, s31;
	s1 =	sadd.s32 s1, s30  }
0xc1: {  	s0 =	sor.u32 s3, s0;
	s1 =	sshll.u32 s1, $0x11  }
0xc2: {  	s0 =	sor.u32 s1, s0  }
0xc3: {  	s0 =	sadd.s32 $0x8F2B, s0  }
0xc4: {  	[sflag:s0] =	ssyncadd.remote.s32 $0x1  }
0xc5: {  	_ =	sfence.sel $0xFFFF  }
0xc6: {  	[dreg:$0x0] =	wrdreg $0xFFFFFFFF;
	(pc) =	sbr.abs _section_cstart, $3  }
0xc7: {  	[dreg:$0x1] =	wrdreg $0xFFFFFFFF  }
0xc8: {  	_ =	task.clear_ibuf [dreg:s7], $0x2FFFF;
	_ =	strace $0x9FFFFFFF  }
0xc9: {  	(tm) =	ssettm $0x7FFFFFFF  }
tec
execute0_lowered:
.L_overlay_start_1:
0x0: {  	(tag) =	ssettag $0x1  }
0x1: {  	s4 =	rddreg [dreg:$0x0]  }
0x2: {  	s5 =	rddreg [dreg:$0x1]  }
0x3: {  	s2 =	rddreg [dreg:$0x2]  }
0x4: {  	s0 =	rddreg [dreg:$0x3];
	s6 =	srdreg.scid  }
0x5: {  	s1 =	stileid.u32;
	s3 =	simm.s32 $0x0;
	s11 =	simm.s32 $0x2C00  }
0x6: {  	s12 =	simm.s32 $0x1;
	s15 =	simm.s32 $0x20;
	s16 =	simm.s32 $0x10  }
0x7: {  	s17 =	simm.s32 $0x0;
	s6 =	sand.u32 $0x1, s6;
	s7 =	smul.u32 $0x500, s1  }
0x8: {  	[smem:$0x7FF] =	sst s3;
	s9 =	smul.u32 $0xA00, s1;
	s13 =	sshll.u32 s1, $0x6  }
0x9: {  	s8 =	sshll.u32 s6, $0x7;
	_ =	strace $0x80000047;
	s30 =	sshll.u32 s6, $0x4  }
0xa: {  	s6 =	ssub.s32 $0x2, s6;
	s13 =	sor.u32 $0x1C02, s13;
	s7 =	sor.u32 s8, s7  }
0xb: {  	s8 =	sor.u32 s1, s30;
	s10 =	sshrl.u32 s6, $0x1;
	s31 =	sshrl.u32 s9, $0x2  }
0xc: {  	s9 =	simm.s32 $0x2C80;
	s7 =	sshrl.u32 s7, $0x3;
	s8 =	smul.u32 $0x580, s8  }
0xd: {  	s10 =	ssub.s32 s6, s10;
	s7 =	sadd.s32 s7, s5;
	s5 =	sadd.s32 s31, s2  }
0xe: {  	s4 =	sadd.s32 s4, s8;
	s6 =	sadd.s32 $0x2600, s7;
	s7 =	smax.u32 s10, $0x1  }
0xf: {  	v0 =	vimm.f32 $1.000000000e+00;
	v1 =	vimm.f32 $0.0e+00;
	s8 =	simm.s32 $0x2;
	s10 =	simm.s32 $0x80;
	s14 =	sshrl.u32 s5, $0x3  }
.LBB2_1:
0x10: {  	[tilespmem:s3], [sflag:$0x2] =	stream.linear.gather [hbm4b:s4+s3], $0x2C00, $0x38;
	[tilespmem:$0x3180] =	vst v63  }
0x11: {  	_ =	swait.ge [sflag:s8], $0x2C00  }
0x12: {  	[sflag:s8] =	ssyncset.done $0x0  }
0x13: {  	[sflag:s8] =	ssyncadd.s32 $0xFFFFD400  }
0x14: {  	[tilespmem:$0x2C00] =	vst v0  }
0x15: {  	[tilespmem:$0x2C10] =	vst v0  }
0x16: {  	[tilespmem:$0x2C20] =	vst v0  }
0x17: {  	[tilespmem:$0x2C30] =	vst v0  }
0x18: {  	[tilespmem:$0x2C40] =	vst v0  }
0x19: {  	[tilespmem:$0x2C50] =	vst v0  }
0x1a: {  	[tilespmem:$0x2C60] =	vst v0  }
0x1b: {  	[tilespmem:$0x2C70] =	vst v0  }
0x1c: {  	[tilespmem:$0x2C80] =	vst v1  }
0x1d: {  	[tilespmem:$0x2C90] =	vst v1  }
0x1e: {  	[tilespmem:$0x2CA0] =	vst v1  }
0x1f: {  	[tilespmem:$0x2CB0] =	vst v1  }
0x20: {  	[tilespmem:$0x2CC0] =	vst v1  }
0x21: {  	[tilespmem:$0x2CD0] =	vst v1  }
0x22: {  	[tilespmem:$0x2CE0] =	vst v1  }
0x23: {  	[tilespmem:$0x2CF0] =	vst v1  }
0x24: {  	[tilespmem:$0x2D00] =	vst v1  }
0x25: {  	[tilespmem:$0x2D10] =	vst v1  }
0x26: {  	[tilespmem:$0x2D20] =	vst v1  }
0x27: {  	[tilespmem:$0x2D30] =	vst v1  }
0x28: {  	[tilespmem:$0x2D40] =	vst v1  }
0x29: {  	[tilespmem:$0x2D50] =	vst v1  }
0x2a: {  	[tilespmem:$0x2D60] =	vst v1  }
0x2b: {  	[tilespmem:$0x2D70] =	vst v1  }
0x2c: {  	[tilespmem:$0x2D80] =	vst v1  }
0x2d: {  	[tilespmem:$0x2D90] =	vst v1  }
0x2e: {  	[tilespmem:$0x2DA0] =	vst v1  }
0x2f: {  	[tilespmem:$0x2DB0] =	vst v1  }
0x30: {  	[tilespmem:$0x2DC0] =	vst v1  }
0x31: {  	[tilespmem:$0x2DD0] =	vst v1  }
0x32: {  	[tilespmem:$0x2DE0] =	vst v1  }
0x33: {  	[tilespmem:$0x2DF0] =	vst v1  }
0x34: {  	[tilespmem:$0x2E00] =	vst v1  }
0x35: {  	[tilespmem:$0x2E10] =	vst v1  }
0x36: {  	[tilespmem:$0x2E20] =	vst v1  }
0x37: {  	[tilespmem:$0x2E30] =	vst v1  }
0x38: {  	[tilespmem:$0x2E40] =	vst v1  }
0x39: {  	[tilespmem:$0x2E50] =	vst v1  }
0x3a: {  	[tilespmem:$0x2E60] =	vst v1  }
0x3b: {  	[tilespmem:$0x2E70] =	vst v1  }
0x3c: {  	[tilespmem:$0x2E80] =	vst v1  }
0x3d: {  	[tilespmem:$0x2E90] =	vst v1  }
0x3e: {  	[tilespmem:$0x2EA0] =	vst v1  }
0x3f: {  	[tilespmem:$0x2EB0] =	vst v1  }
0x40: {  	[tilespmem:$0x2EC0] =	vst v1  }
0x41: {  	[tilespmem:$0x2ED0] =	vst v1  }
0x42: {  	[tilespmem:$0x2EE0] =	vst v1  }
0x43: {  	[tilespmem:$0x2EF0] =	vst v1  }
0x44: {  	[spmem:s5] =	stream.linear.scatter [tilespmem:s9], [sflag:$0x2], $0x280, $0x38;
	[tilespmem:$0x3180] =	vst v63  }
0x45: {  	_ =	swait.ge [sflag:s8], $0x280  }
0x46: {  	[sflag:s8] =	ssyncset.done $0x0  }
0x47: {  	[sflag:s8] =	ssyncadd.s32 $0xFFFFFD80  }
0x48: {  	s18 =	simm.s32 $0x0;
	[bflag:$0x0] =	sbarrier.arrive $0xFFFF  }
0x49: {  	[spmem:s2] =	stream.indirect.scatter.add.f32 [tilespmem:s11], [sflag:$0x1], $0x1, s18, s10, $0xb8;
	[tilespmem:$0x3180] =	vst v63  }
0x4a: {  	s24 =	simm.s32 $0x80  }
0x4b: {  	[spmem:s2] =	stream.indirect.scatter.add.f32 [tilespmem:s11], [sflag:$0x1], $0x1, s24, s10, $0xb8;
	[tilespmem:$0x3180] =	vst v63  }
0x4c: {  	s25 =	simm.s32 $0x100  }
0x4d: {  	[spmem:s2] =	stream.indirect.scatter.add.f32 [tilespmem:s11], [sflag:$0x1], $0x1, s25, s10, $0xb8;
	[tilespmem:$0x3180] =	vst v63  }
0x4e: {  	s26 =	simm.s32 $0x180  }
0x4f: {  	[spmem:s2] =	stream.indirect.scatter.add.f32 [tilespmem:s11], [sflag:$0x1], $0x1, s26, s10, $0xb8;
	[tilespmem:$0x3180] =	vst v63  }
0x50: {  	s28 =	simm.s32 $0x200  }
0x51: {  	[spmem:s2] =	stream.indirect.scatter.add.f32 [tilespmem:s11], [sflag:$0x1], $0x1, s28, s10, $0xb8;
	[tilespmem:$0x3180] =	vst v63  }
0x52: {  	s29 =	simm.s32 $0x280  }
0x53: {  	[spmem:s2] =	stream.indirect.scatter.add.f32 [tilespmem:s11], [sflag:$0x1], $0x1, s29, s10, $0xb8;
	[tilespmem:$0x3180] =	vst v63  }
0x54: {  	s30 =	simm.s32 $0x300  }
0x55: {  	[spmem:s2] =	stream.indirect.scatter.add.f32 [tilespmem:s11], [sflag:$0x1], $0x1, s30, s10, $0xb8;
	[tilespmem:$0x3180] =	vst v63  }
0x56: {  	s31 =	simm.s32 $0x380  }
0x57: {  	[spmem:s2] =	stream.indirect.scatter.add.f32 [tilespmem:s11], [sflag:$0x1], $0x1, s31, s10, $0xb8;
	[tilespmem:$0x3180] =	vst v63  }
0x58: {  	_ =	swait.ge [sflag:s12], $0x80  }
0x59: {  	[sflag:s12] =	ssyncset.done $0x0  }
0x5a: {  	[sflag:s12] =	ssyncadd.s32 $0xFFFFFF80  }
0x5b: {  	_ =	swait.ge [sflag:s12], $0x80  }
0x5c: {  	[sflag:s12] =	ssyncset.done $0x0  }
0x5d: {  	[sflag:s12] =	ssyncadd.s32 $0xFFFFFF80  }
0x5e: {  	_ =	swait.ge [sflag:s12], $0x80  }
0x5f: {  	[sflag:s12] =	ssyncset.done $0x0  }
0x60: {  	[sflag:s12] =	ssyncadd.s32 $0xFFFFFF80  }
0x61: {  	_ =	swait.ge [sflag:s12], $0x80  }
0x62: {  	[sflag:s12] =	ssyncset.done $0x0  }
0x63: {  	[sflag:s12] =	ssyncadd.s32 $0xFFFFFF80  }
0x64: {  	_ =	swait.ge [sflag:s12], $0x80  }
0x65: {  	[sflag:s12] =	ssyncset.done $0x0  }
0x66: {  	[sflag:s12] =	ssyncadd.s32 $0xFFFFFF80  }
0x67: {  	_ =	swait.ge [sflag:s12], $0x80  }
0x68: {  	[sflag:s12] =	ssyncset.done $0x0  }
0x69: {  	[sflag:s12] =	ssyncadd.s32 $0xFFFFFF80  }
0x6a: {  	_ =	swait.ge [sflag:s12], $0x80  }
0x6b: {  	[sflag:s12] =	ssyncset.done $0x0  }
0x6c: {  	[sflag:s12] =	ssyncadd.s32 $0xFFFFFF80  }
0x6d: {  	_ =	swait.ge [sflag:s12], $0x80  }
0x6e: {  	s20 =	simm.s32 $0x2000;
	s18 =	simm.s32 $0x1000;
	[sflag:s12] =	ssyncset.done $0x0  }
.LBB2_2:
0x6f: {  	s21 =	sshra.s32 s18, $0x2  }
0x70: {  	[sflag:s12] =	ssyncadd.s32 $0xFFFFFF80;
	s18 =	smov.u32 s20;
	s19 =	sadd.s32 $0x1000, s20  }
0x71: {  	[spmem:s2] =	stream.indirect.scatter.add.f32 [tilespmem:s11], [sflag:$0x1], $0x1, s21, s10, $0xb8;
	[tilespmem:$0x3180] =	vst v63  }
0x72: {  	p0 =	sne.s32 s20, $0xA000;
	s20 =	sadd.s32 $0x80, s21  }
0x73: {  	[spmem:s2] =	stream.indirect.scatter.add.f32 [tilespmem:s11], [sflag:$0x1], $0x1, s20, s10, $0xb8;
	[tilespmem:$0x3180] =	vst v63  }
0x74: {  	s20 =	sadd.s32 $0x100, s21  }
0x75: {  	[spmem:s2] =	stream.indirect.scatter.add.f32 [tilespmem:s11], [sflag:$0x1], $0x1, s20, s10, $0xb8;
	[tilespmem:$0x3180] =	vst v63  }
0x76: {  	s20 =	sadd.s32 $0x180, s21  }
0x77: {  	[spmem:s2] =	stream.indirect.scatter.add.f32 [tilespmem:s11], [sflag:$0x1], $0x1, s20, s10, $0xb8;
	[tilespmem:$0x3180] =	vst v63  }
0x78: {  	s20 =	sadd.s32 $0x200, s21  }
0x79: {  	[spmem:s2] =	stream.indirect.scatter.add.f32 [tilespmem:s11], [sflag:$0x1], $0x1, s20, s10, $0xb8;
	[tilespmem:$0x3180] =	vst v63  }
0x7a: {  	s20 =	sadd.s32 $0x280, s21  }
0x7b: {  	[spmem:s2] =	stream.indirect.scatter.add.f32 [tilespmem:s11], [sflag:$0x1], $0x1, s20, s10, $0xb8;
	[tilespmem:$0x3180] =	vst v63  }
0x7c: {  	s20 =	sadd.s32 $0x300, s21  }
0x7d: {  	[spmem:s2] =	stream.indirect.scatter.add.f32 [tilespmem:s11], [sflag:$0x1], $0x1, s20, s10, $0xb8;
	[tilespmem:$0x3180] =	vst v63  }
0x7e: {  	s20 =	sadd.s32 $0x380, s21  }
0x7f: {  	[spmem:s2] =	stream.indirect.scatter.add.f32 [tilespmem:s11], [sflag:$0x1], $0x1, s20, s10, $0xb8;
	[tilespmem:$0x3180] =	vst v63  }
0x80: {  	_ =	swait.ge [sflag:s12], $0x80  }
0x81: {  	[sflag:s12] =	ssyncset.done $0x0  }
0x82: {  	[sflag:s12] =	ssyncadd.s32 $0xFFFFFF80  }
0x83: {  	_ =	swait.ge [sflag:s12], $0x80  }
0x84: {  	[sflag:s12] =	ssyncset.done $0x0  }
0x85: {  	[sflag:s12] =	ssyncadd.s32 $0xFFFFFF80  }
0x86: {  	_ =	swait.ge [sflag:s12], $0x80  }
0x87: {  	[sflag:s12] =	ssyncset.done $0x0  }
0x88: {  	[sflag:s12] =	ssyncadd.s32 $0xFFFFFF80  }
0x89: {  	_ =	swait.ge [sflag:s12], $0x80  }
0x8a: {  	[sflag:s12] =	ssyncset.done $0x0  }
0x8b: {  	[sflag:s12] =	ssyncadd.s32 $0xFFFFFF80  }
0x8c: {  	_ =	swait.ge [sflag:s12], $0x80  }
0x8d: {  	[sflag:s12] =	ssyncset.done $0x0  }
0x8e: {  	[sflag:s12] =	ssyncadd.s32 $0xFFFFFF80  }
0x8f: {  	_ =	swait.ge [sflag:s12], $0x80  }
0x90: {  	[sflag:s12] =	ssyncset.done $0x0  }
0x91: {  	[sflag:s12] =	ssyncadd.s32 $0xFFFFFF80  }
.Ltmp0:
0x92: {  	_ =	swait.ge [sflag:s12], $0x80;
	(pc) =	sbr.rel @p0 .LBB2_2-.Ltmp0, $4  }
0x93: {  	[sflag:s12] =	ssyncset.done $0x0  }
0x94: {  	[sflag:s12] =	ssyncadd.s32 $0xFFFFFF80  }
0x95: {  	_ =	swait.ge [sflag:s12], $0x80  }
0x96: {  	s20 =	smov.u32 s19;
	[sflag:s12] =	ssyncset.done $0x0  }
0x97: {  	s18 =	sshra.s32 s18, $0x2;
	[sflag:s12] =	ssyncadd.s32 $0xFFFFFF80  }
0x98: {  	[spmem:s2] =	stream.indirect.scatter.add.f32 [tilespmem:s11], [sflag:$0x1], $0x1, s18, s10, $0xb8;
	[tilespmem:$0x3180] =	vst v63  }
0x99: {  	s19 =	sadd.s32 $0x80, s18  }
0x9a: {  	[spmem:s2] =	stream.indirect.scatter.add.f32 [tilespmem:s11], [sflag:$0x1], $0x1, s19, s10, $0xb8;
	[tilespmem:$0x3180] =	vst v63  }
0x9b: {  	s26 =	sadd.s32 $0x100, s18  }
0x9c: {  	[spmem:s2] =	stream.indirect.scatter.add.f32 [tilespmem:s11], [sflag:$0x1], $0x1, s26, s10, $0xb8;
	[tilespmem:$0x3180] =	vst v63  }
0x9d: {  	s28 =	sadd.s32 $0x180, s18  }
0x9e: {  	[spmem:s2] =	stream.indirect.scatter.add.f32 [tilespmem:s11], [sflag:$0x1], $0x1, s28, s10, $0xb8;
	[tilespmem:$0x3180] =	vst v63  }
0x9f: {  	s29 =	sadd.s32 $0x200, s18  }
0xa0: {  	[spmem:s2] =	stream.indirect.scatter.add.f32 [tilespmem:s11], [sflag:$0x1], $0x1, s29, s10, $0xb8;
	[tilespmem:$0x3180] =	vst v63  }
0xa1: {  	s30 =	sadd.s32 $0x280, s18  }
0xa2: {  	[spmem:s2] =	stream.indirect.scatter.add.f32 [tilespmem:s11], [sflag:$0x1], $0x1, s30, s10, $0xb8;
	[tilespmem:$0x3180] =	vst v63  }
0xa3: {  	s31 =	sadd.s32 $0x300, s18  }
0xa4: {  	[spmem:s2] =	stream.indirect.scatter.add.f32 [tilespmem:s11], [sflag:$0x1], $0x1, s31, s10, $0xb8;
	[tilespmem:$0x3180] =	vst v63  }
0xa5: {  	s18 =	sadd.s32 $0x380, s18  }
0xa6: {  	[spmem:s2] =	stream.indirect.scatter.add.f32 [tilespmem:s11], [sflag:$0x1], $0x1, s18, s10, $0xb8;
	[tilespmem:$0x3180] =	vst v63  }
0xa7: {  	_ =	swait.ge [sflag:s12], $0x80  }
0xa8: {  	[sflag:s12] =	ssyncset.done $0x0  }
0xa9: {  	[sflag:s12] =	ssyncadd.s32 $0xFFFFFF80  }
0xaa: {  	_ =	swait.ge [sflag:s12], $0x80  }
0xab: {  	[sflag:s12] =	ssyncset.done $0x0  }
0xac: {  	[sflag:s12] =	ssyncadd.s32 $0xFFFFFF80  }
0xad: {  	_ =	swait.ge [sflag:s12], $0x80  }
0xae: {  	[sflag:s12] =	ssyncset.done $0x0  }
0xaf: {  	[sflag:s12] =	ssyncadd.s32 $0xFFFFFF80  }
0xb0: {  	_ =	swait.ge [sflag:s12], $0x80  }
0xb1: {  	[sflag:s12] =	ssyncset.done $0x0  }
0xb2: {  	[sflag:s12] =	ssyncadd.s32 $0xFFFFFF80  }
0xb3: {  	_ =	swait.ge [sflag:s12], $0x80  }
0xb4: {  	[sflag:s12] =	ssyncset.done $0x0  }
0xb5: {  	[sflag:s12] =	ssyncadd.s32 $0xFFFFFF80  }
0xb6: {  	_ =	swait.ge [sflag:s12], $0x80  }
0xb7: {  	[sflag:s12] =	ssyncset.done $0x0  }
0xb8: {  	[sflag:s12] =	ssyncadd.s32 $0xFFFFFF80  }
0xb9: {  	_ =	swait.ge [sflag:s12], $0x80  }
0xba: {  	[sflag:s12] =	ssyncset.done $0x0  }
0xbb: {  	[sflag:s12] =	ssyncadd.s32 $0xFFFFFF80  }
0xbc: {  	_ =	swait.ge [sflag:s12], $0x80  }
0xbd: {  	s17 =	sadd.s32 $0x1, s17;
	[sflag:s12] =	ssyncset.done $0x0  }
0xbe: {  	p0 =	sne.s32 s17, s7;
	[sflag:s12] =	ssyncadd.s32 $0xFFFFFF80  }
.Ltmp1:
0xbf: {  	[bflag:$0x0] =	sbarrier.arrive $0xFFFF;
	(pc) =	sbr.rel @p0 .LBB2_1-.Ltmp1, $4  }
0xc0: {  	[hbm:s6@s15], [sflag:s13] =	dma.strided [spmem:s14@s16], $0x50, s12, $0x10   }
0xc1: {  	_ =	swait.ge [sflag:s8], $0x50  }
0xc2: {  	[sflag:s8] =	ssyncset.done $0x0  }
0xc3: {  	[sflag:s8] =	ssyncadd.s32 $0xFFFFFFB0  }
0xc4: {  	_ =	sfence.sel $0x180000  }
0xc5: {  	[bflag:$0x0] =	sbarrier.arrive $0xFFFF  }
0xc6: {  	p0 =	sne.s32 s1, $0x0;
	_ =	strace $0x90000047  }
0xc7: {  	s0 =	sadd.s32 @!p0 $0x100000, s0;
	[bflag:$0x2] =	sbarrier.arrive $0xFFFF  }
0xc8: {  	[sflag:s0] =	ssyncadd.tile.s32 @!p0 $0x1;
	_ =	shalt  }
.Lfunc_end2:
_tile_overlayer_lowered:
.L_overlay_start_2:
0xc9: {  	(tag) =	ssettag $0x2  }
0xca: {  	s0 =	rddreg [dreg:$0x0];
	s2 =	stileid.u32  }
0xcb: {  	s1 =	rddreg [dreg:$0x1];
	p0 =	sne.s32 s2, $0x0  }
0xcc: {  	s3 =	rddreg [dreg:$0x2];
	[bflag:$0x3] =	sbarrier.arrive $0xFFFF;
	s2 =	simm.s32 @!p0 $0x1C02  }
0xcd: {  	[timem:s3], [sflag:s2] =	dma.local @!p0 [hbm:s0], s1  }
0xce: {  	s0 =	simm.s32 @!p0 $0x2  }
0xcf: {  	_ =	swait.ge @!p0 [sflag:s0], s1  }
0xd0: {  	s1 =	ssub.s32 @!p0 $0x0, s1;
	[sflag:s0] =	ssyncset.done @!p0 $0x0  }
0xd1: {  	[sflag:s0] =	ssyncadd.s32 @!p0 s1  }
0xd2: {  	[bflag:$0x3] =	sbarrier.arrive $0xFFFF  }
0xd3: {  	_ =	shalt  }

</sc_bundles>
